<compile_context>
chip_gen: v7x
topology: tpu7x:2x2x1
jax: 0.10.2.dev20260603
libtpu: 0.0.44.dev20260713+nightly
codegen_flags: <defaults>
</compile_context>

<pallas_src>
import functools

import jax
import jax.numpy as jnp
from jax import lax
from jax.experimental import pallas as pl
from jax.experimental.pallas import tpu as pltpu
from jax.experimental.pallas import tpu_sc as plsc

NN = 100000
EE = 1600000
HH = 32
HF = 16
GG = 256
OC = 45

NSC = 2
TPS = 16
CH = 80
GRP = 8
ECH = EE // CH
EG = ECH // GRP
DG = EG // NSC
MCH = 80
MGRP = 8
MECH = EE // MCH
MEG = MECH // MGRP
MGQ = MEG // TPS
NCH = NN // CH
NG = (NCH + GRP - 1) // GRP
ZR = 400
NZG = NN // ZR

_MESH = plsc.VectorSubcoreMesh(
    core_axis_name="c", subcore_axis_name="s", num_cores=NSC, num_subcores=TPS)

_f32 = jnp.float32
_i32 = jnp.int32


def _fill_rows(ref, nrows, value):
    v = jnp.full((16,), value, _f32)

    def body(i, _):
        ref[i, :] = v
        return 0

    lax.fori_loop(0, nrows, body, 0)


def _fill_flat(ref, n, value):
    v = jnp.full((16,), value, _f32)

    def body(i, _):
        ref[pl.ds(i * 16, 16)] = v
        return 0

    lax.fori_loop(0, n // 16, body, 0)


@functools.partial(
    pl.kernel,
    out_type=jax.ShapeDtypeStruct((NSC, NN), _f32),
    mesh=_MESH,
    compiler_params=pltpu.CompilerParams(use_tc_tiling_on_sc=False),
    scratch_types=[
        pltpu.VMEM((GRP, CH), _i32),
        pltpu.VMEM((CH,), _f32),
        pltpu.VMEM((ZR,), _f32),
        pltpu.VMEM_SHARED((NN,), _f32),
    ],
)
def _deg_kernel(ei_hbm, deg_out, dbuf, ones, zb, dacc):
    c = lax.axis_index("c")
    t = lax.axis_index("s")

    _fill_flat(zb, ZR, 0.0)
    _fill_flat(ones, CH, 1.0)

    def z_body(i, _):
        zg = t + TPS * i

        @pl.when(zg < NZG)
        def _():
            pltpu.sync_copy(zb, dacc.at[pl.ds(zg * ZR, ZR)])

        return 0

    lax.fori_loop(0, (NZG + TPS - 1) // TPS, z_body, 0)

    plsc.subcore_barrier()

    def blk(i, _):
        g = t + TPS * i

        @pl.when(g < DG)
        def _():
            pltpu.sync_copy(ei_hbm.at[1, pl.ds((c * DG + g) * GRP, GRP), :], dbuf)

            def inner(j, _):
                pltpu.sync_copy(ones, dacc.at[dbuf.at[j]], add=True)
                return 0

            lax.fori_loop(0, GRP, inner, 0)

        return 0

    lax.fori_loop(0, (DG + TPS - 1) // TPS, blk, 0)

    plsc.subcore_barrier()

    @pl.when(t == 0)
    def _():
        pltpu.sync_copy(dacc, deg_out.at[c])


@functools.partial(
    pl.kernel,
    out_type=jax.ShapeDtypeStruct((NSC, NN, HF), _f32),
    mesh=_MESH,
    compiler_params=pltpu.CompilerParams(use_tc_tiling_on_sc=False),
    scratch_types=[
        pltpu.VMEM((2, MGRP, MCH), _i32),
        pltpu.VMEM((4, MGRP, MCH), _i32),
        pltpu.VMEM((2, MGRP, MCH, HF), _f32),
        pltpu.VMEM((ZR, 16), _f32),
        pltpu.VMEM_SHARED((NN, HF), _f32),
        pltpu.SemaphoreType.DMA((2,)),
        pltpu.SemaphoreType.DMA((4,)),
        pltpu.SemaphoreType.DMA((2,)),
        pltpu.SemaphoreType.DMA((2,)),
    ],
)
def _mp_kernel(ys_hbm, ei_hbm, s_out, sbuf, dbuf, rows, zb, acc,
               issem, idsem, gsem, ssem):
    c = lax.axis_index("c")
    t = lax.axis_index("s")

    _fill_rows(zb, ZR, 0.0)

    def z_body(i, _):
        zg = t + TPS * i

        @pl.when(zg < NZG)
        def _():
            pltpu.sync_copy(zb, acc.at[pl.ds(zg * ZR, ZR), :])

        return 0

    lax.fori_loop(0, (NZG + TPS - 1) // TPS, z_body, 0)

    plsc.subcore_barrier()

    nx = MEG - TPS * MGQ
    gbase = t * MGQ + jnp.minimum(t, nx)
    mgt = jnp.where(t < nx, MGQ + 1, MGQ)

    def ld_src(i):
        g = gbase + i
        return pltpu.make_async_copy(
            ei_hbm.at[0, pl.ds(g * MGRP, MGRP), :],
            sbuf.at[lax.rem(i, 2)], issem.at[lax.rem(i, 2)])

    def ld_dst(i):
        g = gbase + i
        return pltpu.make_async_copy(
            ei_hbm.at[1, pl.ds(g * MGRP, MGRP), :],
            dbuf.at[lax.rem(i, 4)], idsem.at[lax.rem(i, 4)])

    def gath(i, j):
        p = lax.rem(i, 2)
        return pltpu.make_async_copy(
            ys_hbm.at[c].at[sbuf.at[p, j]], rows.at[p, j], gsem.at[p])

    def scat(i, j):
        p = lax.rem(i, 2)
        return pltpu.make_async_copy(
            rows.at[p, j], acc.at[dbuf.at[lax.rem(i, 4), j]], ssem.at[p])

    ld_src(0).start()
    ld_dst(0).start()
    ld_src(1).start()
    ld_dst(1).start()
    ld_src(0).wait()

    def issue_gathers(i):
        def body(j, _):
            gath(i, j).start()
            return 0

        lax.fori_loop(0, MGRP, body, 0)

    def wait_scatters(i):
        def body(j, _):
            scat(i, j).wait()
            return 0

        lax.fori_loop(0, MGRP, body, 0)

    issue_gathers(0)

    def step(i, _):
        @pl.when(i >= 1)
        def _():
            wait_scatters(i - 1)

        ld_dst(i).wait()

        def chunk(j, _):
            gath(i, j).wait()
            scat(i, j).start(add=True)
            return 0

        lax.fori_loop(0, MGRP, chunk, 0)

        @pl.when(i + 2 < mgt)
        def _():
            ld_src(i + 2).start()
            ld_dst(i + 2).start()

        @pl.when(i + 1 < mgt)
        def _():
            ld_src(i + 1).wait()
            issue_gathers(i + 1)

        return 0

    lax.fori_loop(0, mgt, step, 0)
    wait_scatters(mgt - 1)

    plsc.subcore_barrier()

    def w_body(i, _):
        zg = t + TPS * i

        @pl.when(zg < NZG)
        def _():
            pltpu.sync_copy(acc.at[pl.ds(zg * ZR, ZR), :],
                            s_out.at[c, pl.ds(zg * ZR, ZR), :])

        return 0

    lax.fori_loop(0, (NZG + TPS - 1) // TPS, w_body, 0)


NB = 4000


def _tc_xw_body(x_ref, w_ref, xw_ref):
    xw = jnp.dot(x_ref[...], w_ref[...], preferred_element_type=_f32)
    xw_ref[0] = xw[:, :HF]
    xw_ref[1] = xw[:, HF:]


def _tc_scale_body(xw_ref, deg_ref, y_ref, dinv_ref):
    d = deg_ref[0] + deg_ref[1] + 1.0
    dinv = lax.rsqrt(d)
    y_ref[0] = xw_ref[0] * dinv
    y_ref[1] = xw_ref[1] * dinv
    dinv_ref[...] = dinv


def _tc_mid_body(s_ref, y_ref, dinv_ref, b_ref, w_ref, y2_ref):
    dinv = dinv_ref[...]
    b = b_ref[...]
    h_lo = jnp.maximum(dinv * (s_ref[0] + y_ref[0]) + b[:, :HF], 0.0)
    h_hi = jnp.maximum(dinv * (s_ref[1] + y_ref[1]) + b[:, HF:], 0.0)
    w = w_ref[...]
    y2 = (jnp.dot(h_lo, w[:HF, :], preferred_element_type=_f32)
          + jnp.dot(h_hi, w[HF:, :], preferred_element_type=_f32)) * dinv
    y2_ref[0] = y2[:, :HF]
    y2_ref[1] = y2[:, HF:]


def _tc_tail_body(s_ref, y_ref, dinv_ref, b_ref, batch_ref, wl_ref, bl_ref,
                  out_ref, sums_ref, cnt_ref):
    i = pl.program_id(0)
    dinv = dinv_ref[...]
    b = b_ref[...]
    h_lo = dinv * (s_ref[0] + y_ref[0]) + b[:, :HF]
    h_hi = dinv * (s_ref[1] + y_ref[1]) + b[:, HF:]
    gids = lax.broadcasted_iota(_i32, (1, GG), 1)
    onehot = (batch_ref[...] == gids).astype(_f32)
    dn = (((0,), (0,)), ((), ()))
    slo = lax.dot_general(onehot, h_lo, dn,
                          preferred_element_type=_f32)
    shi = lax.dot_general(onehot, h_hi, dn, preferred_element_type=_f32)
    cnt = lax.dot_general(onehot, jnp.ones((NB, 1), _f32), dn,
                          preferred_element_type=_f32)

    @pl.when(i == 0)
    def _():
        sums_ref[0] = slo
        sums_ref[1] = shi
        cnt_ref[...] = cnt

    @pl.when(i > 0)
    def _():
        sums_ref[0] += slo
        sums_ref[1] += shi
        cnt_ref[...] += cnt

    @pl.when(i == _GRID - 1)
    def _():
        c = jnp.maximum(cnt_ref[...], 1.0)
        p_lo = sums_ref[0] / c
        p_hi = sums_ref[1] / c
        wl = wl_ref[...]
        out_ref[...] = (jnp.dot(p_lo, wl[:HF, :], preferred_element_type=_f32)
                        + jnp.dot(p_hi, wl[HF:, :],
                                  preferred_element_type=_f32)
                        + bl_ref[...])


_GRID = NN // NB

_spec_half = pl.BlockSpec((NSC, NB, HF), lambda i: (0, i, 0))
_spec_dinv = pl.BlockSpec((NB, 1), lambda i: (i, 0))


def _tc_xw(x, w1):
    return pl.pallas_call(
        _tc_xw_body,
        grid=(_GRID,),
        in_specs=[
            pl.BlockSpec((NB, 3), lambda i: (i, 0)),
            pl.BlockSpec((3, HH), lambda i: (0, 0)),
        ],
        out_specs=_spec_half,
        out_shape=jax.ShapeDtypeStruct((NSC, NN, HF), _f32),
    )(x, w1)


def _tc_scale(xw, deg2):
    return pl.pallas_call(
        _tc_scale_body,
        grid=(_GRID,),
        in_specs=[
            _spec_half,
            pl.BlockSpec((NSC, NB, 1), lambda i: (0, i, 0)),
        ],
        out_specs=[_spec_half, _spec_dinv],
        out_shape=[jax.ShapeDtypeStruct((NSC, NN, HF), _f32),
                   jax.ShapeDtypeStruct((NN, 1), _f32)],
    )(xw, deg2)


def _tc_mid(s, y, dinv, b, w):
    return pl.pallas_call(
        _tc_mid_body,
        grid=(_GRID,),
        in_specs=[
            _spec_half, _spec_half, _spec_dinv,
            pl.BlockSpec((1, HH), lambda i: (0, 0)),
            pl.BlockSpec((HH, HH), lambda i: (0, 0)),
        ],
        out_specs=_spec_half,
        out_shape=jax.ShapeDtypeStruct((NSC, NN, HF), _f32),
    )(s, y, dinv, b, w)


def _tc_tail(s, y, dinv, b, batch1, wl, bl):
    return pl.pallas_call(
        _tc_tail_body,
        grid=(_GRID,),
        in_specs=[
            _spec_half, _spec_half, _spec_dinv,
            pl.BlockSpec((1, HH), lambda i: (0, 0)),
            pl.BlockSpec((NB, 1), lambda i: (i, 0)),
            pl.BlockSpec((HH, OC), lambda i: (0, 0)),
            pl.BlockSpec((1, OC), lambda i: (0, 0)),
        ],
        out_specs=pl.BlockSpec((GG, OC), lambda i: (0, 0)),
        out_shape=jax.ShapeDtypeStruct((GG, OC), _f32),
        scratch_shapes=[
            pltpu.VMEM((NSC, GG, HF), _f32),
            pltpu.VMEM((GG, 1), _f32),
        ],
    )(s, y, dinv, b, batch1, wl, bl)


def kernel(x, edge_index, batch, W1, b1, W2, b2, W3, b3, Wl, bl):
    ei3 = edge_index.reshape(2, ECH, CH)

    deg2 = _deg_kernel(ei3)
    xw1 = _tc_xw(x, W1)
    y1, dinv = _tc_scale(xw1, deg2.reshape(NSC, NN, 1))
    s1 = _mp_kernel(y1, ei3)
    y2 = _tc_mid(s1, y1, dinv, b1.reshape(1, HH), W2)
    s2 = _mp_kernel(y2, ei3)
    y3 = _tc_mid(s2, y2, dinv, b2.reshape(1, HH), W3)
    s3 = _mp_kernel(y3, ei3)
    out = _tc_tail(s3, y3, dinv, b3.reshape(1, HH), batch.reshape(NN, 1),
                   Wl, bl.reshape(1, OC))
    return out

# --- scband reference (transcript-rebuilt; emitter-appended) ---
"""Pipeline reference for scband-gcn-6073083756970 (READ-ONLY COPY).

The authoritative reference and input builder live on the scoring server;
editing this copy changes nothing except your own understanding.
"""

import jax, jax.numpy as jnp
import numpy as np

N = 100000
E = 1600000
H = 32
G = 256
IN_C = 3
OUT_C = 45


def gcn_conv(x, edge_index, W, b, n_nodes):
    # PyG GCNConv: x' = D^{-1/2} (A + I) D^{-1/2} (x W) + b
    xw = x @ W
    src = edge_index[0]
    dst = edge_index[1]
    loop = jnp.arange(n_nodes, dtype=src.dtype)
    src = jnp.concatenate([src, loop])
    dst = jnp.concatenate([dst, loop])
    deg = jax.ops.segment_sum(jnp.ones(src.shape, dtype=xw.dtype), dst, num_segments=n_nodes)
    dinv = jnp.where(deg > 0, deg ** -0.5, 0.0)
    norm = dinv[src] * dinv[dst]
    msg = jnp.take(xw, src, axis=0) * norm[:, None]
    out = jax.ops.segment_sum(msg, dst, num_segments=n_nodes)
    return out + b


def setup_inputs(seed: int = 0) -> dict:
    key = jax.random.key(seed)
    ks = jax.random.split(key, 12)
    x = jax.random.normal(ks[0], (N, IN_C), dtype=jnp.float32)
    edge_index = jax.random.randint(ks[1], (2, E), 0, N, dtype=jnp.int32)
    batch = jnp.sort(jax.random.randint(ks[2], (N,), 0, G, dtype=jnp.int32))
    W1 = jax.random.normal(ks[3], (IN_C, H), dtype=jnp.float32) * (1.0 / np.sqrt(IN_C))
    b1 = jnp.zeros((H,), dtype=jnp.float32)
    W2 = jax.random.normal(ks[4], (H, H), dtype=jnp.float32) * (1.0 / np.sqrt(H))
    b2 = jnp.zeros((H,), dtype=jnp.float32)
    W3 = jax.random.normal(ks[5], (H, H), dtype=jnp.float32) * (1.0 / np.sqrt(H))
    b3 = jnp.zeros((H,), dtype=jnp.float32)
    Wl = jax.random.normal(ks[6], (H, OUT_C), dtype=jnp.float32) * (1.0 / np.sqrt(H))
    bl = jnp.zeros((OUT_C,), dtype=jnp.float32)
    return {"x": x, "edge_index": edge_index, "batch": batch,
            "W1": W1, "b1": b1, "W2": W2, "b2": b2, "W3": W3, "b3": b3,
            "Wl": Wl, "bl": bl}


def reference(x, edge_index, batch, W1, b1, W2, b2, W3, b3, Wl, bl):
    h = jax.nn.relu(gcn_conv(x, edge_index, W1, b1, N))
    h = jax.nn.relu(gcn_conv(h, edge_index, W2, b2, N))
    h = gcn_conv(h, edge_index, W3, b3, N)
    # global_mean_pool over graph assignment `batch`
    sums = jax.ops.segment_sum(h, batch, num_segments=G)
    counts = jax.ops.segment_sum(jnp.ones((N,), dtype=h.dtype), batch, num_segments=G)
    pooled = sums / jnp.clip(counts, 1.0)[:, None]
    # dropout p=0.5 is identity in eval mode
    out = pooled @ Wl + bl
    return out

if __name__ == "__main__":
    import jax
    _d = setup_inputs()
    print(jax.jit(kernel)(*tuple(_d.values())))

</pallas_src>

<mosaic_0001>
#map = affine_map<(d0, d1) -> (0, 0, 0)>
module attributes {stable_mosaic.version = 14 : i64} {
  func.func @_mp_kernel(%arg0: i32, %arg1: i32, %arg2: memref<2x100000x16xf32, #tpu.memory_space<hbm>>, %arg3: memref<2x20000x80xi32, #tpu.memory_space<hbm>>, %arg4: memref<2x100000x16xf32, #tpu.memory_space<hbm>>, %arg5: memref<2x8x80xi32, #tpu.memory_space<vmem>>, %arg6: memref<4x8x80xi32, #tpu.memory_space<vmem>>, %arg7: memref<2x8x80x16xf32, #tpu.memory_space<vmem>>, %arg8: memref<400x16xf32, #tpu.memory_space<vmem>>, %arg9: memref<100000x16xf32, #tpu.memory_space<vmem_shared>>, %arg10: memref<2x!tpu.dma_semaphore, #tpu.memory_space<semaphore_mem>>, %arg11: memref<4x!tpu.dma_semaphore, #tpu.memory_space<semaphore_mem>>, %arg12: memref<2x!tpu.dma_semaphore, #tpu.memory_space<semaphore_mem>>, %arg13: memref<2x!tpu.dma_semaphore, #tpu.memory_space<semaphore_mem>>) attributes {dimension_semantics = [#tpu.dimension_semantics<core_parallel>, #tpu.dimension_semantics<subcore_parallel>], iteration_bounds = array<i64: 2, 16>, scalar_prefetch = 0 : i64, scratch_operands = 9 : i64, tpu.core_type = #tpu.core_type<sc_vector_subcore>, window_params = [{transform_indices = #map}, {transform_indices = #map}, {transform_indices = #map}]} {
    %broadcast_in_dim3A = arith.constant 0.000000e+00 : f32
    %broadcast_in_dim3A_0 = vector.broadcast %broadcast_in_dim3A : f32 to vector<16xf32>
    %scan3A = arith.constant 0 : i32
    %scan3A_1 = arith.constant 0 : i32
    %scan3A_2 = arith.constant 400 : i32
    %scan3A_3 = arith.addi %scan3A_1, %scan3A_2 : i32
    %scan3A_4 = arith.constant 1 : i32
    %scan3A_5 = scf.for %scan3A_184 = %scan3A_1 to %scan3A_3 step %scan3A_4 iter_args(%scan3A_185 = %scan3A) -> (i32)  : i32 {
      %swap3A = arith.index_cast %scan3A_184 : i32 to index
      %swap3A_186 = arith.constant 0 : index
      %swap3A_187 = tpu.vector_load %arg8[%swap3A, %swap3A_186] {strides = array<i32>} : memref<400x16xf32, #tpu.memory_space<vmem>>, vector<1x16xf32>,
      %swap3A_188 = vector.shape_cast %swap3A_187 : vector<1x16xf32> to vector<16xf32>
      %swap3A_189 = vector.shape_cast %broadcast_in_dim3A_0 : vector<16xf32> to vector<1x16xf32>
      tpu.vector_store %arg8[%swap3A, %swap3A_186], %swap3A_189 {strides = array<i32>} : memref<400x16xf32, #tpu.memory_space<vmem>>, vector<1x16xf32>,
      %scan3A_190 = arith.constant 0 : i32
      scf.yield %scan3A_190 : i32
    }
    %scan3A_6 = arith.constant 400 : i32
    %scan3A_7 = arith.constant 0 : i32
    %scan3A_8 = arith.constant 0 : i32
    %scan3A_9 = arith.constant 16 : i32
    %scan3A_10 = arith.addi %scan3A_8, %scan3A_9 : i32
    %scan3A_11 = arith.constant 1 : i32
    %scan3A_12 = scf.for %scan3A_184 = %scan3A_8 to %scan3A_10 step %scan3A_11 iter_args(%scan3A_185 = %scan3A_7) -> (i32)  : i32 {
      %mul3A_186 = arith.constant 16 : i32
      %mul3A_187 = arith.muli %mul3A_186, %scan3A_184 : i32
      %add3A_188 = arith.addi %arg1, %mul3A_187 : i32
      %lt3A_189 = arith.constant 250 : i32
      %lt3A_190 = arith.cmpi slt, %add3A_188, %lt3A_189 : i32
      %convert_element_type3A = arith.extui %lt3A_190 : i1 to i32
      %cond3A = arith.constant 0 : i32
      %cond3A_191 = arith.cmpi ne, %convert_element_type3A, %cond3A : i32
      scf.if %cond3A_191 {
        %mul3A_193 = arith.constant 400 : i32
        %mul3A_194 = arith.muli %add3A_188, %mul3A_193 : i32
        "tpu.region"() ({
          %run_scoped3A = tpu.sem_alloc : memref<!tpu.dma_semaphore, #tpu.memory_space<semaphore_mem>>
          %dma_start3A_195 = arith.constant 0 : i32
          %dma_start3A_196 = tpu.memref_slice %arg9[%mul3A_194, %dma_start3A_195] : memref<100000x16xf32, #tpu.memory_space<vmem_shared>> -> memref<400x16xf32, #tpu.memory_space<vmem_shared>>
          %dma_start3A_197 = arith.constant 0 : i32
          %dma_start3A_198 = tpu.memref_slice %arg9[%mul3A_194, %dma_start3A_197] : memref<100000x16xf32, #tpu.memory_space<vmem_shared>> -> memref<400x16xf32, #tpu.memory_space<vmem_shared>>
          tpu.enqueue_dma source(%arg8 : memref<400x16xf32, #tpu.memory_space<vmem>>) target(%dma_start3A_198 : memref<400x16xf32, #tpu.memory_space<vmem_shared>>) target_semaphore(%run_scoped3A : memref<!tpu.dma_semaphore, #tpu.memory_space<semaphore_mem>>)
          %dma_wait3A_199 = arith.constant 0 : i32
          %dma_wait3A_200 = tpu.memref_slice %arg9[%mul3A_194, %dma_wait3A_199] : memref<100000x16xf32, #tpu.memory_space<vmem_shared>> -> memref<400x16xf32, #tpu.memory_space<vmem_shared>>
          %dma_wait3A_201 = arith.constant 0 : i32
          %dma_wait3A_202 = tpu.memref_slice %arg9[%mul3A_194, %dma_wait3A_201] : memref<100000x16xf32, #tpu.memory_space<vmem_shared>> -> memref<400x16xf32, #tpu.memory_space<vmem_shared>>
          tpu.wait_dma2 semaphore(%run_scoped3A : memref<!tpu.dma_semaphore, #tpu.memory_space<semaphore_mem>>) src(%arg8 : memref<400x16xf32, #tpu.memory_space<vmem>>) dst(%dma_wait3A_202 : memref<400x16xf32, #tpu.memory_space<vmem_shared>>)
          tpu.yield
        }) : () -> ()
      } else {
      }
      %scan3A_192 = arith.constant 0 : i32
      scf.yield %scan3A_192 : i32
    }
    %scan3A_13 = arith.constant 16 : i32
    %barrier3A = arith.constant 0 : index
    tpu.barrier barrier_id(%barrier3A)
    %mul3A = arith.constant 156 : i32
    %mul3A_14 = arith.muli %arg1, %mul3A : i32
    %min3A = arith.constant 4 : i32
    %min3A_15 = arith.minsi %arg1, %min3A : i32
    %add3A = arith.addi %mul3A_14, %min3A_15 : i32
    %lt3A = arith.constant 4 : i32
    %lt3A_16 = arith.cmpi slt, %arg1, %lt3A : i32
    %jit3A = arith.constant 157 : i32
    %jit3A_17 = arith.constant 156 : i32
    %select_n3A = arith.select %lt3A_16, %jit3A, %jit3A_17 : i32
    %add3A_18 = arith.constant 0 : i32
    %add3A_19 = arith.addi %add3A, %add3A_18 : i32
    %mul3A_20 = arith.constant 8 : i32
    %mul3A_21 = arith.muli %add3A_19, %mul3A_20 : i32
    %rem3A = arith.constant 0 : i32
    %rem3A_22 = arith.constant 2 : i32
    %rem3A_23 = arith.remsi %rem3A, %rem3A_22 : i32
    %rem3A_24 = arith.constant 0 : i32
    %rem3A_25 = arith.constant 2 : i32
    %rem3A_26 = arith.remsi %rem3A_24, %rem3A_25 : i32
    %dma_start3A = arith.constant 0 : i32
    %dma_start3A_27 = arith.constant 0 : i32
    %dma_start3A_28 = arith.constant 0 : i32
    %dma_start3A_29 = tpu.memref_slice %arg5[%rem3A_23, %dma_start3A_27, %dma_start3A_28] : memref<2x8x80xi32, #tpu.memory_space<vmem>> -> memref<1x8x80xi32, #tpu.memory_space<vmem>>
    %dma_start3A_30 = tpu.memref_squeeze %dma_start3A_29 : memref<1x8x80xi32, #tpu.memory_space<vmem>> -> memref<8x80xi32, #tpu.memory_space<vmem>>
    %dma_start3A_31 = arith.constant 0 : i32
    %dma_start3A_32 = tpu.memref_slice %arg3[%dma_start3A, %mul3A_21, %dma_start3A_31] : memref<2x20000x80xi32, #tpu.memory_space<hbm>> -> memref<1x8x80xi32, #tpu.memory_space<hbm>>
    %dma_start3A_33 = tpu.memref_squeeze %dma_start3A_32 : memref<1x8x80xi32, #tpu.memory_space<hbm>> -> memref<8x80xi32, #tpu.memory_space<hbm>>
    %dma_start3A_34 = tpu.memref_slice %arg10[%rem3A_26] : memref<2x!tpu.dma_semaphore, #tpu.memory_space<semaphore_mem>> -> memref<1x!tpu.dma_semaphore, #tpu.memory_space<semaphore_mem>>
    %dma_start3A_35 = tpu.memref_squeeze %dma_start3A_34 : memref<1x!tpu.dma_semaphore, #tpu.memory_space<semaphore_mem>> -> memref<!tpu.dma_semaphore, #tpu.memory_space<semaphore_mem>>
    %dma_start3A_36 = arith.constant 0 : i32
    %dma_start3A_37 = arith.constant 0 : i32
    %dma_start3A_38 = tpu.memref_slice %arg5[%rem3A_23, %dma_start3A_36, %dma_start3A_37] : memref<2x8x80xi32, #tpu.memory_space<vmem>> -> memref<1x8x80xi32, #tpu.memory_space<vmem>>
    %dma_start3A_39 = tpu.memref_squeeze %dma_start3A_38 : memref<1x8x80xi32, #tpu.memory_space<vmem>> -> memref<8x80xi32, #tpu.memory_space<vmem>>
    %dma_start3A_40 = arith.constant 0 : i32
    %dma_start3A_41 = tpu.memref_slice %arg3[%dma_start3A, %mul3A_21, %dma_start3A_40] : memref<2x20000x80xi32, #tpu.memory_space<hbm>> -> memref<1x8x80xi32, #tpu.memory_space<hbm>>
    %dma_start3A_42 = tpu.memref_squeeze %dma_start3A_41 : memref<1x8x80xi32, #tpu.memory_space<hbm>> -> memref<8x80xi32, #tpu.memory_space<hbm>>
    tpu.enqueue_dma source(%dma_start3A_42 : memref<8x80xi32, #tpu.memory_space<hbm>>) target(%dma_start3A_39 : memref<8x80xi32, #tpu.memory_space<vmem>>) target_semaphore(%dma_start3A_35 : memref<!tpu.dma_semaphore, #tpu.memory_space<semaphore_mem>>)
    %add3A_43 = arith.constant 0 : i32
    %add3A_44 = arith.addi %add3A, %add3A_43 : i32
    %mul3A_45 = arith.constant 8 : i32
    %mul3A_46 = arith.muli %add3A_44, %mul3A_45 : i32
    %rem3A_47 = arith.constant 0 : i32
    %rem3A_48 = arith.constant 4 : i32
    %rem3A_49 = arith.remsi %rem3A_47, %rem3A_48 : i32
    %rem3A_50 = arith.constant 0 : i32
    %rem3A_51 = arith.constant 4 : i32
    %rem3A_52 = arith.remsi %rem3A_50, %rem3A_51 : i32
    %dma_start3A_53 = arith.constant 1 : i32
    %dma_start3A_54 = arith.constant 0 : i32
    %dma_start3A_55 = arith.constant 0 : i32
    %dma_start3A_56 = tpu.memref_slice %arg6[%rem3A_49, %dma_start3A_54, %dma_start3A_55] : memref<4x8x80xi32, #tpu.memory_space<vmem>> -> memref<1x8x80xi32, #tpu.memory_space<vmem>>
    %dma_start3A_57 = tpu.memref_squeeze %dma_start3A_56 : memref<1x8x80xi32, #tpu.memory_space<vmem>> -> memref<8x80xi32, #tpu.memory_space<vmem>>
    %dma_start3A_58 = arith.constant 0 : i32
    %dma_start3A_59 = tpu.memref_slice %arg3[%dma_start3A_53, %mul3A_46, %dma_start3A_58] : memref<2x20000x80xi32, #tpu.memory_space<hbm>> -> memref<1x8x80xi32, #tpu.memory_space<hbm>>
    %dma_start3A_60 = tpu.memref_squeeze %dma_start3A_59 : memref<1x8x80xi32, #tpu.memory_space<hbm>> -> memref<8x80xi32, #tpu.memory_space<hbm>>
    %dma_start3A_61 = tpu.memref_slice %arg11[%rem3A_52] : memref<4x!tpu.dma_semaphore, #tpu.memory_space<semaphore_mem>> -> memref<1x!tpu.dma_semaphore, #tpu.memory_space<semaphore_mem>>
    %dma_start3A_62 = tpu.memref_squeeze %dma_start3A_61 : memref<1x!tpu.dma_semaphore, #tpu.memory_space<semaphore_mem>> -> memref<!tpu.dma_semaphore, #tpu.memory_space<semaphore_mem>>
    %dma_start3A_63 = arith.constant 0 : i32
    %dma_start3A_64 = arith.constant 0 : i32
    %dma_start3A_65 = tpu.memref_slice %arg6[%rem3A_49, %dma_start3A_63, %dma_start3A_64] : memref<4x8x80xi32, #tpu.memory_space<vmem>> -> memref<1x8x80xi32, #tpu.memory_space<vmem>>
    %dma_start3A_66 = tpu.memref_squeeze %dma_start3A_65 : memref<1x8x80xi32, #tpu.memory_space<vmem>> -> memref<8x80xi32, #tpu.memory_space<vmem>>
    %dma_start3A_67 = arith.constant 0 : i32
    %dma_start3A_68 = tpu.memref_slice %arg3[%dma_start3A_53, %mul3A_46, %dma_start3A_67] : memref<2x20000x80xi32, #tpu.memory_space<hbm>> -> memref<1x8x80xi32, #tpu.memory_space<hbm>>
    %dma_start3A_69 = tpu.memref_squeeze %dma_start3A_68 : memref<1x8x80xi32, #tpu.memory_space<hbm>> -> memref<8x80xi32, #tpu.memory_space<hbm>>
    tpu.enqueue_dma source(%dma_start3A_69 : memref<8x80xi32, #tpu.memory_space<hbm>>) target(%dma_start3A_66 : memref<8x80xi32, #tpu.memory_space<vmem>>) target_semaphore(%dma_start3A_62 : memref<!tpu.dma_semaphore, #tpu.memory_space<semaphore_mem>>)
    %add3A_70 = arith.constant 1 : i32
    %add3A_71 = arith.addi %add3A, %add3A_70 : i32
    %mul3A_72 = arith.constant 8 : i32
    %mul3A_73 = arith.muli %add3A_71, %mul3A_72 : i32
    %rem3A_74 = arith.constant 1 : i32
    %rem3A_75 = arith.constant 2 : i32
    %rem3A_76 = arith.remsi %rem3A_74, %rem3A_75 : i32
    %rem3A_77 = arith.constant 1 : i32
    %rem3A_78 = arith.constant 2 : i32
    %rem3A_79 = arith.remsi %rem3A_77, %rem3A_78 : i32
    %dma_start3A_80 = arith.constant 0 : i32
    %dma_start3A_81 = arith.constant 0 : i32
    %dma_start3A_82 = arith.constant 0 : i32
    %dma_start3A_83 = tpu.memref_slice %arg5[%rem3A_76, %dma_start3A_81, %dma_start3A_82] : memref<2x8x80xi32, #tpu.memory_space<vmem>> -> memref<1x8x80xi32, #tpu.memory_space<vmem>>
    %dma_start3A_84 = tpu.memref_squeeze %dma_start3A_83 : memref<1x8x80xi32, #tpu.memory_space<vmem>> -> memref<8x80xi32, #tpu.memory_space<vmem>>
    %dma_start3A_85 = arith.constant 0 : i32
    %dma_start3A_86 = tpu.memref_slice %arg3[%dma_start3A_80, %mul3A_73, %dma_start3A_85] : memref<2x20000x80xi32, #tpu.memory_space<hbm>> -> memref<1x8x80xi32, #tpu.memory_space<hbm>>
    %dma_start3A_87 = tpu.memref_squeeze %dma_start3A_86 : memref<1x8x80xi32, #tpu.memory_space<hbm>> -> memref<8x80xi32, #tpu.memory_space<hbm>>
    %dma_start3A_88 = tpu.memref_slice %arg10[%rem3A_79] : memref<2x!tpu.dma_semaphore, #tpu.memory_space<semaphore_mem>> -> memref<1x!tpu.dma_semaphore, #tpu.memory_space<semaphore_mem>>
    %dma_start3A_89 = tpu.memref_squeeze %dma_start3A_88 : memref<1x!tpu.dma_semaphore, #tpu.memory_space<semaphore_mem>> -> memref<!tpu.dma_semaphore, #tpu.memory_space<semaphore_mem>>
    %dma_start3A_90 = arith.constant 0 : i32
    %dma_start3A_91 = arith.constant 0 : i32
    %dma_start3A_92 = tpu.memref_slice %arg5[%rem3A_76, %dma_start3A_90, %dma_start3A_91] : memref<2x8x80xi32, #tpu.memory_space<vmem>> -> memref<1x8x80xi32, #tpu.memory_space<vmem>>
    %dma_start3A_93 = tpu.memref_squeeze %dma_start3A_92 : memref<1x8x80xi32, #tpu.memory_space<vmem>> -> memref<8x80xi32, #tpu.memory_space<vmem>>
    %dma_start3A_94 = arith.constant 0 : i32
    %dma_start3A_95 = tpu.memref_slice %arg3[%dma_start3A_80, %mul3A_73, %dma_start3A_94] : memref<2x20000x80xi32, #tpu.memory_space<hbm>> -> memref<1x8x80xi32, #tpu.memory_space<hbm>>
    %dma_start3A_96 = tpu.memref_squeeze %dma_start3A_95 : memref<1x8x80xi32, #tpu.memory_space<hbm>> -> memref<8x80xi32, #tpu.memory_space<hbm>>
    tpu.enqueue_dma source(%dma_start3A_96 : memref<8x80xi32, #tpu.memory_space<hbm>>) target(%dma_start3A_93 : memref<8x80xi32, #tpu.memory_space<vmem>>) target_semaphore(%dma_start3A_89 : memref<!tpu.dma_semaphore, #tpu.memory_space<semaphore_mem>>)
    %add3A_97 = arith.constant 1 : i32
    %add3A_98 = arith.addi %add3A, %add3A_97 : i32
    %mul3A_99 = arith.constant 8 : i32
    %mul3A_100 = arith.muli %add3A_98, %mul3A_99 : i32
    %rem3A_101 = arith.constant 1 : i32
    %rem3A_102 = arith.constant 4 : i32
    %rem3A_103 = arith.remsi %rem3A_101, %rem3A_102 : i32
    %rem3A_104 = arith.constant 1 : i32
    %rem3A_105 = arith.constant 4 : i32
    %rem3A_106 = arith.remsi %rem3A_104, %rem3A_105 : i32
    %dma_start3A_107 = arith.constant 1 : i32
    %dma_start3A_108 = arith.constant 0 : i32
    %dma_start3A_109 = arith.constant 0 : i32
    %dma_start3A_110 = tpu.memref_slice %arg6[%rem3A_103, %dma_start3A_108, %dma_start3A_109] : memref<4x8x80xi32, #tpu.memory_space<vmem>> -> memref<1x8x80xi32, #tpu.memory_space<vmem>>
    %dma_start3A_111 = tpu.memref_squeeze %dma_start3A_110 : memref<1x8x80xi32, #tpu.memory_space<vmem>> -> memref<8x80xi32, #tpu.memory_space<vmem>>
    %dma_start3A_112 = arith.constant 0 : i32
    %dma_start3A_113 = tpu.memref_slice %arg3[%dma_start3A_107, %mul3A_100, %dma_start3A_112] : memref<2x20000x80xi32, #tpu.memory_space<hbm>> -> memref<1x8x80xi32, #tpu.memory_space<hbm>>
    %dma_start3A_114 = tpu.memref_squeeze %dma_start3A_113 : memref<1x8x80xi32, #tpu.memory_space<hbm>> -> memref<8x80xi32, #tpu.memory_space<hbm>>
    %dma_start3A_115 = tpu.memref_slice %arg11[%rem3A_106] : memref<4x!tpu.dma_semaphore, #tpu.memory_space<semaphore_mem>> -> memref<1x!tpu.dma_semaphore, #tpu.memory_space<semaphore_mem>>
    %dma_start3A_116 = tpu.memref_squeeze %dma_start3A_115 : memref<1x!tpu.dma_semaphore, #tpu.memory_space<semaphore_mem>> -> memref<!tpu.dma_semaphore, #tpu.memory_space<semaphore_mem>>
    %dma_start3A_117 = arith.constant 0 : i32
    %dma_start3A_118 = arith.constant 0 : i32
    %dma_start3A_119 = tpu.memref_slice %arg6[%rem3A_103, %dma_start3A_117, %dma_start3A_118] : memref<4x8x80xi32, #tpu.memory_space<vmem>> -> memref<1x8x80xi32, #tpu.memory_space<vmem>>
    %dma_start3A_120 = tpu.memref_squeeze %dma_start3A_119 : memref<1x8x80xi32, #tpu.memory_space<vmem>> -> memref<8x80xi32, #tpu.memory_space<vmem>>
    %dma_start3A_121 = arith.constant 0 : i32
    %dma_start3A_122 = tpu.memref_slice %arg3[%dma_start3A_107, %mul3A_100, %dma_start3A_121] : memref<2x20000x80xi32, #tpu.memory_space<hbm>> -> memref<1x8x80xi32, #tpu.memory_space<hbm>>
    %dma_start3A_123 = tpu.memref_squeeze %dma_start3A_122 : memref<1x8x80xi32, #tpu.memory_space<hbm>> -> memref<8x80xi32, #tpu.memory_space<hbm>>
    tpu.enqueue_dma source(%dma_start3A_123 : memref<8x80xi32, #tpu.memory_space<hbm>>) target(%dma_start3A_120 : memref<8x80xi32, #tpu.memory_space<vmem>>) target_semaphore(%dma_start3A_116 : memref<!tpu.dma_semaphore, #tpu.memory_space<semaphore_mem>>)
    %add3A_124 = arith.constant 0 : i32
    %add3A_125 = arith.addi %add3A, %add3A_124 : i32
    %mul3A_126 = arith.constant 8 : i32
    %mul3A_127 = arith.muli %add3A_125, %mul3A_126 : i32
    %rem3A_128 = arith.constant 0 : i32
    %rem3A_129 = arith.constant 2 : i32
    %rem3A_130 = arith.remsi %rem3A_128, %rem3A_129 : i32
    %rem3A_131 = arith.constant 0 : i32
    %rem3A_132 = arith.constant 2 : i32
    %rem3A_133 = arith.remsi %rem3A_131, %rem3A_132 : i32
    %dma_wait3A = arith.constant 0 : i32
    %dma_wait3A_134 = arith.constant 0 : i32
    %dma_wait3A_135 = arith.constant 0 : i32
    %dma_wait3A_136 = tpu.memref_slice %arg5[%rem3A_130, %dma_wait3A_134, %dma_wait3A_135] : memref<2x8x80xi32, #tpu.memory_space<vmem>> -> memref<1x8x80xi32, #tpu.memory_space<vmem>>
    %dma_wait3A_137 = tpu.memref_squeeze %dma_wait3A_136 : memref<1x8x80xi32, #tpu.memory_space<vmem>> -> memref<8x80xi32, #tpu.memory_space<vmem>>
    %dma_wait3A_138 = arith.constant 0 : i32
    %dma_wait3A_139 = tpu.memref_slice %arg3[%dma_wait3A, %mul3A_127, %dma_wait3A_138] : memref<2x20000x80xi32, #tpu.memory_space<hbm>> -> memref<1x8x80xi32, #tpu.memory_space<hbm>>
    %dma_wait3A_140 = tpu.memref_squeeze %dma_wait3A_139 : memref<1x8x80xi32, #tpu.memory_space<hbm>> -> memref<8x80xi32, #tpu.memory_space<hbm>>
    %dma_wait3A_141 = tpu.memref_slice %arg10[%rem3A_133] : memref<2x!tpu.dma_semaphore, #tpu.memory_space<semaphore_mem>> -> memref<1x!tpu.dma_semaphore, #tpu.memory_space<semaphore_mem>>
    %dma_wait3A_142 = tpu.memref_squeeze %dma_wait3A_141 : memref<1x!tpu.dma_semaphore, #tpu.memory_space<semaphore_mem>> -> memref<!tpu.dma_semaphore, #tpu.memory_space<semaphore_mem>>
    %dma_wait3A_143 = arith.constant 0 : i32
    %dma_wait3A_144 = arith.constant 0 : i32
    %dma_wait3A_145 = tpu.memref_slice %arg5[%rem3A_130, %dma_wait3A_143, %dma_wait3A_144] : memref<2x8x80xi32, #tpu.memory_space<vmem>> -> memref<1x8x80xi32, #tpu.memory_space<vmem>>
    %dma_wait3A_146 = tpu.memref_squeeze %dma_wait3A_145 : memref<1x8x80xi32, #tpu.memory_space<vmem>> -> memref<8x80xi32, #tpu.memory_space<vmem>>
    %dma_wait3A_147 = arith.constant 0 : i32
    %dma_wait3A_148 = tpu.memref_slice %arg3[%dma_wait3A, %mul3A_127, %dma_wait3A_147] : memref<2x20000x80xi32, #tpu.memory_space<hbm>> -> memref<1x8x80xi32, #tpu.memory_space<hbm>>
    %dma_wait3A_149 = tpu.memref_squeeze %dma_wait3A_148 : memref<1x8x80xi32, #tpu.memory_space<hbm>> -> memref<8x80xi32, #tpu.memory_space<hbm>>
    tpu.wait_dma2 semaphore(%dma_wait3A_142 : memref<!tpu.dma_semaphore, #tpu.memory_space<semaphore_mem>>) src(%dma_wait3A_149 : memref<8x80xi32, #tpu.memory_space<hbm>>) dst(%dma_wait3A_146 : memref<8x80xi32, #tpu.memory_space<vmem>>)
    %scan3A_150 = arith.constant 0 : i32
    %scan3A_151 = arith.constant 0 : i32
    %scan3A_152 = arith.constant 8 : i32
    %scan3A_153 = arith.addi %scan3A_151, %scan3A_152 : i32
    %scan3A_154 = arith.constant 1 : i32
    %scan3A_155 = scf.for %scan3A_184 = %scan3A_151 to %scan3A_153 step %scan3A_154 iter_args(%scan3A_185 = %scan3A_150) -> (i32)  : i32 {
      %rem3A_186 = arith.constant 0 : i32
      %rem3A_187 = arith.constant 2 : i32
      %rem3A_188 = arith.remsi %rem3A_186, %rem3A_187 : i32
      %dma_start3A_189 = arith.constant 0 : i32
      %dma_start3A_190 = arith.constant 0 : i32
      %dma_start3A_191 = tpu.memref_slice %arg7[%rem3A_188, %scan3A_184, %dma_start3A_189, %dma_start3A_190] : memref<2x8x80x16xf32, #tpu.memory_space<vmem>> -> memref<1x1x80x16xf32, #tpu.memory_space<vmem>>
      %dma_start3A_192 = tpu.memref_squeeze %dma_start3A_191 : memref<1x1x80x16xf32, #tpu.memory_space<vmem>> -> memref<80x16xf32, #tpu.memory_space<vmem>>
      %dma_start3A_193 = arith.constant 0 : i32
      %dma_start3A_194 = tpu.memref_slice %arg5[%rem3A_188, %scan3A_184, %dma_start3A_193] : memref<2x8x80xi32, #tpu.memory_space<vmem>> -> memref<1x1x80xi32, #tpu.memory_space<vmem>>
      %dma_start3A_195 = tpu.memref_squeeze %dma_start3A_194 : memref<1x1x80xi32, #tpu.memory_space<vmem>> -> memref<80xi32, #tpu.memory_space<vmem>>
      %dma_start3A_196 = arith.constant 0 : i32
      %dma_start3A_197 = arith.constant 0 : i32
      %dma_start3A_198 = tpu.memref_slice %arg2[%arg0, %dma_start3A_196, %dma_start3A_197] : memref<2x100000x16xf32, #tpu.memory_space<hbm>> -> memref<1x100000x16xf32, #tpu.memory_space<hbm>>
      %dma_start3A_199 = tpu.memref_squeeze %dma_start3A_198 : memref<1x100000x16xf32, #tpu.memory_space<hbm>> -> memref<100000x16xf32, #tpu.memory_space<hbm>>
      %dma_start3A_200 = arith.constant 0 : i32
      %dma_start3A_201 = arith.constant 0 : i32
      %dma_start3A_202 = tpu.memref_slice %dma_start3A_199[%dma_start3A_200, %dma_start3A_201] : memref<100000x16xf32, #tpu.memory_space<hbm>> -> memref<100000x16xf32, #tpu.memory_space<hbm>>
      %dma_start3A_203 = tpu.memref_slice %arg12[%rem3A_188] : memref<2x!tpu.dma_semaphore, #tpu.memory_space<semaphore_mem>> -> memref<1x!tpu.dma_semaphore, #tpu.memory_space<semaphore_mem>>
      %dma_start3A_204 = tpu.memref_squeeze %dma_start3A_203 : memref<1x!tpu.dma_semaphore, #tpu.memory_space<semaphore_mem>> -> memref<!tpu.dma_semaphore, #tpu.memory_space<semaphore_mem>>
      tpu.enqueue_indirect_dma source(%dma_start3A_202 : memref<100000x16xf32, #tpu.memory_space<hbm>>) target(%dma_start3A_192 : memref<80x16xf32, #tpu.memory_space<vmem>>) offsets(%dma_start3A_195 : memref<80xi32, #tpu.memory_space<vmem>>) semaphore(%dma_start3A_204 : memref<!tpu.dma_semaphore, #tpu.memory_space<semaphore_mem>>)
      %scan3A_205 = arith.constant 0 : i32
      scf.yield %scan3A_205 : i32
    }
    %scan3A_156 = arith.constant 8 : i32
    %while3A = arith.constant 0 : i32
    %while3A_157 = arith.constant 0 : i32
    %while3A_158 = arith.subi %select_n3A, %while3A : i32
    %while3A_159 = arith.addi %while3A, %while3A_158 : i32
    %while3A_160 = arith.constant 1 : i32
    %while3A_161 = arith.divsi %while3A_158, %while3A_160 : i32
    %while3A_162 = arith.muli %while3A_161, %while3A_160 : i32
    %while3A_163 = arith.addi %while3A, %while3A_162 : i32
    %while3A_164 = arith.constant 1 : i32
    %while3A_165 = scf.for %while3A_184 = %while3A to %while3A_163 step %while3A_164 iter_args(%while3A_185 = %while3A_157) -> (i32)  : i32 {
      %ge3A = arith.constant 1 : i32
      %ge3A_186 = arith.cmpi sge, %while3A_184, %ge3A : i32
      %convert_element_type3A = arith.extui %ge3A_186 : i1 to i32
      %cond3A = arith.constant 0 : i32
      %cond3A_187 = arith.cmpi ne, %convert_element_type3A, %cond3A : i32
      scf.if %cond3A_187 {
        %sub3A_232 = arith.constant 1 : i32
        %sub3A_233 = arith.subi %while3A_184, %sub3A_232 : i32
        %scan3A_234 = arith.constant 0 : i32
        %scan3A_235 = arith.constant 0 : i32
        %scan3A_236 = arith.constant 8 : i32
        %scan3A_237 = arith.addi %scan3A_235, %scan3A_236 : i32
        %scan3A_238 = arith.constant 1 : i32
        %scan3A_239 = scf.for %scan3A_241 = %scan3A_235 to %scan3A_237 step %scan3A_238 iter_args(%scan3A_242 = %scan3A_234) -> (i32)  : i32 {
          %rem3A_243 = arith.constant 2 : i32
          %rem3A_244 = arith.remsi %sub3A_233, %rem3A_243 : i32
          %rem3A_245 = arith.constant 4 : i32
          %rem3A_246 = arith.remsi %sub3A_233, %rem3A_245 : i32
          %dma_wait3A_247 = arith.constant 0 : i32
          %dma_wait3A_248 = arith.constant 0 : i32
          %dma_wait3A_249 = tpu.memref_slice %arg7[%rem3A_244, %scan3A_241, %dma_wait3A_247, %dma_wait3A_248] : memref<2x8x80x16xf32, #tpu.memory_space<vmem>> -> memref<1x1x80x16xf32, #tpu.memory_space<vmem>>
          %dma_wait3A_250 = tpu.memref_squeeze %dma_wait3A_249 : memref<1x1x80x16xf32, #tpu.memory_space<vmem>> -> memref<80x16xf32, #tpu.memory_space<vmem>>
          %dma_wait3A_251 = arith.constant 0 : i32
          %dma_wait3A_252 = tpu.memref_slice %arg6[%rem3A_246, %scan3A_241, %dma_wait3A_251] : memref<4x8x80xi32, #tpu.memory_space<vmem>> -> memref<1x1x80xi32, #tpu.memory_space<vmem>>
          %dma_wait3A_253 = tpu.memref_squeeze %dma_wait3A_252 : memref<1x1x80xi32, #tpu.memory_space<vmem>> -> memref<80xi32, #tpu.memory_space<vmem>>
          %dma_wait3A_254 = arith.constant 0 : i32
          %dma_wait3A_255 = arith.constant 0 : i32
          %dma_wait3A_256 = tpu.memref_slice %arg9[%dma_wait3A_254, %dma_wait3A_255] : memref<100000x16xf32, #tpu.memory_space<vmem_shared>> -> memref<100000x16xf32, #tpu.memory_space<vmem_shared>>
          %dma_wait3A_257 = tpu.memref_slice %arg13[%rem3A_244] : memref<2x!tpu.dma_semaphore, #tpu.memory_space<semaphore_mem>> -> memref<1x!tpu.dma_semaphore, #tpu.memory_space<semaphore_mem>>
          %dma_wait3A_258 = tpu.memref_squeeze %dma_wait3A_257 : memref<1x!tpu.dma_semaphore, #tpu.memory_space<semaphore_mem>> -> memref<!tpu.dma_semaphore, #tpu.memory_space<semaphore_mem>>
          tpu.wait_indirect_dma semaphore(%dma_wait3A_258 : memref<!tpu.dma_semaphore, #tpu.memory_space<semaphore_mem>>) src(%dma_wait3A_250 : memref<80x16xf32, #tpu.memory_space<vmem>>) dst(%dma_wait3A_256 : memref<100000x16xf32, #tpu.memory_space<vmem_shared>>)
          %scan3A_259 = arith.constant 0 : i32
          scf.yield %scan3A_259 : i32
        }
        %scan3A_240 = arith.constant 8 : i32
      } else {
      }
      %add3A_188 = arith.addi %add3A, %while3A_184 : i32
      %mul3A_189 = arith.constant 8 : i32
      %mul3A_190 = arith.muli %add3A_188, %mul3A_189 : i32
      %rem3A_191 = arith.constant 4 : i32
      %rem3A_192 = arith.remsi %while3A_184, %rem3A_191 : i32
      %rem3A_193 = arith.constant 4 : i32
      %rem3A_194 = arith.remsi %while3A_184, %rem3A_193 : i32
      %dma_wait3A_195 = arith.constant 1 : i32
      %dma_wait3A_196 = arith.constant 0 : i32
      %dma_wait3A_197 = arith.constant 0 : i32
      %dma_wait3A_198 = tpu.memref_slice %arg6[%rem3A_192, %dma_wait3A_196, %dma_wait3A_197] : memref<4x8x80xi32, #tpu.memory_space<vmem>> -> memref<1x8x80xi32, #tpu.memory_space<vmem>>
      %dma_wait3A_199 = tpu.memref_squeeze %dma_wait3A_198 : memref<1x8x80xi32, #tpu.memory_space<vmem>> -> memref<8x80xi32, #tpu.memory_space<vmem>>
      %dma_wait3A_200 = arith.constant 0 : i32
      %dma_wait3A_201 = tpu.memref_slice %arg3[%dma_wait3A_195, %mul3A_190, %dma_wait3A_200] : memref<2x20000x80xi32, #tpu.memory_space<hbm>> -> memref<1x8x80xi32, #tpu.memory_space<hbm>>
      %dma_wait3A_202 = tpu.memref_squeeze %dma_wait3A_201 : memref<1x8x80xi32, #tpu.memory_space<hbm>> -> memref<8x80xi32, #tpu.memory_space<hbm>>
      %dma_wait3A_203 = tpu.memref_slice %arg11[%rem3A_194] : memref<4x!tpu.dma_semaphore, #tpu.memory_space<semaphore_mem>> -> memref<1x!tpu.dma_semaphore, #tpu.memory_space<semaphore_mem>>
      %dma_wait3A_204 = tpu.memref_squeeze %dma_wait3A_203 : memref<1x!tpu.dma_semaphore, #tpu.memory_space<semaphore_mem>> -> memref<!tpu.dma_semaphore, #tpu.memory_space<semaphore_mem>>
      %dma_wait3A_205 = arith.constant 0 : i32
      %dma_wait3A_206 = arith.constant 0 : i32
      %dma_wait3A_207 = tpu.memref_slice %arg6[%rem3A_192, %dma_wait3A_205, %dma_wait3A_206] : memref<4x8x80xi32, #tpu.memory_space<vmem>> -> memref<1x8x80xi32, #tpu.memory_space<vmem>>
      %dma_wait3A_208 = tpu.memref_squeeze %dma_wait3A_207 : memref<1x8x80xi32, #tpu.memory_space<vmem>> -> memref<8x80xi32, #tpu.memory_space<vmem>>
      %dma_wait3A_209 = arith.constant 0 : i32
      %dma_wait3A_210 = tpu.memref_slice %arg3[%dma_wait3A_195, %mul3A_190, %dma_wait3A_209] : memref<2x20000x80xi32, #tpu.memory_space<hbm>> -> memref<1x8x80xi32, #tpu.memory_space<hbm>>
      %dma_wait3A_211 = tpu.memref_squeeze %dma_wait3A_210 : memref<1x8x80xi32, #tpu.memory_space<hbm>> -> memref<8x80xi32, #tpu.memory_space<hbm>>
      tpu.wait_dma2 semaphore(%dma_wait3A_204 : memref<!tpu.dma_semaphore, #tpu.memory_space<semaphore_mem>>) src(%dma_wait3A_211 : memref<8x80xi32, #tpu.memory_space<hbm>>) dst(%dma_wait3A_208 : memref<8x80xi32, #tpu.memory_space<vmem>>)
      %scan3A_212 = arith.constant 0 : i32
      %scan3A_213 = arith.constant 0 : i32
      %scan3A_214 = arith.constant 8 : i32
      %scan3A_215 = arith.addi %scan3A_213, %scan3A_214 : i32
      %scan3A_216 = arith.constant 1 : i32
      %scan3A_217 = scf.for %scan3A_232 = %scan3A_213 to %scan3A_215 step %scan3A_216 iter_args(%scan3A_233 = %scan3A_212) -> (i32)  : i32 {
        %rem3A_234 = arith.constant 2 : i32
        %rem3A_235 = arith.remsi %while3A_184, %rem3A_234 : i32
        %dma_wait3A_236 = arith.constant 0 : i32
        %dma_wait3A_237 = arith.constant 0 : i32
        %dma_wait3A_238 = tpu.memref_slice %arg7[%rem3A_235, %scan3A_232, %dma_wait3A_236, %dma_wait3A_237] : memref<2x8x80x16xf32, #tpu.memory_space<vmem>> -> memref<1x1x80x16xf32, #tpu.memory_space<vmem>>
        %dma_wait3A_239 = tpu.memref_squeeze %dma_wait3A_238 : memref<1x1x80x16xf32, #tpu.memory_space<vmem>> -> memref<80x16xf32, #tpu.memory_space<vmem>>
        %dma_wait3A_240 = arith.constant 0 : i32
        %dma_wait3A_241 = tpu.memref_slice %arg5[%rem3A_235, %scan3A_232, %dma_wait3A_240] : memref<2x8x80xi32, #tpu.memory_space<vmem>> -> memref<1x1x80xi32, #tpu.memory_space<vmem>>
        %dma_wait3A_242 = tpu.memref_squeeze %dma_wait3A_241 : memref<1x1x80xi32, #tpu.memory_space<vmem>> -> memref<80xi32, #tpu.memory_space<vmem>>
        %dma_wait3A_243 = arith.constant 0 : i32
        %dma_wait3A_244 = arith.constant 0 : i32
        %dma_wait3A_245 = tpu.memref_slice %arg2[%arg0, %dma_wait3A_243, %dma_wait3A_244] : memref<2x100000x16xf32, #tpu.memory_space<hbm>> -> memref<1x100000x16xf32, #tpu.memory_space<hbm>>
        %dma_wait3A_246 = tpu.memref_squeeze %dma_wait3A_245 : memref<1x100000x16xf32, #tpu.memory_space<hbm>> -> memref<100000x16xf32, #tpu.memory_space<hbm>>
        %dma_wait3A_247 = arith.constant 0 : i32
        %dma_wait3A_248 = arith.constant 0 : i32
        %dma_wait3A_249 = tpu.memref_slice %dma_wait3A_246[%dma_wait3A_247, %dma_wait3A_248] : memref<100000x16xf32, #tpu.memory_space<hbm>> -> memref<100000x16xf32, #tpu.memory_space<hbm>>
        %dma_wait3A_250 = tpu.memref_slice %arg12[%rem3A_235] : memref<2x!tpu.dma_semaphore, #tpu.memory_space<semaphore_mem>> -> memref<1x!tpu.dma_semaphore, #tpu.memory_space<semaphore_mem>>
        %dma_wait3A_251 = tpu.memref_squeeze %dma_wait3A_250 : memref<1x!tpu.dma_semaphore, #tpu.memory_space<semaphore_mem>> -> memref<!tpu.dma_semaphore, #tpu.memory_space<semaphore_mem>>
        tpu.wait_indirect_dma semaphore(%dma_wait3A_251 : memref<!tpu.dma_semaphore, #tpu.memory_space<semaphore_mem>>) src(%dma_wait3A_249 : memref<100000x16xf32, #tpu.memory_space<hbm>>) dst(%dma_wait3A_239 : memref<80x16xf32, #tpu.memory_space<vmem>>)
        %rem3A_252 = arith.constant 2 : i32
        %rem3A_253 = arith.remsi %while3A_184, %rem3A_252 : i32
        %rem3A_254 = arith.constant 4 : i32
        %rem3A_255 = arith.remsi %while3A_184, %rem3A_254 : i32
        %dma_start3A_256 = arith.constant 0 : i32
        %dma_start3A_257 = arith.constant 0 : i32
        %dma_start3A_258 = tpu.memref_slice %arg7[%rem3A_253, %scan3A_232, %dma_start3A_256, %dma_start3A_257] : memref<2x8x80x16xf32, #tpu.memory_space<vmem>> -> memref<1x1x80x16xf32, #tpu.memory_space<vmem>>
        %dma_start3A_259 = tpu.memref_squeeze %dma_start3A_258 : memref<1x1x80x16xf32, #tpu.memory_space<vmem>> -> memref<80x16xf32, #tpu.memory_space<vmem>>
        %dma_start3A_260 = arith.constant 0 : i32
        %dma_start3A_261 = tpu.memref_slice %arg6[%rem3A_255, %scan3A_232, %dma_start3A_260] : memref<4x8x80xi32, #tpu.memory_space<vmem>> -> memref<1x1x80xi32, #tpu.memory_space<vmem>>
        %dma_start3A_262 = tpu.memref_squeeze %dma_start3A_261 : memref<1x1x80xi32, #tpu.memory_space<vmem>> -> memref<80xi32, #tpu.memory_space<vmem>>
        %dma_start3A_263 = arith.constant 0 : i32
        %dma_start3A_264 = arith.constant 0 : i32
        %dma_start3A_265 = tpu.memref_slice %arg9[%dma_start3A_263, %dma_start3A_264] : memref<100000x16xf32, #tpu.memory_space<vmem_shared>> -> memref<100000x16xf32, #tpu.memory_space<vmem_shared>>
        %dma_start3A_266 = tpu.memref_slice %arg13[%rem3A_253] : memref<2x!tpu.dma_semaphore, #tpu.memory_space<semaphore_mem>> -> memref<1x!tpu.dma_semaphore, #tpu.memory_space<semaphore_mem>>
        %dma_start3A_267 = tpu.memref_squeeze %dma_start3A_266 : memref<1x!tpu.dma_semaphore, #tpu.memory_space<semaphore_mem>> -> memref<!tpu.dma_semaphore, #tpu.memory_space<semaphore_mem>>
        tpu.enqueue_indirect_dma source(%dma_start3A_259 : memref<80x16xf32, #tpu.memory_space<vmem>>) target(%dma_start3A_265 : memref<100000x16xf32, #tpu.memory_space<vmem_shared>>) offsets(%dma_start3A_262 : memref<80xi32, #tpu.memory_space<vmem>>) semaphore(%dma_start3A_267 : memref<!tpu.dma_semaphore, #tpu.memory_space<semaphore_mem>>) {add = true}
        %scan3A_268 = arith.constant 0 : i32
        scf.yield %scan3A_268 : i32
      }
      %scan3A_218 = arith.constant 8 : i32
      %add3A_219 = arith.constant 2 : i32
      %add3A_220 = arith.addi %while3A_184, %add3A_219 : i32
      %lt3A_221 = arith.cmpi slt, %add3A_220, %select_n3A : i32
      %convert_element_type3A_222 = arith.extui %lt3A_221 : i1 to i32
      %cond3A_223 = arith.constant 0 : i32
      %cond3A_224 = arith.cmpi ne, %convert_element_type3A_222, %cond3A_223 : i32
      scf.if %cond3A_224 {
        %add3A_232 = arith.constant 2 : i32
        %add3A_233 = arith.addi %while3A_184, %add3A_232 : i32
        %add3A_234 = arith.addi %add3A, %add3A_233 : i32
        %mul3A_235 = arith.constant 8 : i32
        %mul3A_236 = arith.muli %add3A_234, %mul3A_235 : i32
        %rem3A_237 = arith.constant 2 : i32
        %rem3A_238 = arith.remsi %add3A_233, %rem3A_237 : i32
        %rem3A_239 = arith.constant 2 : i32
        %rem3A_240 = arith.remsi %add3A_233, %rem3A_239 : i32
        %dma_start3A_241 = arith.constant 0 : i32
        %dma_start3A_242 = arith.constant 0 : i32
        %dma_start3A_243 = arith.constant 0 : i32
        %dma_start3A_244 = tpu.memref_slice %arg5[%rem3A_238, %dma_start3A_242, %dma_start3A_243] : memref<2x8x80xi32, #tpu.memory_space<vmem>> -> memref<1x8x80xi32, #tpu.memory_space<vmem>>
        %dma_start3A_245 = tpu.memref_squeeze %dma_start3A_244 : memref<1x8x80xi32, #tpu.memory_space<vmem>> -> memref<8x80xi32, #tpu.memory_space<vmem>>
        %dma_start3A_246 = arith.constant 0 : i32
        %dma_start3A_247 = tpu.memref_slice %arg3[%dma_start3A_241, %mul3A_236, %dma_start3A_246] : memref<2x20000x80xi32, #tpu.memory_space<hbm>> -> memref<1x8x80xi32, #tpu.memory_space<hbm>>
        %dma_start3A_248 = tpu.memref_squeeze %dma_start3A_247 : memref<1x8x80xi32, #tpu.memory_space<hbm>> -> memref<8x80xi32, #tpu.memory_space<hbm>>
        %dma_start3A_249 = tpu.memref_slice %arg10[%rem3A_240] : memref<2x!tpu.dma_semaphore, #tpu.memory_space<semaphore_mem>> -> memref<1x!tpu.dma_semaphore, #tpu.memory_space<semaphore_mem>>
        %dma_start3A_250 = tpu.memref_squeeze %dma_start3A_249 : memref<1x!tpu.dma_semaphore, #tpu.memory_space<semaphore_mem>> -> memref<!tpu.dma_semaphore, #tpu.memory_space<semaphore_mem>>
        %dma_start3A_251 = arith.constant 0 : i32
        %dma_start3A_252 = arith.constant 0 : i32
        %dma_start3A_253 = tpu.memref_slice %arg5[%rem3A_238, %dma_start3A_251, %dma_start3A_252] : memref<2x8x80xi32, #tpu.memory_space<vmem>> -> memref<1x8x80xi32, #tpu.memory_space<vmem>>
        %dma_start3A_254 = tpu.memref_squeeze %dma_start3A_253 : memref<1x8x80xi32, #tpu.memory_space<vmem>> -> memref<8x80xi32, #tpu.memory_space<vmem>>
        %dma_start3A_255 = arith.constant 0 : i32
        %dma_start3A_256 = tpu.memref_slice %arg3[%dma_start3A_241, %mul3A_236, %dma_start3A_255] : memref<2x20000x80xi32, #tpu.memory_space<hbm>> -> memref<1x8x80xi32, #tpu.memory_space<hbm>>
        %dma_start3A_257 = tpu.memref_squeeze %dma_start3A_256 : memref<1x8x80xi32, #tpu.memory_space<hbm>> -> memref<8x80xi32, #tpu.memory_space<hbm>>
        tpu.enqueue_dma source(%dma_start3A_257 : memref<8x80xi32, #tpu.memory_space<hbm>>) target(%dma_start3A_254 : memref<8x80xi32, #tpu.memory_space<vmem>>) target_semaphore(%dma_start3A_250 : memref<!tpu.dma_semaphore, #tpu.memory_space<semaphore_mem>>)
        %add3A_258 = arith.constant 2 : i32
        %add3A_259 = arith.addi %while3A_184, %add3A_258 : i32
        %add3A_260 = arith.addi %add3A, %add3A_259 : i32
        %mul3A_261 = arith.constant 8 : i32
        %mul3A_262 = arith.muli %add3A_260, %mul3A_261 : i32
        %rem3A_263 = arith.constant 4 : i32
        %rem3A_264 = arith.remsi %add3A_259, %rem3A_263 : i32
        %rem3A_265 = arith.constant 4 : i32
        %rem3A_266 = arith.remsi %add3A_259, %rem3A_265 : i32
        %dma_start3A_267 = arith.constant 1 : i32
        %dma_start3A_268 = arith.constant 0 : i32
        %dma_start3A_269 = arith.constant 0 : i32
        %dma_start3A_270 = tpu.memref_slice %arg6[%rem3A_264, %dma_start3A_268, %dma_start3A_269] : memref<4x8x80xi32, #tpu.memory_space<vmem>> -> memref<1x8x80xi32, #tpu.memory_space<vmem>>
        %dma_start3A_271 = tpu.memref_squeeze %dma_start3A_270 : memref<1x8x80xi32, #tpu.memory_space<vmem>> -> memref<8x80xi32, #tpu.memory_space<vmem>>
        %dma_start3A_272 = arith.constant 0 : i32
        %dma_start3A_273 = tpu.memref_slice %arg3[%dma_start3A_267, %mul3A_262, %dma_start3A_272] : memref<2x20000x80xi32, #tpu.memory_space<hbm>> -> memref<1x8x80xi32, #tpu.memory_space<hbm>>
        %dma_start3A_274 = tpu.memref_squeeze %dma_start3A_273 : memref<1x8x80xi32, #tpu.memory_space<hbm>> -> memref<8x80xi32, #tpu.memory_space<hbm>>
        %dma_start3A_275 = tpu.memref_slice %arg11[%rem3A_266] : memref<4x!tpu.dma_semaphore, #tpu.memory_space<semaphore_mem>> -> memref<1x!tpu.dma_semaphore, #tpu.memory_space<semaphore_mem>>
        %dma_start3A_276 = tpu.memref_squeeze %dma_start3A_275 : memref<1x!tpu.dma_semaphore, #tpu.memory_space<semaphore_mem>> -> memref<!tpu.dma_semaphore, #tpu.memory_space<semaphore_mem>>
        %dma_start3A_277 = arith.constant 0 : i32
        %dma_start3A_278 = arith.constant 0 : i32
        %dma_start3A_279 = tpu.memref_slice %arg6[%rem3A_264, %dma_start3A_277, %dma_start3A_278] : memref<4x8x80xi32, #tpu.memory_space<vmem>> -> memref<1x8x80xi32, #tpu.memory_space<vmem>>
        %dma_start3A_280 = tpu.memref_squeeze %dma_start3A_279 : memref<1x8x80xi32, #tpu.memory_space<vmem>> -> memref<8x80xi32, #tpu.memory_space<vmem>>
        %dma_start3A_281 = arith.constant 0 : i32
        %dma_start3A_282 = tpu.memref_slice %arg3[%dma_start3A_267, %mul3A_262, %dma_start3A_281] : memref<2x20000x80xi32, #tpu.memory_space<hbm>> -> memref<1x8x80xi32, #tpu.memory_space<hbm>>
        %dma_start3A_283 = tpu.memref_squeeze %dma_start3A_282 : memref<1x8x80xi32, #tpu.memory_space<hbm>> -> memref<8x80xi32, #tpu.memory_space<hbm>>
        tpu.enqueue_dma source(%dma_start3A_283 : memref<8x80xi32, #tpu.memory_space<hbm>>) target(%dma_start3A_280 : memref<8x80xi32, #tpu.memory_space<vmem>>) target_semaphore(%dma_start3A_276 : memref<!tpu.dma_semaphore, #tpu.memory_space<semaphore_mem>>)
      } else {
      }
      %add3A_225 = arith.constant 1 : i32
      %add3A_226 = arith.addi %while3A_184, %add3A_225 : i32
      %lt3A_227 = arith.cmpi slt, %add3A_226, %select_n3A : i32
      %convert_element_type3A_228 = arith.extui %lt3A_227 : i1 to i32
      %cond3A_229 = arith.constant 0 : i32
      %cond3A_230 = arith.cmpi ne, %convert_element_type3A_228, %cond3A_229 : i32
      scf.if %cond3A_230 {
        %add3A_232 = arith.constant 1 : i32
        %add3A_233 = arith.addi %while3A_184, %add3A_232 : i32
        %add3A_234 = arith.addi %add3A, %add3A_233 : i32
        %mul3A_235 = arith.constant 8 : i32
        %mul3A_236 = arith.muli %add3A_234, %mul3A_235 : i32
        %rem3A_237 = arith.constant 2 : i32
        %rem3A_238 = arith.remsi %add3A_233, %rem3A_237 : i32
        %rem3A_239 = arith.constant 2 : i32
        %rem3A_240 = arith.remsi %add3A_233, %rem3A_239 : i32
        %dma_wait3A_241 = arith.constant 0 : i32
        %dma_wait3A_242 = arith.constant 0 : i32
        %dma_wait3A_243 = arith.constant 0 : i32
        %dma_wait3A_244 = tpu.memref_slice %arg5[%rem3A_238, %dma_wait3A_242, %dma_wait3A_243] : memref<2x8x80xi32, #tpu.memory_space<vmem>> -> memref<1x8x80xi32, #tpu.memory_space<vmem>>
        %dma_wait3A_245 = tpu.memref_squeeze %dma_wait3A_244 : memref<1x8x80xi32, #tpu.memory_space<vmem>> -> memref<8x80xi32, #tpu.memory_space<vmem>>
        %dma_wait3A_246 = arith.constant 0 : i32
        %dma_wait3A_247 = tpu.memref_slice %arg3[%dma_wait3A_241, %mul3A_236, %dma_wait3A_246] : memref<2x20000x80xi32, #tpu.memory_space<hbm>> -> memref<1x8x80xi32, #tpu.memory_space<hbm>>
        %dma_wait3A_248 = tpu.memref_squeeze %dma_wait3A_247 : memref<1x8x80xi32, #tpu.memory_space<hbm>> -> memref<8x80xi32, #tpu.memory_space<hbm>>
        %dma_wait3A_249 = tpu.memref_slice %arg10[%rem3A_240] : memref<2x!tpu.dma_semaphore, #tpu.memory_space<semaphore_mem>> -> memref<1x!tpu.dma_semaphore, #tpu.memory_space<semaphore_mem>>
        %dma_wait3A_250 = tpu.memref_squeeze %dma_wait3A_249 : memref<1x!tpu.dma_semaphore, #tpu.memory_space<semaphore_mem>> -> memref<!tpu.dma_semaphore, #tpu.memory_space<semaphore_mem>>
        %dma_wait3A_251 = arith.constant 0 : i32
        %dma_wait3A_252 = arith.constant 0 : i32
        %dma_wait3A_253 = tpu.memref_slice %arg5[%rem3A_238, %dma_wait3A_251, %dma_wait3A_252] : memref<2x8x80xi32, #tpu.memory_space<vmem>> -> memref<1x8x80xi32, #tpu.memory_space<vmem>>
        %dma_wait3A_254 = tpu.memref_squeeze %dma_wait3A_253 : memref<1x8x80xi32, #tpu.memory_space<vmem>> -> memref<8x80xi32, #tpu.memory_space<vmem>>
        %dma_wait3A_255 = arith.constant 0 : i32
        %dma_wait3A_256 = tpu.memref_slice %arg3[%dma_wait3A_241, %mul3A_236, %dma_wait3A_255] : memref<2x20000x80xi32, #tpu.memory_space<hbm>> -> memref<1x8x80xi32, #tpu.memory_space<hbm>>
        %dma_wait3A_257 = tpu.memref_squeeze %dma_wait3A_256 : memref<1x8x80xi32, #tpu.memory_space<hbm>> -> memref<8x80xi32, #tpu.memory_space<hbm>>
        tpu.wait_dma2 semaphore(%dma_wait3A_250 : memref<!tpu.dma_semaphore, #tpu.memory_space<semaphore_mem>>) src(%dma_wait3A_257 : memref<8x80xi32, #tpu.memory_space<hbm>>) dst(%dma_wait3A_254 : memref<8x80xi32, #tpu.memory_space<vmem>>)
        %add3A_258 = arith.constant 1 : i32
        %add3A_259 = arith.addi %while3A_184, %add3A_258 : i32
        %scan3A_260 = arith.constant 0 : i32
        %scan3A_261 = arith.constant 0 : i32
        %scan3A_262 = arith.constant 8 : i32
        %scan3A_263 = arith.addi %scan3A_261, %scan3A_262 : i32
        %scan3A_264 = arith.constant 1 : i32
        %scan3A_265 = scf.for %scan3A_267 = %scan3A_261 to %scan3A_263 step %scan3A_264 iter_args(%scan3A_268 = %scan3A_260) -> (i32)  : i32 {
          %rem3A_269 = arith.constant 2 : i32
          %rem3A_270 = arith.remsi %add3A_259, %rem3A_269 : i32
          %dma_start3A_271 = arith.constant 0 : i32
          %dma_start3A_272 = arith.constant 0 : i32
          %dma_start3A_273 = tpu.memref_slice %arg7[%rem3A_270, %scan3A_267, %dma_start3A_271, %dma_start3A_272] : memref<2x8x80x16xf32, #tpu.memory_space<vmem>> -> memref<1x1x80x16xf32, #tpu.memory_space<vmem>>
          %dma_start3A_274 = tpu.memref_squeeze %dma_start3A_273 : memref<1x1x80x16xf32, #tpu.memory_space<vmem>> -> memref<80x16xf32, #tpu.memory_space<vmem>>
          %dma_start3A_275 = arith.constant 0 : i32
          %dma_start3A_276 = tpu.memref_slice %arg5[%rem3A_270, %scan3A_267, %dma_start3A_275] : memref<2x8x80xi32, #tpu.memory_space<vmem>> -> memref<1x1x80xi32, #tpu.memory_space<vmem>>
          %dma_start3A_277 = tpu.memref_squeeze %dma_start3A_276 : memref<1x1x80xi32, #tpu.memory_space<vmem>> -> memref<80xi32, #tpu.memory_space<vmem>>
          %dma_start3A_278 = arith.constant 0 : i32
          %dma_start3A_279 = arith.constant 0 : i32
          %dma_start3A_280 = tpu.memref_slice %arg2[%arg0, %dma_start3A_278, %dma_start3A_279] : memref<2x100000x16xf32, #tpu.memory_space<hbm>> -> memref<1x100000x16xf32, #tpu.memory_space<hbm>>
          %dma_start3A_281 = tpu.memref_squeeze %dma_start3A_280 : memref<1x100000x16xf32, #tpu.memory_space<hbm>> -> memref<100000x16xf32, #tpu.memory_space<hbm>>
          %dma_start3A_282 = arith.constant 0 : i32
          %dma_start3A_283 = arith.constant 0 : i32
          %dma_start3A_284 = tpu.memref_slice %dma_start3A_281[%dma_start3A_282, %dma_start3A_283] : memref<100000x16xf32, #tpu.memory_space<hbm>> -> memref<100000x16xf32, #tpu.memory_space<hbm>>
          %dma_start3A_285 = tpu.memref_slice %arg12[%rem3A_270] : memref<2x!tpu.dma_semaphore, #tpu.memory_space<semaphore_mem>> -> memref<1x!tpu.dma_semaphore, #tpu.memory_space<semaphore_mem>>
          %dma_start3A_286 = tpu.memref_squeeze %dma_start3A_285 : memref<1x!tpu.dma_semaphore, #tpu.memory_space<semaphore_mem>> -> memref<!tpu.dma_semaphore, #tpu.memory_space<semaphore_mem>>
          tpu.enqueue_indirect_dma source(%dma_start3A_284 : memref<100000x16xf32, #tpu.memory_space<hbm>>) target(%dma_start3A_274 : memref<80x16xf32, #tpu.memory_space<vmem>>) offsets(%dma_start3A_277 : memref<80xi32, #tpu.memory_space<vmem>>) semaphore(%dma_start3A_286 : memref<!tpu.dma_semaphore, #tpu.memory_space<semaphore_mem>>)
          %scan3A_287 = arith.constant 0 : i32
          scf.yield %scan3A_287 : i32
        }
        %scan3A_266 = arith.constant 8 : i32
      } else {
      }
      %while3A_231 = arith.constant 0 : i32
      scf.yield %while3A_231 : i32
    }
    %while3A_166 = arith.constant 1 : i32
    %while3A_167 = scf.for %while3A_184 = %while3A_163 to %while3A_159 step %while3A_166 iter_args(%while3A_185 = %while3A_165) -> (i32)  : i32 {
      %ge3A = arith.constant 1 : i32
      %ge3A_186 = arith.cmpi sge, %while3A_184, %ge3A : i32
      %convert_element_type3A = arith.extui %ge3A_186 : i1 to i32
      %cond3A = arith.constant 0 : i32
      %cond3A_187 = arith.cmpi ne, %convert_element_type3A, %cond3A : i32
      scf.if %cond3A_187 {
        %sub3A_232 = arith.constant 1 : i32
        %sub3A_233 = arith.subi %while3A_184, %sub3A_232 : i32
        %scan3A_234 = arith.constant 0 : i32
        %scan3A_235 = arith.constant 0 : i32
        %scan3A_236 = arith.constant 8 : i32
        %scan3A_237 = arith.addi %scan3A_235, %scan3A_236 : i32
        %scan3A_238 = arith.constant 1 : i32
        %scan3A_239 = scf.for %scan3A_241 = %scan3A_235 to %scan3A_237 step %scan3A_238 iter_args(%scan3A_242 = %scan3A_234) -> (i32)  : i32 {
          %rem3A_243 = arith.constant 2 : i32
          %rem3A_244 = arith.remsi %sub3A_233, %rem3A_243 : i32
          %rem3A_245 = arith.constant 4 : i32
          %rem3A_246 = arith.remsi %sub3A_233, %rem3A_245 : i32
          %dma_wait3A_247 = arith.constant 0 : i32
          %dma_wait3A_248 = arith.constant 0 : i32
          %dma_wait3A_249 = tpu.memref_slice %arg7[%rem3A_244, %scan3A_241, %dma_wait3A_247, %dma_wait3A_248] : memref<2x8x80x16xf32, #tpu.memory_space<vmem>> -> memref<1x1x80x16xf32, #tpu.memory_space<vmem>>
          %dma_wait3A_250 = tpu.memref_squeeze %dma_wait3A_249 : memref<1x1x80x16xf32, #tpu.memory_space<vmem>> -> memref<80x16xf32, #tpu.memory_space<vmem>>
          %dma_wait3A_251 = arith.constant 0 : i32
          %dma_wait3A_252 = tpu.memref_slice %arg6[%rem3A_246, %scan3A_241, %dma_wait3A_251] : memref<4x8x80xi32, #tpu.memory_space<vmem>> -> memref<1x1x80xi32, #tpu.memory_space<vmem>>
          %dma_wait3A_253 = tpu.memref_squeeze %dma_wait3A_252 : memref<1x1x80xi32, #tpu.memory_space<vmem>> -> memref<80xi32, #tpu.memory_space<vmem>>
          %dma_wait3A_254 = arith.constant 0 : i32
          %dma_wait3A_255 = arith.constant 0 : i32
          %dma_wait3A_256 = tpu.memref_slice %arg9[%dma_wait3A_254, %dma_wait3A_255] : memref<100000x16xf32, #tpu.memory_space<vmem_shared>> -> memref<100000x16xf32, #tpu.memory_space<vmem_shared>>
          %dma_wait3A_257 = tpu.memref_slice %arg13[%rem3A_244] : memref<2x!tpu.dma_semaphore, #tpu.memory_space<semaphore_mem>> -> memref<1x!tpu.dma_semaphore, #tpu.memory_space<semaphore_mem>>
          %dma_wait3A_258 = tpu.memref_squeeze %dma_wait3A_257 : memref<1x!tpu.dma_semaphore, #tpu.memory_space<semaphore_mem>> -> memref<!tpu.dma_semaphore, #tpu.memory_space<semaphore_mem>>
          tpu.wait_indirect_dma semaphore(%dma_wait3A_258 : memref<!tpu.dma_semaphore, #tpu.memory_space<semaphore_mem>>) src(%dma_wait3A_250 : memref<80x16xf32, #tpu.memory_space<vmem>>) dst(%dma_wait3A_256 : memref<100000x16xf32, #tpu.memory_space<vmem_shared>>)
          %scan3A_259 = arith.constant 0 : i32
          scf.yield %scan3A_259 : i32
        }
        %scan3A_240 = arith.constant 8 : i32
      } else {
      }
      %add3A_188 = arith.addi %add3A, %while3A_184 : i32
      %mul3A_189 = arith.constant 8 : i32
      %mul3A_190 = arith.muli %add3A_188, %mul3A_189 : i32
      %rem3A_191 = arith.constant 4 : i32
      %rem3A_192 = arith.remsi %while3A_184, %rem3A_191 : i32
      %rem3A_193 = arith.constant 4 : i32
      %rem3A_194 = arith.remsi %while3A_184, %rem3A_193 : i32
      %dma_wait3A_195 = arith.constant 1 : i32
      %dma_wait3A_196 = arith.constant 0 : i32
      %dma_wait3A_197 = arith.constant 0 : i32
      %dma_wait3A_198 = tpu.memref_slice %arg6[%rem3A_192, %dma_wait3A_196, %dma_wait3A_197] : memref<4x8x80xi32, #tpu.memory_space<vmem>> -> memref<1x8x80xi32, #tpu.memory_space<vmem>>
      %dma_wait3A_199 = tpu.memref_squeeze %dma_wait3A_198 : memref<1x8x80xi32, #tpu.memory_space<vmem>> -> memref<8x80xi32, #tpu.memory_space<vmem>>
      %dma_wait3A_200 = arith.constant 0 : i32
      %dma_wait3A_201 = tpu.memref_slice %arg3[%dma_wait3A_195, %mul3A_190, %dma_wait3A_200] : memref<2x20000x80xi32, #tpu.memory_space<hbm>> -> memref<1x8x80xi32, #tpu.memory_space<hbm>>
      %dma_wait3A_202 = tpu.memref_squeeze %dma_wait3A_201 : memref<1x8x80xi32, #tpu.memory_space<hbm>> -> memref<8x80xi32, #tpu.memory_space<hbm>>
      %dma_wait3A_203 = tpu.memref_slice %arg11[%rem3A_194] : memref<4x!tpu.dma_semaphore, #tpu.memory_space<semaphore_mem>> -> memref<1x!tpu.dma_semaphore, #tpu.memory_space<semaphore_mem>>
      %dma_wait3A_204 = tpu.memref_squeeze %dma_wait3A_203 : memref<1x!tpu.dma_semaphore, #tpu.memory_space<semaphore_mem>> -> memref<!tpu.dma_semaphore, #tpu.memory_space<semaphore_mem>>
      %dma_wait3A_205 = arith.constant 0 : i32
      %dma_wait3A_206 = arith.constant 0 : i32
      %dma_wait3A_207 = tpu.memref_slice %arg6[%rem3A_192, %dma_wait3A_205, %dma_wait3A_206] : memref<4x8x80xi32, #tpu.memory_space<vmem>> -> memref<1x8x80xi32, #tpu.memory_space<vmem>>
      %dma_wait3A_208 = tpu.memref_squeeze %dma_wait3A_207 : memref<1x8x80xi32, #tpu.memory_space<vmem>> -> memref<8x80xi32, #tpu.memory_space<vmem>>
      %dma_wait3A_209 = arith.constant 0 : i32
      %dma_wait3A_210 = tpu.memref_slice %arg3[%dma_wait3A_195, %mul3A_190, %dma_wait3A_209] : memref<2x20000x80xi32, #tpu.memory_space<hbm>> -> memref<1x8x80xi32, #tpu.memory_space<hbm>>
      %dma_wait3A_211 = tpu.memref_squeeze %dma_wait3A_210 : memref<1x8x80xi32, #tpu.memory_space<hbm>> -> memref<8x80xi32, #tpu.memory_space<hbm>>
      tpu.wait_dma2 semaphore(%dma_wait3A_204 : memref<!tpu.dma_semaphore, #tpu.memory_space<semaphore_mem>>) src(%dma_wait3A_211 : memref<8x80xi32, #tpu.memory_space<hbm>>) dst(%dma_wait3A_208 : memref<8x80xi32, #tpu.memory_space<vmem>>)
      %scan3A_212 = arith.constant 0 : i32
      %scan3A_213 = arith.constant 0 : i32
      %scan3A_214 = arith.constant 8 : i32
      %scan3A_215 = arith.addi %scan3A_213, %scan3A_214 : i32
      %scan3A_216 = arith.constant 1 : i32
      %scan3A_217 = scf.for %scan3A_232 = %scan3A_213 to %scan3A_215 step %scan3A_216 iter_args(%scan3A_233 = %scan3A_212) -> (i32)  : i32 {
        %rem3A_234 = arith.constant 2 : i32
        %rem3A_235 = arith.remsi %while3A_184, %rem3A_234 : i32
        %dma_wait3A_236 = arith.constant 0 : i32
        %dma_wait3A_237 = arith.constant 0 : i32
        %dma_wait3A_238 = tpu.memref_slice %arg7[%rem3A_235, %scan3A_232, %dma_wait3A_236, %dma_wait3A_237] : memref<2x8x80x16xf32, #tpu.memory_space<vmem>> -> memref<1x1x80x16xf32, #tpu.memory_space<vmem>>
        %dma_wait3A_239 = tpu.memref_squeeze %dma_wait3A_238 : memref<1x1x80x16xf32, #tpu.memory_space<vmem>> -> memref<80x16xf32, #tpu.memory_space<vmem>>
        %dma_wait3A_240 = arith.constant 0 : i32
        %dma_wait3A_241 = tpu.memref_slice %arg5[%rem3A_235, %scan3A_232, %dma_wait3A_240] : memref<2x8x80xi32, #tpu.memory_space<vmem>> -> memref<1x1x80xi32, #tpu.memory_space<vmem>>
        %dma_wait3A_242 = tpu.memref_squeeze %dma_wait3A_241 : memref<1x1x80xi32, #tpu.memory_space<vmem>> -> memref<80xi32, #tpu.memory_space<vmem>>
        %dma_wait3A_243 = arith.constant 0 : i32
        %dma_wait3A_244 = arith.constant 0 : i32
        %dma_wait3A_245 = tpu.memref_slice %arg2[%arg0, %dma_wait3A_243, %dma_wait3A_244] : memref<2x100000x16xf32, #tpu.memory_space<hbm>> -> memref<1x100000x16xf32, #tpu.memory_space<hbm>>
        %dma_wait3A_246 = tpu.memref_squeeze %dma_wait3A_245 : memref<1x100000x16xf32, #tpu.memory_space<hbm>> -> memref<100000x16xf32, #tpu.memory_space<hbm>>
        %dma_wait3A_247 = arith.constant 0 : i32
        %dma_wait3A_248 = arith.constant 0 : i32
        %dma_wait3A_249 = tpu.memref_slice %dma_wait3A_246[%dma_wait3A_247, %dma_wait3A_248] : memref<100000x16xf32, #tpu.memory_space<hbm>> -> memref<100000x16xf32, #tpu.memory_space<hbm>>
        %dma_wait3A_250 = tpu.memref_slice %arg12[%rem3A_235] : memref<2x!tpu.dma_semaphore, #tpu.memory_space<semaphore_mem>> -> memref<1x!tpu.dma_semaphore, #tpu.memory_space<semaphore_mem>>
        %dma_wait3A_251 = tpu.memref_squeeze %dma_wait3A_250 : memref<1x!tpu.dma_semaphore, #tpu.memory_space<semaphore_mem>> -> memref<!tpu.dma_semaphore, #tpu.memory_space<semaphore_mem>>
        tpu.wait_indirect_dma semaphore(%dma_wait3A_251 : memref<!tpu.dma_semaphore, #tpu.memory_space<semaphore_mem>>) src(%dma_wait3A_249 : memref<100000x16xf32, #tpu.memory_space<hbm>>) dst(%dma_wait3A_239 : memref<80x16xf32, #tpu.memory_space<vmem>>)
        %rem3A_252 = arith.constant 2 : i32
        %rem3A_253 = arith.remsi %while3A_184, %rem3A_252 : i32
        %rem3A_254 = arith.constant 4 : i32
        %rem3A_255 = arith.remsi %while3A_184, %rem3A_254 : i32
        %dma_start3A_256 = arith.constant 0 : i32
        %dma_start3A_257 = arith.constant 0 : i32
        %dma_start3A_258 = tpu.memref_slice %arg7[%rem3A_253, %scan3A_232, %dma_start3A_256, %dma_start3A_257] : memref<2x8x80x16xf32, #tpu.memory_space<vmem>> -> memref<1x1x80x16xf32, #tpu.memory_space<vmem>>
        %dma_start3A_259 = tpu.memref_squeeze %dma_start3A_258 : memref<1x1x80x16xf32, #tpu.memory_space<vmem>> -> memref<80x16xf32, #tpu.memory_space<vmem>>
        %dma_start3A_260 = arith.constant 0 : i32
        %dma_start3A_261 = tpu.memref_slice %arg6[%rem3A_255, %scan3A_232, %dma_start3A_260] : memref<4x8x80xi32, #tpu.memory_space<vmem>> -> memref<1x1x80xi32, #tpu.memory_space<vmem>>
        %dma_start3A_262 = tpu.memref_squeeze %dma_start3A_261 : memref<1x1x80xi32, #tpu.memory_space<vmem>> -> memref<80xi32, #tpu.memory_space<vmem>>
        %dma_start3A_263 = arith.constant 0 : i32
        %dma_start3A_264 = arith.constant 0 : i32
        %dma_start3A_265 = tpu.memref_slice %arg9[%dma_start3A_263, %dma_start3A_264] : memref<100000x16xf32, #tpu.memory_space<vmem_shared>> -> memref<100000x16xf32, #tpu.memory_space<vmem_shared>>
        %dma_start3A_266 = tpu.memref_slice %arg13[%rem3A_253] : memref<2x!tpu.dma_semaphore, #tpu.memory_space<semaphore_mem>> -> memref<1x!tpu.dma_semaphore, #tpu.memory_space<semaphore_mem>>
        %dma_start3A_267 = tpu.memref_squeeze %dma_start3A_266 : memref<1x!tpu.dma_semaphore, #tpu.memory_space<semaphore_mem>> -> memref<!tpu.dma_semaphore, #tpu.memory_space<semaphore_mem>>
        tpu.enqueue_indirect_dma source(%dma_start3A_259 : memref<80x16xf32, #tpu.memory_space<vmem>>) target(%dma_start3A_265 : memref<100000x16xf32, #tpu.memory_space<vmem_shared>>) offsets(%dma_start3A_262 : memref<80xi32, #tpu.memory_space<vmem>>) semaphore(%dma_start3A_267 : memref<!tpu.dma_semaphore, #tpu.memory_space<semaphore_mem>>) {add = true}
        %scan3A_268 = arith.constant 0 : i32
        scf.yield %scan3A_268 : i32
      }
      %scan3A_218 = arith.constant 8 : i32
      %add3A_219 = arith.constant 2 : i32
      %add3A_220 = arith.addi %while3A_184, %add3A_219 : i32
      %lt3A_221 = arith.cmpi slt, %add3A_220, %select_n3A : i32
      %convert_element_type3A_222 = arith.extui %lt3A_221 : i1 to i32
      %cond3A_223 = arith.constant 0 : i32
      %cond3A_224 = arith.cmpi ne, %convert_element_type3A_222, %cond3A_223 : i32
      scf.if %cond3A_224 {
        %add3A_232 = arith.constant 2 : i32
        %add3A_233 = arith.addi %while3A_184, %add3A_232 : i32
        %add3A_234 = arith.addi %add3A, %add3A_233 : i32
        %mul3A_235 = arith.constant 8 : i32
        %mul3A_236 = arith.muli %add3A_234, %mul3A_235 : i32
        %rem3A_237 = arith.constant 2 : i32
        %rem3A_238 = arith.remsi %add3A_233, %rem3A_237 : i32
        %rem3A_239 = arith.constant 2 : i32
        %rem3A_240 = arith.remsi %add3A_233, %rem3A_239 : i32
        %dma_start3A_241 = arith.constant 0 : i32
        %dma_start3A_242 = arith.constant 0 : i32
        %dma_start3A_243 = arith.constant 0 : i32
        %dma_start3A_244 = tpu.memref_slice %arg5[%rem3A_238, %dma_start3A_242, %dma_start3A_243] : memref<2x8x80xi32, #tpu.memory_space<vmem>> -> memref<1x8x80xi32, #tpu.memory_space<vmem>>
        %dma_start3A_245 = tpu.memref_squeeze %dma_start3A_244 : memref<1x8x80xi32, #tpu.memory_space<vmem>> -> memref<8x80xi32, #tpu.memory_space<vmem>>
        %dma_start3A_246 = arith.constant 0 : i32
        %dma_start3A_247 = tpu.memref_slice %arg3[%dma_start3A_241, %mul3A_236, %dma_start3A_246] : memref<2x20000x80xi32, #tpu.memory_space<hbm>> -> memref<1x8x80xi32, #tpu.memory_space<hbm>>
        %dma_start3A_248 = tpu.memref_squeeze %dma_start3A_247 : memref<1x8x80xi32, #tpu.memory_space<hbm>> -> memref<8x80xi32, #tpu.memory_space<hbm>>
        %dma_start3A_249 = tpu.memref_slice %arg10[%rem3A_240] : memref<2x!tpu.dma_semaphore, #tpu.memory_space<semaphore_mem>> -> memref<1x!tpu.dma_semaphore, #tpu.memory_space<semaphore_mem>>
        %dma_start3A_250 = tpu.memref_squeeze %dma_start3A_249 : memref<1x!tpu.dma_semaphore, #tpu.memory_space<semaphore_mem>> -> memref<!tpu.dma_semaphore, #tpu.memory_space<semaphore_mem>>
        %dma_start3A_251 = arith.constant 0 : i32
        %dma_start3A_252 = arith.constant 0 : i32
        %dma_start3A_253 = tpu.memref_slice %arg5[%rem3A_238, %dma_start3A_251, %dma_start3A_252] : memref<2x8x80xi32, #tpu.memory_space<vmem>> -> memref<1x8x80xi32, #tpu.memory_space<vmem>>
        %dma_start3A_254 = tpu.memref_squeeze %dma_start3A_253 : memref<1x8x80xi32, #tpu.memory_space<vmem>> -> memref<8x80xi32, #tpu.memory_space<vmem>>
        %dma_start3A_255 = arith.constant 0 : i32
        %dma_start3A_256 = tpu.memref_slice %arg3[%dma_start3A_241, %mul3A_236, %dma_start3A_255] : memref<2x20000x80xi32, #tpu.memory_space<hbm>> -> memref<1x8x80xi32, #tpu.memory_space<hbm>>
        %dma_start3A_257 = tpu.memref_squeeze %dma_start3A_256 : memref<1x8x80xi32, #tpu.memory_space<hbm>> -> memref<8x80xi32, #tpu.memory_space<hbm>>
        tpu.enqueue_dma source(%dma_start3A_257 : memref<8x80xi32, #tpu.memory_space<hbm>>) target(%dma_start3A_254 : memref<8x80xi32, #tpu.memory_space<vmem>>) target_semaphore(%dma_start3A_250 : memref<!tpu.dma_semaphore, #tpu.memory_space<semaphore_mem>>)
        %add3A_258 = arith.constant 2 : i32
        %add3A_259 = arith.addi %while3A_184, %add3A_258 : i32
        %add3A_260 = arith.addi %add3A, %add3A_259 : i32
        %mul3A_261 = arith.constant 8 : i32
        %mul3A_262 = arith.muli %add3A_260, %mul3A_261 : i32
        %rem3A_263 = arith.constant 4 : i32
        %rem3A_264 = arith.remsi %add3A_259, %rem3A_263 : i32
        %rem3A_265 = arith.constant 4 : i32
        %rem3A_266 = arith.remsi %add3A_259, %rem3A_265 : i32
        %dma_start3A_267 = arith.constant 1 : i32
        %dma_start3A_268 = arith.constant 0 : i32
        %dma_start3A_269 = arith.constant 0 : i32
        %dma_start3A_270 = tpu.memref_slice %arg6[%rem3A_264, %dma_start3A_268, %dma_start3A_269] : memref<4x8x80xi32, #tpu.memory_space<vmem>> -> memref<1x8x80xi32, #tpu.memory_space<vmem>>
        %dma_start3A_271 = tpu.memref_squeeze %dma_start3A_270 : memref<1x8x80xi32, #tpu.memory_space<vmem>> -> memref<8x80xi32, #tpu.memory_space<vmem>>
        %dma_start3A_272 = arith.constant 0 : i32
        %dma_start3A_273 = tpu.memref_slice %arg3[%dma_start3A_267, %mul3A_262, %dma_start3A_272] : memref<2x20000x80xi32, #tpu.memory_space<hbm>> -> memref<1x8x80xi32, #tpu.memory_space<hbm>>
        %dma_start3A_274 = tpu.memref_squeeze %dma_start3A_273 : memref<1x8x80xi32, #tpu.memory_space<hbm>> -> memref<8x80xi32, #tpu.memory_space<hbm>>
        %dma_start3A_275 = tpu.memref_slice %arg11[%rem3A_266] : memref<4x!tpu.dma_semaphore, #tpu.memory_space<semaphore_mem>> -> memref<1x!tpu.dma_semaphore, #tpu.memory_space<semaphore_mem>>
        %dma_start3A_276 = tpu.memref_squeeze %dma_start3A_275 : memref<1x!tpu.dma_semaphore, #tpu.memory_space<semaphore_mem>> -> memref<!tpu.dma_semaphore, #tpu.memory_space<semaphore_mem>>
        %dma_start3A_277 = arith.constant 0 : i32
        %dma_start3A_278 = arith.constant 0 : i32
        %dma_start3A_279 = tpu.memref_slice %arg6[%rem3A_264, %dma_start3A_277, %dma_start3A_278] : memref<4x8x80xi32, #tpu.memory_space<vmem>> -> memref<1x8x80xi32, #tpu.memory_space<vmem>>
        %dma_start3A_280 = tpu.memref_squeeze %dma_start3A_279 : memref<1x8x80xi32, #tpu.memory_space<vmem>> -> memref<8x80xi32, #tpu.memory_space<vmem>>
        %dma_start3A_281 = arith.constant 0 : i32
        %dma_start3A_282 = tpu.memref_slice %arg3[%dma_start3A_267, %mul3A_262, %dma_start3A_281] : memref<2x20000x80xi32, #tpu.memory_space<hbm>> -> memref<1x8x80xi32, #tpu.memory_space<hbm>>
        %dma_start3A_283 = tpu.memref_squeeze %dma_start3A_282 : memref<1x8x80xi32, #tpu.memory_space<hbm>> -> memref<8x80xi32, #tpu.memory_space<hbm>>
        tpu.enqueue_dma source(%dma_start3A_283 : memref<8x80xi32, #tpu.memory_space<hbm>>) target(%dma_start3A_280 : memref<8x80xi32, #tpu.memory_space<vmem>>) target_semaphore(%dma_start3A_276 : memref<!tpu.dma_semaphore, #tpu.memory_space<semaphore_mem>>)
      } else {
      }
      %add3A_225 = arith.constant 1 : i32
      %add3A_226 = arith.addi %while3A_184, %add3A_225 : i32
      %lt3A_227 = arith.cmpi slt, %add3A_226, %select_n3A : i32
      %convert_element_type3A_228 = arith.extui %lt3A_227 : i1 to i32
      %cond3A_229 = arith.constant 0 : i32
      %cond3A_230 = arith.cmpi ne, %convert_element_type3A_228, %cond3A_229 : i32
      scf.if %cond3A_230 {
        %add3A_232 = arith.constant 1 : i32
        %add3A_233 = arith.addi %while3A_184, %add3A_232 : i32
        %add3A_234 = arith.addi %add3A, %add3A_233 : i32
        %mul3A_235 = arith.constant 8 : i32
        %mul3A_236 = arith.muli %add3A_234, %mul3A_235 : i32
        %rem3A_237 = arith.constant 2 : i32
        %rem3A_238 = arith.remsi %add3A_233, %rem3A_237 : i32
        %rem3A_239 = arith.constant 2 : i32
        %rem3A_240 = arith.remsi %add3A_233, %rem3A_239 : i32
        %dma_wait3A_241 = arith.constant 0 : i32
        %dma_wait3A_242 = arith.constant 0 : i32
        %dma_wait3A_243 = arith.constant 0 : i32
        %dma_wait3A_244 = tpu.memref_slice %arg5[%rem3A_238, %dma_wait3A_242, %dma_wait3A_243] : memref<2x8x80xi32, #tpu.memory_space<vmem>> -> memref<1x8x80xi32, #tpu.memory_space<vmem>>
        %dma_wait3A_245 = tpu.memref_squeeze %dma_wait3A_244 : memref<1x8x80xi32, #tpu.memory_space<vmem>> -> memref<8x80xi32, #tpu.memory_space<vmem>>
        %dma_wait3A_246 = arith.constant 0 : i32
        %dma_wait3A_247 = tpu.memref_slice %arg3[%dma_wait3A_241, %mul3A_236, %dma_wait3A_246] : memref<2x20000x80xi32, #tpu.memory_space<hbm>> -> memref<1x8x80xi32, #tpu.memory_space<hbm>>
        %dma_wait3A_248 = tpu.memref_squeeze %dma_wait3A_247 : memref<1x8x80xi32, #tpu.memory_space<hbm>> -> memref<8x80xi32, #tpu.memory_space<hbm>>
        %dma_wait3A_249 = tpu.memref_slice %arg10[%rem3A_240] : memref<2x!tpu.dma_semaphore, #tpu.memory_space<semaphore_mem>> -> memref<1x!tpu.dma_semaphore, #tpu.memory_space<semaphore_mem>>
        %dma_wait3A_250 = tpu.memref_squeeze %dma_wait3A_249 : memref<1x!tpu.dma_semaphore, #tpu.memory_space<semaphore_mem>> -> memref<!tpu.dma_semaphore, #tpu.memory_space<semaphore_mem>>
        %dma_wait3A_251 = arith.constant 0 : i32
        %dma_wait3A_252 = arith.constant 0 : i32
        %dma_wait3A_253 = tpu.memref_slice %arg5[%rem3A_238, %dma_wait3A_251, %dma_wait3A_252] : memref<2x8x80xi32, #tpu.memory_space<vmem>> -> memref<1x8x80xi32, #tpu.memory_space<vmem>>
        %dma_wait3A_254 = tpu.memref_squeeze %dma_wait3A_253 : memref<1x8x80xi32, #tpu.memory_space<vmem>> -> memref<8x80xi32, #tpu.memory_space<vmem>>
        %dma_wait3A_255 = arith.constant 0 : i32
        %dma_wait3A_256 = tpu.memref_slice %arg3[%dma_wait3A_241, %mul3A_236, %dma_wait3A_255] : memref<2x20000x80xi32, #tpu.memory_space<hbm>> -> memref<1x8x80xi32, #tpu.memory_space<hbm>>
        %dma_wait3A_257 = tpu.memref_squeeze %dma_wait3A_256 : memref<1x8x80xi32, #tpu.memory_space<hbm>> -> memref<8x80xi32, #tpu.memory_space<hbm>>
        tpu.wait_dma2 semaphore(%dma_wait3A_250 : memref<!tpu.dma_semaphore, #tpu.memory_space<semaphore_mem>>) src(%dma_wait3A_257 : memref<8x80xi32, #tpu.memory_space<hbm>>) dst(%dma_wait3A_254 : memref<8x80xi32, #tpu.memory_space<vmem>>)
        %add3A_258 = arith.constant 1 : i32
        %add3A_259 = arith.addi %while3A_184, %add3A_258 : i32
        %scan3A_260 = arith.constant 0 : i32
        %scan3A_261 = arith.constant 0 : i32
        %scan3A_262 = arith.constant 8 : i32
        %scan3A_263 = arith.addi %scan3A_261, %scan3A_262 : i32
        %scan3A_264 = arith.constant 1 : i32
        %scan3A_265 = scf.for %scan3A_267 = %scan3A_261 to %scan3A_263 step %scan3A_264 iter_args(%scan3A_268 = %scan3A_260) -> (i32)  : i32 {
          %rem3A_269 = arith.constant 2 : i32
          %rem3A_270 = arith.remsi %add3A_259, %rem3A_269 : i32
          %dma_start3A_271 = arith.constant 0 : i32
          %dma_start3A_272 = arith.constant 0 : i32
          %dma_start3A_273 = tpu.memref_slice %arg7[%rem3A_270, %scan3A_267, %dma_start3A_271, %dma_start3A_272] : memref<2x8x80x16xf32, #tpu.memory_space<vmem>> -> memref<1x1x80x16xf32, #tpu.memory_space<vmem>>
          %dma_start3A_274 = tpu.memref_squeeze %dma_start3A_273 : memref<1x1x80x16xf32, #tpu.memory_space<vmem>> -> memref<80x16xf32, #tpu.memory_space<vmem>>
          %dma_start3A_275 = arith.constant 0 : i32
          %dma_start3A_276 = tpu.memref_slice %arg5[%rem3A_270, %scan3A_267, %dma_start3A_275] : memref<2x8x80xi32, #tpu.memory_space<vmem>> -> memref<1x1x80xi32, #tpu.memory_space<vmem>>
          %dma_start3A_277 = tpu.memref_squeeze %dma_start3A_276 : memref<1x1x80xi32, #tpu.memory_space<vmem>> -> memref<80xi32, #tpu.memory_space<vmem>>
          %dma_start3A_278 = arith.constant 0 : i32
          %dma_start3A_279 = arith.constant 0 : i32
          %dma_start3A_280 = tpu.memref_slice %arg2[%arg0, %dma_start3A_278, %dma_start3A_279] : memref<2x100000x16xf32, #tpu.memory_space<hbm>> -> memref<1x100000x16xf32, #tpu.memory_space<hbm>>
          %dma_start3A_281 = tpu.memref_squeeze %dma_start3A_280 : memref<1x100000x16xf32, #tpu.memory_space<hbm>> -> memref<100000x16xf32, #tpu.memory_space<hbm>>
          %dma_start3A_282 = arith.constant 0 : i32
          %dma_start3A_283 = arith.constant 0 : i32
          %dma_start3A_284 = tpu.memref_slice %dma_start3A_281[%dma_start3A_282, %dma_start3A_283] : memref<100000x16xf32, #tpu.memory_space<hbm>> -> memref<100000x16xf32, #tpu.memory_space<hbm>>
          %dma_start3A_285 = tpu.memref_slice %arg12[%rem3A_270] : memref<2x!tpu.dma_semaphore, #tpu.memory_space<semaphore_mem>> -> memref<1x!tpu.dma_semaphore, #tpu.memory_space<semaphore_mem>>
          %dma_start3A_286 = tpu.memref_squeeze %dma_start3A_285 : memref<1x!tpu.dma_semaphore, #tpu.memory_space<semaphore_mem>> -> memref<!tpu.dma_semaphore, #tpu.memory_space<semaphore_mem>>
          tpu.enqueue_indirect_dma source(%dma_start3A_284 : memref<100000x16xf32, #tpu.memory_space<hbm>>) target(%dma_start3A_274 : memref<80x16xf32, #tpu.memory_space<vmem>>) offsets(%dma_start3A_277 : memref<80xi32, #tpu.memory_space<vmem>>) semaphore(%dma_start3A_286 : memref<!tpu.dma_semaphore, #tpu.memory_space<semaphore_mem>>)
          %scan3A_287 = arith.constant 0 : i32
          scf.yield %scan3A_287 : i32
        }
        %scan3A_266 = arith.constant 8 : i32
      } else {
      }
      %while3A_231 = arith.constant 0 : i32
      scf.yield %while3A_231 : i32
    }
    %sub3A = arith.constant 1 : i32
    %sub3A_168 = arith.subi %select_n3A, %sub3A : i32
    %scan3A_169 = arith.constant 0 : i32
    %scan3A_170 = arith.constant 0 : i32
    %scan3A_171 = arith.constant 8 : i32
    %scan3A_172 = arith.addi %scan3A_170, %scan3A_171 : i32
    %scan3A_173 = arith.constant 1 : i32
    %scan3A_174 = scf.for %scan3A_184 = %scan3A_170 to %scan3A_172 step %scan3A_173 iter_args(%scan3A_185 = %scan3A_169) -> (i32)  : i32 {
      %rem3A_186 = arith.constant 2 : i32
      %rem3A_187 = arith.remsi %sub3A_168, %rem3A_186 : i32
      %rem3A_188 = arith.constant 4 : i32
      %rem3A_189 = arith.remsi %sub3A_168, %rem3A_188 : i32
      %dma_wait3A_190 = arith.constant 0 : i32
      %dma_wait3A_191 = arith.constant 0 : i32
      %dma_wait3A_192 = tpu.memref_slice %arg7[%rem3A_187, %scan3A_184, %dma_wait3A_190, %dma_wait3A_191] : memref<2x8x80x16xf32, #tpu.memory_space<vmem>> -> memref<1x1x80x16xf32, #tpu.memory_space<vmem>>
      %dma_wait3A_193 = tpu.memref_squeeze %dma_wait3A_192 : memref<1x1x80x16xf32, #tpu.memory_space<vmem>> -> memref<80x16xf32, #tpu.memory_space<vmem>>
      %dma_wait3A_194 = arith.constant 0 : i32
      %dma_wait3A_195 = tpu.memref_slice %arg6[%rem3A_189, %scan3A_184, %dma_wait3A_194] : memref<4x8x80xi32, #tpu.memory_space<vmem>> -> memref<1x1x80xi32, #tpu.memory_space<vmem>>
      %dma_wait3A_196 = tpu.memref_squeeze %dma_wait3A_195 : memref<1x1x80xi32, #tpu.memory_space<vmem>> -> memref<80xi32, #tpu.memory_space<vmem>>
      %dma_wait3A_197 = arith.constant 0 : i32
      %dma_wait3A_198 = arith.constant 0 : i32
      %dma_wait3A_199 = tpu.memref_slice %arg9[%dma_wait3A_197, %dma_wait3A_198] : memref<100000x16xf32, #tpu.memory_space<vmem_shared>> -> memref<100000x16xf32, #tpu.memory_space<vmem_shared>>
      %dma_wait3A_200 = tpu.memref_slice %arg13[%rem3A_187] : memref<2x!tpu.dma_semaphore, #tpu.memory_space<semaphore_mem>> -> memref<1x!tpu.dma_semaphore, #tpu.memory_space<semaphore_mem>>
      %dma_wait3A_201 = tpu.memref_squeeze %dma_wait3A_200 : memref<1x!tpu.dma_semaphore, #tpu.memory_space<semaphore_mem>> -> memref<!tpu.dma_semaphore, #tpu.memory_space<semaphore_mem>>
      tpu.wait_indirect_dma semaphore(%dma_wait3A_201 : memref<!tpu.dma_semaphore, #tpu.memory_space<semaphore_mem>>) src(%dma_wait3A_193 : memref<80x16xf32, #tpu.memory_space<vmem>>) dst(%dma_wait3A_199 : memref<100000x16xf32, #tpu.memory_space<vmem_shared>>)
      %scan3A_202 = arith.constant 0 : i32
      scf.yield %scan3A_202 : i32
    }
    %scan3A_175 = arith.constant 8 : i32
    %barrier3A_176 = arith.constant 0 : index
    tpu.barrier barrier_id(%barrier3A_176)
    %scan3A_177 = arith.constant 0 : i32
    %scan3A_178 = arith.constant 0 : i32
    %scan3A_179 = arith.constant 16 : i32
    %scan3A_180 = arith.addi %scan3A_178, %scan3A_179 : i32
    %scan3A_181 = arith.constant 1 : i32
    %scan3A_182 = scf.for %scan3A_184 = %scan3A_178 to %scan3A_180 step %scan3A_181 iter_args(%scan3A_185 = %scan3A_177) -> (i32)  : i32 {
      %mul3A_186 = arith.constant 16 : i32
      %mul3A_187 = arith.muli %mul3A_186, %scan3A_184 : i32
      %add3A_188 = arith.addi %arg1, %mul3A_187 : i32
      %lt3A_189 = arith.constant 250 : i32
      %lt3A_190 = arith.cmpi slt, %add3A_188, %lt3A_189 : i32
      %convert_element_type3A = arith.extui %lt3A_190 : i1 to i32
      %cond3A = arith.constant 0 : i32
      %cond3A_191 = arith.cmpi ne, %convert_element_type3A, %cond3A : i32
      scf.if %cond3A_191 {
        %mul3A_193 = arith.constant 400 : i32
        %mul3A_194 = arith.muli %add3A_188, %mul3A_193 : i32
        %mul3A_195 = arith.constant 400 : i32
        %mul3A_196 = arith.muli %add3A_188, %mul3A_195 : i32
        "tpu.region"() ({
          %run_scoped3A = tpu.sem_alloc : memref<!tpu.dma_semaphore, #tpu.memory_space<semaphore_mem>>
          %dma_start3A_197 = arith.constant 0 : i32
          %dma_start3A_198 = tpu.memref_slice %arg4[%arg0, %mul3A_196, %dma_start3A_197] : memref<2x100000x16xf32, #tpu.memory_space<hbm>> -> memref<1x400x16xf32, #tpu.memory_space<hbm>>
          %dma_start3A_199 = tpu.memref_squeeze %dma_start3A_198 : memref<1x400x16xf32, #tpu.memory_space<hbm>> -> memref<400x16xf32, #tpu.memory_space<hbm>>
          %dma_start3A_200 = arith.constant 0 : i32
          %dma_start3A_201 = tpu.memref_slice %arg9[%mul3A_194, %dma_start3A_200] : memref<100000x16xf32, #tpu.memory_space<vmem_shared>> -> memref<400x16xf32, #tpu.memory_space<vmem_shared>>
          tpu.enqueue_dma source(%dma_start3A_201 : memref<400x16xf32, #tpu.memory_space<vmem_shared>>) target(%dma_start3A_199 : memref<400x16xf32, #tpu.memory_space<hbm>>) target_semaphore(%run_scoped3A : memref<!tpu.dma_semaphore, #tpu.memory_space<semaphore_mem>>)
          %dma_wait3A_202 = arith.constant 0 : i32
          %dma_wait3A_203 = tpu.memref_slice %arg4[%arg0, %mul3A_196, %dma_wait3A_202] : memref<2x100000x16xf32, #tpu.memory_space<hbm>> -> memref<1x400x16xf32, #tpu.memory_space<hbm>>
          %dma_wait3A_204 = tpu.memref_squeeze %dma_wait3A_203 : memref<1x400x16xf32, #tpu.memory_space<hbm>> -> memref<400x16xf32, #tpu.memory_space<hbm>>
          %dma_wait3A_205 = arith.constant 0 : i32
          %dma_wait3A_206 = tpu.memref_slice %arg9[%mul3A_194, %dma_wait3A_205] : memref<100000x16xf32, #tpu.memory_space<vmem_shared>> -> memref<400x16xf32, #tpu.memory_space<vmem_shared>>
          tpu.wait_dma2 semaphore(%run_scoped3A : memref<!tpu.dma_semaphore, #tpu.memory_space<semaphore_mem>>) src(%dma_wait3A_206 : memref<400x16xf32, #tpu.memory_space<vmem_shared>>) dst(%dma_wait3A_204 : memref<400x16xf32, #tpu.memory_space<hbm>>)
          tpu.yield
        }) : () -> ()
      } else {
      }
      %scan3A_192 = arith.constant 0 : i32
      scf.yield %scan3A_192 : i32
    }
    %scan3A_183 = arith.constant 16 : i32
    return
  }
}

#map = affine_map<(d0, d1) -> (0, 0, 0)>
module attributes {stable_mosaic.version = 14 : i64} {
  func.func @_mp_kernel(%arg0: i32, %arg1: i32, %arg2: memref<2x100000x16xf32, #tpu.memory_space<hbm>>, %arg3: memref<2x20000x80xi32, #tpu.memory_space<hbm>>, %arg4: memref<2x100000x16xf32, #tpu.memory_space<hbm>>, %arg5: memref<2x8x80xi32, #tpu.memory_space<vmem>>, %arg6: memref<4x8x80xi32, #tpu.memory_space<vmem>>, %arg7: memref<2x8x80x16xf32, #tpu.memory_space<vmem>>, %arg8: memref<400x16xf32, #tpu.memory_space<vmem>>, %arg9: memref<100000x16xf32, #tpu.memory_space<vmem_shared>>, %arg10: memref<2x!tpu.dma_semaphore, #tpu.memory_space<semaphore_mem>>, %arg11: memref<4x!tpu.dma_semaphore, #tpu.memory_space<semaphore_mem>>, %arg12: memref<2x!tpu.dma_semaphore, #tpu.memory_space<semaphore_mem>>, %arg13: memref<2x!tpu.dma_semaphore, #tpu.memory_space<semaphore_mem>>) attributes {dimension_semantics = [#tpu.dimension_semantics<core_parallel>, #tpu.dimension_semantics<subcore_parallel>], iteration_bounds = array<i64: 2, 16>, scalar_prefetch = 0 : i64, scratch_operands = 9 : i64, tpu.core_type = #tpu.core_type<sc_vector_subcore>, window_params = [{transform_indices = #map}, {transform_indices = #map}, {transform_indices = #map}]} {
    %broadcast_in_dim3A = arith.constant 0.000000e+00 : f32
    %broadcast_in_dim3A_0 = vector.broadcast %broadcast_in_dim3A : f32 to vector<16xf32>
    %scan3A = arith.constant 0 : i32
    %scan3A_1 = arith.constant 0 : i32
    %scan3A_2 = arith.constant 400 : i32
    %scan3A_3 = arith.addi %scan3A_1, %scan3A_2 : i32
    %scan3A_4 = arith.constant 1 : i32
    %scan3A_5 = scf.for %scan3A_184 = %scan3A_1 to %scan3A_3 step %scan3A_4 iter_args(%scan3A_185 = %scan3A) -> (i32)  : i32 {
      %swap3A = arith.index_cast %scan3A_184 : i32 to index
      %swap3A_186 = arith.constant 0 : index
      %swap3A_187 = tpu.vector_load %arg8[%swap3A, %swap3A_186] {strides = array<i32>} : memref<400x16xf32, #tpu.memory_space<vmem>>, vector<1x16xf32>,
      %swap3A_188 = vector.shape_cast %swap3A_187 : vector<1x16xf32> to vector<16xf32>
      %swap3A_189 = vector.shape_cast %broadcast_in_dim3A_0 : vector<16xf32> to vector<1x16xf32>
      tpu.vector_store %arg8[%swap3A, %swap3A_186], %swap3A_189 {strides = array<i32>} : memref<400x16xf32, #tpu.memory_space<vmem>>, vector<1x16xf32>,
      %scan3A_190 = arith.constant 0 : i32
      scf.yield %scan3A_190 : i32
    }
    %scan3A_6 = arith.constant 400 : i32
    %scan3A_7 = arith.constant 0 : i32
    %scan3A_8 = arith.constant 0 : i32
    %scan3A_9 = arith.constant 16 : i32
    %scan3A_10 = arith.addi %scan3A_8, %scan3A_9 : i32
    %scan3A_11 = arith.constant 1 : i32
    %scan3A_12 = scf.for %scan3A_184 = %scan3A_8 to %scan3A_10 step %scan3A_11 iter_args(%scan3A_185 = %scan3A_7) -> (i32)  : i32 {
      %mul3A_186 = arith.constant 16 : i32
      %mul3A_187 = arith.muli %mul3A_186, %scan3A_184 : i32
      %add3A_188 = arith.addi %arg1, %mul3A_187 : i32
      %lt3A_189 = arith.constant 250 : i32
      %lt3A_190 = arith.cmpi slt, %add3A_188, %lt3A_189 : i32
      %convert_element_type3A = arith.extui %lt3A_190 : i1 to i32
      %cond3A = arith.constant 0 : i32
      %cond3A_191 = arith.cmpi ne, %convert_element_type3A, %cond3A : i32
      scf.if %cond3A_191 {
        %mul3A_193 = arith.constant 400 : i32
        %mul3A_194 = arith.muli %add3A_188, %mul3A_193 : i32
        "tpu.region"() ({
          %run_scoped3A = tpu.sem_alloc : memref<!tpu.dma_semaphore, #tpu.memory_space<semaphore_mem>>
          %dma_start3A_195 = arith.constant 0 : i32
          %dma_start3A_196 = tpu.memref_slice %arg9[%mul3A_194, %dma_start3A_195] : memref<100000x16xf32, #tpu.memory_space<vmem_shared>> -> memref<400x16xf32, #tpu.memory_space<vmem_shared>>
          %dma_start3A_197 = arith.constant 0 : i32
          %dma_start3A_198 = tpu.memref_slice %arg9[%mul3A_194, %dma_start3A_197] : memref<100000x16xf32, #tpu.memory_space<vmem_shared>> -> memref<400x16xf32, #tpu.memory_space<vmem_shared>>
          tpu.enqueue_dma source(%arg8 : memref<400x16xf32, #tpu.memory_space<vmem>>) target(%dma_start3A_198 : memref<400x16xf32, #tpu.memory_space<vmem_shared>>) target_semaphore(%run_scoped3A : memref<!tpu.dma_semaphore, #tpu.memory_space<semaphore_mem>>)
          %dma_wait3A_199 = arith.constant 0 : i32
          %dma_wait3A_200 = tpu.memref_slice %arg9[%mul3A_194, %dma_wait3A_199] : memref<100000x16xf32, #tpu.memory_space<vmem_shared>> -> memref<400x16xf32, #tpu.memory_space<vmem_shared>>
          %dma_wait3A_201 = arith.constant 0 : i32
          %dma_wait3A_202 = tpu.memref_slice %arg9[%mul3A_194, %dma_wait3A_201] : memref<100000x16xf32, #tpu.memory_space<vmem_shared>> -> memref<400x16xf32, #tpu.memory_space<vmem_shared>>
          tpu.wait_dma2 semaphore(%run_scoped3A : memref<!tpu.dma_semaphore, #tpu.memory_space<semaphore_mem>>) src(%arg8 : memref<400x16xf32, #tpu.memory_space<vmem>>) dst(%dma_wait3A_202 : memref<400x16xf32, #tpu.memory_space<vmem_shared>>)
          tpu.yield
        }) : () -> ()
      } else {
      }
      %scan3A_192 = arith.constant 0 : i32
      scf.yield %scan3A_192 : i32
    }
    %scan3A_13 = arith.constant 16 : i32
    %barrier3A = arith.constant 0 : index
    tpu.barrier barrier_id(%barrier3A)
    %mul3A = arith.constant 156 : i32
    %mul3A_14 = arith.muli %arg1, %mul3A : i32
    %min3A = arith.constant 4 : i32
    %min3A_15 = arith.minsi %arg1, %min3A : i32
    %add3A = arith.addi %mul3A_14, %min3A_15 : i32
    %lt3A = arith.constant 4 : i32
    %lt3A_16 = arith.cmpi slt, %arg1, %lt3A : i32
    %jit3A = arith.constant 157 : i32
    %jit3A_17 = arith.constant 156 : i32
    %select_n3A = arith.select %lt3A_16, %jit3A, %jit3A_17 : i32
    %add3A_18 = arith.constant 0 : i32
    %add3A_19 = arith.addi %add3A, %add3A_18 : i32
    %mul3A_20 = arith.constant 8 : i32
    %mul3A_21 = arith.muli %add3A_19, %mul3A_20 : i32
    %rem3A = arith.constant 0 : i32
    %rem3A_22 = arith.constant 2 : i32
    %rem3A_23 = arith.remsi %rem3A, %rem3A_22 : i32
    %rem3A_24 = arith.constant 0 : i32
    %rem3A_25 = arith.constant 2 : i32
    %rem3A_26 = arith.remsi %rem3A_24, %rem3A_25 : i32
    %dma_start3A = arith.constant 0 : i32
    %dma_start3A_27 = arith.constant 0 : i32
    %dma_start3A_28 = arith.constant 0 : i32
    %dma_start3A_29 = tpu.memref_slice %arg5[%rem3A_23, %dma_start3A_27, %dma_start3A_28] : memref<2x8x80xi32, #tpu.memory_space<vmem>> -> memref<1x8x80xi32, #tpu.memory_space<vmem>>
    %dma_start3A_30 = tpu.memref_squeeze %dma_start3A_29 : memref<1x8x80xi32, #tpu.memory_space<vmem>> -> memref<8x80xi32, #tpu.memory_space<vmem>>
    %dma_start3A_31 = arith.constant 0 : i32
    %dma_start3A_32 = tpu.memref_slice %arg3[%dma_start3A, %mul3A_21, %dma_start3A_31] : memref<2x20000x80xi32, #tpu.memory_space<hbm>> -> memref<1x8x80xi32, #tpu.memory_space<hbm>>
    %dma_start3A_33 = tpu.memref_squeeze %dma_start3A_32 : memref<1x8x80xi32, #tpu.memory_space<hbm>> -> memref<8x80xi32, #tpu.memory_space<hbm>>
    %dma_start3A_34 = tpu.memref_slice %arg10[%rem3A_26] : memref<2x!tpu.dma_semaphore, #tpu.memory_space<semaphore_mem>> -> memref<1x!tpu.dma_semaphore, #tpu.memory_space<semaphore_mem>>
    %dma_start3A_35 = tpu.memref_squeeze %dma_start3A_34 : memref<1x!tpu.dma_semaphore, #tpu.memory_space<semaphore_mem>> -> memref<!tpu.dma_semaphore, #tpu.memory_space<semaphore_mem>>
    %dma_start3A_36 = arith.constant 0 : i32
    %dma_start3A_37 = arith.constant 0 : i32
    %dma_start3A_38 = tpu.memref_slice %arg5[%rem3A_23, %dma_start3A_36, %dma_start3A_37] : memref<2x8x80xi32, #tpu.memory_space<vmem>> -> memref<1x8x80xi32, #tpu.memory_space<vmem>>
    %dma_start3A_39 = tpu.memref_squeeze %dma_start3A_38 : memref<1x8x80xi32, #tpu.memory_space<vmem>> -> memref<8x80xi32, #tpu.memory_space<vmem>>
    %dma_start3A_40 = arith.constant 0 : i32
    %dma_start3A_41 = tpu.memref_slice %arg3[%dma_start3A, %mul3A_21, %dma_start3A_40] : memref<2x20000x80xi32, #tpu.memory_space<hbm>> -> memref<1x8x80xi32, #tpu.memory_space<hbm>>
    %dma_start3A_42 = tpu.memref_squeeze %dma_start3A_41 : memref<1x8x80xi32, #tpu.memory_space<hbm>> -> memref<8x80xi32, #tpu.memory_space<hbm>>
    tpu.enqueue_dma source(%dma_start3A_42 : memref<8x80xi32, #tpu.memory_space<hbm>>) target(%dma_start3A_39 : memref<8x80xi32, #tpu.memory_space<vmem>>) target_semaphore(%dma_start3A_35 : memref<!tpu.dma_semaphore, #tpu.memory_space<semaphore_mem>>)
    %add3A_43 = arith.constant 0 : i32
    %add3A_44 = arith.addi %add3A, %add3A_43 : i32
    %mul3A_45 = arith.constant 8 : i32
    %mul3A_46 = arith.muli %add3A_44, %mul3A_45 : i32
    %rem3A_47 = arith.constant 0 : i32
    %rem3A_48 = arith.constant 4 : i32
    %rem3A_49 = arith.remsi %rem3A_47, %rem3A_48 : i32
    %rem3A_50 = arith.constant 0 : i32
    %rem3A_51 = arith.constant 4 : i32
    %rem3A_52 = arith.remsi %rem3A_50, %rem3A_51 : i32
    %dma_start3A_53 = arith.constant 1 : i32
    %dma_start3A_54 = arith.constant 0 : i32
    %dma_start3A_55 = arith.constant 0 : i32
    %dma_start3A_56 = tpu.memref_slice %arg6[%rem3A_49, %dma_start3A_54, %dma_start3A_55] : memref<4x8x80xi32, #tpu.memory_space<vmem>> -> memref<1x8x80xi32, #tpu.memory_space<vmem>>
    %dma_start3A_57 = tpu.memref_squeeze %dma_start3A_56 : memref<1x8x80xi32, #tpu.memory_space<vmem>> -> memref<8x80xi32, #tpu.memory_space<vmem>>
    %dma_start3A_58 = arith.constant 0 : i32
    %dma_start3A_59 = tpu.memref_slice %arg3[%dma_start3A_53, %mul3A_46, %dma_start3A_58] : memref<2x20000x80xi32, #tpu.memory_space<hbm>> -> memref<1x8x80xi32, #tpu.memory_space<hbm>>
    %dma_start3A_60 = tpu.memref_squeeze %dma_start3A_59 : memref<1x8x80xi32, #tpu.memory_space<hbm>> -> memref<8x80xi32, #tpu.memory_space<hbm>>
    %dma_start3A_61 = tpu.memref_slice %arg11[%rem3A_52] : memref<4x!tpu.dma_semaphore, #tpu.memory_space<semaphore_mem>> -> memref<1x!tpu.dma_semaphore, #tpu.memory_space<semaphore_mem>>
    %dma_start3A_62 = tpu.memref_squeeze %dma_start3A_61 : memref<1x!tpu.dma_semaphore, #tpu.memory_space<semaphore_mem>> -> memref<!tpu.dma_semaphore, #tpu.memory_space<semaphore_mem>>
    %dma_start3A_63 = arith.constant 0 : i32
    %dma_start3A_64 = arith.constant 0 : i32
    %dma_start3A_65 = tpu.memref_slice %arg6[%rem3A_49, %dma_start3A_63, %dma_start3A_64] : memref<4x8x80xi32, #tpu.memory_space<vmem>> -> memref<1x8x80xi32, #tpu.memory_space<vmem>>
    %dma_start3A_66 = tpu.memref_squeeze %dma_start3A_65 : memref<1x8x80xi32, #tpu.memory_space<vmem>> -> memref<8x80xi32, #tpu.memory_space<vmem>>
    %dma_start3A_67 = arith.constant 0 : i32
    %dma_start3A_68 = tpu.memref_slice %arg3[%dma_start3A_53, %mul3A_46, %dma_start3A_67] : memref<2x20000x80xi32, #tpu.memory_space<hbm>> -> memref<1x8x80xi32, #tpu.memory_space<hbm>>
    %dma_start3A_69 = tpu.memref_squeeze %dma_start3A_68 : memref<1x8x80xi32, #tpu.memory_space<hbm>> -> memref<8x80xi32, #tpu.memory_space<hbm>>
    tpu.enqueue_dma source(%dma_start3A_69 : memref<8x80xi32, #tpu.memory_space<hbm>>) target(%dma_start3A_66 : memref<8x80xi32, #tpu.memory_space<vmem>>) target_semaphore(%dma_start3A_62 : memref<!tpu.dma_semaphore, #tpu.memory_space<semaphore_mem>>)
    %add3A_70 = arith.constant 1 : i32
    %add3A_71 = arith.addi %add3A, %add3A_70 : i32
    %mul3A_72 = arith.constant 8 : i32
    %mul3A_73 = arith.muli %add3A_71, %mul3A_72 : i32
    %rem3A_74 = arith.constant 1 : i32
    %rem3A_75 = arith.constant 2 : i32
    %rem3A_76 = arith.remsi %rem3A_74, %rem3A_75 : i32
    %rem3A_77 = arith.constant 1 : i32
    %rem3A_78 = arith.constant 2 : i32
    %rem3A_79 = arith.remsi %rem3A_77, %rem3A_78 : i32
    %dma_start3A_80 = arith.constant 0 : i32
    %dma_start3A_81 = arith.constant 0 : i32
    %dma_start3A_82 = arith.constant 0 : i32
    %dma_start3A_83 = tpu.memref_slice %arg5[%rem3A_76, %dma_start3A_81, %dma_start3A_82] : memref<2x8x80xi32, #tpu.memory_space<vmem>> -> memref<1x8x80xi32, #tpu.memory_space<vmem>>
    %dma_start3A_84 = tpu.memref_squeeze %dma_start3A_83 : memref<1x8x80xi32, #tpu.memory_space<vmem>> -> memref<8x80xi32, #tpu.memory_space<vmem>>
    %dma_start3A_85 = arith.constant 0 : i32
    %dma_start3A_86 = tpu.memref_slice %arg3[%dma_start3A_80, %mul3A_73, %dma_start3A_85] : memref<2x20000x80xi32, #tpu.memory_space<hbm>> -> memref<1x8x80xi32, #tpu.memory_space<hbm>>
    %dma_start3A_87 = tpu.memref_squeeze %dma_start3A_86 : memref<1x8x80xi32, #tpu.memory_space<hbm>> -> memref<8x80xi32, #tpu.memory_space<hbm>>
    %dma_start3A_88 = tpu.memref_slice %arg10[%rem3A_79] : memref<2x!tpu.dma_semaphore, #tpu.memory_space<semaphore_mem>> -> memref<1x!tpu.dma_semaphore, #tpu.memory_space<semaphore_mem>>
    %dma_start3A_89 = tpu.memref_squeeze %dma_start3A_88 : memref<1x!tpu.dma_semaphore, #tpu.memory_space<semaphore_mem>> -> memref<!tpu.dma_semaphore, #tpu.memory_space<semaphore_mem>>
    %dma_start3A_90 = arith.constant 0 : i32
    %dma_start3A_91 = arith.constant 0 : i32
    %dma_start3A_92 = tpu.memref_slice %arg5[%rem3A_76, %dma_start3A_90, %dma_start3A_91] : memref<2x8x80xi32, #tpu.memory_space<vmem>> -> memref<1x8x80xi32, #tpu.memory_space<vmem>>
    %dma_start3A_93 = tpu.memref_squeeze %dma_start3A_92 : memref<1x8x80xi32, #tpu.memory_space<vmem>> -> memref<8x80xi32, #tpu.memory_space<vmem>>
    %dma_start3A_94 = arith.constant 0 : i32
    %dma_start3A_95 = tpu.memref_slice %arg3[%dma_start3A_80, %mul3A_73, %dma_start3A_94] : memref<2x20000x80xi32, #tpu.memory_space<hbm>> -> memref<1x8x80xi32, #tpu.memory_space<hbm>>
    %dma_start3A_96 = tpu.memref_squeeze %dma_start3A_95 : memref<1x8x80xi32, #tpu.memory_space<hbm>> -> memref<8x80xi32, #tpu.memory_space<hbm>>
    tpu.enqueue_dma source(%dma_start3A_96 : memref<8x80xi32, #tpu.memory_space<hbm>>) target(%dma_start3A_93 : memref<8x80xi32, #tpu.memory_space<vmem>>) target_semaphore(%dma_start3A_89 : memref<!tpu.dma_semaphore, #tpu.memory_space<semaphore_mem>>)
    %add3A_97 = arith.constant 1 : i32
    %add3A_98 = arith.addi %add3A, %add3A_97 : i32
    %mul3A_99 = arith.constant 8 : i32
    %mul3A_100 = arith.muli %add3A_98, %mul3A_99 : i32
    %rem3A_101 = arith.constant 1 : i32
    %rem3A_102 = arith.constant 4 : i32
    %rem3A_103 = arith.remsi %rem3A_101, %rem3A_102 : i32
    %rem3A_104 = arith.constant 1 : i32
    %rem3A_105 = arith.constant 4 : i32
    %rem3A_106 = arith.remsi %rem3A_104, %rem3A_105 : i32
    %dma_start3A_107 = arith.constant 1 : i32
    %dma_start3A_108 = arith.constant 0 : i32
    %dma_start3A_109 = arith.constant 0 : i32
    %dma_start3A_110 = tpu.memref_slice %arg6[%rem3A_103, %dma_start3A_108, %dma_start3A_109] : memref<4x8x80xi32, #tpu.memory_space<vmem>> -> memref<1x8x80xi32, #tpu.memory_space<vmem>>
    %dma_start3A_111 = tpu.memref_squeeze %dma_start3A_110 : memref<1x8x80xi32, #tpu.memory_space<vmem>> -> memref<8x80xi32, #tpu.memory_space<vmem>>
    %dma_start3A_112 = arith.constant 0 : i32
    %dma_start3A_113 = tpu.memref_slice %arg3[%dma_start3A_107, %mul3A_100, %dma_start3A_112] : memref<2x20000x80xi32, #tpu.memory_space<hbm>> -> memref<1x8x80xi32, #tpu.memory_space<hbm>>
    %dma_start3A_114 = tpu.memref_squeeze %dma_start3A_113 : memref<1x8x80xi32, #tpu.memory_space<hbm>> -> memref<8x80xi32, #tpu.memory_space<hbm>>
    %dma_start3A_115 = tpu.memref_slice %arg11[%rem3A_106] : memref<4x!tpu.dma_semaphore, #tpu.memory_space<semaphore_mem>> -> memref<1x!tpu.dma_semaphore, #tpu.memory_space<semaphore_mem>>
    %dma_start3A_116 = tpu.memref_squeeze %dma_start3A_115 : memref<1x!tpu.dma_semaphore, #tpu.memory_space<semaphore_mem>> -> memref<!tpu.dma_semaphore, #tpu.memory_space<semaphore_mem>>
    %dma_start3A_117 = arith.constant 0 : i32
    %dma_start3A_118 = arith.constant 0 : i32
    %dma_start3A_119 = tpu.memref_slice %arg6[%rem3A_103, %dma_start3A_117, %dma_start3A_118] : memref<4x8x80xi32, #tpu.memory_space<vmem>> -> memref<1x8x80xi32, #tpu.memory_space<vmem>>
    %dma_start3A_120 = tpu.memref_squeeze %dma_start3A_119 : memref<1x8x80xi32, #tpu.memory_space<vmem>> -> memref<8x80xi32, #tpu.memory_space<vmem>>
    %dma_start3A_121 = arith.constant 0 : i32
    %dma_start3A_122 = tpu.memref_slice %arg3[%dma_start3A_107, %mul3A_100, %dma_start3A_121] : memref<2x20000x80xi32, #tpu.memory_space<hbm>> -> memref<1x8x80xi32, #tpu.memory_space<hbm>>
    %dma_start3A_123 = tpu.memref_squeeze %dma_start3A_122 : memref<1x8x80xi32, #tpu.memory_space<hbm>> -> memref<8x80xi32, #tpu.memory_space<hbm>>
    tpu.enqueue_dma source(%dma_start3A_123 : memref<8x80xi32, #tpu.memory_space<hbm>>) target(%dma_start3A_120 : memref<8x80xi32, #tpu.memory_space<vmem>>) target_semaphore(%dma_start3A_116 : memref<!tpu.dma_semaphore, #tpu.memory_space<semaphore_mem>>)
    %add3A_124 = arith.constant 0 : i32
    %add3A_125 = arith.addi %add3A, %add3A_124 : i32
    %mul3A_126 = arith.constant 8 : i32
    %mul3A_127 = arith.muli %add3A_125, %mul3A_126 : i32
    %rem3A_128 = arith.constant 0 : i32
    %rem3A_129 = arith.constant 2 : i32
    %rem3A_130 = arith.remsi %rem3A_128, %rem3A_129 : i32
    %rem3A_131 = arith.constant 0 : i32
    %rem3A_132 = arith.constant 2 : i32
    %rem3A_133 = arith.remsi %rem3A_131, %rem3A_132 : i32
    %dma_wait3A = arith.constant 0 : i32
    %dma_wait3A_134 = arith.constant 0 : i32
    %dma_wait3A_135 = arith.constant 0 : i32
    %dma_wait3A_136 = tpu.memref_slice %arg5[%rem3A_130, %dma_wait3A_134, %dma_wait3A_135] : memref<2x8x80xi32, #tpu.memory_space<vmem>> -> memref<1x8x80xi32, #tpu.memory_space<vmem>>
    %dma_wait3A_137 = tpu.memref_squeeze %dma_wait3A_136 : memref<1x8x80xi32, #tpu.memory_space<vmem>> -> memref<8x80xi32, #tpu.memory_space<vmem>>
    %dma_wait3A_138 = arith.constant 0 : i32
    %dma_wait3A_139 = tpu.memref_slice %arg3[%dma_wait3A, %mul3A_127, %dma_wait3A_138] : memref<2x20000x80xi32, #tpu.memory_space<hbm>> -> memref<1x8x80xi32, #tpu.memory_space<hbm>>
    %dma_wait3A_140 = tpu.memref_squeeze %dma_wait3A_139 : memref<1x8x80xi32, #tpu.memory_space<hbm>> -> memref<8x80xi32, #tpu.memory_space<hbm>>
    %dma_wait3A_141 = tpu.memref_slice %arg10[%rem3A_133] : memref<2x!tpu.dma_semaphore, #tpu.memory_space<semaphore_mem>> -> memref<1x!tpu.dma_semaphore, #tpu.memory_space<semaphore_mem>>
    %dma_wait3A_142 = tpu.memref_squeeze %dma_wait3A_141 : memref<1x!tpu.dma_semaphore, #tpu.memory_space<semaphore_mem>> -> memref<!tpu.dma_semaphore, #tpu.memory_space<semaphore_mem>>
    %dma_wait3A_143 = arith.constant 0 : i32
    %dma_wait3A_144 = arith.constant 0 : i32
    %dma_wait3A_145 = tpu.memref_slice %arg5[%rem3A_130, %dma_wait3A_143, %dma_wait3A_144] : memref<2x8x80xi32, #tpu.memory_space<vmem>> -> memref<1x8x80xi32, #tpu.memory_space<vmem>>
    %dma_wait3A_146 = tpu.memref_squeeze %dma_wait3A_145 : memref<1x8x80xi32, #tpu.memory_space<vmem>> -> memref<8x80xi32, #tpu.memory_space<vmem>>
    %dma_wait3A_147 = arith.constant 0 : i32
    %dma_wait3A_148 = tpu.memref_slice %arg3[%dma_wait3A, %mul3A_127, %dma_wait3A_147] : memref<2x20000x80xi32, #tpu.memory_space<hbm>> -> memref<1x8x80xi32, #tpu.memory_space<hbm>>
    %dma_wait3A_149 = tpu.memref_squeeze %dma_wait3A_148 : memref<1x8x80xi32, #tpu.memory_space<hbm>> -> memref<8x80xi32, #tpu.memory_space<hbm>>
    tpu.wait_dma2 semaphore(%dma_wait3A_142 : memref<!tpu.dma_semaphore, #tpu.memory_space<semaphore_mem>>) src(%dma_wait3A_149 : memref<8x80xi32, #tpu.memory_space<hbm>>) dst(%dma_wait3A_146 : memref<8x80xi32, #tpu.memory_space<vmem>>)
    %scan3A_150 = arith.constant 0 : i32
    %scan3A_151 = arith.constant 0 : i32
    %scan3A_152 = arith.constant 8 : i32
    %scan3A_153 = arith.addi %scan3A_151, %scan3A_152 : i32
    %scan3A_154 = arith.constant 1 : i32
    %scan3A_155 = scf.for %scan3A_184 = %scan3A_151 to %scan3A_153 step %scan3A_154 iter_args(%scan3A_185 = %scan3A_150) -> (i32)  : i32 {
      %rem3A_186 = arith.constant 0 : i32
      %rem3A_187 = arith.constant 2 : i32
      %rem3A_188 = arith.remsi %rem3A_186, %rem3A_187 : i32
      %dma_start3A_189 = arith.constant 0 : i32
      %dma_start3A_190 = arith.constant 0 : i32
      %dma_start3A_191 = tpu.memref_slice %arg7[%rem3A_188, %scan3A_184, %dma_start3A_189, %dma_start3A_190] : memref<2x8x80x16xf32, #tpu.memory_space<vmem>> -> memref<1x1x80x16xf32, #tpu.memory_space<vmem>>
      %dma_start3A_192 = tpu.memref_squeeze %dma_start3A_191 : memref<1x1x80x16xf32, #tpu.memory_space<vmem>> -> memref<80x16xf32, #tpu.memory_space<vmem>>
      %dma_start3A_193 = arith.constant 0 : i32
      %dma_start3A_194 = tpu.memref_slice %arg5[%rem3A_188, %scan3A_184, %dma_start3A_193] : memref<2x8x80xi32, #tpu.memory_space<vmem>> -> memref<1x1x80xi32, #tpu.memory_space<vmem>>
      %dma_start3A_195 = tpu.memref_squeeze %dma_start3A_194 : memref<1x1x80xi32, #tpu.memory_space<vmem>> -> memref<80xi32, #tpu.memory_space<vmem>>
      %dma_start3A_196 = arith.constant 0 : i32
      %dma_start3A_197 = arith.constant 0 : i32
      %dma_start3A_198 = tpu.memref_slice %arg2[%arg0, %dma_start3A_196, %dma_start3A_197] : memref<2x100000x16xf32, #tpu.memory_space<hbm>> -> memref<1x100000x16xf32, #tpu.memory_space<hbm>>
      %dma_start3A_199 = tpu.memref_squeeze %dma_start3A_198 : memref<1x100000x16xf32, #tpu.memory_space<hbm>> -> memref<100000x16xf32, #tpu.memory_space<hbm>>
      %dma_start3A_200 = arith.constant 0 : i32
      %dma_start3A_201 = arith.constant 0 : i32
      %dma_start3A_202 = tpu.memref_slice %dma_start3A_199[%dma_start3A_200, %dma_start3A_201] : memref<100000x16xf32, #tpu.memory_space<hbm>> -> memref<100000x16xf32, #tpu.memory_space<hbm>>
      %dma_start3A_203 = tpu.memref_slice %arg12[%rem3A_188] : memref<2x!tpu.dma_semaphore, #tpu.memory_space<semaphore_mem>> -> memref<1x!tpu.dma_semaphore, #tpu.memory_space<semaphore_mem>>
      %dma_start3A_204 = tpu.memref_squeeze %dma_start3A_203 : memref<1x!tpu.dma_semaphore, #tpu.memory_space<semaphore_mem>> -> memref<!tpu.dma_semaphore, #tpu.memory_space<semaphore_mem>>
      tpu.enqueue_indirect_dma source(%dma_start3A_202 : memref<100000x16xf32, #tpu.memory_space<hbm>>) target(%dma_start3A_192 : memref<80x16xf32, #tpu.memory_space<vmem>>) offsets(%dma_start3A_195 : memref<80xi32, #tpu.memory_space<vmem>>) semaphore(%dma_start3A_204 : memref<!tpu.dma_semaphore, #tpu.memory_space<semaphore_mem>>)
      %scan3A_205 = arith.constant 0 : i32
      scf.yield %scan3A_205 : i32
    }
    %scan3A_156 = arith.constant 8 : i32
    %while3A = arith.constant 0 : i32
    %while3A_157 = arith.constant 0 : i32
    %while3A_158 = arith.subi %select_n3A, %while3A : i32
    %while3A_159 = arith.addi %while3A, %while3A_158 : i32
    %while3A_160 = arith.constant 1 : i32
    %while3A_161 = arith.divsi %while3A_158, %while3A_160 : i32
    %while3A_162 = arith.muli %while3A_161, %while3A_160 : i32
    %while3A_163 = arith.addi %while3A, %while3A_162 : i32
    %while3A_164 = arith.constant 1 : i32
    %while3A_165 = scf.for %while3A_184 = %while3A to %while3A_163 step %while3A_164 iter_args(%while3A_185 = %while3A_157) -> (i32)  : i32 {
      %ge3A = arith.constant 1 : i32
      %ge3A_186 = arith.cmpi sge, %while3A_184, %ge3A : i32
      %convert_element_type3A = arith.extui %ge3A_186 : i1 to i32
      %cond3A = arith.constant 0 : i32
      %cond3A_187 = arith.cmpi ne, %convert_element_type3A, %cond3A : i32
      scf.if %cond3A_187 {
        %sub3A_232 = arith.constant 1 : i32
        %sub3A_233 = arith.subi %while3A_184, %sub3A_232 : i32
        %scan3A_234 = arith.constant 0 : i32
        %scan3A_235 = arith.constant 0 : i32
        %scan3A_236 = arith.constant 8 : i32
        %scan3A_237 = arith.addi %scan3A_235, %scan3A_236 : i32
        %scan3A_238 = arith.constant 1 : i32
        %scan3A_239 = scf.for %scan3A_241 = %scan3A_235 to %scan3A_237 step %scan3A_238 iter_args(%scan3A_242 = %scan3A_234) -> (i32)  : i32 {
          %rem3A_243 = arith.constant 2 : i32
          %rem3A_244 = arith.remsi %sub3A_233, %rem3A_243 : i32
          %rem3A_245 = arith.constant 4 : i32
          %rem3A_246 = arith.remsi %sub3A_233, %rem3A_245 : i32
          %dma_wait3A_247 = arith.constant 0 : i32
          %dma_wait3A_248 = arith.constant 0 : i32
          %dma_wait3A_249 = tpu.memref_slice %arg7[%rem3A_244, %scan3A_241, %dma_wait3A_247, %dma_wait3A_248] : memref<2x8x80x16xf32, #tpu.memory_space<vmem>> -> memref<1x1x80x16xf32, #tpu.memory_space<vmem>>
          %dma_wait3A_250 = tpu.memref_squeeze %dma_wait3A_249 : memref<1x1x80x16xf32, #tpu.memory_space<vmem>> -> memref<80x16xf32, #tpu.memory_space<vmem>>
          %dma_wait3A_251 = arith.constant 0 : i32
          %dma_wait3A_252 = tpu.memref_slice %arg6[%rem3A_246, %scan3A_241, %dma_wait3A_251] : memref<4x8x80xi32, #tpu.memory_space<vmem>> -> memref<1x1x80xi32, #tpu.memory_space<vmem>>
          %dma_wait3A_253 = tpu.memref_squeeze %dma_wait3A_252 : memref<1x1x80xi32, #tpu.memory_space<vmem>> -> memref<80xi32, #tpu.memory_space<vmem>>
          %dma_wait3A_254 = arith.constant 0 : i32
          %dma_wait3A_255 = arith.constant 0 : i32
          %dma_wait3A_256 = tpu.memref_slice %arg9[%dma_wait3A_254, %dma_wait3A_255] : memref<100000x16xf32, #tpu.memory_space<vmem_shared>> -> memref<100000x16xf32, #tpu.memory_space<vmem_shared>>
          %dma_wait3A_257 = tpu.memref_slice %arg13[%rem3A_244] : memref<2x!tpu.dma_semaphore, #tpu.memory_space<semaphore_mem>> -> memref<1x!tpu.dma_semaphore, #tpu.memory_space<semaphore_mem>>
          %dma_wait3A_258 = tpu.memref_squeeze %dma_wait3A_257 : memref<1x!tpu.dma_semaphore, #tpu.memory_space<semaphore_mem>> -> memref<!tpu.dma_semaphore, #tpu.memory_space<semaphore_mem>>
          tpu.wait_indirect_dma semaphore(%dma_wait3A_258 : memref<!tpu.dma_semaphore, #tpu.memory_space<semaphore_mem>>) src(%dma_wait3A_250 : memref<80x16xf32, #tpu.memory_space<vmem>>) dst(%dma_wait3A_256 : memref<100000x16xf32, #tpu.memory_space<vmem_shared>>)
          %scan3A_259 = arith.constant 0 : i32
          scf.yield %scan3A_259 : i32
        }
        %scan3A_240 = arith.constant 8 : i32
      } else {
      }
      %add3A_188 = arith.addi %add3A, %while3A_184 : i32
      %mul3A_189 = arith.constant 8 : i32
      %mul3A_190 = arith.muli %add3A_188, %mul3A_189 : i32
      %rem3A_191 = arith.constant 4 : i32
      %rem3A_192 = arith.remsi %while3A_184, %rem3A_191 : i32
      %rem3A_193 = arith.constant 4 : i32
      %rem3A_194 = arith.remsi %while3A_184, %rem3A_193 : i32
      %dma_wait3A_195 = arith.constant 1 : i32
      %dma_wait3A_196 = arith.constant 0 : i32
      %dma_wait3A_197 = arith.constant 0 : i32
      %dma_wait3A_198 = tpu.memref_slice %arg6[%rem3A_192, %dma_wait3A_196, %dma_wait3A_197] : memref<4x8x80xi32, #tpu.memory_space<vmem>> -> memref<1x8x80xi32, #tpu.memory_space<vmem>>
      %dma_wait3A_199 = tpu.memref_squeeze %dma_wait3A_198 : memref<1x8x80xi32, #tpu.memory_space<vmem>> -> memref<8x80xi32, #tpu.memory_space<vmem>>
      %dma_wait3A_200 = arith.constant 0 : i32
      %dma_wait3A_201 = tpu.memref_slice %arg3[%dma_wait3A_195, %mul3A_190, %dma_wait3A_200] : memref<2x20000x80xi32, #tpu.memory_space<hbm>> -> memref<1x8x80xi32, #tpu.memory_space<hbm>>
      %dma_wait3A_202 = tpu.memref_squeeze %dma_wait3A_201 : memref<1x8x80xi32, #tpu.memory_space<hbm>> -> memref<8x80xi32, #tpu.memory_space<hbm>>
      %dma_wait3A_203 = tpu.memref_slice %arg11[%rem3A_194] : memref<4x!tpu.dma_semaphore, #tpu.memory_space<semaphore_mem>> -> memref<1x!tpu.dma_semaphore, #tpu.memory_space<semaphore_mem>>
      %dma_wait3A_204 = tpu.memref_squeeze %dma_wait3A_203 : memref<1x!tpu.dma_semaphore, #tpu.memory_space<semaphore_mem>> -> memref<!tpu.dma_semaphore, #tpu.memory_space<semaphore_mem>>
      %dma_wait3A_205 = arith.constant 0 : i32
      %dma_wait3A_206 = arith.constant 0 : i32
      %dma_wait3A_207 = tpu.memref_slice %arg6[%rem3A_192, %dma_wait3A_205, %dma_wait3A_206] : memref<4x8x80xi32, #tpu.memory_space<vmem>> -> memref<1x8x80xi32, #tpu.memory_space<vmem>>
      %dma_wait3A_208 = tpu.memref_squeeze %dma_wait3A_207 : memref<1x8x80xi32, #tpu.memory_space<vmem>> -> memref<8x80xi32, #tpu.memory_space<vmem>>
      %dma_wait3A_209 = arith.constant 0 : i32
      %dma_wait3A_210 = tpu.memref_slice %arg3[%dma_wait3A_195, %mul3A_190, %dma_wait3A_209] : memref<2x20000x80xi32, #tpu.memory_space<hbm>> -> memref<1x8x80xi32, #tpu.memory_space<hbm>>
      %dma_wait3A_211 = tpu.memref_squeeze %dma_wait3A_210 : memref<1x8x80xi32, #tpu.memory_space<hbm>> -> memref<8x80xi32, #tpu.memory_space<hbm>>
      tpu.wait_dma2 semaphore(%dma_wait3A_204 : memref<!tpu.dma_semaphore, #tpu.memory_space<semaphore_mem>>) src(%dma_wait3A_211 : memref<8x80xi32, #tpu.memory_space<hbm>>) dst(%dma_wait3A_208 : memref<8x80xi32, #tpu.memory_space<vmem>>)
      %scan3A_212 = arith.constant 0 : i32
      %scan3A_213 = arith.constant 0 : i32
      %scan3A_214 = arith.constant 8 : i32
      %scan3A_215 = arith.addi %scan3A_213, %scan3A_214 : i32
      %scan3A_216 = arith.constant 1 : i32
      %scan3A_217 = scf.for %scan3A_232 = %scan3A_213 to %scan3A_215 step %scan3A_216 iter_args(%scan3A_233 = %scan3A_212) -> (i32)  : i32 {
        %rem3A_234 = arith.constant 2 : i32
        %rem3A_235 = arith.remsi %while3A_184, %rem3A_234 : i32
        %dma_wait3A_236 = arith.constant 0 : i32
        %dma_wait3A_237 = arith.constant 0 : i32
        %dma_wait3A_238 = tpu.memref_slice %arg7[%rem3A_235, %scan3A_232, %dma_wait3A_236, %dma_wait3A_237] : memref<2x8x80x16xf32, #tpu.memory_space<vmem>> -> memref<1x1x80x16xf32, #tpu.memory_space<vmem>>
        %dma_wait3A_239 = tpu.memref_squeeze %dma_wait3A_238 : memref<1x1x80x16xf32, #tpu.memory_space<vmem>> -> memref<80x16xf32, #tpu.memory_space<vmem>>
        %dma_wait3A_240 = arith.constant 0 : i32
        %dma_wait3A_241 = tpu.memref_slice %arg5[%rem3A_235, %scan3A_232, %dma_wait3A_240] : memref<2x8x80xi32, #tpu.memory_space<vmem>> -> memref<1x1x80xi32, #tpu.memory_space<vmem>>
        %dma_wait3A_242 = tpu.memref_squeeze %dma_wait3A_241 : memref<1x1x80xi32, #tpu.memory_space<vmem>> -> memref<80xi32, #tpu.memory_space<vmem>>
        %dma_wait3A_243 = arith.constant 0 : i32
        %dma_wait3A_244 = arith.constant 0 : i32
        %dma_wait3A_245 = tpu.memref_slice %arg2[%arg0, %dma_wait3A_243, %dma_wait3A_244] : memref<2x100000x16xf32, #tpu.memory_space<hbm>> -> memref<1x100000x16xf32, #tpu.memory_space<hbm>>
        %dma_wait3A_246 = tpu.memref_squeeze %dma_wait3A_245 : memref<1x100000x16xf32, #tpu.memory_space<hbm>> -> memref<100000x16xf32, #tpu.memory_space<hbm>>
        %dma_wait3A_247 = arith.constant 0 : i32
        %dma_wait3A_248 = arith.constant 0 : i32
        %dma_wait3A_249 = tpu.memref_slice %dma_wait3A_246[%dma_wait3A_247, %dma_wait3A_248] : memref<100000x16xf32, #tpu.memory_space<hbm>> -> memref<100000x16xf32, #tpu.memory_space<hbm>>
        %dma_wait3A_250 = tpu.memref_slice %arg12[%rem3A_235] : memref<2x!tpu.dma_semaphore, #tpu.memory_space<semaphore_mem>> -> memref<1x!tpu.dma_semaphore, #tpu.memory_space<semaphore_mem>>
        %dma_wait3A_251 = tpu.memref_squeeze %dma_wait3A_250 : memref<1x!tpu.dma_semaphore, #tpu.memory_space<semaphore_mem>> -> memref<!tpu.dma_semaphore, #tpu.memory_space<semaphore_mem>>
        tpu.wait_indirect_dma semaphore(%dma_wait3A_251 : memref<!tpu.dma_semaphore, #tpu.memory_space<semaphore_mem>>) src(%dma_wait3A_249 : memref<100000x16xf32, #tpu.memory_space<hbm>>) dst(%dma_wait3A_239 : memref<80x16xf32, #tpu.memory_space<vmem>>)
        %rem3A_252 = arith.constant 2 : i32
        %rem3A_253 = arith.remsi %while3A_184, %rem3A_252 : i32
        %rem3A_254 = arith.constant 4 : i32
        %rem3A_255 = arith.remsi %while3A_184, %rem3A_254 : i32
        %dma_start3A_256 = arith.constant 0 : i32
        %dma_start3A_257 = arith.constant 0 : i32
        %dma_start3A_258 = tpu.memref_slice %arg7[%rem3A_253, %scan3A_232, %dma_start3A_256, %dma_start3A_257] : memref<2x8x80x16xf32, #tpu.memory_space<vmem>> -> memref<1x1x80x16xf32, #tpu.memory_space<vmem>>
        %dma_start3A_259 = tpu.memref_squeeze %dma_start3A_258 : memref<1x1x80x16xf32, #tpu.memory_space<vmem>> -> memref<80x16xf32, #tpu.memory_space<vmem>>
        %dma_start3A_260 = arith.constant 0 : i32
        %dma_start3A_261 = tpu.memref_slice %arg6[%rem3A_255, %scan3A_232, %dma_start3A_260] : memref<4x8x80xi32, #tpu.memory_space<vmem>> -> memref<1x1x80xi32, #tpu.memory_space<vmem>>
        %dma_start3A_262 = tpu.memref_squeeze %dma_start3A_261 : memref<1x1x80xi32, #tpu.memory_space<vmem>> -> memref<80xi32, #tpu.memory_space<vmem>>
        %dma_start3A_263 = arith.constant 0 : i32
        %dma_start3A_264 = arith.constant 0 : i32
        %dma_start3A_265 = tpu.memref_slice %arg9[%dma_start3A_263, %dma_start3A_264] : memref<100000x16xf32, #tpu.memory_space<vmem_shared>> -> memref<100000x16xf32, #tpu.memory_space<vmem_shared>>
        %dma_start3A_266 = tpu.memref_slice %arg13[%rem3A_253] : memref<2x!tpu.dma_semaphore, #tpu.memory_space<semaphore_mem>> -> memref<1x!tpu.dma_semaphore, #tpu.memory_space<semaphore_mem>>
        %dma_start3A_267 = tpu.memref_squeeze %dma_start3A_266 : memref<1x!tpu.dma_semaphore, #tpu.memory_space<semaphore_mem>> -> memref<!tpu.dma_semaphore, #tpu.memory_space<semaphore_mem>>
        tpu.enqueue_indirect_dma source(%dma_start3A_259 : memref<80x16xf32, #tpu.memory_space<vmem>>) target(%dma_start3A_265 : memref<100000x16xf32, #tpu.memory_space<vmem_shared>>) offsets(%dma_start3A_262 : memref<80xi32, #tpu.memory_space<vmem>>) semaphore(%dma_start3A_267 : memref<!tpu.dma_semaphore, #tpu.memory_space<semaphore_mem>>) {add = true}
        %scan3A_268 = arith.constant 0 : i32
        scf.yield %scan3A_268 : i32
      }
      %scan3A_218 = arith.constant 8 : i32
      %add3A_219 = arith.constant 2 : i32
      %add3A_220 = arith.addi %while3A_184, %add3A_219 : i32
      %lt3A_221 = arith.cmpi slt, %add3A_220, %select_n3A : i32
      %convert_element_type3A_222 = arith.extui %lt3A_221 : i1 to i32
      %cond3A_223 = arith.constant 0 : i32
      %cond3A_224 = arith.cmpi ne, %convert_element_type3A_222, %cond3A_223 : i32
      scf.if %cond3A_224 {
        %add3A_232 = arith.constant 2 : i32
        %add3A_233 = arith.addi %while3A_184, %add3A_232 : i32
        %add3A_234 = arith.addi %add3A, %add3A_233 : i32
        %mul3A_235 = arith.constant 8 : i32
        %mul3A_236 = arith.muli %add3A_234, %mul3A_235 : i32
        %rem3A_237 = arith.constant 2 : i32
        %rem3A_238 = arith.remsi %add3A_233, %rem3A_237 : i32
        %rem3A_239 = arith.constant 2 : i32
        %rem3A_240 = arith.remsi %add3A_233, %rem3A_239 : i32
        %dma_start3A_241 = arith.constant 0 : i32
        %dma_start3A_242 = arith.constant 0 : i32
        %dma_start3A_243 = arith.constant 0 : i32
        %dma_start3A_244 = tpu.memref_slice %arg5[%rem3A_238, %dma_start3A_242, %dma_start3A_243] : memref<2x8x80xi32, #tpu.memory_space<vmem>> -> memref<1x8x80xi32, #tpu.memory_space<vmem>>
        %dma_start3A_245 = tpu.memref_squeeze %dma_start3A_244 : memref<1x8x80xi32, #tpu.memory_space<vmem>> -> memref<8x80xi32, #tpu.memory_space<vmem>>
        %dma_start3A_246 = arith.constant 0 : i32
        %dma_start3A_247 = tpu.memref_slice %arg3[%dma_start3A_241, %mul3A_236, %dma_start3A_246] : memref<2x20000x80xi32, #tpu.memory_space<hbm>> -> memref<1x8x80xi32, #tpu.memory_space<hbm>>
        %dma_start3A_248 = tpu.memref_squeeze %dma_start3A_247 : memref<1x8x80xi32, #tpu.memory_space<hbm>> -> memref<8x80xi32, #tpu.memory_space<hbm>>
        %dma_start3A_249 = tpu.memref_slice %arg10[%rem3A_240] : memref<2x!tpu.dma_semaphore, #tpu.memory_space<semaphore_mem>> -> memref<1x!tpu.dma_semaphore, #tpu.memory_space<semaphore_mem>>
        %dma_start3A_250 = tpu.memref_squeeze %dma_start3A_249 : memref<1x!tpu.dma_semaphore, #tpu.memory_space<semaphore_mem>> -> memref<!tpu.dma_semaphore, #tpu.memory_space<semaphore_mem>>
        %dma_start3A_251 = arith.constant 0 : i32
        %dma_start3A_252 = arith.constant 0 : i32
        %dma_start3A_253 = tpu.memref_slice %arg5[%rem3A_238, %dma_start3A_251, %dma_start3A_252] : memref<2x8x80xi32, #tpu.memory_space<vmem>> -> memref<1x8x80xi32, #tpu.memory_space<vmem>>
        %dma_start3A_254 = tpu.memref_squeeze %dma_start3A_253 : memref<1x8x80xi32, #tpu.memory_space<vmem>> -> memref<8x80xi32, #tpu.memory_space<vmem>>
        %dma_start3A_255 = arith.constant 0 : i32
        %dma_start3A_256 = tpu.memref_slice %arg3[%dma_start3A_241, %mul3A_236, %dma_start3A_255] : memref<2x20000x80xi32, #tpu.memory_space<hbm>> -> memref<1x8x80xi32, #tpu.memory_space<hbm>>
        %dma_start3A_257 = tpu.memref_squeeze %dma_start3A_256 : memref<1x8x80xi32, #tpu.memory_space<hbm>> -> memref<8x80xi32, #tpu.memory_space<hbm>>
        tpu.enqueue_dma source(%dma_start3A_257 : memref<8x80xi32, #tpu.memory_space<hbm>>) target(%dma_start3A_254 : memref<8x80xi32, #tpu.memory_space<vmem>>) target_semaphore(%dma_start3A_250 : memref<!tpu.dma_semaphore, #tpu.memory_space<semaphore_mem>>)
        %add3A_258 = arith.constant 2 : i32
        %add3A_259 = arith.addi %while3A_184, %add3A_258 : i32
        %add3A_260 = arith.addi %add3A, %add3A_259 : i32
        %mul3A_261 = arith.constant 8 : i32
        %mul3A_262 = arith.muli %add3A_260, %mul3A_261 : i32
        %rem3A_263 = arith.constant 4 : i32
        %rem3A_264 = arith.remsi %add3A_259, %rem3A_263 : i32
        %rem3A_265 = arith.constant 4 : i32
        %rem3A_266 = arith.remsi %add3A_259, %rem3A_265 : i32
        %dma_start3A_267 = arith.constant 1 : i32
        %dma_start3A_268 = arith.constant 0 : i32
        %dma_start3A_269 = arith.constant 0 : i32
        %dma_start3A_270 = tpu.memref_slice %arg6[%rem3A_264, %dma_start3A_268, %dma_start3A_269] : memref<4x8x80xi32, #tpu.memory_space<vmem>> -> memref<1x8x80xi32, #tpu.memory_space<vmem>>
        %dma_start3A_271 = tpu.memref_squeeze %dma_start3A_270 : memref<1x8x80xi32, #tpu.memory_space<vmem>> -> memref<8x80xi32, #tpu.memory_space<vmem>>
        %dma_start3A_272 = arith.constant 0 : i32
        %dma_start3A_273 = tpu.memref_slice %arg3[%dma_start3A_267, %mul3A_262, %dma_start3A_272] : memref<2x20000x80xi32, #tpu.memory_space<hbm>> -> memref<1x8x80xi32, #tpu.memory_space<hbm>>
        %dma_start3A_274 = tpu.memref_squeeze %dma_start3A_273 : memref<1x8x80xi32, #tpu.memory_space<hbm>> -> memref<8x80xi32, #tpu.memory_space<hbm>>
        %dma_start3A_275 = tpu.memref_slice %arg11[%rem3A_266] : memref<4x!tpu.dma_semaphore, #tpu.memory_space<semaphore_mem>> -> memref<1x!tpu.dma_semaphore, #tpu.memory_space<semaphore_mem>>
        %dma_start3A_276 = tpu.memref_squeeze %dma_start3A_275 : memref<1x!tpu.dma_semaphore, #tpu.memory_space<semaphore_mem>> -> memref<!tpu.dma_semaphore, #tpu.memory_space<semaphore_mem>>
        %dma_start3A_277 = arith.constant 0 : i32
        %dma_start3A_278 = arith.constant 0 : i32
        %dma_start3A_279 = tpu.memref_slice %arg6[%rem3A_264, %dma_start3A_277, %dma_start3A_278] : memref<4x8x80xi32, #tpu.memory_space<vmem>> -> memref<1x8x80xi32, #tpu.memory_space<vmem>>
        %dma_start3A_280 = tpu.memref_squeeze %dma_start3A_279 : memref<1x8x80xi32, #tpu.memory_space<vmem>> -> memref<8x80xi32, #tpu.memory_space<vmem>>
        %dma_start3A_281 = arith.constant 0 : i32
        %dma_start3A_282 = tpu.memref_slice %arg3[%dma_start3A_267, %mul3A_262, %dma_start3A_281] : memref<2x20000x80xi32, #tpu.memory_space<hbm>> -> memref<1x8x80xi32, #tpu.memory_space<hbm>>
        %dma_start3A_283 = tpu.memref_squeeze %dma_start3A_282 : memref<1x8x80xi32, #tpu.memory_space<hbm>> -> memref<8x80xi32, #tpu.memory_space<hbm>>
        tpu.enqueue_dma source(%dma_start3A_283 : memref<8x80xi32, #tpu.memory_space<hbm>>) target(%dma_start3A_280 : memref<8x80xi32, #tpu.memory_space<vmem>>) target_semaphore(%dma_start3A_276 : memref<!tpu.dma_semaphore, #tpu.memory_space<semaphore_mem>>)
      } else {
      }
      %add3A_225 = arith.constant 1 : i32
      %add3A_226 = arith.addi %while3A_184, %add3A_225 : i32
      %lt3A_227 = arith.cmpi slt, %add3A_226, %select_n3A : i32
      %convert_element_type3A_228 = arith.extui %lt3A_227 : i1 to i32
      %cond3A_229 = arith.constant 0 : i32
      %cond3A_230 = arith.cmpi ne, %convert_element_type3A_228, %cond3A_229 : i32
      scf.if %cond3A_230 {
        %add3A_232 = arith.constant 1 : i32
        %add3A_233 = arith.addi %while3A_184, %add3A_232 : i32
        %add3A_234 = arith.addi %add3A, %add3A_233 : i32
        %mul3A_235 = arith.constant 8 : i32
        %mul3A_236 = arith.muli %add3A_234, %mul3A_235 : i32
        %rem3A_237 = arith.constant 2 : i32
        %rem3A_238 = arith.remsi %add3A_233, %rem3A_237 : i32
        %rem3A_239 = arith.constant 2 : i32
        %rem3A_240 = arith.remsi %add3A_233, %rem3A_239 : i32
        %dma_wait3A_241 = arith.constant 0 : i32
        %dma_wait3A_242 = arith.constant 0 : i32
        %dma_wait3A_243 = arith.constant 0 : i32
        %dma_wait3A_244 = tpu.memref_slice %arg5[%rem3A_238, %dma_wait3A_242, %dma_wait3A_243] : memref<2x8x80xi32, #tpu.memory_space<vmem>> -> memref<1x8x80xi32, #tpu.memory_space<vmem>>
        %dma_wait3A_245 = tpu.memref_squeeze %dma_wait3A_244 : memref<1x8x80xi32, #tpu.memory_space<vmem>> -> memref<8x80xi32, #tpu.memory_space<vmem>>
        %dma_wait3A_246 = arith.constant 0 : i32
        %dma_wait3A_247 = tpu.memref_slice %arg3[%dma_wait3A_241, %mul3A_236, %dma_wait3A_246] : memref<2x20000x80xi32, #tpu.memory_space<hbm>> -> memref<1x8x80xi32, #tpu.memory_space<hbm>>
        %dma_wait3A_248 = tpu.memref_squeeze %dma_wait3A_247 : memref<1x8x80xi32, #tpu.memory_space<hbm>> -> memref<8x80xi32, #tpu.memory_space<hbm>>
        %dma_wait3A_249 = tpu.memref_slice %arg10[%rem3A_240] : memref<2x!tpu.dma_semaphore, #tpu.memory_space<semaphore_mem>> -> memref<1x!tpu.dma_semaphore, #tpu.memory_space<semaphore_mem>>
        %dma_wait3A_250 = tpu.memref_squeeze %dma_wait3A_249 : memref<1x!tpu.dma_semaphore, #tpu.memory_space<semaphore_mem>> -> memref<!tpu.dma_semaphore, #tpu.memory_space<semaphore_mem>>
        %dma_wait3A_251 = arith.constant 0 : i32
        %dma_wait3A_252 = arith.constant 0 : i32
        %dma_wait3A_253 = tpu.memref_slice %arg5[%rem3A_238, %dma_wait3A_251, %dma_wait3A_252] : memref<2x8x80xi32, #tpu.memory_space<vmem>> -> memref<1x8x80xi32, #tpu.memory_space<vmem>>
        %dma_wait3A_254 = tpu.memref_squeeze %dma_wait3A_253 : memref<1x8x80xi32, #tpu.memory_space<vmem>> -> memref<8x80xi32, #tpu.memory_space<vmem>>
        %dma_wait3A_255 = arith.constant 0 : i32
        %dma_wait3A_256 = tpu.memref_slice %arg3[%dma_wait3A_241, %mul3A_236, %dma_wait3A_255] : memref<2x20000x80xi32, #tpu.memory_space<hbm>> -> memref<1x8x80xi32, #tpu.memory_space<hbm>>
        %dma_wait3A_257 = tpu.memref_squeeze %dma_wait3A_256 : memref<1x8x80xi32, #tpu.memory_space<hbm>> -> memref<8x80xi32, #tpu.memory_space<hbm>>
        tpu.wait_dma2 semaphore(%dma_wait3A_250 : memref<!tpu.dma_semaphore, #tpu.memory_space<semaphore_mem>>) src(%dma_wait3A_257 : memref<8x80xi32, #tpu.memory_space<hbm>>) dst(%dma_wait3A_254 : memref<8x80xi32, #tpu.memory_space<vmem>>)
        %add3A_258 = arith.constant 1 : i32
        %add3A_259 = arith.addi %while3A_184, %add3A_258 : i32
        %scan3A_260 = arith.constant 0 : i32
        %scan3A_261 = arith.constant 0 : i32
        %scan3A_262 = arith.constant 8 : i32
        %scan3A_263 = arith.addi %scan3A_261, %scan3A_262 : i32
        %scan3A_264 = arith.constant 1 : i32
        %scan3A_265 = scf.for %scan3A_267 = %scan3A_261 to %scan3A_263 step %scan3A_264 iter_args(%scan3A_268 = %scan3A_260) -> (i32)  : i32 {
          %rem3A_269 = arith.constant 2 : i32
          %rem3A_270 = arith.remsi %add3A_259, %rem3A_269 : i32
          %dma_start3A_271 = arith.constant 0 : i32
          %dma_start3A_272 = arith.constant 0 : i32
          %dma_start3A_273 = tpu.memref_slice %arg7[%rem3A_270, %scan3A_267, %dma_start3A_271, %dma_start3A_272] : memref<2x8x80x16xf32, #tpu.memory_space<vmem>> -> memref<1x1x80x16xf32, #tpu.memory_space<vmem>>
          %dma_start3A_274 = tpu.memref_squeeze %dma_start3A_273 : memref<1x1x80x16xf32, #tpu.memory_space<vmem>> -> memref<80x16xf32, #tpu.memory_space<vmem>>
          %dma_start3A_275 = arith.constant 0 : i32
          %dma_start3A_276 = tpu.memref_slice %arg5[%rem3A_270, %scan3A_267, %dma_start3A_275] : memref<2x8x80xi32, #tpu.memory_space<vmem>> -> memref<1x1x80xi32, #tpu.memory_space<vmem>>
          %dma_start3A_277 = tpu.memref_squeeze %dma_start3A_276 : memref<1x1x80xi32, #tpu.memory_space<vmem>> -> memref<80xi32, #tpu.memory_space<vmem>>
          %dma_start3A_278 = arith.constant 0 : i32
          %dma_start3A_279 = arith.constant 0 : i32
          %dma_start3A_280 = tpu.memref_slice %arg2[%arg0, %dma_start3A_278, %dma_start3A_279] : memref<2x100000x16xf32, #tpu.memory_space<hbm>> -> memref<1x100000x16xf32, #tpu.memory_space<hbm>>
          %dma_start3A_281 = tpu.memref_squeeze %dma_start3A_280 : memref<1x100000x16xf32, #tpu.memory_space<hbm>> -> memref<100000x16xf32, #tpu.memory_space<hbm>>
          %dma_start3A_282 = arith.constant 0 : i32
          %dma_start3A_283 = arith.constant 0 : i32
          %dma_start3A_284 = tpu.memref_slice %dma_start3A_281[%dma_start3A_282, %dma_start3A_283] : memref<100000x16xf32, #tpu.memory_space<hbm>> -> memref<100000x16xf32, #tpu.memory_space<hbm>>
          %dma_start3A_285 = tpu.memref_slice %arg12[%rem3A_270] : memref<2x!tpu.dma_semaphore, #tpu.memory_space<semaphore_mem>> -> memref<1x!tpu.dma_semaphore, #tpu.memory_space<semaphore_mem>>
          %dma_start3A_286 = tpu.memref_squeeze %dma_start3A_285 : memref<1x!tpu.dma_semaphore, #tpu.memory_space<semaphore_mem>> -> memref<!tpu.dma_semaphore, #tpu.memory_space<semaphore_mem>>
          tpu.enqueue_indirect_dma source(%dma_start3A_284 : memref<100000x16xf32, #tpu.memory_space<hbm>>) target(%dma_start3A_274 : memref<80x16xf32, #tpu.memory_space<vmem>>) offsets(%dma_start3A_277 : memref<80xi32, #tpu.memory_space<vmem>>) semaphore(%dma_start3A_286 : memref<!tpu.dma_semaphore, #tpu.memory_space<semaphore_mem>>)
          %scan3A_287 = arith.constant 0 : i32
          scf.yield %scan3A_287 : i32
        }
        %scan3A_266 = arith.constant 8 : i32
      } else {
      }
      %while3A_231 = arith.constant 0 : i32
      scf.yield %while3A_231 : i32
    }
    %while3A_166 = arith.constant 1 : i32
    %while3A_167 = scf.for %while3A_184 = %while3A_163 to %while3A_159 step %while3A_166 iter_args(%while3A_185 = %while3A_165) -> (i32)  : i32 {
      %ge3A = arith.constant 1 : i32
      %ge3A_186 = arith.cmpi sge, %while3A_184, %ge3A : i32
      %convert_element_type3A = arith.extui %ge3A_186 : i1 to i32
      %cond3A = arith.constant 0 : i32
      %cond3A_187 = arith.cmpi ne, %convert_element_type3A, %cond3A : i32
      scf.if %cond3A_187 {
        %sub3A_232 = arith.constant 1 : i32
        %sub3A_233 = arith.subi %while3A_184, %sub3A_232 : i32
        %scan3A_234 = arith.constant 0 : i32
        %scan3A_235 = arith.constant 0 : i32
        %scan3A_236 = arith.constant 8 : i32
        %scan3A_237 = arith.addi %scan3A_235, %scan3A_236 : i32
        %scan3A_238 = arith.constant 1 : i32
        %scan3A_239 = scf.for %scan3A_241 = %scan3A_235 to %scan3A_237 step %scan3A_238 iter_args(%scan3A_242 = %scan3A_234) -> (i32)  : i32 {
          %rem3A_243 = arith.constant 2 : i32
          %rem3A_244 = arith.remsi %sub3A_233, %rem3A_243 : i32
          %rem3A_245 = arith.constant 4 : i32
          %rem3A_246 = arith.remsi %sub3A_233, %rem3A_245 : i32
          %dma_wait3A_247 = arith.constant 0 : i32
          %dma_wait3A_248 = arith.constant 0 : i32
          %dma_wait3A_249 = tpu.memref_slice %arg7[%rem3A_244, %scan3A_241, %dma_wait3A_247, %dma_wait3A_248] : memref<2x8x80x16xf32, #tpu.memory_space<vmem>> -> memref<1x1x80x16xf32, #tpu.memory_space<vmem>>
          %dma_wait3A_250 = tpu.memref_squeeze %dma_wait3A_249 : memref<1x1x80x16xf32, #tpu.memory_space<vmem>> -> memref<80x16xf32, #tpu.memory_space<vmem>>
          %dma_wait3A_251 = arith.constant 0 : i32
          %dma_wait3A_252 = tpu.memref_slice %arg6[%rem3A_246, %scan3A_241, %dma_wait3A_251] : memref<4x8x80xi32, #tpu.memory_space<vmem>> -> memref<1x1x80xi32, #tpu.memory_space<vmem>>
          %dma_wait3A_253 = tpu.memref_squeeze %dma_wait3A_252 : memref<1x1x80xi32, #tpu.memory_space<vmem>> -> memref<80xi32, #tpu.memory_space<vmem>>
          %dma_wait3A_254 = arith.constant 0 : i32
          %dma_wait3A_255 = arith.constant 0 : i32
          %dma_wait3A_256 = tpu.memref_slice %arg9[%dma_wait3A_254, %dma_wait3A_255] : memref<100000x16xf32, #tpu.memory_space<vmem_shared>> -> memref<100000x16xf32, #tpu.memory_space<vmem_shared>>
          %dma_wait3A_257 = tpu.memref_slice %arg13[%rem3A_244] : memref<2x!tpu.dma_semaphore, #tpu.memory_space<semaphore_mem>> -> memref<1x!tpu.dma_semaphore, #tpu.memory_space<semaphore_mem>>
          %dma_wait3A_258 = tpu.memref_squeeze %dma_wait3A_257 : memref<1x!tpu.dma_semaphore, #tpu.memory_space<semaphore_mem>> -> memref<!tpu.dma_semaphore, #tpu.memory_space<semaphore_mem>>
          tpu.wait_indirect_dma semaphore(%dma_wait3A_258 : memref<!tpu.dma_semaphore, #tpu.memory_space<semaphore_mem>>) src(%dma_wait3A_250 : memref<80x16xf32, #tpu.memory_space<vmem>>) dst(%dma_wait3A_256 : memref<100000x16xf32, #tpu.memory_space<vmem_shared>>)
          %scan3A_259 = arith.constant 0 : i32
          scf.yield %scan3A_259 : i32
        }
        %scan3A_240 = arith.constant 8 : i32
      } else {
      }
      %add3A_188 = arith.addi %add3A, %while3A_184 : i32
      %mul3A_189 = arith.constant 8 : i32
      %mul3A_190 = arith.muli %add3A_188, %mul3A_189 : i32
      %rem3A_191 = arith.constant 4 : i32
      %rem3A_192 = arith.remsi %while3A_184, %rem3A_191 : i32
      %rem3A_193 = arith.constant 4 : i32
      %rem3A_194 = arith.remsi %while3A_184, %rem3A_193 : i32
      %dma_wait3A_195 = arith.constant 1 : i32
      %dma_wait3A_196 = arith.constant 0 : i32
      %dma_wait3A_197 = arith.constant 0 : i32
      %dma_wait3A_198 = tpu.memref_slice %arg6[%rem3A_192, %dma_wait3A_196, %dma_wait3A_197] : memref<4x8x80xi32, #tpu.memory_space<vmem>> -> memref<1x8x80xi32, #tpu.memory_space<vmem>>
      %dma_wait3A_199 = tpu.memref_squeeze %dma_wait3A_198 : memref<1x8x80xi32, #tpu.memory_space<vmem>> -> memref<8x80xi32, #tpu.memory_space<vmem>>
      %dma_wait3A_200 = arith.constant 0 : i32
      %dma_wait3A_201 = tpu.memref_slice %arg3[%dma_wait3A_195, %mul3A_190, %dma_wait3A_200] : memref<2x20000x80xi32, #tpu.memory_space<hbm>> -> memref<1x8x80xi32, #tpu.memory_space<hbm>>
      %dma_wait3A_202 = tpu.memref_squeeze %dma_wait3A_201 : memref<1x8x80xi32, #tpu.memory_space<hbm>> -> memref<8x80xi32, #tpu.memory_space<hbm>>
      %dma_wait3A_203 = tpu.memref_slice %arg11[%rem3A_194] : memref<4x!tpu.dma_semaphore, #tpu.memory_space<semaphore_mem>> -> memref<1x!tpu.dma_semaphore, #tpu.memory_space<semaphore_mem>>
      %dma_wait3A_204 = tpu.memref_squeeze %dma_wait3A_203 : memref<1x!tpu.dma_semaphore, #tpu.memory_space<semaphore_mem>> -> memref<!tpu.dma_semaphore, #tpu.memory_space<semaphore_mem>>
      %dma_wait3A_205 = arith.constant 0 : i32
      %dma_wait3A_206 = arith.constant 0 : i32
      %dma_wait3A_207 = tpu.memref_slice %arg6[%rem3A_192, %dma_wait3A_205, %dma_wait3A_206] : memref<4x8x80xi32, #tpu.memory_space<vmem>> -> memref<1x8x80xi32, #tpu.memory_space<vmem>>
      %dma_wait3A_208 = tpu.memref_squeeze %dma_wait3A_207 : memref<1x8x80xi32, #tpu.memory_space<vmem>> -> memref<8x80xi32, #tpu.memory_space<vmem>>
      %dma_wait3A_209 = arith.constant 0 : i32
      %dma_wait3A_210 = tpu.memref_slice %arg3[%dma_wait3A_195, %mul3A_190, %dma_wait3A_209] : memref<2x20000x80xi32, #tpu.memory_space<hbm>> -> memref<1x8x80xi32, #tpu.memory_space<hbm>>
      %dma_wait3A_211 = tpu.memref_squeeze %dma_wait3A_210 : memref<1x8x80xi32, #tpu.memory_space<hbm>> -> memref<8x80xi32, #tpu.memory_space<hbm>>
      tpu.wait_dma2 semaphore(%dma_wait3A_204 : memref<!tpu.dma_semaphore, #tpu.memory_space<semaphore_mem>>) src(%dma_wait3A_211 : memref<8x80xi32, #tpu.memory_space<hbm>>) dst(%dma_wait3A_208 : memref<8x80xi32, #tpu.memory_space<vmem>>)
      %scan3A_212 = arith.constant 0 : i32
      %scan3A_213 = arith.constant 0 : i32
      %scan3A_214 = arith.constant 8 : i32
      %scan3A_215 = arith.addi %scan3A_213, %scan3A_214 : i32
      %scan3A_216 = arith.constant 1 : i32
      %scan3A_217 = scf.for %scan3A_232 = %scan3A_213 to %scan3A_215 step %scan3A_216 iter_args(%scan3A_233 = %scan3A_212) -> (i32)  : i32 {
        %rem3A_234 = arith.constant 2 : i32
        %rem3A_235 = arith.remsi %while3A_184, %rem3A_234 : i32
        %dma_wait3A_236 = arith.constant 0 : i32
        %dma_wait3A_237 = arith.constant 0 : i32
        %dma_wait3A_238 = tpu.memref_slice %arg7[%rem3A_235, %scan3A_232, %dma_wait3A_236, %dma_wait3A_237] : memref<2x8x80x16xf32, #tpu.memory_space<vmem>> -> memref<1x1x80x16xf32, #tpu.memory_space<vmem>>
        %dma_wait3A_239 = tpu.memref_squeeze %dma_wait3A_238 : memref<1x1x80x16xf32, #tpu.memory_space<vmem>> -> memref<80x16xf32, #tpu.memory_space<vmem>>
        %dma_wait3A_240 = arith.constant 0 : i32
        %dma_wait3A_241 = tpu.memref_slice %arg5[%rem3A_235, %scan3A_232, %dma_wait3A_240] : memref<2x8x80xi32, #tpu.memory_space<vmem>> -> memref<1x1x80xi32, #tpu.memory_space<vmem>>
        %dma_wait3A_242 = tpu.memref_squeeze %dma_wait3A_241 : memref<1x1x80xi32, #tpu.memory_space<vmem>> -> memref<80xi32, #tpu.memory_space<vmem>>
        %dma_wait3A_243 = arith.constant 0 : i32
        %dma_wait3A_244 = arith.constant 0 : i32
        %dma_wait3A_245 = tpu.memref_slice %arg2[%arg0, %dma_wait3A_243, %dma_wait3A_244] : memref<2x100000x16xf32, #tpu.memory_space<hbm>> -> memref<1x100000x16xf32, #tpu.memory_space<hbm>>
        %dma_wait3A_246 = tpu.memref_squeeze %dma_wait3A_245 : memref<1x100000x16xf32, #tpu.memory_space<hbm>> -> memref<100000x16xf32, #tpu.memory_space<hbm>>
        %dma_wait3A_247 = arith.constant 0 : i32
        %dma_wait3A_248 = arith.constant 0 : i32
        %dma_wait3A_249 = tpu.memref_slice %dma_wait3A_246[%dma_wait3A_247, %dma_wait3A_248] : memref<100000x16xf32, #tpu.memory_space<hbm>> -> memref<100000x16xf32, #tpu.memory_space<hbm>>
        %dma_wait3A_250 = tpu.memref_slice %arg12[%rem3A_235] : memref<2x!tpu.dma_semaphore, #tpu.memory_space<semaphore_mem>> -> memref<1x!tpu.dma_semaphore, #tpu.memory_space<semaphore_mem>>
        %dma_wait3A_251 = tpu.memref_squeeze %dma_wait3A_250 : memref<1x!tpu.dma_semaphore, #tpu.memory_space<semaphore_mem>> -> memref<!tpu.dma_semaphore, #tpu.memory_space<semaphore_mem>>
        tpu.wait_indirect_dma semaphore(%dma_wait3A_251 : memref<!tpu.dma_semaphore, #tpu.memory_space<semaphore_mem>>) src(%dma_wait3A_249 : memref<100000x16xf32, #tpu.memory_space<hbm>>) dst(%dma_wait3A_239 : memref<80x16xf32, #tpu.memory_space<vmem>>)
        %rem3A_252 = arith.constant 2 : i32
        %rem3A_253 = arith.remsi %while3A_184, %rem3A_252 : i32
        %rem3A_254 = arith.constant 4 : i32
        %rem3A_255 = arith.remsi %while3A_184, %rem3A_254 : i32
        %dma_start3A_256 = arith.constant 0 : i32
        %dma_start3A_257 = arith.constant 0 : i32
        %dma_start3A_258 = tpu.memref_slice %arg7[%rem3A_253, %scan3A_232, %dma_start3A_256, %dma_start3A_257] : memref<2x8x80x16xf32, #tpu.memory_space<vmem>> -> memref<1x1x80x16xf32, #tpu.memory_space<vmem>>
        %dma_start3A_259 = tpu.memref_squeeze %dma_start3A_258 : memref<1x1x80x16xf32, #tpu.memory_space<vmem>> -> memref<80x16xf32, #tpu.memory_space<vmem>>
        %dma_start3A_260 = arith.constant 0 : i32
        %dma_start3A_261 = tpu.memref_slice %arg6[%rem3A_255, %scan3A_232, %dma_start3A_260] : memref<4x8x80xi32, #tpu.memory_space<vmem>> -> memref<1x1x80xi32, #tpu.memory_space<vmem>>
        %dma_start3A_262 = tpu.memref_squeeze %dma_start3A_261 : memref<1x1x80xi32, #tpu.memory_space<vmem>> -> memref<80xi32, #tpu.memory_space<vmem>>
        %dma_start3A_263 = arith.constant 0 : i32
        %dma_start3A_264 = arith.constant 0 : i32
        %dma_start3A_265 = tpu.memref_slice %arg9[%dma_start3A_263, %dma_start3A_264] : memref<100000x16xf32, #tpu.memory_space<vmem_shared>> -> memref<100000x16xf32, #tpu.memory_space<vmem_shared>>
        %dma_start3A_266 = tpu.memref_slice %arg13[%rem3A_253] : memref<2x!tpu.dma_semaphore, #tpu.memory_space<semaphore_mem>> -> memref<1x!tpu.dma_semaphore, #tpu.memory_space<semaphore_mem>>
        %dma_start3A_267 = tpu.memref_squeeze %dma_start3A_266 : memref<1x!tpu.dma_semaphore, #tpu.memory_space<semaphore_mem>> -> memref<!tpu.dma_semaphore, #tpu.memory_space<semaphore_mem>>
        tpu.enqueue_indirect_dma source(%dma_start3A_259 : memref<80x16xf32, #tpu.memory_space<vmem>>) target(%dma_start3A_265 : memref<100000x16xf32, #tpu.memory_space<vmem_shared>>) offsets(%dma_start3A_262 : memref<80xi32, #tpu.memory_space<vmem>>) semaphore(%dma_start3A_267 : memref<!tpu.dma_semaphore, #tpu.memory_space<semaphore_mem>>) {add = true}
        %scan3A_268 = arith.constant 0 : i32
        scf.yield %scan3A_268 : i32
      }
      %scan3A_218 = arith.constant 8 : i32
      %add3A_219 = arith.constant 2 : i32
      %add3A_220 = arith.addi %while3A_184, %add3A_219 : i32
      %lt3A_221 = arith.cmpi slt, %add3A_220, %select_n3A : i32
      %convert_element_type3A_222 = arith.extui %lt3A_221 : i1 to i32
      %cond3A_223 = arith.constant 0 : i32
      %cond3A_224 = arith.cmpi ne, %convert_element_type3A_222, %cond3A_223 : i32
      scf.if %cond3A_224 {
        %add3A_232 = arith.constant 2 : i32
        %add3A_233 = arith.addi %while3A_184, %add3A_232 : i32
        %add3A_234 = arith.addi %add3A, %add3A_233 : i32
        %mul3A_235 = arith.constant 8 : i32
        %mul3A_236 = arith.muli %add3A_234, %mul3A_235 : i32
        %rem3A_237 = arith.constant 2 : i32
        %rem3A_238 = arith.remsi %add3A_233, %rem3A_237 : i32
        %rem3A_239 = arith.constant 2 : i32
        %rem3A_240 = arith.remsi %add3A_233, %rem3A_239 : i32
        %dma_start3A_241 = arith.constant 0 : i32
        %dma_start3A_242 = arith.constant 0 : i32
        %dma_start3A_243 = arith.constant 0 : i32
        %dma_start3A_244 = tpu.memref_slice %arg5[%rem3A_238, %dma_start3A_242, %dma_start3A_243] : memref<2x8x80xi32, #tpu.memory_space<vmem>> -> memref<1x8x80xi32, #tpu.memory_space<vmem>>
        %dma_start3A_245 = tpu.memref_squeeze %dma_start3A_244 : memref<1x8x80xi32, #tpu.memory_space<vmem>> -> memref<8x80xi32, #tpu.memory_space<vmem>>
        %dma_start3A_246 = arith.constant 0 : i32
        %dma_start3A_247 = tpu.memref_slice %arg3[%dma_start3A_241, %mul3A_236, %dma_start3A_246] : memref<2x20000x80xi32, #tpu.memory_space<hbm>> -> memref<1x8x80xi32, #tpu.memory_space<hbm>>
        %dma_start3A_248 = tpu.memref_squeeze %dma_start3A_247 : memref<1x8x80xi32, #tpu.memory_space<hbm>> -> memref<8x80xi32, #tpu.memory_space<hbm>>
        %dma_start3A_249 = tpu.memref_slice %arg10[%rem3A_240] : memref<2x!tpu.dma_semaphore, #tpu.memory_space<semaphore_mem>> -> memref<1x!tpu.dma_semaphore, #tpu.memory_space<semaphore_mem>>
        %dma_start3A_250 = tpu.memref_squeeze %dma_start3A_249 : memref<1x!tpu.dma_semaphore, #tpu.memory_space<semaphore_mem>> -> memref<!tpu.dma_semaphore, #tpu.memory_space<semaphore_mem>>
        %dma_start3A_251 = arith.constant 0 : i32
        %dma_start3A_252 = arith.constant 0 : i32
        %dma_start3A_253 = tpu.memref_slice %arg5[%rem3A_238, %dma_start3A_251, %dma_start3A_252] : memref<2x8x80xi32, #tpu.memory_space<vmem>> -> memref<1x8x80xi32, #tpu.memory_space<vmem>>
        %dma_start3A_254 = tpu.memref_squeeze %dma_start3A_253 : memref<1x8x80xi32, #tpu.memory_space<vmem>> -> memref<8x80xi32, #tpu.memory_space<vmem>>
        %dma_start3A_255 = arith.constant 0 : i32
        %dma_start3A_256 = tpu.memref_slice %arg3[%dma_start3A_241, %mul3A_236, %dma_start3A_255] : memref<2x20000x80xi32, #tpu.memory_space<hbm>> -> memref<1x8x80xi32, #tpu.memory_space<hbm>>
        %dma_start3A_257 = tpu.memref_squeeze %dma_start3A_256 : memref<1x8x80xi32, #tpu.memory_space<hbm>> -> memref<8x80xi32, #tpu.memory_space<hbm>>
        tpu.enqueue_dma source(%dma_start3A_257 : memref<8x80xi32, #tpu.memory_space<hbm>>) target(%dma_start3A_254 : memref<8x80xi32, #tpu.memory_space<vmem>>) target_semaphore(%dma_start3A_250 : memref<!tpu.dma_semaphore, #tpu.memory_space<semaphore_mem>>)
        %add3A_258 = arith.constant 2 : i32
        %add3A_259 = arith.addi %while3A_184, %add3A_258 : i32
        %add3A_260 = arith.addi %add3A, %add3A_259 : i32
        %mul3A_261 = arith.constant 8 : i32
        %mul3A_262 = arith.muli %add3A_260, %mul3A_261 : i32
        %rem3A_263 = arith.constant 4 : i32
        %rem3A_264 = arith.remsi %add3A_259, %rem3A_263 : i32
        %rem3A_265 = arith.constant 4 : i32
        %rem3A_266 = arith.remsi %add3A_259, %rem3A_265 : i32
        %dma_start3A_267 = arith.constant 1 : i32
        %dma_start3A_268 = arith.constant 0 : i32
        %dma_start3A_269 = arith.constant 0 : i32
        %dma_start3A_270 = tpu.memref_slice %arg6[%rem3A_264, %dma_start3A_268, %dma_start3A_269] : memref<4x8x80xi32, #tpu.memory_space<vmem>> -> memref<1x8x80xi32, #tpu.memory_space<vmem>>
        %dma_start3A_271 = tpu.memref_squeeze %dma_start3A_270 : memref<1x8x80xi32, #tpu.memory_space<vmem>> -> memref<8x80xi32, #tpu.memory_space<vmem>>
        %dma_start3A_272 = arith.constant 0 : i32
        %dma_start3A_273 = tpu.memref_slice %arg3[%dma_start3A_267, %mul3A_262, %dma_start3A_272] : memref<2x20000x80xi32, #tpu.memory_space<hbm>> -> memref<1x8x80xi32, #tpu.memory_space<hbm>>
        %dma_start3A_274 = tpu.memref_squeeze %dma_start3A_273 : memref<1x8x80xi32, #tpu.memory_space<hbm>> -> memref<8x80xi32, #tpu.memory_space<hbm>>
        %dma_start3A_275 = tpu.memref_slice %arg11[%rem3A_266] : memref<4x!tpu.dma_semaphore, #tpu.memory_space<semaphore_mem>> -> memref<1x!tpu.dma_semaphore, #tpu.memory_space<semaphore_mem>>
        %dma_start3A_276 = tpu.memref_squeeze %dma_start3A_275 : memref<1x!tpu.dma_semaphore, #tpu.memory_space<semaphore_mem>> -> memref<!tpu.dma_semaphore, #tpu.memory_space<semaphore_mem>>
        %dma_start3A_277 = arith.constant 0 : i32
        %dma_start3A_278 = arith.constant 0 : i32
        %dma_start3A_279 = tpu.memref_slice %arg6[%rem3A_264, %dma_start3A_277, %dma_start3A_278] : memref<4x8x80xi32, #tpu.memory_space<vmem>> -> memref<1x8x80xi32, #tpu.memory_space<vmem>>
        %dma_start3A_280 = tpu.memref_squeeze %dma_start3A_279 : memref<1x8x80xi32, #tpu.memory_space<vmem>> -> memref<8x80xi32, #tpu.memory_space<vmem>>
        %dma_start3A_281 = arith.constant 0 : i32
        %dma_start3A_282 = tpu.memref_slice %arg3[%dma_start3A_267, %mul3A_262, %dma_start3A_281] : memref<2x20000x80xi32, #tpu.memory_space<hbm>> -> memref<1x8x80xi32, #tpu.memory_space<hbm>>
        %dma_start3A_283 = tpu.memref_squeeze %dma_start3A_282 : memref<1x8x80xi32, #tpu.memory_space<hbm>> -> memref<8x80xi32, #tpu.memory_space<hbm>>
        tpu.enqueue_dma source(%dma_start3A_283 : memref<8x80xi32, #tpu.memory_space<hbm>>) target(%dma_start3A_280 : memref<8x80xi32, #tpu.memory_space<vmem>>) target_semaphore(%dma_start3A_276 : memref<!tpu.dma_semaphore, #tpu.memory_space<semaphore_mem>>)
      } else {
      }
      %add3A_225 = arith.constant 1 : i32
      %add3A_226 = arith.addi %while3A_184, %add3A_225 : i32
      %lt3A_227 = arith.cmpi slt, %add3A_226, %select_n3A : i32
      %convert_element_type3A_228 = arith.extui %lt3A_227 : i1 to i32
      %cond3A_229 = arith.constant 0 : i32
      %cond3A_230 = arith.cmpi ne, %convert_element_type3A_228, %cond3A_229 : i32
      scf.if %cond3A_230 {
        %add3A_232 = arith.constant 1 : i32
        %add3A_233 = arith.addi %while3A_184, %add3A_232 : i32
        %add3A_234 = arith.addi %add3A, %add3A_233 : i32
        %mul3A_235 = arith.constant 8 : i32
        %mul3A_236 = arith.muli %add3A_234, %mul3A_235 : i32
        %rem3A_237 = arith.constant 2 : i32
        %rem3A_238 = arith.remsi %add3A_233, %rem3A_237 : i32
        %rem3A_239 = arith.constant 2 : i32
        %rem3A_240 = arith.remsi %add3A_233, %rem3A_239 : i32
        %dma_wait3A_241 = arith.constant 0 : i32
        %dma_wait3A_242 = arith.constant 0 : i32
        %dma_wait3A_243 = arith.constant 0 : i32
        %dma_wait3A_244 = tpu.memref_slice %arg5[%rem3A_238, %dma_wait3A_242, %dma_wait3A_243] : memref<2x8x80xi32, #tpu.memory_space<vmem>> -> memref<1x8x80xi32, #tpu.memory_space<vmem>>
        %dma_wait3A_245 = tpu.memref_squeeze %dma_wait3A_244 : memref<1x8x80xi32, #tpu.memory_space<vmem>> -> memref<8x80xi32, #tpu.memory_space<vmem>>
        %dma_wait3A_246 = arith.constant 0 : i32
        %dma_wait3A_247 = tpu.memref_slice %arg3[%dma_wait3A_241, %mul3A_236, %dma_wait3A_246] : memref<2x20000x80xi32, #tpu.memory_space<hbm>> -> memref<1x8x80xi32, #tpu.memory_space<hbm>>
        %dma_wait3A_248 = tpu.memref_squeeze %dma_wait3A_247 : memref<1x8x80xi32, #tpu.memory_space<hbm>> -> memref<8x80xi32, #tpu.memory_space<hbm>>
        %dma_wait3A_249 = tpu.memref_slice %arg10[%rem3A_240] : memref<2x!tpu.dma_semaphore, #tpu.memory_space<semaphore_mem>> -> memref<1x!tpu.dma_semaphore, #tpu.memory_space<semaphore_mem>>
        %dma_wait3A_250 = tpu.memref_squeeze %dma_wait3A_249 : memref<1x!tpu.dma_semaphore, #tpu.memory_space<semaphore_mem>> -> memref<!tpu.dma_semaphore, #tpu.memory_space<semaphore_mem>>
        %dma_wait3A_251 = arith.constant 0 : i32
        %dma_wait3A_252 = arith.constant 0 : i32
        %dma_wait3A_253 = tpu.memref_slice %arg5[%rem3A_238, %dma_wait3A_251, %dma_wait3A_252] : memref<2x8x80xi32, #tpu.memory_space<vmem>> -> memref<1x8x80xi32, #tpu.memory_space<vmem>>
        %dma_wait3A_254 = tpu.memref_squeeze %dma_wait3A_253 : memref<1x8x80xi32, #tpu.memory_space<vmem>> -> memref<8x80xi32, #tpu.memory_space<vmem>>
        %dma_wait3A_255 = arith.constant 0 : i32
        %dma_wait3A_256 = tpu.memref_slice %arg3[%dma_wait3A_241, %mul3A_236, %dma_wait3A_255] : memref<2x20000x80xi32, #tpu.memory_space<hbm>> -> memref<1x8x80xi32, #tpu.memory_space<hbm>>
        %dma_wait3A_257 = tpu.memref_squeeze %dma_wait3A_256 : memref<1x8x80xi32, #tpu.memory_space<hbm>> -> memref<8x80xi32, #tpu.memory_space<hbm>>
        tpu.wait_dma2 semaphore(%dma_wait3A_250 : memref<!tpu.dma_semaphore, #tpu.memory_space<semaphore_mem>>) src(%dma_wait3A_257 : memref<8x80xi32, #tpu.memory_space<hbm>>) dst(%dma_wait3A_254 : memref<8x80xi32, #tpu.memory_space<vmem>>)
        %add3A_258 = arith.constant 1 : i32
        %add3A_259 = arith.addi %while3A_184, %add3A_258 : i32
        %scan3A_260 = arith.constant 0 : i32
        %scan3A_261 = arith.constant 0 : i32
        %scan3A_262 = arith.constant 8 : i32
        %scan3A_263 = arith.addi %scan3A_261, %scan3A_262 : i32
        %scan3A_264 = arith.constant 1 : i32
        %scan3A_265 = scf.for %scan3A_267 = %scan3A_261 to %scan3A_263 step %scan3A_264 iter_args(%scan3A_268 = %scan3A_260) -> (i32)  : i32 {
          %rem3A_269 = arith.constant 2 : i32
          %rem3A_270 = arith.remsi %add3A_259, %rem3A_269 : i32
          %dma_start3A_271 = arith.constant 0 : i32
          %dma_start3A_272 = arith.constant 0 : i32
          %dma_start3A_273 = tpu.memref_slice %arg7[%rem3A_270, %scan3A_267, %dma_start3A_271, %dma_start3A_272] : memref<2x8x80x16xf32, #tpu.memory_space<vmem>> -> memref<1x1x80x16xf32, #tpu.memory_space<vmem>>
          %dma_start3A_274 = tpu.memref_squeeze %dma_start3A_273 : memref<1x1x80x16xf32, #tpu.memory_space<vmem>> -> memref<80x16xf32, #tpu.memory_space<vmem>>
          %dma_start3A_275 = arith.constant 0 : i32
          %dma_start3A_276 = tpu.memref_slice %arg5[%rem3A_270, %scan3A_267, %dma_start3A_275] : memref<2x8x80xi32, #tpu.memory_space<vmem>> -> memref<1x1x80xi32, #tpu.memory_space<vmem>>
          %dma_start3A_277 = tpu.memref_squeeze %dma_start3A_276 : memref<1x1x80xi32, #tpu.memory_space<vmem>> -> memref<80xi32, #tpu.memory_space<vmem>>
          %dma_start3A_278 = arith.constant 0 : i32
          %dma_start3A_279 = arith.constant 0 : i32
          %dma_start3A_280 = tpu.memref_slice %arg2[%arg0, %dma_start3A_278, %dma_start3A_279] : memref<2x100000x16xf32, #tpu.memory_space<hbm>> -> memref<1x100000x16xf32, #tpu.memory_space<hbm>>
          %dma_start3A_281 = tpu.memref_squeeze %dma_start3A_280 : memref<1x100000x16xf32, #tpu.memory_space<hbm>> -> memref<100000x16xf32, #tpu.memory_space<hbm>>
          %dma_start3A_282 = arith.constant 0 : i32
          %dma_start3A_283 = arith.constant 0 : i32
          %dma_start3A_284 = tpu.memref_slice %dma_start3A_281[%dma_start3A_282, %dma_start3A_283] : memref<100000x16xf32, #tpu.memory_space<hbm>> -> memref<100000x16xf32, #tpu.memory_space<hbm>>
          %dma_start3A_285 = tpu.memref_slice %arg12[%rem3A_270] : memref<2x!tpu.dma_semaphore, #tpu.memory_space<semaphore_mem>> -> memref<1x!tpu.dma_semaphore, #tpu.memory_space<semaphore_mem>>
          %dma_start3A_286 = tpu.memref_squeeze %dma_start3A_285 : memref<1x!tpu.dma_semaphore, #tpu.memory_space<semaphore_mem>> -> memref<!tpu.dma_semaphore, #tpu.memory_space<semaphore_mem>>
          tpu.enqueue_indirect_dma source(%dma_start3A_284 : memref<100000x16xf32, #tpu.memory_space<hbm>>) target(%dma_start3A_274 : memref<80x16xf32, #tpu.memory_space<vmem>>) offsets(%dma_start3A_277 : memref<80xi32, #tpu.memory_space<vmem>>) semaphore(%dma_start3A_286 : memref<!tpu.dma_semaphore, #tpu.memory_space<semaphore_mem>>)
          %scan3A_287 = arith.constant 0 : i32
          scf.yield %scan3A_287 : i32
        }
        %scan3A_266 = arith.constant 8 : i32
      } else {
      }
      %while3A_231 = arith.constant 0 : i32
      scf.yield %while3A_231 : i32
    }
    %sub3A = arith.constant 1 : i32
    %sub3A_168 = arith.subi %select_n3A, %sub3A : i32
    %scan3A_169 = arith.constant 0 : i32
    %scan3A_170 = arith.constant 0 : i32
    %scan3A_171 = arith.constant 8 : i32
    %scan3A_172 = arith.addi %scan3A_170, %scan3A_171 : i32
    %scan3A_173 = arith.constant 1 : i32
    %scan3A_174 = scf.for %scan3A_184 = %scan3A_170 to %scan3A_172 step %scan3A_173 iter_args(%scan3A_185 = %scan3A_169) -> (i32)  : i32 {
      %rem3A_186 = arith.constant 2 : i32
      %rem3A_187 = arith.remsi %sub3A_168, %rem3A_186 : i32
      %rem3A_188 = arith.constant 4 : i32
      %rem3A_189 = arith.remsi %sub3A_168, %rem3A_188 : i32
      %dma_wait3A_190 = arith.constant 0 : i32
      %dma_wait3A_191 = arith.constant 0 : i32
      %dma_wait3A_192 = tpu.memref_slice %arg7[%rem3A_187, %scan3A_184, %dma_wait3A_190, %dma_wait3A_191] : memref<2x8x80x16xf32, #tpu.memory_space<vmem>> -> memref<1x1x80x16xf32, #tpu.memory_space<vmem>>
      %dma_wait3A_193 = tpu.memref_squeeze %dma_wait3A_192 : memref<1x1x80x16xf32, #tpu.memory_space<vmem>> -> memref<80x16xf32, #tpu.memory_space<vmem>>
      %dma_wait3A_194 = arith.constant 0 : i32
      %dma_wait3A_195 = tpu.memref_slice %arg6[%rem3A_189, %scan3A_184, %dma_wait3A_194] : memref<4x8x80xi32, #tpu.memory_space<vmem>> -> memref<1x1x80xi32, #tpu.memory_space<vmem>>
      %dma_wait3A_196 = tpu.memref_squeeze %dma_wait3A_195 : memref<1x1x80xi32, #tpu.memory_space<vmem>> -> memref<80xi32, #tpu.memory_space<vmem>>
      %dma_wait3A_197 = arith.constant 0 : i32
      %dma_wait3A_198 = arith.constant 0 : i32
      %dma_wait3A_199 = tpu.memref_slice %arg9[%dma_wait3A_197, %dma_wait3A_198] : memref<100000x16xf32, #tpu.memory_space<vmem_shared>> -> memref<100000x16xf32, #tpu.memory_space<vmem_shared>>
      %dma_wait3A_200 = tpu.memref_slice %arg13[%rem3A_187] : memref<2x!tpu.dma_semaphore, #tpu.memory_space<semaphore_mem>> -> memref<1x!tpu.dma_semaphore, #tpu.memory_space<semaphore_mem>>
      %dma_wait3A_201 = tpu.memref_squeeze %dma_wait3A_200 : memref<1x!tpu.dma_semaphore, #tpu.memory_space<semaphore_mem>> -> memref<!tpu.dma_semaphore, #tpu.memory_space<semaphore_mem>>
      tpu.wait_indirect_dma semaphore(%dma_wait3A_201 : memref<!tpu.dma_semaphore, #tpu.memory_space<semaphore_mem>>) src(%dma_wait3A_193 : memref<80x16xf32, #tpu.memory_space<vmem>>) dst(%dma_wait3A_199 : memref<100000x16xf32, #tpu.memory_space<vmem_shared>>)
      %scan3A_202 = arith.constant 0 : i32
      scf.yield %scan3A_202 : i32
    }
    %scan3A_175 = arith.constant 8 : i32
    %barrier3A_176 = arith.constant 0 : index
    tpu.barrier barrier_id(%barrier3A_176)
    %scan3A_177 = arith.constant 0 : i32
    %scan3A_178 = arith.constant 0 : i32
    %scan3A_179 = arith.constant 16 : i32
    %scan3A_180 = arith.addi %scan3A_178, %scan3A_179 : i32
    %scan3A_181 = arith.constant 1 : i32
    %scan3A_182 = scf.for %scan3A_184 = %scan3A_178 to %scan3A_180 step %scan3A_181 iter_args(%scan3A_185 = %scan3A_177) -> (i32)  : i32 {
      %mul3A_186 = arith.constant 16 : i32
      %mul3A_187 = arith.muli %mul3A_186, %scan3A_184 : i32
      %add3A_188 = arith.addi %arg1, %mul3A_187 : i32
      %lt3A_189 = arith.constant 250 : i32
      %lt3A_190 = arith.cmpi slt, %add3A_188, %lt3A_189 : i32
      %convert_element_type3A = arith.extui %lt3A_190 : i1 to i32
      %cond3A = arith.constant 0 : i32
      %cond3A_191 = arith.cmpi ne, %convert_element_type3A, %cond3A : i32
      scf.if %cond3A_191 {
        %mul3A_193 = arith.constant 400 : i32
        %mul3A_194 = arith.muli %add3A_188, %mul3A_193 : i32
        %mul3A_195 = arith.constant 400 : i32
        %mul3A_196 = arith.muli %add3A_188, %mul3A_195 : i32
        "tpu.region"() ({
          %run_scoped3A = tpu.sem_alloc : memref<!tpu.dma_semaphore, #tpu.memory_space<semaphore_mem>>
          %dma_start3A_197 = arith.constant 0 : i32
          %dma_start3A_198 = tpu.memref_slice %arg4[%arg0, %mul3A_196, %dma_start3A_197] : memref<2x100000x16xf32, #tpu.memory_space<hbm>> -> memref<1x400x16xf32, #tpu.memory_space<hbm>>
          %dma_start3A_199 = tpu.memref_squeeze %dma_start3A_198 : memref<1x400x16xf32, #tpu.memory_space<hbm>> -> memref<400x16xf32, #tpu.memory_space<hbm>>
          %dma_start3A_200 = arith.constant 0 : i32
          %dma_start3A_201 = tpu.memref_slice %arg9[%mul3A_194, %dma_start3A_200] : memref<100000x16xf32, #tpu.memory_space<vmem_shared>> -> memref<400x16xf32, #tpu.memory_space<vmem_shared>>
          tpu.enqueue_dma source(%dma_start3A_201 : memref<400x16xf32, #tpu.memory_space<vmem_shared>>) target(%dma_start3A_199 : memref<400x16xf32, #tpu.memory_space<hbm>>) target_semaphore(%run_scoped3A : memref<!tpu.dma_semaphore, #tpu.memory_space<semaphore_mem>>)
          %dma_wait3A_202 = arith.constant 0 : i32
          %dma_wait3A_203 = tpu.memref_slice %arg4[%arg0, %mul3A_196, %dma_wait3A_202] : memref<2x100000x16xf32, #tpu.memory_space<hbm>> -> memref<1x400x16xf32, #tpu.memory_space<hbm>>
          %dma_wait3A_204 = tpu.memref_squeeze %dma_wait3A_203 : memref<1x400x16xf32, #tpu.memory_space<hbm>> -> memref<400x16xf32, #tpu.memory_space<hbm>>
          %dma_wait3A_205 = arith.constant 0 : i32
          %dma_wait3A_206 = tpu.memref_slice %arg9[%mul3A_194, %dma_wait3A_205] : memref<100000x16xf32, #tpu.memory_space<vmem_shared>> -> memref<400x16xf32, #tpu.memory_space<vmem_shared>>
          tpu.wait_dma2 semaphore(%run_scoped3A : memref<!tpu.dma_semaphore, #tpu.memory_space<semaphore_mem>>) src(%dma_wait3A_206 : memref<400x16xf32, #tpu.memory_space<vmem_shared>>) dst(%dma_wait3A_204 : memref<400x16xf32, #tpu.memory_space<hbm>>)
          tpu.yield
        }) : () -> ()
      } else {
      }
      %scan3A_192 = arith.constant 0 : i32
      scf.yield %scan3A_192 : i32
    }
    %scan3A_183 = arith.constant 16 : i32
    return
  }
}

#map = affine_map<(d0, d1) -> (0, 0, 0)>
#map1 = affine_map<(d0, d1) -> (0, 0)>
module attributes {stable_mosaic.version = 14 : i64} {
  func.func @_deg_kernel(%arg0: i32, %arg1: i32, %arg2: memref<2x20000x80xi32, #tpu.memory_space<hbm>>, %arg3: memref<2x100000xf32, #tpu.memory_space<hbm>>, %arg4: memref<8x80xi32, #tpu.memory_space<vmem>>, %arg5: memref<80xf32, #tpu.memory_space<vmem>>, %arg6: memref<400xf32, #tpu.memory_space<vmem>>, %arg7: memref<100000xf32, #tpu.memory_space<vmem_shared>>) attributes {dimension_semantics = [#tpu.dimension_semantics<core_parallel>, #tpu.dimension_semantics<subcore_parallel>], iteration_bounds = array<i64: 2, 16>, scalar_prefetch = 0 : i64, scratch_operands = 4 : i64, tpu.core_type = #tpu.core_type<sc_vector_subcore>, window_params = [{transform_indices = #map}, {transform_indices = #map1}]} {
    %broadcast_in_dim3A = arith.constant 0.000000e+00 : f32
    %broadcast_in_dim3A_0 = vector.broadcast %broadcast_in_dim3A : f32 to vector<16xf32>
    %scan3A = arith.constant 0 : i32
    %scan3A_1 = arith.constant 0 : i32
    %scan3A_2 = arith.constant 25 : i32
    %scan3A_3 = arith.addi %scan3A_1, %scan3A_2 : i32
    %scan3A_4 = arith.constant 1 : i32
    %scan3A_5 = scf.for %scan3A_33 = %scan3A_1 to %scan3A_3 step %scan3A_4 iter_args(%scan3A_34 = %scan3A) -> (i32)  : i32 {
      %mul3A = arith.constant 16 : i32
      %mul3A_35 = arith.muli %scan3A_33, %mul3A : i32
      %swap3A = arith.index_cast %mul3A_35 : i32 to index
      %swap3A_36 = tpu.vector_load %arg6[%swap3A] {strides = array<i32>} : memref<400xf32, #tpu.memory_space<vmem>>, vector<16xf32>,
      %swap3A_37 = vector.shape_cast %swap3A_36 : vector<16xf32> to vector<16xf32>
      %swap3A_38 = vector.shape_cast %broadcast_in_dim3A_0 : vector<16xf32> to vector<16xf32>
      tpu.vector_store %arg6[%swap3A], %swap3A_38 {strides = array<i32>} : memref<400xf32, #tpu.memory_space<vmem>>, vector<16xf32>,
      %scan3A_39 = arith.constant 0 : i32
      scf.yield %scan3A_39 : i32
    }
    %scan3A_6 = arith.constant 25 : i32
    %broadcast_in_dim3A_7 = arith.constant 1.000000e+00 : f32
    %broadcast_in_dim3A_8 = vector.broadcast %broadcast_in_dim3A_7 : f32 to vector<16xf32>
    %scan3A_9 = arith.constant 0 : i32
    %scan3A_10 = arith.constant 0 : i32
    %scan3A_11 = arith.constant 5 : i32
    %scan3A_12 = arith.addi %scan3A_10, %scan3A_11 : i32
    %scan3A_13 = arith.constant 1 : i32
    %scan3A_14 = scf.for %scan3A_33 = %scan3A_10 to %scan3A_12 step %scan3A_13 iter_args(%scan3A_34 = %scan3A_9) -> (i32)  : i32 {
      %mul3A = arith.constant 16 : i32
      %mul3A_35 = arith.muli %scan3A_33, %mul3A : i32
      %swap3A = arith.index_cast %mul3A_35 : i32 to index
      %swap3A_36 = tpu.vector_load %arg5[%swap3A] {strides = array<i32>} : memref<80xf32, #tpu.memory_space<vmem>>, vector<16xf32>,
      %swap3A_37 = vector.shape_cast %swap3A_36 : vector<16xf32> to vector<16xf32>
      %swap3A_38 = vector.shape_cast %broadcast_in_dim3A_8 : vector<16xf32> to vector<16xf32>
      tpu.vector_store %arg5[%swap3A], %swap3A_38 {strides = array<i32>} : memref<80xf32, #tpu.memory_space<vmem>>, vector<16xf32>,
      %scan3A_39 = arith.constant 0 : i32
      scf.yield %scan3A_39 : i32
    }
    %scan3A_15 = arith.constant 5 : i32
    %scan3A_16 = arith.constant 0 : i32
    %scan3A_17 = arith.constant 0 : i32
    %scan3A_18 = arith.constant 16 : i32
    %scan3A_19 = arith.addi %scan3A_17, %scan3A_18 : i32
    %scan3A_20 = arith.constant 1 : i32
    %scan3A_21 = scf.for %scan3A_33 = %scan3A_17 to %scan3A_19 step %scan3A_20 iter_args(%scan3A_34 = %scan3A_16) -> (i32)  : i32 {
      %mul3A = arith.constant 16 : i32
      %mul3A_35 = arith.muli %mul3A, %scan3A_33 : i32
      %add3A = arith.addi %arg1, %mul3A_35 : i32
      %lt3A = arith.constant 250 : i32
      %lt3A_36 = arith.cmpi slt, %add3A, %lt3A : i32
      %convert_element_type3A_37 = arith.extui %lt3A_36 : i1 to i32
      %cond3A_38 = arith.constant 0 : i32
      %cond3A_39 = arith.cmpi ne, %convert_element_type3A_37, %cond3A_38 : i32
      scf.if %cond3A_39 {
        %mul3A_41 = arith.constant 400 : i32
        %mul3A_42 = arith.muli %add3A, %mul3A_41 : i32
        "tpu.region"() ({
          %run_scoped3A = tpu.sem_alloc : memref<!tpu.dma_semaphore, #tpu.memory_space<semaphore_mem>>
          %dma_start3A = tpu.memref_slice %arg7[%mul3A_42] : memref<100000xf32, #tpu.memory_space<vmem_shared>> -> memref<400xf32, #tpu.memory_space<vmem_shared>>
          %dma_start3A_43 = tpu.memref_slice %arg7[%mul3A_42] : memref<100000xf32, #tpu.memory_space<vmem_shared>> -> memref<400xf32, #tpu.memory_space<vmem_shared>>
          tpu.enqueue_dma source(%arg6 : memref<400xf32, #tpu.memory_space<vmem>>) target(%dma_start3A_43 : memref<400xf32, #tpu.memory_space<vmem_shared>>) target_semaphore(%run_scoped3A : memref<!tpu.dma_semaphore, #tpu.memory_space<semaphore_mem>>)
          %dma_wait3A = tpu.memref_slice %arg7[%mul3A_42] : memref<100000xf32, #tpu.memory_space<vmem_shared>> -> memref<400xf32, #tpu.memory_space<vmem_shared>>
          %dma_wait3A_44 = tpu.memref_slice %arg7[%mul3A_42] : memref<100000xf32, #tpu.memory_space<vmem_shared>> -> memref<400xf32, #tpu.memory_space<vmem_shared>>
          tpu.wait_dma2 semaphore(%run_scoped3A : memref<!tpu.dma_semaphore, #tpu.memory_space<semaphore_mem>>) src(%arg6 : memref<400xf32, #tpu.memory_space<vmem>>) dst(%dma_wait3A_44 : memref<400xf32, #tpu.memory_space<vmem_shared>>)
          tpu.yield
        }) : () -> ()
      } else {
      }
      %scan3A_40 = arith.constant 0 : i32
      scf.yield %scan3A_40 : i32
    }
    %scan3A_22 = arith.constant 16 : i32
    %barrier3A = arith.constant 0 : index
    tpu.barrier barrier_id(%barrier3A)
    %scan3A_23 = arith.constant 0 : i32
    %scan3A_24 = arith.constant 0 : i32
    %scan3A_25 = arith.constant 79 : i32
    %scan3A_26 = arith.addi %scan3A_24, %scan3A_25 : i32
    %scan3A_27 = arith.constant 1 : i32
    %scan3A_28 = scf.for %scan3A_33 = %scan3A_24 to %scan3A_26 step %scan3A_27 iter_args(%scan3A_34 = %scan3A_23) -> (i32)  : i32 {
      %mul3A = arith.constant 16 : i32
      %mul3A_35 = arith.muli %mul3A, %scan3A_33 : i32
      %add3A = arith.addi %arg1, %mul3A_35 : i32
      %lt3A = arith.constant 1250 : i32
      %lt3A_36 = arith.cmpi slt, %add3A, %lt3A : i32
      %convert_element_type3A_37 = arith.extui %lt3A_36 : i1 to i32
      %cond3A_38 = arith.constant 0 : i32
      %cond3A_39 = arith.cmpi ne, %convert_element_type3A_37, %cond3A_38 : i32
      scf.if %cond3A_39 {
        %mul3A_41 = arith.constant 1250 : i32
        %mul3A_42 = arith.muli %arg0, %mul3A_41 : i32
        %add3A_43 = arith.addi %mul3A_42, %add3A : i32
        %mul3A_44 = arith.constant 8 : i32
        %mul3A_45 = arith.muli %add3A_43, %mul3A_44 : i32
        %run_scoped3A = arith.constant 1 : i32
        "tpu.region"() ({
          %run_scoped3A_53 = tpu.sem_alloc : memref<!tpu.dma_semaphore, #tpu.memory_space<semaphore_mem>>
          %dma_start3A = arith.constant 0 : i32
          %dma_start3A_54 = tpu.memref_slice %arg2[%run_scoped3A, %mul3A_45, %dma_start3A] : memref<2x20000x80xi32, #tpu.memory_space<hbm>> -> memref<1x8x80xi32, #tpu.memory_space<hbm>>
          %dma_start3A_55 = tpu.memref_squeeze %dma_start3A_54 : memref<1x8x80xi32, #tpu.memory_space<hbm>> -> memref<8x80xi32, #tpu.memory_space<hbm>>
          %dma_start3A_56 = arith.constant 0 : i32
          %dma_start3A_57 = tpu.memref_slice %arg2[%run_scoped3A, %mul3A_45, %dma_start3A_56] : memref<2x20000x80xi32, #tpu.memory_space<hbm>> -> memref<1x8x80xi32, #tpu.memory_space<hbm>>
          %dma_start3A_58 = tpu.memref_squeeze %dma_start3A_57 : memref<1x8x80xi32, #tpu.memory_space<hbm>> -> memref<8x80xi32, #tpu.memory_space<hbm>>
          tpu.enqueue_dma source(%dma_start3A_58 : memref<8x80xi32, #tpu.memory_space<hbm>>) target(%arg4 : memref<8x80xi32, #tpu.memory_space<vmem>>) target_semaphore(%run_scoped3A_53 : memref<!tpu.dma_semaphore, #tpu.memory_space<semaphore_mem>>)
          %dma_wait3A = arith.constant 0 : i32
          %dma_wait3A_59 = tpu.memref_slice %arg2[%run_scoped3A, %mul3A_45, %dma_wait3A] : memref<2x20000x80xi32, #tpu.memory_space<hbm>> -> memref<1x8x80xi32, #tpu.memory_space<hbm>>
          %dma_wait3A_60 = tpu.memref_squeeze %dma_wait3A_59 : memref<1x8x80xi32, #tpu.memory_space<hbm>> -> memref<8x80xi32, #tpu.memory_space<hbm>>
          %dma_wait3A_61 = arith.constant 0 : i32
          %dma_wait3A_62 = tpu.memref_slice %arg2[%run_scoped3A, %mul3A_45, %dma_wait3A_61] : memref<2x20000x80xi32, #tpu.memory_space<hbm>> -> memref<1x8x80xi32, #tpu.memory_space<hbm>>
          %dma_wait3A_63 = tpu.memref_squeeze %dma_wait3A_62 : memref<1x8x80xi32, #tpu.memory_space<hbm>> -> memref<8x80xi32, #tpu.memory_space<hbm>>
          tpu.wait_dma2 semaphore(%run_scoped3A_53 : memref<!tpu.dma_semaphore, #tpu.memory_space<semaphore_mem>>) src(%dma_wait3A_63 : memref<8x80xi32, #tpu.memory_space<hbm>>) dst(%arg4 : memref<8x80xi32, #tpu.memory_space<vmem>>)
          tpu.yield
        }) : () -> ()
        %scan3A_46 = arith.constant 0 : i32
        %scan3A_47 = arith.constant 0 : i32
        %scan3A_48 = arith.constant 8 : i32
        %scan3A_49 = arith.addi %scan3A_47, %scan3A_48 : i32
        %scan3A_50 = arith.constant 1 : i32
        %scan3A_51 = scf.for %scan3A_53 = %scan3A_47 to %scan3A_49 step %scan3A_50 iter_args(%scan3A_54 = %scan3A_46) -> (i32)  : i32 {
          "tpu.region"() ({
            %run_scoped3A_56 = tpu.sem_alloc : memref<!tpu.dma_semaphore, #tpu.memory_space<semaphore_mem>>
            %dma_start3A = arith.constant 0 : i32
            %dma_start3A_57 = tpu.memref_slice %arg4[%scan3A_53, %dma_start3A] : memref<8x80xi32, #tpu.memory_space<vmem>> -> memref<1x80xi32, #tpu.memory_space<vmem>>
            %dma_start3A_58 = tpu.memref_squeeze %dma_start3A_57 : memref<1x80xi32, #tpu.memory_space<vmem>> -> memref<80xi32, #tpu.memory_space<vmem>>
            %dma_start3A_59 = arith.constant 0 : i32
            %dma_start3A_60 = tpu.memref_slice %arg7[%dma_start3A_59] : memref<100000xf32, #tpu.memory_space<vmem_shared>> -> memref<100000xf32, #tpu.memory_space<vmem_shared>>
            tpu.enqueue_indirect_dma source(%arg5 : memref<80xf32, #tpu.memory_space<vmem>>) target(%dma_start3A_60 : memref<100000xf32, #tpu.memory_space<vmem_shared>>) offsets(%dma_start3A_58 : memref<80xi32, #tpu.memory_space<vmem>>) semaphore(%run_scoped3A_56 : memref<!tpu.dma_semaphore, #tpu.memory_space<semaphore_mem>>) {add = true}
            %dma_wait3A = arith.constant 0 : i32
            %dma_wait3A_61 = tpu.memref_slice %arg4[%scan3A_53, %dma_wait3A] : memref<8x80xi32, #tpu.memory_space<vmem>> -> memref<1x80xi32, #tpu.memory_space<vmem>>
            %dma_wait3A_62 = tpu.memref_squeeze %dma_wait3A_61 : memref<1x80xi32, #tpu.memory_space<vmem>> -> memref<80xi32, #tpu.memory_space<vmem>>
            %dma_wait3A_63 = arith.constant 0 : i32
            %dma_wait3A_64 = tpu.memref_slice %arg7[%dma_wait3A_63] : memref<100000xf32, #tpu.memory_space<vmem_shared>> -> memref<100000xf32, #tpu.memory_space<vmem_shared>>
            tpu.wait_indirect_dma semaphore(%run_scoped3A_56 : memref<!tpu.dma_semaphore, #tpu.memory_space<semaphore_mem>>) src(%arg5 : memref<80xf32, #tpu.memory_space<vmem>>) dst(%dma_wait3A_64 : memref<100000xf32, #tpu.memory_space<vmem_shared>>)
            tpu.yield
          }) : () -> ()
          %scan3A_55 = arith.constant 0 : i32
          scf.yield %scan3A_55 : i32
        }
        %scan3A_52 = arith.constant 8 : i32
      } else {
      }
      %scan3A_40 = arith.constant 0 : i32
      scf.yield %scan3A_40 : i32
    }
    %scan3A_29 = arith.constant 79 : i32
    %barrier3A_30 = arith.constant 0 : index
    tpu.barrier barrier_id(%barrier3A_30)
    %eq3A = arith.constant 0 : i32
    %eq3A_31 = arith.cmpi eq, %arg1, %eq3A : i32
    %convert_element_type3A = arith.extui %eq3A_31 : i1 to i32
    %cond3A = arith.constant 0 : i32
    %cond3A_32 = arith.cmpi ne, %convert_element_type3A, %cond3A : i32
    scf.if %cond3A_32 {
      "tpu.region"() ({
        %run_scoped3A = tpu.sem_alloc : memref<!tpu.dma_semaphore, #tpu.memory_space<semaphore_mem>>
        %dma_start3A = arith.constant 0 : i32
        %dma_start3A_33 = tpu.memref_slice %arg3[%arg0, %dma_start3A] : memref<2x100000xf32, #tpu.memory_space<hbm>> -> memref<1x100000xf32, #tpu.memory_space<hbm>>
        %dma_start3A_34 = tpu.memref_squeeze %dma_start3A_33 : memref<1x100000xf32, #tpu.memory_space<hbm>> -> memref<100000xf32, #tpu.memory_space<hbm>>
        tpu.enqueue_dma source(%arg7 : memref<100000xf32, #tpu.memory_space<vmem_shared>>) target(%dma_start3A_34 : memref<100000xf32, #tpu.memory_space<hbm>>) target_semaphore(%run_scoped3A : memref<!tpu.dma_semaphore, #tpu.memory_space<semaphore_mem>>)
        %dma_wait3A = arith.constant 0 : i32
        %dma_wait3A_35 = tpu.memref_slice %arg3[%arg0, %dma_wait3A] : memref<2x100000xf32, #tpu.memory_space<hbm>> -> memref<1x100000xf32, #tpu.memory_space<hbm>>
        %dma_wait3A_36 = tpu.memref_squeeze %dma_wait3A_35 : memref<1x100000xf32, #tpu.memory_space<hbm>> -> memref<100000xf32, #tpu.memory_space<hbm>>
        tpu.wait_dma2 semaphore(%run_scoped3A : memref<!tpu.dma_semaphore, #tpu.memory_space<semaphore_mem>>) src(%arg7 : memref<100000xf32, #tpu.memory_space<vmem_shared>>) dst(%dma_wait3A_36 : memref<100000xf32, #tpu.memory_space<hbm>>)
        tpu.yield
      }) : () -> ()
    } else {
    }
    return
  }
}

#map = affine_map<(d0, d1) -> (0, 0, 0)>
module attributes {stable_mosaic.version = 14 : i64} {
  func.func @_mp_kernel(%arg0: i32, %arg1: i32, %arg2: memref<2x100000x16xf32, #tpu.memory_space<hbm>>, %arg3: memref<2x20000x80xi32, #tpu.memory_space<hbm>>, %arg4: memref<2x100000x16xf32, #tpu.memory_space<hbm>>, %arg5: memref<2x8x80xi32, #tpu.memory_space<vmem>>, %arg6: memref<4x8x80xi32, #tpu.memory_space<vmem>>, %arg7: memref<2x8x80x16xf32, #tpu.memory_space<vmem>>, %arg8: memref<400x16xf32, #tpu.memory_space<vmem>>, %arg9: memref<100000x16xf32, #tpu.memory_space<vmem_shared>>, %arg10: memref<2x!tpu.dma_semaphore, #tpu.memory_space<semaphore_mem>>, %arg11: memref<4x!tpu.dma_semaphore, #tpu.memory_space<semaphore_mem>>, %arg12: memref<2x!tpu.dma_semaphore, #tpu.memory_space<semaphore_mem>>, %arg13: memref<2x!tpu.dma_semaphore, #tpu.memory_space<semaphore_mem>>) attributes {dimension_semantics = [#tpu.dimension_semantics<core_parallel>, #tpu.dimension_semantics<subcore_parallel>], iteration_bounds = array<i64: 2, 16>, scalar_prefetch = 0 : i64, scratch_operands = 9 : i64, tpu.core_type = #tpu.core_type<sc_vector_subcore>, window_params = [{transform_indices = #map}, {transform_indices = #map}, {transform_indices = #map}]} {
    %broadcast_in_dim3A = arith.constant 0.000000e+00 : f32
    %broadcast_in_dim3A_0 = vector.broadcast %broadcast_in_dim3A : f32 to vector<16xf32>
    %scan3A = arith.constant 0 : i32
    %scan3A_1 = arith.constant 0 : i32
    %scan3A_2 = arith.constant 400 : i32
    %scan3A_3 = arith.addi %scan3A_1, %scan3A_2 : i32
    %scan3A_4 = arith.constant 1 : i32
    %scan3A_5 = scf.for %scan3A_184 = %scan3A_1 to %scan3A_3 step %scan3A_4 iter_args(%scan3A_185 = %scan3A) -> (i32)  : i32 {
      %swap3A = arith.index_cast %scan3A_184 : i32 to index
      %swap3A_186 = arith.constant 0 : index
      %swap3A_187 = tpu.vector_load %arg8[%swap3A, %swap3A_186] {strides = array<i32>} : memref<400x16xf32, #tpu.memory_space<vmem>>, vector<1x16xf32>,
      %swap3A_188 = vector.shape_cast %swap3A_187 : vector<1x16xf32> to vector<16xf32>
      %swap3A_189 = vector.shape_cast %broadcast_in_dim3A_0 : vector<16xf32> to vector<1x16xf32>
      tpu.vector_store %arg8[%swap3A, %swap3A_186], %swap3A_189 {strides = array<i32>} : memref<400x16xf32, #tpu.memory_space<vmem>>, vector<1x16xf32>,
      %scan3A_190 = arith.constant 0 : i32
      scf.yield %scan3A_190 : i32
    }
    %scan3A_6 = arith.constant 400 : i32
    %scan3A_7 = arith.constant 0 : i32
    %scan3A_8 = arith.constant 0 : i32
    %scan3A_9 = arith.constant 16 : i32
    %scan3A_10 = arith.addi %scan3A_8, %scan3A_9 : i32
    %scan3A_11 = arith.constant 1 : i32
    %scan3A_12 = scf.for %scan3A_184 = %scan3A_8 to %scan3A_10 step %scan3A_11 iter_args(%scan3A_185 = %scan3A_7) -> (i32)  : i32 {
      %mul3A_186 = arith.constant 16 : i32
      %mul3A_187 = arith.muli %mul3A_186, %scan3A_184 : i32
      %add3A_188 = arith.addi %arg1, %mul3A_187 : i32
      %lt3A_189 = arith.constant 250 : i32
      %lt3A_190 = arith.cmpi slt, %add3A_188, %lt3A_189 : i32
      %convert_element_type3A = arith.extui %lt3A_190 : i1 to i32
      %cond3A = arith.constant 0 : i32
      %cond3A_191 = arith.cmpi ne, %convert_element_type3A, %cond3A : i32
      scf.if %cond3A_191 {
        %mul3A_193 = arith.constant 400 : i32
        %mul3A_194 = arith.muli %add3A_188, %mul3A_193 : i32
        "tpu.region"() ({
          %run_scoped3A = tpu.sem_alloc : memref<!tpu.dma_semaphore, #tpu.memory_space<semaphore_mem>>
          %dma_start3A_195 = arith.constant 0 : i32
          %dma_start3A_196 = tpu.memref_slice %arg9[%mul3A_194, %dma_start3A_195] : memref<100000x16xf32, #tpu.memory_space<vmem_shared>> -> memref<400x16xf32, #tpu.memory_space<vmem_shared>>
          %dma_start3A_197 = arith.constant 0 : i32
          %dma_start3A_198 = tpu.memref_slice %arg9[%mul3A_194, %dma_start3A_197] : memref<100000x16xf32, #tpu.memory_space<vmem_shared>> -> memref<400x16xf32, #tpu.memory_space<vmem_shared>>
          tpu.enqueue_dma source(%arg8 : memref<400x16xf32, #tpu.memory_space<vmem>>) target(%dma_start3A_198 : memref<400x16xf32, #tpu.memory_space<vmem_shared>>) target_semaphore(%run_scoped3A : memref<!tpu.dma_semaphore, #tpu.memory_space<semaphore_mem>>)
          %dma_wait3A_199 = arith.constant 0 : i32
          %dma_wait3A_200 = tpu.memref_slice %arg9[%mul3A_194, %dma_wait3A_199] : memref<100000x16xf32, #tpu.memory_space<vmem_shared>> -> memref<400x16xf32, #tpu.memory_space<vmem_shared>>
          %dma_wait3A_201 = arith.constant 0 : i32
          %dma_wait3A_202 = tpu.memref_slice %arg9[%mul3A_194, %dma_wait3A_201] : memref<100000x16xf32, #tpu.memory_space<vmem_shared>> -> memref<400x16xf32, #tpu.memory_space<vmem_shared>>
          tpu.wait_dma2 semaphore(%run_scoped3A : memref<!tpu.dma_semaphore, #tpu.memory_space<semaphore_mem>>) src(%arg8 : memref<400x16xf32, #tpu.memory_space<vmem>>) dst(%dma_wait3A_202 : memref<400x16xf32, #tpu.memory_space<vmem_shared>>)
          tpu.yield
        }) : () -> ()
      } else {
      }
      %scan3A_192 = arith.constant 0 : i32
      scf.yield %scan3A_192 : i32
    }
    %scan3A_13 = arith.constant 16 : i32
    %barrier3A = arith.constant 0 : index
    tpu.barrier barrier_id(%barrier3A)
    %mul3A = arith.constant 156 : i32
    %mul3A_14 = arith.muli %arg1, %mul3A : i32
    %min3A = arith.constant 4 : i32
    %min3A_15 = arith.minsi %arg1, %min3A : i32
    %add3A = arith.addi %mul3A_14, %min3A_15 : i32
    %lt3A = arith.constant 4 : i32
    %lt3A_16 = arith.cmpi slt, %arg1, %lt3A : i32
    %jit3A = arith.constant 157 : i32
    %jit3A_17 = arith.constant 156 : i32
    %select_n3A = arith.select %lt3A_16, %jit3A, %jit3A_17 : i32
    %add3A_18 = arith.constant 0 : i32
    %add3A_19 = arith.addi %add3A, %add3A_18 : i32
    %mul3A_20 = arith.constant 8 : i32
    %mul3A_21 = arith.muli %add3A_19, %mul3A_20 : i32
    %rem3A = arith.constant 0 : i32
    %rem3A_22 = arith.constant 2 : i32
    %rem3A_23 = arith.remsi %rem3A, %rem3A_22 : i32
    %rem3A_24 = arith.constant 0 : i32
    %rem3A_25 = arith.constant 2 : i32
    %rem3A_26 = arith.remsi %rem3A_24, %rem3A_25 : i32
    %dma_start3A = arith.constant 0 : i32
    %dma_start3A_27 = arith.constant 0 : i32
    %dma_start3A_28 = arith.constant 0 : i32
    %dma_start3A_29 = tpu.memref_slice %arg5[%rem3A_23, %dma_start3A_27, %dma_start3A_28] : memref<2x8x80xi32, #tpu.memory_space<vmem>> -> memref<1x8x80xi32, #tpu.memory_space<vmem>>
    %dma_start3A_30 = tpu.memref_squeeze %dma_start3A_29 : memref<1x8x80xi32, #tpu.memory_space<vmem>> -> memref<8x80xi32, #tpu.memory_space<vmem>>
    %dma_start3A_31 = arith.constant 0 : i32
    %dma_start3A_32 = tpu.memref_slice %arg3[%dma_start3A, %mul3A_21, %dma_start3A_31] : memref<2x20000x80xi32, #tpu.memory_space<hbm>> -> memref<1x8x80xi32, #tpu.memory_space<hbm>>
    %dma_start3A_33 = tpu.memref_squeeze %dma_start3A_32 : memref<1x8x80xi32, #tpu.memory_space<hbm>> -> memref<8x80xi32, #tpu.memory_space<hbm>>
    %dma_start3A_34 = tpu.memref_slice %arg10[%rem3A_26] : memref<2x!tpu.dma_semaphore, #tpu.memory_space<semaphore_mem>> -> memref<1x!tpu.dma_semaphore, #tpu.memory_space<semaphore_mem>>
    %dma_start3A_35 = tpu.memref_squeeze %dma_start3A_34 : memref<1x!tpu.dma_semaphore, #tpu.memory_space<semaphore_mem>> -> memref<!tpu.dma_semaphore, #tpu.memory_space<semaphore_mem>>
    %dma_start3A_36 = arith.constant 0 : i32
    %dma_start3A_37 = arith.constant 0 : i32
    %dma_start3A_38 = tpu.memref_slice %arg5[%rem3A_23, %dma_start3A_36, %dma_start3A_37] : memref<2x8x80xi32, #tpu.memory_space<vmem>> -> memref<1x8x80xi32, #tpu.memory_space<vmem>>
    %dma_start3A_39 = tpu.memref_squeeze %dma_start3A_38 : memref<1x8x80xi32, #tpu.memory_space<vmem>> -> memref<8x80xi32, #tpu.memory_space<vmem>>
    %dma_start3A_40 = arith.constant 0 : i32
    %dma_start3A_41 = tpu.memref_slice %arg3[%dma_start3A, %mul3A_21, %dma_start3A_40] : memref<2x20000x80xi32, #tpu.memory_space<hbm>> -> memref<1x8x80xi32, #tpu.memory_space<hbm>>
    %dma_start3A_42 = tpu.memref_squeeze %dma_start3A_41 : memref<1x8x80xi32, #tpu.memory_space<hbm>> -> memref<8x80xi32, #tpu.memory_space<hbm>>
    tpu.enqueue_dma source(%dma_start3A_42 : memref<8x80xi32, #tpu.memory_space<hbm>>) target(%dma_start3A_39 : memref<8x80xi32, #tpu.memory_space<vmem>>) target_semaphore(%dma_start3A_35 : memref<!tpu.dma_semaphore, #tpu.memory_space<semaphore_mem>>)
    %add3A_43 = arith.constant 0 : i32
    %add3A_44 = arith.addi %add3A, %add3A_43 : i32
    %mul3A_45 = arith.constant 8 : i32
    %mul3A_46 = arith.muli %add3A_44, %mul3A_45 : i32
    %rem3A_47 = arith.constant 0 : i32
    %rem3A_48 = arith.constant 4 : i32
    %rem3A_49 = arith.remsi %rem3A_47, %rem3A_48 : i32
    %rem3A_50 = arith.constant 0 : i32
    %rem3A_51 = arith.constant 4 : i32
    %rem3A_52 = arith.remsi %rem3A_50, %rem3A_51 : i32
    %dma_start3A_53 = arith.constant 1 : i32
    %dma_start3A_54 = arith.constant 0 : i32
    %dma_start3A_55 = arith.constant 0 : i32
    %dma_start3A_56 = tpu.memref_slice %arg6[%rem3A_49, %dma_start3A_54, %dma_start3A_55] : memref<4x8x80xi32, #tpu.memory_space<vmem>> -> memref<1x8x80xi32, #tpu.memory_space<vmem>>
    %dma_start3A_57 = tpu.memref_squeeze %dma_start3A_56 : memref<1x8x80xi32, #tpu.memory_space<vmem>> -> memref<8x80xi32, #tpu.memory_space<vmem>>
    %dma_start3A_58 = arith.constant 0 : i32
    %dma_start3A_59 = tpu.memref_slice %arg3[%dma_start3A_53, %mul3A_46, %dma_start3A_58] : memref<2x20000x80xi32, #tpu.memory_space<hbm>> -> memref<1x8x80xi32, #tpu.memory_space<hbm>>
    %dma_start3A_60 = tpu.memref_squeeze %dma_start3A_59 : memref<1x8x80xi32, #tpu.memory_space<hbm>> -> memref<8x80xi32, #tpu.memory_space<hbm>>
    %dma_start3A_61 = tpu.memref_slice %arg11[%rem3A_52] : memref<4x!tpu.dma_semaphore, #tpu.memory_space<semaphore_mem>> -> memref<1x!tpu.dma_semaphore, #tpu.memory_space<semaphore_mem>>
    %dma_start3A_62 = tpu.memref_squeeze %dma_start3A_61 : memref<1x!tpu.dma_semaphore, #tpu.memory_space<semaphore_mem>> -> memref<!tpu.dma_semaphore, #tpu.memory_space<semaphore_mem>>
    %dma_start3A_63 = arith.constant 0 : i32
    %dma_start3A_64 = arith.constant 0 : i32
    %dma_start3A_65 = tpu.memref_slice %arg6[%rem3A_49, %dma_start3A_63, %dma_start3A_64] : memref<4x8x80xi32, #tpu.memory_space<vmem>> -> memref<1x8x80xi32, #tpu.memory_space<vmem>>
    %dma_start3A_66 = tpu.memref_squeeze %dma_start3A_65 : memref<1x8x80xi32, #tpu.memory_space<vmem>> -> memref<8x80xi32, #tpu.memory_space<vmem>>
    %dma_start3A_67 = arith.constant 0 : i32
    %dma_start3A_68 = tpu.memref_slice %arg3[%dma_start3A_53, %mul3A_46, %dma_start3A_67] : memref<2x20000x80xi32, #tpu.memory_space<hbm>> -> memref<1x8x80xi32, #tpu.memory_space<hbm>>
    %dma_start3A_69 = tpu.memref_squeeze %dma_start3A_68 : memref<1x8x80xi32, #tpu.memory_space<hbm>> -> memref<8x80xi32, #tpu.memory_space<hbm>>
    tpu.enqueue_dma source(%dma_start3A_69 : memref<8x80xi32, #tpu.memory_space<hbm>>) target(%dma_start3A_66 : memref<8x80xi32, #tpu.memory_space<vmem>>) target_semaphore(%dma_start3A_62 : memref<!tpu.dma_semaphore, #tpu.memory_space<semaphore_mem>>)
    %add3A_70 = arith.constant 1 : i32
    %add3A_71 = arith.addi %add3A, %add3A_70 : i32
    %mul3A_72 = arith.constant 8 : i32
    %mul3A_73 = arith.muli %add3A_71, %mul3A_72 : i32
    %rem3A_74 = arith.constant 1 : i32
    %rem3A_75 = arith.constant 2 : i32
    %rem3A_76 = arith.remsi %rem3A_74, %rem3A_75 : i32
    %rem3A_77 = arith.constant 1 : i32
    %rem3A_78 = arith.constant 2 : i32
    %rem3A_79 = arith.remsi %rem3A_77, %rem3A_78 : i32
    %dma_start3A_80 = arith.constant 0 : i32
    %dma_start3A_81 = arith.constant 0 : i32
    %dma_start3A_82 = arith.constant 0 : i32
    %dma_start3A_83 = tpu.memref_slice %arg5[%rem3A_76, %dma_start3A_81, %dma_start3A_82] : memref<2x8x80xi32, #tpu.memory_space<vmem>> -> memref<1x8x80xi32, #tpu.memory_space<vmem>>
    %dma_start3A_84 = tpu.memref_squeeze %dma_start3A_83 : memref<1x8x80xi32, #tpu.memory_space<vmem>> -> memref<8x80xi32, #tpu.memory_space<vmem>>
    %dma_start3A_85 = arith.constant 0 : i32
    %dma_start3A_86 = tpu.memref_slice %arg3[%dma_start3A_80, %mul3A_73, %dma_start3A_85] : memref<2x20000x80xi32, #tpu.memory_space<hbm>> -> memref<1x8x80xi32, #tpu.memory_space<hbm>>
    %dma_start3A_87 = tpu.memref_squeeze %dma_start3A_86 : memref<1x8x80xi32, #tpu.memory_space<hbm>> -> memref<8x80xi32, #tpu.memory_space<hbm>>
    %dma_start3A_88 = tpu.memref_slice %arg10[%rem3A_79] : memref<2x!tpu.dma_semaphore, #tpu.memory_space<semaphore_mem>> -> memref<1x!tpu.dma_semaphore, #tpu.memory_space<semaphore_mem>>
    %dma_start3A_89 = tpu.memref_squeeze %dma_start3A_88 : memref<1x!tpu.dma_semaphore, #tpu.memory_space<semaphore_mem>> -> memref<!tpu.dma_semaphore, #tpu.memory_space<semaphore_mem>>
    %dma_start3A_90 = arith.constant 0 : i32
    %dma_start3A_91 = arith.constant 0 : i32
    %dma_start3A_92 = tpu.memref_slice %arg5[%rem3A_76, %dma_start3A_90, %dma_start3A_91] : memref<2x8x80xi32, #tpu.memory_space<vmem>> -> memref<1x8x80xi32, #tpu.memory_space<vmem>>
    %dma_start3A_93 = tpu.memref_squeeze %dma_start3A_92 : memref<1x8x80xi32, #tpu.memory_space<vmem>> -> memref<8x80xi32, #tpu.memory_space<vmem>>
    %dma_start3A_94 = arith.constant 0 : i32
    %dma_start3A_95 = tpu.memref_slice %arg3[%dma_start3A_80, %mul3A_73, %dma_start3A_94] : memref<2x20000x80xi32, #tpu.memory_space<hbm>> -> memref<1x8x80xi32, #tpu.memory_space<hbm>>
    %dma_start3A_96 = tpu.memref_squeeze %dma_start3A_95 : memref<1x8x80xi32, #tpu.memory_space<hbm>> -> memref<8x80xi32, #tpu.memory_space<hbm>>
    tpu.enqueue_dma source(%dma_start3A_96 : memref<8x80xi32, #tpu.memory_space<hbm>>) target(%dma_start3A_93 : memref<8x80xi32, #tpu.memory_space<vmem>>) target_semaphore(%dma_start3A_89 : memref<!tpu.dma_semaphore, #tpu.memory_space<semaphore_mem>>)
    %add3A_97 = arith.constant 1 : i32
    %add3A_98 = arith.addi %add3A, %add3A_97 : i32
    %mul3A_99 = arith.constant 8 : i32
    %mul3A_100 = arith.muli %add3A_98, %mul3A_99 : i32
    %rem3A_101 = arith.constant 1 : i32
    %rem3A_102 = arith.constant 4 : i32
    %rem3A_103 = arith.remsi %rem3A_101, %rem3A_102 : i32
    %rem3A_104 = arith.constant 1 : i32
    %rem3A_105 = arith.constant 4 : i32
    %rem3A_106 = arith.remsi %rem3A_104, %rem3A_105 : i32
    %dma_start3A_107 = arith.constant 1 : i32
    %dma_start3A_108 = arith.constant 0 : i32
    %dma_start3A_109 = arith.constant 0 : i32
    %dma_start3A_110 = tpu.memref_slice %arg6[%rem3A_103, %dma_start3A_108, %dma_start3A_109] : memref<4x8x80xi32, #tpu.memory_space<vmem>> -> memref<1x8x80xi32, #tpu.memory_space<vmem>>
    %dma_start3A_111 = tpu.memref_squeeze %dma_start3A_110 : memref<1x8x80xi32, #tpu.memory_space<vmem>> -> memref<8x80xi32, #tpu.memory_space<vmem>>
    %dma_start3A_112 = arith.constant 0 : i32
    %dma_start3A_113 = tpu.memref_slice %arg3[%dma_start3A_107, %mul3A_100, %dma_start3A_112] : memref<2x20000x80xi32, #tpu.memory_space<hbm>> -> memref<1x8x80xi32, #tpu.memory_space<hbm>>
    %dma_start3A_114 = tpu.memref_squeeze %dma_start3A_113 : memref<1x8x80xi32, #tpu.memory_space<hbm>> -> memref<8x80xi32, #tpu.memory_space<hbm>>
    %dma_start3A_115 = tpu.memref_slice %arg11[%rem3A_106] : memref<4x!tpu.dma_semaphore, #tpu.memory_space<semaphore_mem>> -> memref<1x!tpu.dma_semaphore, #tpu.memory_space<semaphore_mem>>
    %dma_start3A_116 = tpu.memref_squeeze %dma_start3A_115 : memref<1x!tpu.dma_semaphore, #tpu.memory_space<semaphore_mem>> -> memref<!tpu.dma_semaphore, #tpu.memory_space<semaphore_mem>>
    %dma_start3A_117 = arith.constant 0 : i32
    %dma_start3A_118 = arith.constant 0 : i32
    %dma_start3A_119 = tpu.memref_slice %arg6[%rem3A_103, %dma_start3A_117, %dma_start3A_118] : memref<4x8x80xi32, #tpu.memory_space<vmem>> -> memref<1x8x80xi32, #tpu.memory_space<vmem>>
    %dma_start3A_120 = tpu.memref_squeeze %dma_start3A_119 : memref<1x8x80xi32, #tpu.memory_space<vmem>> -> memref<8x80xi32, #tpu.memory_space<vmem>>
    %dma_start3A_121 = arith.constant 0 : i32
    %dma_start3A_122 = tpu.memref_slice %arg3[%dma_start3A_107, %mul3A_100, %dma_start3A_121] : memref<2x20000x80xi32, #tpu.memory_space<hbm>> -> memref<1x8x80xi32, #tpu.memory_space<hbm>>
    %dma_start3A_123 = tpu.memref_squeeze %dma_start3A_122 : memref<1x8x80xi32, #tpu.memory_space<hbm>> -> memref<8x80xi32, #tpu.memory_space<hbm>>
    tpu.enqueue_dma source(%dma_start3A_123 : memref<8x80xi32, #tpu.memory_space<hbm>>) target(%dma_start3A_120 : memref<8x80xi32, #tpu.memory_space<vmem>>) target_semaphore(%dma_start3A_116 : memref<!tpu.dma_semaphore, #tpu.memory_space<semaphore_mem>>)
    %add3A_124 = arith.constant 0 : i32
    %add3A_125 = arith.addi %add3A, %add3A_124 : i32
    %mul3A_126 = arith.constant 8 : i32
    %mul3A_127 = arith.muli %add3A_125, %mul3A_126 : i32
    %rem3A_128 = arith.constant 0 : i32
    %rem3A_129 = arith.constant 2 : i32
    %rem3A_130 = arith.remsi %rem3A_128, %rem3A_129 : i32
    %rem3A_131 = arith.constant 0 : i32
    %rem3A_132 = arith.constant 2 : i32
    %rem3A_133 = arith.remsi %rem3A_131, %rem3A_132 : i32
    %dma_wait3A = arith.constant 0 : i32
    %dma_wait3A_134 = arith.constant 0 : i32
    %dma_wait3A_135 = arith.constant 0 : i32
    %dma_wait3A_136 = tpu.memref_slice %arg5[%rem3A_130, %dma_wait3A_134, %dma_wait3A_135] : memref<2x8x80xi32, #tpu.memory_space<vmem>> -> memref<1x8x80xi32, #tpu.memory_space<vmem>>
    %dma_wait3A_137 = tpu.memref_squeeze %dma_wait3A_136 : memref<1x8x80xi32, #tpu.memory_space<vmem>> -> memref<8x80xi32, #tpu.memory_space<vmem>>
    %dma_wait3A_138 = arith.constant 0 : i32
    %dma_wait3A_139 = tpu.memref_slice %arg3[%dma_wait3A, %mul3A_127, %dma_wait3A_138] : memref<2x20000x80xi32, #tpu.memory_space<hbm>> -> memref<1x8x80xi32, #tpu.memory_space<hbm>>
    %dma_wait3A_140 = tpu.memref_squeeze %dma_wait3A_139 : memref<1x8x80xi32, #tpu.memory_space<hbm>> -> memref<8x80xi32, #tpu.memory_space<hbm>>
    %dma_wait3A_141 = tpu.memref_slice %arg10[%rem3A_133] : memref<2x!tpu.dma_semaphore, #tpu.memory_space<semaphore_mem>> -> memref<1x!tpu.dma_semaphore, #tpu.memory_space<semaphore_mem>>
    %dma_wait3A_142 = tpu.memref_squeeze %dma_wait3A_141 : memref<1x!tpu.dma_semaphore, #tpu.memory_space<semaphore_mem>> -> memref<!tpu.dma_semaphore, #tpu.memory_space<semaphore_mem>>
    %dma_wait3A_143 = arith.constant 0 : i32
    %dma_wait3A_144 = arith.constant 0 : i32
    %dma_wait3A_145 = tpu.memref_slice %arg5[%rem3A_130, %dma_wait3A_143, %dma_wait3A_144] : memref<2x8x80xi32, #tpu.memory_space<vmem>> -> memref<1x8x80xi32, #tpu.memory_space<vmem>>
    %dma_wait3A_146 = tpu.memref_squeeze %dma_wait3A_145 : memref<1x8x80xi32, #tpu.memory_space<vmem>> -> memref<8x80xi32, #tpu.memory_space<vmem>>
    %dma_wait3A_147 = arith.constant 0 : i32
    %dma_wait3A_148 = tpu.memref_slice %arg3[%dma_wait3A, %mul3A_127, %dma_wait3A_147] : memref<2x20000x80xi32, #tpu.memory_space<hbm>> -> memref<1x8x80xi32, #tpu.memory_space<hbm>>
    %dma_wait3A_149 = tpu.memref_squeeze %dma_wait3A_148 : memref<1x8x80xi32, #tpu.memory_space<hbm>> -> memref<8x80xi32, #tpu.memory_space<hbm>>
    tpu.wait_dma2 semaphore(%dma_wait3A_142 : memref<!tpu.dma_semaphore, #tpu.memory_space<semaphore_mem>>) src(%dma_wait3A_149 : memref<8x80xi32, #tpu.memory_space<hbm>>) dst(%dma_wait3A_146 : memref<8x80xi32, #tpu.memory_space<vmem>>)
    %scan3A_150 = arith.constant 0 : i32
    %scan3A_151 = arith.constant 0 : i32
    %scan3A_152 = arith.constant 8 : i32
    %scan3A_153 = arith.addi %scan3A_151, %scan3A_152 : i32
    %scan3A_154 = arith.constant 1 : i32
    %scan3A_155 = scf.for %scan3A_184 = %scan3A_151 to %scan3A_153 step %scan3A_154 iter_args(%scan3A_185 = %scan3A_150) -> (i32)  : i32 {
      %rem3A_186 = arith.constant 0 : i32
      %rem3A_187 = arith.constant 2 : i32
      %rem3A_188 = arith.remsi %rem3A_186, %rem3A_187 : i32
      %dma_start3A_189 = arith.constant 0 : i32
      %dma_start3A_190 = arith.constant 0 : i32
      %dma_start3A_191 = tpu.memref_slice %arg7[%rem3A_188, %scan3A_184, %dma_start3A_189, %dma_start3A_190] : memref<2x8x80x16xf32, #tpu.memory_space<vmem>> -> memref<1x1x80x16xf32, #tpu.memory_space<vmem>>
      %dma_start3A_192 = tpu.memref_squeeze %dma_start3A_191 : memref<1x1x80x16xf32, #tpu.memory_space<vmem>> -> memref<80x16xf32, #tpu.memory_space<vmem>>
      %dma_start3A_193 = arith.constant 0 : i32
      %dma_start3A_194 = tpu.memref_slice %arg5[%rem3A_188, %scan3A_184, %dma_start3A_193] : memref<2x8x80xi32, #tpu.memory_space<vmem>> -> memref<1x1x80xi32, #tpu.memory_space<vmem>>
      %dma_start3A_195 = tpu.memref_squeeze %dma_start3A_194 : memref<1x1x80xi32, #tpu.memory_space<vmem>> -> memref<80xi32, #tpu.memory_space<vmem>>
      %dma_start3A_196 = arith.constant 0 : i32
      %dma_start3A_197 = arith.constant 0 : i32
      %dma_start3A_198 = tpu.memref_slice %arg2[%arg0, %dma_start3A_196, %dma_start3A_197] : memref<2x100000x16xf32, #tpu.memory_space<hbm>> -> memref<1x100000x16xf32, #tpu.memory_space<hbm>>
      %dma_start3A_199 = tpu.memref_squeeze %dma_start3A_198 : memref<1x100000x16xf32, #tpu.memory_space<hbm>> -> memref<100000x16xf32, #tpu.memory_space<hbm>>
      %dma_start3A_200 = arith.constant 0 : i32
      %dma_start3A_201 = arith.constant 0 : i32
      %dma_start3A_202 = tpu.memref_slice %dma_start3A_199[%dma_start3A_200, %dma_start3A_201] : memref<100000x16xf32, #tpu.memory_space<hbm>> -> memref<100000x16xf32, #tpu.memory_space<hbm>>
      %dma_start3A_203 = tpu.memref_slice %arg12[%rem3A_188] : memref<2x!tpu.dma_semaphore, #tpu.memory_space<semaphore_mem>> -> memref<1x!tpu.dma_semaphore, #tpu.memory_space<semaphore_mem>>
      %dma_start3A_204 = tpu.memref_squeeze %dma_start3A_203 : memref<1x!tpu.dma_semaphore, #tpu.memory_space<semaphore_mem>> -> memref<!tpu.dma_semaphore, #tpu.memory_space<semaphore_mem>>
      tpu.enqueue_indirect_dma source(%dma_start3A_202 : memref<100000x16xf32, #tpu.memory_space<hbm>>) target(%dma_start3A_192 : memref<80x16xf32, #tpu.memory_space<vmem>>) offsets(%dma_start3A_195 : memref<80xi32, #tpu.memory_space<vmem>>) semaphore(%dma_start3A_204 : memref<!tpu.dma_semaphore, #tpu.memory_space<semaphore_mem>>)
      %scan3A_205 = arith.constant 0 : i32
      scf.yield %scan3A_205 : i32
    }
    %scan3A_156 = arith.constant 8 : i32
    %while3A = arith.constant 0 : i32
    %while3A_157 = arith.constant 0 : i32
    %while3A_158 = arith.subi %select_n3A, %while3A : i32
    %while3A_159 = arith.addi %while3A, %while3A_158 : i32
    %while3A_160 = arith.constant 1 : i32
    %while3A_161 = arith.divsi %while3A_158, %while3A_160 : i32
    %while3A_162 = arith.muli %while3A_161, %while3A_160 : i32
    %while3A_163 = arith.addi %while3A, %while3A_162 : i32
    %while3A_164 = arith.constant 1 : i32
    %while3A_165 = scf.for %while3A_184 = %while3A to %while3A_163 step %while3A_164 iter_args(%while3A_185 = %while3A_157) -> (i32)  : i32 {
      %ge3A = arith.constant 1 : i32
      %ge3A_186 = arith.cmpi sge, %while3A_184, %ge3A : i32
      %convert_element_type3A = arith.extui %ge3A_186 : i1 to i32
      %cond3A = arith.constant 0 : i32
      %cond3A_187 = arith.cmpi ne, %convert_element_type3A, %cond3A : i32
      scf.if %cond3A_187 {
        %sub3A_232 = arith.constant 1 : i32
        %sub3A_233 = arith.subi %while3A_184, %sub3A_232 : i32
        %scan3A_234 = arith.constant 0 : i32
        %scan3A_235 = arith.constant 0 : i32
        %scan3A_236 = arith.constant 8 : i32
        %scan3A_237 = arith.addi %scan3A_235, %scan3A_236 : i32
        %scan3A_238 = arith.constant 1 : i32
        %scan3A_239 = scf.for %scan3A_241 = %scan3A_235 to %scan3A_237 step %scan3A_238 iter_args(%scan3A_242 = %scan3A_234) -> (i32)  : i32 {
          %rem3A_243 = arith.constant 2 : i32
          %rem3A_244 = arith.remsi %sub3A_233, %rem3A_243 : i32
          %rem3A_245 = arith.constant 4 : i32
          %rem3A_246 = arith.remsi %sub3A_233, %rem3A_245 : i32
          %dma_wait3A_247 = arith.constant 0 : i32
          %dma_wait3A_248 = arith.constant 0 : i32
          %dma_wait3A_249 = tpu.memref_slice %arg7[%rem3A_244, %scan3A_241, %dma_wait3A_247, %dma_wait3A_248] : memref<2x8x80x16xf32, #tpu.memory_space<vmem>> -> memref<1x1x80x16xf32, #tpu.memory_space<vmem>>
          %dma_wait3A_250 = tpu.memref_squeeze %dma_wait3A_249 : memref<1x1x80x16xf32, #tpu.memory_space<vmem>> -> memref<80x16xf32, #tpu.memory_space<vmem>>
          %dma_wait3A_251 = arith.constant 0 : i32
          %dma_wait3A_252 = tpu.memref_slice %arg6[%rem3A_246, %scan3A_241, %dma_wait3A_251] : memref<4x8x80xi32, #tpu.memory_space<vmem>> -> memref<1x1x80xi32, #tpu.memory_space<vmem>>
          %dma_wait3A_253 = tpu.memref_squeeze %dma_wait3A_252 : memref<1x1x80xi32, #tpu.memory_space<vmem>> -> memref<80xi32, #tpu.memory_space<vmem>>
          %dma_wait3A_254 = arith.constant 0 : i32
          %dma_wait3A_255 = arith.constant 0 : i32
          %dma_wait3A_256 = tpu.memref_slice %arg9[%dma_wait3A_254, %dma_wait3A_255] : memref<100000x16xf32, #tpu.memory_space<vmem_shared>> -> memref<100000x16xf32, #tpu.memory_space<vmem_shared>>
          %dma_wait3A_257 = tpu.memref_slice %arg13[%rem3A_244] : memref<2x!tpu.dma_semaphore, #tpu.memory_space<semaphore_mem>> -> memref<1x!tpu.dma_semaphore, #tpu.memory_space<semaphore_mem>>
          %dma_wait3A_258 = tpu.memref_squeeze %dma_wait3A_257 : memref<1x!tpu.dma_semaphore, #tpu.memory_space<semaphore_mem>> -> memref<!tpu.dma_semaphore, #tpu.memory_space<semaphore_mem>>
          tpu.wait_indirect_dma semaphore(%dma_wait3A_258 : memref<!tpu.dma_semaphore, #tpu.memory_space<semaphore_mem>>) src(%dma_wait3A_250 : memref<80x16xf32, #tpu.memory_space<vmem>>) dst(%dma_wait3A_256 : memref<100000x16xf32, #tpu.memory_space<vmem_shared>>)
          %scan3A_259 = arith.constant 0 : i32
          scf.yield %scan3A_259 : i32
        }
        %scan3A_240 = arith.constant 8 : i32
      } else {
      }
      %add3A_188 = arith.addi %add3A, %while3A_184 : i32
      %mul3A_189 = arith.constant 8 : i32
      %mul3A_190 = arith.muli %add3A_188, %mul3A_189 : i32
      %rem3A_191 = arith.constant 4 : i32
      %rem3A_192 = arith.remsi %while3A_184, %rem3A_191 : i32
      %rem3A_193 = arith.constant 4 : i32
      %rem3A_194 = arith.remsi %while3A_184, %rem3A_193 : i32
      %dma_wait3A_195 = arith.constant 1 : i32
      %dma_wait3A_196 = arith.constant 0 : i32
      %dma_wait3A_197 = arith.constant 0 : i32
      %dma_wait3A_198 = tpu.memref_slice %arg6[%rem3A_192, %dma_wait3A_196, %dma_wait3A_197] : memref<4x8x80xi32, #tpu.memory_space<vmem>> -> memref<1x8x80xi32, #tpu.memory_space<vmem>>
      %dma_wait3A_199 = tpu.memref_squeeze %dma_wait3A_198 : memref<1x8x80xi32, #tpu.memory_space<vmem>> -> memref<8x80xi32, #tpu.memory_space<vmem>>
      %dma_wait3A_200 = arith.constant 0 : i32
      %dma_wait3A_201 = tpu.memref_slice %arg3[%dma_wait3A_195, %mul3A_190, %dma_wait3A_200] : memref<2x20000x80xi32, #tpu.memory_space<hbm>> -> memref<1x8x80xi32, #tpu.memory_space<hbm>>
      %dma_wait3A_202 = tpu.memref_squeeze %dma_wait3A_201 : memref<1x8x80xi32, #tpu.memory_space<hbm>> -> memref<8x80xi32, #tpu.memory_space<hbm>>
      %dma_wait3A_203 = tpu.memref_slice %arg11[%rem3A_194] : memref<4x!tpu.dma_semaphore, #tpu.memory_space<semaphore_mem>> -> memref<1x!tpu.dma_semaphore, #tpu.memory_space<semaphore_mem>>
      %dma_wait3A_204 = tpu.memref_squeeze %dma_wait3A_203 : memref<1x!tpu.dma_semaphore, #tpu.memory_space<semaphore_mem>> -> memref<!tpu.dma_semaphore, #tpu.memory_space<semaphore_mem>>
      %dma_wait3A_205 = arith.constant 0 : i32
      %dma_wait3A_206 = arith.constant 0 : i32
      %dma_wait3A_207 = tpu.memref_slice %arg6[%rem3A_192, %dma_wait3A_205, %dma_wait3A_206] : memref<4x8x80xi32, #tpu.memory_space<vmem>> -> memref<1x8x80xi32, #tpu.memory_space<vmem>>
      %dma_wait3A_208 = tpu.memref_squeeze %dma_wait3A_207 : memref<1x8x80xi32, #tpu.memory_space<vmem>> -> memref<8x80xi32, #tpu.memory_space<vmem>>
      %dma_wait3A_209 = arith.constant 0 : i32
      %dma_wait3A_210 = tpu.memref_slice %arg3[%dma_wait3A_195, %mul3A_190, %dma_wait3A_209] : memref<2x20000x80xi32, #tpu.memory_space<hbm>> -> memref<1x8x80xi32, #tpu.memory_space<hbm>>
      %dma_wait3A_211 = tpu.memref_squeeze %dma_wait3A_210 : memref<1x8x80xi32, #tpu.memory_space<hbm>> -> memref<8x80xi32, #tpu.memory_space<hbm>>
      tpu.wait_dma2 semaphore(%dma_wait3A_204 : memref<!tpu.dma_semaphore, #tpu.memory_space<semaphore_mem>>) src(%dma_wait3A_211 : memref<8x80xi32, #tpu.memory_space<hbm>>) dst(%dma_wait3A_208 : memref<8x80xi32, #tpu.memory_space<vmem>>)
      %scan3A_212 = arith.constant 0 : i32
      %scan3A_213 = arith.constant 0 : i32
      %scan3A_214 = arith.constant 8 : i32
      %scan3A_215 = arith.addi %scan3A_213, %scan3A_214 : i32
      %scan3A_216 = arith.constant 1 : i32
      %scan3A_217 = scf.for %scan3A_232 = %scan3A_213 to %scan3A_215 step %scan3A_216 iter_args(%scan3A_233 = %scan3A_212) -> (i32)  : i32 {
        %rem3A_234 = arith.constant 2 : i32
        %rem3A_235 = arith.remsi %while3A_184, %rem3A_234 : i32
        %dma_wait3A_236 = arith.constant 0 : i32
        %dma_wait3A_237 = arith.constant 0 : i32
        %dma_wait3A_238 = tpu.memref_slice %arg7[%rem3A_235, %scan3A_232, %dma_wait3A_236, %dma_wait3A_237] : memref<2x8x80x16xf32, #tpu.memory_space<vmem>> -> memref<1x1x80x16xf32, #tpu.memory_space<vmem>>
        %dma_wait3A_239 = tpu.memref_squeeze %dma_wait3A_238 : memref<1x1x80x16xf32, #tpu.memory_space<vmem>> -> memref<80x16xf32, #tpu.memory_space<vmem>>
        %dma_wait3A_240 = arith.constant 0 : i32
        %dma_wait3A_241 = tpu.memref_slice %arg5[%rem3A_235, %scan3A_232, %dma_wait3A_240] : memref<2x8x80xi32, #tpu.memory_space<vmem>> -> memref<1x1x80xi32, #tpu.memory_space<vmem>>
        %dma_wait3A_242 = tpu.memref_squeeze %dma_wait3A_241 : memref<1x1x80xi32, #tpu.memory_space<vmem>> -> memref<80xi32, #tpu.memory_space<vmem>>
        %dma_wait3A_243 = arith.constant 0 : i32
        %dma_wait3A_244 = arith.constant 0 : i32
        %dma_wait3A_245 = tpu.memref_slice %arg2[%arg0, %dma_wait3A_243, %dma_wait3A_244] : memref<2x100000x16xf32, #tpu.memory_space<hbm>> -> memref<1x100000x16xf32, #tpu.memory_space<hbm>>
        %dma_wait3A_246 = tpu.memref_squeeze %dma_wait3A_245 : memref<1x100000x16xf32, #tpu.memory_space<hbm>> -> memref<100000x16xf32, #tpu.memory_space<hbm>>
        %dma_wait3A_247 = arith.constant 0 : i32
        %dma_wait3A_248 = arith.constant 0 : i32
        %dma_wait3A_249 = tpu.memref_slice %dma_wait3A_246[%dma_wait3A_247, %dma_wait3A_248] : memref<100000x16xf32, #tpu.memory_space<hbm>> -> memref<100000x16xf32, #tpu.memory_space<hbm>>
        %dma_wait3A_250 = tpu.memref_slice %arg12[%rem3A_235] : memref<2x!tpu.dma_semaphore, #tpu.memory_space<semaphore_mem>> -> memref<1x!tpu.dma_semaphore, #tpu.memory_space<semaphore_mem>>
        %dma_wait3A_251 = tpu.memref_squeeze %dma_wait3A_250 : memref<1x!tpu.dma_semaphore, #tpu.memory_space<semaphore_mem>> -> memref<!tpu.dma_semaphore, #tpu.memory_space<semaphore_mem>>
        tpu.wait_indirect_dma semaphore(%dma_wait3A_251 : memref<!tpu.dma_semaphore, #tpu.memory_space<semaphore_mem>>) src(%dma_wait3A_249 : memref<100000x16xf32, #tpu.memory_space<hbm>>) dst(%dma_wait3A_239 : memref<80x16xf32, #tpu.memory_space<vmem>>)
        %rem3A_252 = arith.constant 2 : i32
        %rem3A_253 = arith.remsi %while3A_184, %rem3A_252 : i32
        %rem3A_254 = arith.constant 4 : i32
        %rem3A_255 = arith.remsi %while3A_184, %rem3A_254 : i32
        %dma_start3A_256 = arith.constant 0 : i32
        %dma_start3A_257 = arith.constant 0 : i32
        %dma_start3A_258 = tpu.memref_slice %arg7[%rem3A_253, %scan3A_232, %dma_start3A_256, %dma_start3A_257] : memref<2x8x80x16xf32, #tpu.memory_space<vmem>> -> memref<1x1x80x16xf32, #tpu.memory_space<vmem>>
        %dma_start3A_259 = tpu.memref_squeeze %dma_start3A_258 : memref<1x1x80x16xf32, #tpu.memory_space<vmem>> -> memref<80x16xf32, #tpu.memory_space<vmem>>
        %dma_start3A_260 = arith.constant 0 : i32
        %dma_start3A_261 = tpu.memref_slice %arg6[%rem3A_255, %scan3A_232, %dma_start3A_260] : memref<4x8x80xi32, #tpu.memory_space<vmem>> -> memref<1x1x80xi32, #tpu.memory_space<vmem>>
        %dma_start3A_262 = tpu.memref_squeeze %dma_start3A_261 : memref<1x1x80xi32, #tpu.memory_space<vmem>> -> memref<80xi32, #tpu.memory_space<vmem>>
        %dma_start3A_263 = arith.constant 0 : i32
        %dma_start3A_264 = arith.constant 0 : i32
        %dma_start3A_265 = tpu.memref_slice %arg9[%dma_start3A_263, %dma_start3A_264] : memref<100000x16xf32, #tpu.memory_space<vmem_shared>> -> memref<100000x16xf32, #tpu.memory_space<vmem_shared>>
        %dma_start3A_266 = tpu.memref_slice %arg13[%rem3A_253] : memref<2x!tpu.dma_semaphore, #tpu.memory_space<semaphore_mem>> -> memref<1x!tpu.dma_semaphore, #tpu.memory_space<semaphore_mem>>
        %dma_start3A_267 = tpu.memref_squeeze %dma_start3A_266 : memref<1x!tpu.dma_semaphore, #tpu.memory_space<semaphore_mem>> -> memref<!tpu.dma_semaphore, #tpu.memory_space<semaphore_mem>>
        tpu.enqueue_indirect_dma source(%dma_start3A_259 : memref<80x16xf32, #tpu.memory_space<vmem>>) target(%dma_start3A_265 : memref<100000x16xf32, #tpu.memory_space<vmem_shared>>) offsets(%dma_start3A_262 : memref<80xi32, #tpu.memory_space<vmem>>) semaphore(%dma_start3A_267 : memref<!tpu.dma_semaphore, #tpu.memory_space<semaphore_mem>>) {add = true}
        %scan3A_268 = arith.constant 0 : i32
        scf.yield %scan3A_268 : i32
      }
      %scan3A_218 = arith.constant 8 : i32
      %add3A_219 = arith.constant 2 : i32
      %add3A_220 = arith.addi %while3A_184, %add3A_219 : i32
      %lt3A_221 = arith.cmpi slt, %add3A_220, %select_n3A : i32
      %convert_element_type3A_222 = arith.extui %lt3A_221 : i1 to i32
      %cond3A_223 = arith.constant 0 : i32
      %cond3A_224 = arith.cmpi ne, %convert_element_type3A_222, %cond3A_223 : i32
      scf.if %cond3A_224 {
        %add3A_232 = arith.constant 2 : i32
        %add3A_233 = arith.addi %while3A_184, %add3A_232 : i32
        %add3A_234 = arith.addi %add3A, %add3A_233 : i32
        %mul3A_235 = arith.constant 8 : i32
        %mul3A_236 = arith.muli %add3A_234, %mul3A_235 : i32
        %rem3A_237 = arith.constant 2 : i32
        %rem3A_238 = arith.remsi %add3A_233, %rem3A_237 : i32
        %rem3A_239 = arith.constant 2 : i32
        %rem3A_240 = arith.remsi %add3A_233, %rem3A_239 : i32
        %dma_start3A_241 = arith.constant 0 : i32
        %dma_start3A_242 = arith.constant 0 : i32
        %dma_start3A_243 = arith.constant 0 : i32
        %dma_start3A_244 = tpu.memref_slice %arg5[%rem3A_238, %dma_start3A_242, %dma_start3A_243] : memref<2x8x80xi32, #tpu.memory_space<vmem>> -> memref<1x8x80xi32, #tpu.memory_space<vmem>>
        %dma_start3A_245 = tpu.memref_squeeze %dma_start3A_244 : memref<1x8x80xi32, #tpu.memory_space<vmem>> -> memref<8x80xi32, #tpu.memory_space<vmem>>
        %dma_start3A_246 = arith.constant 0 : i32
        %dma_start3A_247 = tpu.memref_slice %arg3[%dma_start3A_241, %mul3A_236, %dma_start3A_246] : memref<2x20000x80xi32, #tpu.memory_space<hbm>> -> memref<1x8x80xi32, #tpu.memory_space<hbm>>
        %dma_start3A_248 = tpu.memref_squeeze %dma_start3A_247 : memref<1x8x80xi32, #tpu.memory_space<hbm>> -> memref<8x80xi32, #tpu.memory_space<hbm>>
        %dma_start3A_249 = tpu.memref_slice %arg10[%rem3A_240] : memref<2x!tpu.dma_semaphore, #tpu.memory_space<semaphore_mem>> -> memref<1x!tpu.dma_semaphore, #tpu.memory_space<semaphore_mem>>
        %dma_start3A_250 = tpu.memref_squeeze %dma_start3A_249 : memref<1x!tpu.dma_semaphore, #tpu.memory_space<semaphore_mem>> -> memref<!tpu.dma_semaphore, #tpu.memory_space<semaphore_mem>>
        %dma_start3A_251 = arith.constant 0 : i32
        %dma_start3A_252 = arith.constant 0 : i32
        %dma_start3A_253 = tpu.memref_slice %arg5[%rem3A_238, %dma_start3A_251, %dma_start3A_252] : memref<2x8x80xi32, #tpu.memory_space<vmem>> -> memref<1x8x80xi32, #tpu.memory_space<vmem>>
        %dma_start3A_254 = tpu.memref_squeeze %dma_start3A_253 : memref<1x8x80xi32, #tpu.memory_space<vmem>> -> memref<8x80xi32, #tpu.memory_space<vmem>>
        %dma_start3A_255 = arith.constant 0 : i32
        %dma_start3A_256 = tpu.memref_slice %arg3[%dma_start3A_241, %mul3A_236, %dma_start3A_255] : memref<2x20000x80xi32, #tpu.memory_space<hbm>> -> memref<1x8x80xi32, #tpu.memory_space<hbm>>
        %dma_start3A_257 = tpu.memref_squeeze %dma_start3A_256 : memref<1x8x80xi32, #tpu.memory_space<hbm>> -> memref<8x80xi32, #tpu.memory_space<hbm>>
        tpu.enqueue_dma source(%dma_start3A_257 : memref<8x80xi32, #tpu.memory_space<hbm>>) target(%dma_start3A_254 : memref<8x80xi32, #tpu.memory_space<vmem>>) target_semaphore(%dma_start3A_250 : memref<!tpu.dma_semaphore, #tpu.memory_space<semaphore_mem>>)
        %add3A_258 = arith.constant 2 : i32
        %add3A_259 = arith.addi %while3A_184, %add3A_258 : i32
        %add3A_260 = arith.addi %add3A, %add3A_259 : i32
        %mul3A_261 = arith.constant 8 : i32
        %mul3A_262 = arith.muli %add3A_260, %mul3A_261 : i32
        %rem3A_263 = arith.constant 4 : i32
        %rem3A_264 = arith.remsi %add3A_259, %rem3A_263 : i32
        %rem3A_265 = arith.constant 4 : i32
        %rem3A_266 = arith.remsi %add3A_259, %rem3A_265 : i32
        %dma_start3A_267 = arith.constant 1 : i32
        %dma_start3A_268 = arith.constant 0 : i32
        %dma_start3A_269 = arith.constant 0 : i32
        %dma_start3A_270 = tpu.memref_slice %arg6[%rem3A_264, %dma_start3A_268, %dma_start3A_269] : memref<4x8x80xi32, #tpu.memory_space<vmem>> -> memref<1x8x80xi32, #tpu.memory_space<vmem>>
        %dma_start3A_271 = tpu.memref_squeeze %dma_start3A_270 : memref<1x8x80xi32, #tpu.memory_space<vmem>> -> memref<8x80xi32, #tpu.memory_space<vmem>>
        %dma_start3A_272 = arith.constant 0 : i32
        %dma_start3A_273 = tpu.memref_slice %arg3[%dma_start3A_267, %mul3A_262, %dma_start3A_272] : memref<2x20000x80xi32, #tpu.memory_space<hbm>> -> memref<1x8x80xi32, #tpu.memory_space<hbm>>
        %dma_start3A_274 = tpu.memref_squeeze %dma_start3A_273 : memref<1x8x80xi32, #tpu.memory_space<hbm>> -> memref<8x80xi32, #tpu.memory_space<hbm>>
        %dma_start3A_275 = tpu.memref_slice %arg11[%rem3A_266] : memref<4x!tpu.dma_semaphore, #tpu.memory_space<semaphore_mem>> -> memref<1x!tpu.dma_semaphore, #tpu.memory_space<semaphore_mem>>
        %dma_start3A_276 = tpu.memref_squeeze %dma_start3A_275 : memref<1x!tpu.dma_semaphore, #tpu.memory_space<semaphore_mem>> -> memref<!tpu.dma_semaphore, #tpu.memory_space<semaphore_mem>>
        %dma_start3A_277 = arith.constant 0 : i32
        %dma_start3A_278 = arith.constant 0 : i32
        %dma_start3A_279 = tpu.memref_slice %arg6[%rem3A_264, %dma_start3A_277, %dma_start3A_278] : memref<4x8x80xi32, #tpu.memory_space<vmem>> -> memref<1x8x80xi32, #tpu.memory_space<vmem>>
        %dma_start3A_280 = tpu.memref_squeeze %dma_start3A_279 : memref<1x8x80xi32, #tpu.memory_space<vmem>> -> memref<8x80xi32, #tpu.memory_space<vmem>>
        %dma_start3A_281 = arith.constant 0 : i32
        %dma_start3A_282 = tpu.memref_slice %arg3[%dma_start3A_267, %mul3A_262, %dma_start3A_281] : memref<2x20000x80xi32, #tpu.memory_space<hbm>> -> memref<1x8x80xi32, #tpu.memory_space<hbm>>
        %dma_start3A_283 = tpu.memref_squeeze %dma_start3A_282 : memref<1x8x80xi32, #tpu.memory_space<hbm>> -> memref<8x80xi32, #tpu.memory_space<hbm>>
        tpu.enqueue_dma source(%dma_start3A_283 : memref<8x80xi32, #tpu.memory_space<hbm>>) target(%dma_start3A_280 : memref<8x80xi32, #tpu.memory_space<vmem>>) target_semaphore(%dma_start3A_276 : memref<!tpu.dma_semaphore, #tpu.memory_space<semaphore_mem>>)
      } else {
      }
      %add3A_225 = arith.constant 1 : i32
      %add3A_226 = arith.addi %while3A_184, %add3A_225 : i32
      %lt3A_227 = arith.cmpi slt, %add3A_226, %select_n3A : i32
      %convert_element_type3A_228 = arith.extui %lt3A_227 : i1 to i32
      %cond3A_229 = arith.constant 0 : i32
      %cond3A_230 = arith.cmpi ne, %convert_element_type3A_228, %cond3A_229 : i32
      scf.if %cond3A_230 {
        %add3A_232 = arith.constant 1 : i32
        %add3A_233 = arith.addi %while3A_184, %add3A_232 : i32
        %add3A_234 = arith.addi %add3A, %add3A_233 : i32
        %mul3A_235 = arith.constant 8 : i32
        %mul3A_236 = arith.muli %add3A_234, %mul3A_235 : i32
        %rem3A_237 = arith.constant 2 : i32
        %rem3A_238 = arith.remsi %add3A_233, %rem3A_237 : i32
        %rem3A_239 = arith.constant 2 : i32
        %rem3A_240 = arith.remsi %add3A_233, %rem3A_239 : i32
        %dma_wait3A_241 = arith.constant 0 : i32
        %dma_wait3A_242 = arith.constant 0 : i32
        %dma_wait3A_243 = arith.constant 0 : i32
        %dma_wait3A_244 = tpu.memref_slice %arg5[%rem3A_238, %dma_wait3A_242, %dma_wait3A_243] : memref<2x8x80xi32, #tpu.memory_space<vmem>> -> memref<1x8x80xi32, #tpu.memory_space<vmem>>
        %dma_wait3A_245 = tpu.memref_squeeze %dma_wait3A_244 : memref<1x8x80xi32, #tpu.memory_space<vmem>> -> memref<8x80xi32, #tpu.memory_space<vmem>>
        %dma_wait3A_246 = arith.constant 0 : i32
        %dma_wait3A_247 = tpu.memref_slice %arg3[%dma_wait3A_241, %mul3A_236, %dma_wait3A_246] : memref<2x20000x80xi32, #tpu.memory_space<hbm>> -> memref<1x8x80xi32, #tpu.memory_space<hbm>>
        %dma_wait3A_248 = tpu.memref_squeeze %dma_wait3A_247 : memref<1x8x80xi32, #tpu.memory_space<hbm>> -> memref<8x80xi32, #tpu.memory_space<hbm>>
        %dma_wait3A_249 = tpu.memref_slice %arg10[%rem3A_240] : memref<2x!tpu.dma_semaphore, #tpu.memory_space<semaphore_mem>> -> memref<1x!tpu.dma_semaphore, #tpu.memory_space<semaphore_mem>>
        %dma_wait3A_250 = tpu.memref_squeeze %dma_wait3A_249 : memref<1x!tpu.dma_semaphore, #tpu.memory_space<semaphore_mem>> -> memref<!tpu.dma_semaphore, #tpu.memory_space<semaphore_mem>>
        %dma_wait3A_251 = arith.constant 0 : i32
        %dma_wait3A_252 = arith.constant 0 : i32
        %dma_wait3A_253 = tpu.memref_slice %arg5[%rem3A_238, %dma_wait3A_251, %dma_wait3A_252] : memref<2x8x80xi32, #tpu.memory_space<vmem>> -> memref<1x8x80xi32, #tpu.memory_space<vmem>>
        %dma_wait3A_254 = tpu.memref_squeeze %dma_wait3A_253 : memref<1x8x80xi32, #tpu.memory_space<vmem>> -> memref<8x80xi32, #tpu.memory_space<vmem>>
        %dma_wait3A_255 = arith.constant 0 : i32
        %dma_wait3A_256 = tpu.memref_slice %arg3[%dma_wait3A_241, %mul3A_236, %dma_wait3A_255] : memref<2x20000x80xi32, #tpu.memory_space<hbm>> -> memref<1x8x80xi32, #tpu.memory_space<hbm>>
        %dma_wait3A_257 = tpu.memref_squeeze %dma_wait3A_256 : memref<1x8x80xi32, #tpu.memory_space<hbm>> -> memref<8x80xi32, #tpu.memory_space<hbm>>
        tpu.wait_dma2 semaphore(%dma_wait3A_250 : memref<!tpu.dma_semaphore, #tpu.memory_space<semaphore_mem>>) src(%dma_wait3A_257 : memref<8x80xi32, #tpu.memory_space<hbm>>) dst(%dma_wait3A_254 : memref<8x80xi32, #tpu.memory_space<vmem>>)
        %add3A_258 = arith.constant 1 : i32
        %add3A_259 = arith.addi %while3A_184, %add3A_258 : i32
        %scan3A_260 = arith.constant 0 : i32
        %scan3A_261 = arith.constant 0 : i32
        %scan3A_262 = arith.constant 8 : i32
        %scan3A_263 = arith.addi %scan3A_261, %scan3A_262 : i32
        %scan3A_264 = arith.constant 1 : i32
        %scan3A_265 = scf.for %scan3A_267 = %scan3A_261 to %scan3A_263 step %scan3A_264 iter_args(%scan3A_268 = %scan3A_260) -> (i32)  : i32 {
          %rem3A_269 = arith.constant 2 : i32
          %rem3A_270 = arith.remsi %add3A_259, %rem3A_269 : i32
          %dma_start3A_271 = arith.constant 0 : i32
          %dma_start3A_272 = arith.constant 0 : i32
          %dma_start3A_273 = tpu.memref_slice %arg7[%rem3A_270, %scan3A_267, %dma_start3A_271, %dma_start3A_272] : memref<2x8x80x16xf32, #tpu.memory_space<vmem>> -> memref<1x1x80x16xf32, #tpu.memory_space<vmem>>
          %dma_start3A_274 = tpu.memref_squeeze %dma_start3A_273 : memref<1x1x80x16xf32, #tpu.memory_space<vmem>> -> memref<80x16xf32, #tpu.memory_space<vmem>>
          %dma_start3A_275 = arith.constant 0 : i32
          %dma_start3A_276 = tpu.memref_slice %arg5[%rem3A_270, %scan3A_267, %dma_start3A_275] : memref<2x8x80xi32, #tpu.memory_space<vmem>> -> memref<1x1x80xi32, #tpu.memory_space<vmem>>
          %dma_start3A_277 = tpu.memref_squeeze %dma_start3A_276 : memref<1x1x80xi32, #tpu.memory_space<vmem>> -> memref<80xi32, #tpu.memory_space<vmem>>
          %dma_start3A_278 = arith.constant 0 : i32
          %dma_start3A_279 = arith.constant 0 : i32
          %dma_start3A_280 = tpu.memref_slice %arg2[%arg0, %dma_start3A_278, %dma_start3A_279] : memref<2x100000x16xf32, #tpu.memory_space<hbm>> -> memref<1x100000x16xf32, #tpu.memory_space<hbm>>
          %dma_start3A_281 = tpu.memref_squeeze %dma_start3A_280 : memref<1x100000x16xf32, #tpu.memory_space<hbm>> -> memref<100000x16xf32, #tpu.memory_space<hbm>>
          %dma_start3A_282 = arith.constant 0 : i32
          %dma_start3A_283 = arith.constant 0 : i32
          %dma_start3A_284 = tpu.memref_slice %dma_start3A_281[%dma_start3A_282, %dma_start3A_283] : memref<100000x16xf32, #tpu.memory_space<hbm>> -> memref<100000x16xf32, #tpu.memory_space<hbm>>
          %dma_start3A_285 = tpu.memref_slice %arg12[%rem3A_270] : memref<2x!tpu.dma_semaphore, #tpu.memory_space<semaphore_mem>> -> memref<1x!tpu.dma_semaphore, #tpu.memory_space<semaphore_mem>>
          %dma_start3A_286 = tpu.memref_squeeze %dma_start3A_285 : memref<1x!tpu.dma_semaphore, #tpu.memory_space<semaphore_mem>> -> memref<!tpu.dma_semaphore, #tpu.memory_space<semaphore_mem>>
          tpu.enqueue_indirect_dma source(%dma_start3A_284 : memref<100000x16xf32, #tpu.memory_space<hbm>>) target(%dma_start3A_274 : memref<80x16xf32, #tpu.memory_space<vmem>>) offsets(%dma_start3A_277 : memref<80xi32, #tpu.memory_space<vmem>>) semaphore(%dma_start3A_286 : memref<!tpu.dma_semaphore, #tpu.memory_space<semaphore_mem>>)
          %scan3A_287 = arith.constant 0 : i32
          scf.yield %scan3A_287 : i32
        }
        %scan3A_266 = arith.constant 8 : i32
      } else {
      }
      %while3A_231 = arith.constant 0 : i32
      scf.yield %while3A_231 : i32
    }
    %while3A_166 = arith.constant 1 : i32
    %while3A_167 = scf.for %while3A_184 = %while3A_163 to %while3A_159 step %while3A_166 iter_args(%while3A_185 = %while3A_165) -> (i32)  : i32 {
      %ge3A = arith.constant 1 : i32
      %ge3A_186 = arith.cmpi sge, %while3A_184, %ge3A : i32
      %convert_element_type3A = arith.extui %ge3A_186 : i1 to i32
      %cond3A = arith.constant 0 : i32
      %cond3A_187 = arith.cmpi ne, %convert_element_type3A, %cond3A : i32
      scf.if %cond3A_187 {
        %sub3A_232 = arith.constant 1 : i32
        %sub3A_233 = arith.subi %while3A_184, %sub3A_232 : i32
        %scan3A_234 = arith.constant 0 : i32
        %scan3A_235 = arith.constant 0 : i32
        %scan3A_236 = arith.constant 8 : i32
        %scan3A_237 = arith.addi %scan3A_235, %scan3A_236 : i32
        %scan3A_238 = arith.constant 1 : i32
        %scan3A_239 = scf.for %scan3A_241 = %scan3A_235 to %scan3A_237 step %scan3A_238 iter_args(%scan3A_242 = %scan3A_234) -> (i32)  : i32 {
          %rem3A_243 = arith.constant 2 : i32
          %rem3A_244 = arith.remsi %sub3A_233, %rem3A_243 : i32
          %rem3A_245 = arith.constant 4 : i32
          %rem3A_246 = arith.remsi %sub3A_233, %rem3A_245 : i32
          %dma_wait3A_247 = arith.constant 0 : i32
          %dma_wait3A_248 = arith.constant 0 : i32
          %dma_wait3A_249 = tpu.memref_slice %arg7[%rem3A_244, %scan3A_241, %dma_wait3A_247, %dma_wait3A_248] : memref<2x8x80x16xf32, #tpu.memory_space<vmem>> -> memref<1x1x80x16xf32, #tpu.memory_space<vmem>>
          %dma_wait3A_250 = tpu.memref_squeeze %dma_wait3A_249 : memref<1x1x80x16xf32, #tpu.memory_space<vmem>> -> memref<80x16xf32, #tpu.memory_space<vmem>>
          %dma_wait3A_251 = arith.constant 0 : i32
          %dma_wait3A_252 = tpu.memref_slice %arg6[%rem3A_246, %scan3A_241, %dma_wait3A_251] : memref<4x8x80xi32, #tpu.memory_space<vmem>> -> memref<1x1x80xi32, #tpu.memory_space<vmem>>
          %dma_wait3A_253 = tpu.memref_squeeze %dma_wait3A_252 : memref<1x1x80xi32, #tpu.memory_space<vmem>> -> memref<80xi32, #tpu.memory_space<vmem>>
          %dma_wait3A_254 = arith.constant 0 : i32
          %dma_wait3A_255 = arith.constant 0 : i32
          %dma_wait3A_256 = tpu.memref_slice %arg9[%dma_wait3A_254, %dma_wait3A_255] : memref<100000x16xf32, #tpu.memory_space<vmem_shared>> -> memref<100000x16xf32, #tpu.memory_space<vmem_shared>>
          %dma_wait3A_257 = tpu.memref_slice %arg13[%rem3A_244] : memref<2x!tpu.dma_semaphore, #tpu.memory_space<semaphore_mem>> -> memref<1x!tpu.dma_semaphore, #tpu.memory_space<semaphore_mem>>
          %dma_wait3A_258 = tpu.memref_squeeze %dma_wait3A_257 : memref<1x!tpu.dma_semaphore, #tpu.memory_space<semaphore_mem>> -> memref<!tpu.dma_semaphore, #tpu.memory_space<semaphore_mem>>
          tpu.wait_indirect_dma semaphore(%dma_wait3A_258 : memref<!tpu.dma_semaphore, #tpu.memory_space<semaphore_mem>>) src(%dma_wait3A_250 : memref<80x16xf32, #tpu.memory_space<vmem>>) dst(%dma_wait3A_256 : memref<100000x16xf32, #tpu.memory_space<vmem_shared>>)
          %scan3A_259 = arith.constant 0 : i32
          scf.yield %scan3A_259 : i32
        }
        %scan3A_240 = arith.constant 8 : i32
      } else {
      }
      %add3A_188 = arith.addi %add3A, %while3A_184 : i32
      %mul3A_189 = arith.constant 8 : i32
      %mul3A_190 = arith.muli %add3A_188, %mul3A_189 : i32
      %rem3A_191 = arith.constant 4 : i32
      %rem3A_192 = arith.remsi %while3A_184, %rem3A_191 : i32
      %rem3A_193 = arith.constant 4 : i32
      %rem3A_194 = arith.remsi %while3A_184, %rem3A_193 : i32
      %dma_wait3A_195 = arith.constant 1 : i32
      %dma_wait3A_196 = arith.constant 0 : i32
      %dma_wait3A_197 = arith.constant 0 : i32
      %dma_wait3A_198 = tpu.memref_slice %arg6[%rem3A_192, %dma_wait3A_196, %dma_wait3A_197] : memref<4x8x80xi32, #tpu.memory_space<vmem>> -> memref<1x8x80xi32, #tpu.memory_space<vmem>>
      %dma_wait3A_199 = tpu.memref_squeeze %dma_wait3A_198 : memref<1x8x80xi32, #tpu.memory_space<vmem>> -> memref<8x80xi32, #tpu.memory_space<vmem>>
      %dma_wait3A_200 = arith.constant 0 : i32
      %dma_wait3A_201 = tpu.memref_slice %arg3[%dma_wait3A_195, %mul3A_190, %dma_wait3A_200] : memref<2x20000x80xi32, #tpu.memory_space<hbm>> -> memref<1x8x80xi32, #tpu.memory_space<hbm>>
      %dma_wait3A_202 = tpu.memref_squeeze %dma_wait3A_201 : memref<1x8x80xi32, #tpu.memory_space<hbm>> -> memref<8x80xi32, #tpu.memory_space<hbm>>
      %dma_wait3A_203 = tpu.memref_slice %arg11[%rem3A_194] : memref<4x!tpu.dma_semaphore, #tpu.memory_space<semaphore_mem>> -> memref<1x!tpu.dma_semaphore, #tpu.memory_space<semaphore_mem>>
      %dma_wait3A_204 = tpu.memref_squeeze %dma_wait3A_203 : memref<1x!tpu.dma_semaphore, #tpu.memory_space<semaphore_mem>> -> memref<!tpu.dma_semaphore, #tpu.memory_space<semaphore_mem>>
      %dma_wait3A_205 = arith.constant 0 : i32
      %dma_wait3A_206 = arith.constant 0 : i32
      %dma_wait3A_207 = tpu.memref_slice %arg6[%rem3A_192, %dma_wait3A_205, %dma_wait3A_206] : memref<4x8x80xi32, #tpu.memory_space<vmem>> -> memref<1x8x80xi32, #tpu.memory_space<vmem>>
      %dma_wait3A_208 = tpu.memref_squeeze %dma_wait3A_207 : memref<1x8x80xi32, #tpu.memory_space<vmem>> -> memref<8x80xi32, #tpu.memory_space<vmem>>
      %dma_wait3A_209 = arith.constant 0 : i32
      %dma_wait3A_210 = tpu.memref_slice %arg3[%dma_wait3A_195, %mul3A_190, %dma_wait3A_209] : memref<2x20000x80xi32, #tpu.memory_space<hbm>> -> memref<1x8x80xi32, #tpu.memory_space<hbm>>
      %dma_wait3A_211 = tpu.memref_squeeze %dma_wait3A_210 : memref<1x8x80xi32, #tpu.memory_space<hbm>> -> memref<8x80xi32, #tpu.memory_space<hbm>>
      tpu.wait_dma2 semaphore(%dma_wait3A_204 : memref<!tpu.dma_semaphore, #tpu.memory_space<semaphore_mem>>) src(%dma_wait3A_211 : memref<8x80xi32, #tpu.memory_space<hbm>>) dst(%dma_wait3A_208 : memref<8x80xi32, #tpu.memory_space<vmem>>)
      %scan3A_212 = arith.constant 0 : i32
      %scan3A_213 = arith.constant 0 : i32
      %scan3A_214 = arith.constant 8 : i32
      %scan3A_215 = arith.addi %scan3A_213, %scan3A_214 : i32
      %scan3A_216 = arith.constant 1 : i32
      %scan3A_217 = scf.for %scan3A_232 = %scan3A_213 to %scan3A_215 step %scan3A_216 iter_args(%scan3A_233 = %scan3A_212) -> (i32)  : i32 {
        %rem3A_234 = arith.constant 2 : i32
        %rem3A_235 = arith.remsi %while3A_184, %rem3A_234 : i32
        %dma_wait3A_236 = arith.constant 0 : i32
        %dma_wait3A_237 = arith.constant 0 : i32
        %dma_wait3A_238 = tpu.memref_slice %arg7[%rem3A_235, %scan3A_232, %dma_wait3A_236, %dma_wait3A_237] : memref<2x8x80x16xf32, #tpu.memory_space<vmem>> -> memref<1x1x80x16xf32, #tpu.memory_space<vmem>>
        %dma_wait3A_239 = tpu.memref_squeeze %dma_wait3A_238 : memref<1x1x80x16xf32, #tpu.memory_space<vmem>> -> memref<80x16xf32, #tpu.memory_space<vmem>>
        %dma_wait3A_240 = arith.constant 0 : i32
        %dma_wait3A_241 = tpu.memref_slice %arg5[%rem3A_235, %scan3A_232, %dma_wait3A_240] : memref<2x8x80xi32, #tpu.memory_space<vmem>> -> memref<1x1x80xi32, #tpu.memory_space<vmem>>
        %dma_wait3A_242 = tpu.memref_squeeze %dma_wait3A_241 : memref<1x1x80xi32, #tpu.memory_space<vmem>> -> memref<80xi32, #tpu.memory_space<vmem>>
        %dma_wait3A_243 = arith.constant 0 : i32
        %dma_wait3A_244 = arith.constant 0 : i32
        %dma_wait3A_245 = tpu.memref_slice %arg2[%arg0, %dma_wait3A_243, %dma_wait3A_244] : memref<2x100000x16xf32, #tpu.memory_space<hbm>> -> memref<1x100000x16xf32, #tpu.memory_space<hbm>>
        %dma_wait3A_246 = tpu.memref_squeeze %dma_wait3A_245 : memref<1x100000x16xf32, #tpu.memory_space<hbm>> -> memref<100000x16xf32, #tpu.memory_space<hbm>>
        %dma_wait3A_247 = arith.constant 0 : i32
        %dma_wait3A_248 = arith.constant 0 : i32
        %dma_wait3A_249 = tpu.memref_slice %dma_wait3A_246[%dma_wait3A_247, %dma_wait3A_248] : memref<100000x16xf32, #tpu.memory_space<hbm>> -> memref<100000x16xf32, #tpu.memory_space<hbm>>
        %dma_wait3A_250 = tpu.memref_slice %arg12[%rem3A_235] : memref<2x!tpu.dma_semaphore, #tpu.memory_space<semaphore_mem>> -> memref<1x!tpu.dma_semaphore, #tpu.memory_space<semaphore_mem>>
        %dma_wait3A_251 = tpu.memref_squeeze %dma_wait3A_250 : memref<1x!tpu.dma_semaphore, #tpu.memory_space<semaphore_mem>> -> memref<!tpu.dma_semaphore, #tpu.memory_space<semaphore_mem>>
        tpu.wait_indirect_dma semaphore(%dma_wait3A_251 : memref<!tpu.dma_semaphore, #tpu.memory_space<semaphore_mem>>) src(%dma_wait3A_249 : memref<100000x16xf32, #tpu.memory_space<hbm>>) dst(%dma_wait3A_239 : memref<80x16xf32, #tpu.memory_space<vmem>>)
        %rem3A_252 = arith.constant 2 : i32
        %rem3A_253 = arith.remsi %while3A_184, %rem3A_252 : i32
        %rem3A_254 = arith.constant 4 : i32
        %rem3A_255 = arith.remsi %while3A_184, %rem3A_254 : i32
        %dma_start3A_256 = arith.constant 0 : i32
        %dma_start3A_257 = arith.constant 0 : i32
        %dma_start3A_258 = tpu.memref_slice %arg7[%rem3A_253, %scan3A_232, %dma_start3A_256, %dma_start3A_257] : memref<2x8x80x16xf32, #tpu.memory_space<vmem>> -> memref<1x1x80x16xf32, #tpu.memory_space<vmem>>
        %dma_start3A_259 = tpu.memref_squeeze %dma_start3A_258 : memref<1x1x80x16xf32, #tpu.memory_space<vmem>> -> memref<80x16xf32, #tpu.memory_space<vmem>>
        %dma_start3A_260 = arith.constant 0 : i32
        %dma_start3A_261 = tpu.memref_slice %arg6[%rem3A_255, %scan3A_232, %dma_start3A_260] : memref<4x8x80xi32, #tpu.memory_space<vmem>> -> memref<1x1x80xi32, #tpu.memory_space<vmem>>
        %dma_start3A_262 = tpu.memref_squeeze %dma_start3A_261 : memref<1x1x80xi32, #tpu.memory_space<vmem>> -> memref<80xi32, #tpu.memory_space<vmem>>
        %dma_start3A_263 = arith.constant 0 : i32
        %dma_start3A_264 = arith.constant 0 : i32
        %dma_start3A_265 = tpu.memref_slice %arg9[%dma_start3A_263, %dma_start3A_264] : memref<100000x16xf32, #tpu.memory_space<vmem_shared>> -> memref<100000x16xf32, #tpu.memory_space<vmem_shared>>
        %dma_start3A_266 = tpu.memref_slice %arg13[%rem3A_253] : memref<2x!tpu.dma_semaphore, #tpu.memory_space<semaphore_mem>> -> memref<1x!tpu.dma_semaphore, #tpu.memory_space<semaphore_mem>>
        %dma_start3A_267 = tpu.memref_squeeze %dma_start3A_266 : memref<1x!tpu.dma_semaphore, #tpu.memory_space<semaphore_mem>> -> memref<!tpu.dma_semaphore, #tpu.memory_space<semaphore_mem>>
        tpu.enqueue_indirect_dma source(%dma_start3A_259 : memref<80x16xf32, #tpu.memory_space<vmem>>) target(%dma_start3A_265 : memref<100000x16xf32, #tpu.memory_space<vmem_shared>>) offsets(%dma_start3A_262 : memref<80xi32, #tpu.memory_space<vmem>>) semaphore(%dma_start3A_267 : memref<!tpu.dma_semaphore, #tpu.memory_space<semaphore_mem>>) {add = true}
        %scan3A_268 = arith.constant 0 : i32
        scf.yield %scan3A_268 : i32
      }
      %scan3A_218 = arith.constant 8 : i32
      %add3A_219 = arith.constant 2 : i32
      %add3A_220 = arith.addi %while3A_184, %add3A_219 : i32
      %lt3A_221 = arith.cmpi slt, %add3A_220, %select_n3A : i32
      %convert_element_type3A_222 = arith.extui %lt3A_221 : i1 to i32
      %cond3A_223 = arith.constant 0 : i32
      %cond3A_224 = arith.cmpi ne, %convert_element_type3A_222, %cond3A_223 : i32
      scf.if %cond3A_224 {
        %add3A_232 = arith.constant 2 : i32
        %add3A_233 = arith.addi %while3A_184, %add3A_232 : i32
        %add3A_234 = arith.addi %add3A, %add3A_233 : i32
        %mul3A_235 = arith.constant 8 : i32
        %mul3A_236 = arith.muli %add3A_234, %mul3A_235 : i32
        %rem3A_237 = arith.constant 2 : i32
        %rem3A_238 = arith.remsi %add3A_233, %rem3A_237 : i32
        %rem3A_239 = arith.constant 2 : i32
        %rem3A_240 = arith.remsi %add3A_233, %rem3A_239 : i32
        %dma_start3A_241 = arith.constant 0 : i32
        %dma_start3A_242 = arith.constant 0 : i32
        %dma_start3A_243 = arith.constant 0 : i32
        %dma_start3A_244 = tpu.memref_slice %arg5[%rem3A_238, %dma_start3A_242, %dma_start3A_243] : memref<2x8x80xi32, #tpu.memory_space<vmem>> -> memref<1x8x80xi32, #tpu.memory_space<vmem>>
        %dma_start3A_245 = tpu.memref_squeeze %dma_start3A_244 : memref<1x8x80xi32, #tpu.memory_space<vmem>> -> memref<8x80xi32, #tpu.memory_space<vmem>>
        %dma_start3A_246 = arith.constant 0 : i32
        %dma_start3A_247 = tpu.memref_slice %arg3[%dma_start3A_241, %mul3A_236, %dma_start3A_246] : memref<2x20000x80xi32, #tpu.memory_space<hbm>> -> memref<1x8x80xi32, #tpu.memory_space<hbm>>
        %dma_start3A_248 = tpu.memref_squeeze %dma_start3A_247 : memref<1x8x80xi32, #tpu.memory_space<hbm>> -> memref<8x80xi32, #tpu.memory_space<hbm>>
        %dma_start3A_249 = tpu.memref_slice %arg10[%rem3A_240] : memref<2x!tpu.dma_semaphore, #tpu.memory_space<semaphore_mem>> -> memref<1x!tpu.dma_semaphore, #tpu.memory_space<semaphore_mem>>
        %dma_start3A_250 = tpu.memref_squeeze %dma_start3A_249 : memref<1x!tpu.dma_semaphore, #tpu.memory_space<semaphore_mem>> -> memref<!tpu.dma_semaphore, #tpu.memory_space<semaphore_mem>>
        %dma_start3A_251 = arith.constant 0 : i32
        %dma_start3A_252 = arith.constant 0 : i32
        %dma_start3A_253 = tpu.memref_slice %arg5[%rem3A_238, %dma_start3A_251, %dma_start3A_252] : memref<2x8x80xi32, #tpu.memory_space<vmem>> -> memref<1x8x80xi32, #tpu.memory_space<vmem>>
        %dma_start3A_254 = tpu.memref_squeeze %dma_start3A_253 : memref<1x8x80xi32, #tpu.memory_space<vmem>> -> memref<8x80xi32, #tpu.memory_space<vmem>>
        %dma_start3A_255 = arith.constant 0 : i32
        %dma_start3A_256 = tpu.memref_slice %arg3[%dma_start3A_241, %mul3A_236, %dma_start3A_255] : memref<2x20000x80xi32, #tpu.memory_space<hbm>> -> memref<1x8x80xi32, #tpu.memory_space<hbm>>
        %dma_start3A_257 = tpu.memref_squeeze %dma_start3A_256 : memref<1x8x80xi32, #tpu.memory_space<hbm>> -> memref<8x80xi32, #tpu.memory_space<hbm>>
        tpu.enqueue_dma source(%dma_start3A_257 : memref<8x80xi32, #tpu.memory_space<hbm>>) target(%dma_start3A_254 : memref<8x80xi32, #tpu.memory_space<vmem>>) target_semaphore(%dma_start3A_250 : memref<!tpu.dma_semaphore, #tpu.memory_space<semaphore_mem>>)
        %add3A_258 = arith.constant 2 : i32
        %add3A_259 = arith.addi %while3A_184, %add3A_258 : i32
        %add3A_260 = arith.addi %add3A, %add3A_259 : i32
        %mul3A_261 = arith.constant 8 : i32
        %mul3A_262 = arith.muli %add3A_260, %mul3A_261 : i32
        %rem3A_263 = arith.constant 4 : i32
        %rem3A_264 = arith.remsi %add3A_259, %rem3A_263 : i32
        %rem3A_265 = arith.constant 4 : i32
        %rem3A_266 = arith.remsi %add3A_259, %rem3A_265 : i32
        %dma_start3A_267 = arith.constant 1 : i32
        %dma_start3A_268 = arith.constant 0 : i32
        %dma_start3A_269 = arith.constant 0 : i32
        %dma_start3A_270 = tpu.memref_slice %arg6[%rem3A_264, %dma_start3A_268, %dma_start3A_269] : memref<4x8x80xi32, #tpu.memory_space<vmem>> -> memref<1x8x80xi32, #tpu.memory_space<vmem>>
        %dma_start3A_271 = tpu.memref_squeeze %dma_start3A_270 : memref<1x8x80xi32, #tpu.memory_space<vmem>> -> memref<8x80xi32, #tpu.memory_space<vmem>>
        %dma_start3A_272 = arith.constant 0 : i32
        %dma_start3A_273 = tpu.memref_slice %arg3[%dma_start3A_267, %mul3A_262, %dma_start3A_272] : memref<2x20000x80xi32, #tpu.memory_space<hbm>> -> memref<1x8x80xi32, #tpu.memory_space<hbm>>
        %dma_start3A_274 = tpu.memref_squeeze %dma_start3A_273 : memref<1x8x80xi32, #tpu.memory_space<hbm>> -> memref<8x80xi32, #tpu.memory_space<hbm>>
        %dma_start3A_275 = tpu.memref_slice %arg11[%rem3A_266] : memref<4x!tpu.dma_semaphore, #tpu.memory_space<semaphore_mem>> -> memref<1x!tpu.dma_semaphore, #tpu.memory_space<semaphore_mem>>
        %dma_start3A_276 = tpu.memref_squeeze %dma_start3A_275 : memref<1x!tpu.dma_semaphore, #tpu.memory_space<semaphore_mem>> -> memref<!tpu.dma_semaphore, #tpu.memory_space<semaphore_mem>>
        %dma_start3A_277 = arith.constant 0 : i32
        %dma_start3A_278 = arith.constant 0 : i32
        %dma_start3A_279 = tpu.memref_slice %arg6[%rem3A_264, %dma_start3A_277, %dma_start3A_278] : memref<4x8x80xi32, #tpu.memory_space<vmem>> -> memref<1x8x80xi32, #tpu.memory_space<vmem>>
        %dma_start3A_280 = tpu.memref_squeeze %dma_start3A_279 : memref<1x8x80xi32, #tpu.memory_space<vmem>> -> memref<8x80xi32, #tpu.memory_space<vmem>>
        %dma_start3A_281 = arith.constant 0 : i32
        %dma_start3A_282 = tpu.memref_slice %arg3[%dma_start3A_267, %mul3A_262, %dma_start3A_281] : memref<2x20000x80xi32, #tpu.memory_space<hbm>> -> memref<1x8x80xi32, #tpu.memory_space<hbm>>
        %dma_start3A_283 = tpu.memref_squeeze %dma_start3A_282 : memref<1x8x80xi32, #tpu.memory_space<hbm>> -> memref<8x80xi32, #tpu.memory_space<hbm>>
        tpu.enqueue_dma source(%dma_start3A_283 : memref<8x80xi32, #tpu.memory_space<hbm>>) target(%dma_start3A_280 : memref<8x80xi32, #tpu.memory_space<vmem>>) target_semaphore(%dma_start3A_276 : memref<!tpu.dma_semaphore, #tpu.memory_space<semaphore_mem>>)
      } else {
      }
      %add3A_225 = arith.constant 1 : i32
      %add3A_226 = arith.addi %while3A_184, %add3A_225 : i32
      %lt3A_227 = arith.cmpi slt, %add3A_226, %select_n3A : i32
      %convert_element_type3A_228 = arith.extui %lt3A_227 : i1 to i32
      %cond3A_229 = arith.constant 0 : i32
      %cond3A_230 = arith.cmpi ne, %convert_element_type3A_228, %cond3A_229 : i32
      scf.if %cond3A_230 {
        %add3A_232 = arith.constant 1 : i32
        %add3A_233 = arith.addi %while3A_184, %add3A_232 : i32
        %add3A_234 = arith.addi %add3A, %add3A_233 : i32
        %mul3A_235 = arith.constant 8 : i32
        %mul3A_236 = arith.muli %add3A_234, %mul3A_235 : i32
        %rem3A_237 = arith.constant 2 : i32
        %rem3A_238 = arith.remsi %add3A_233, %rem3A_237 : i32
        %rem3A_239 = arith.constant 2 : i32
        %rem3A_240 = arith.remsi %add3A_233, %rem3A_239 : i32
        %dma_wait3A_241 = arith.constant 0 : i32
        %dma_wait3A_242 = arith.constant 0 : i32
        %dma_wait3A_243 = arith.constant 0 : i32
        %dma_wait3A_244 = tpu.memref_slice %arg5[%rem3A_238, %dma_wait3A_242, %dma_wait3A_243] : memref<2x8x80xi32, #tpu.memory_space<vmem>> -> memref<1x8x80xi32, #tpu.memory_space<vmem>>
        %dma_wait3A_245 = tpu.memref_squeeze %dma_wait3A_244 : memref<1x8x80xi32, #tpu.memory_space<vmem>> -> memref<8x80xi32, #tpu.memory_space<vmem>>
        %dma_wait3A_246 = arith.constant 0 : i32
        %dma_wait3A_247 = tpu.memref_slice %arg3[%dma_wait3A_241, %mul3A_236, %dma_wait3A_246] : memref<2x20000x80xi32, #tpu.memory_space<hbm>> -> memref<1x8x80xi32, #tpu.memory_space<hbm>>
        %dma_wait3A_248 = tpu.memref_squeeze %dma_wait3A_247 : memref<1x8x80xi32, #tpu.memory_space<hbm>> -> memref<8x80xi32, #tpu.memory_space<hbm>>
        %dma_wait3A_249 = tpu.memref_slice %arg10[%rem3A_240] : memref<2x!tpu.dma_semaphore, #tpu.memory_space<semaphore_mem>> -> memref<1x!tpu.dma_semaphore, #tpu.memory_space<semaphore_mem>>
        %dma_wait3A_250 = tpu.memref_squeeze %dma_wait3A_249 : memref<1x!tpu.dma_semaphore, #tpu.memory_space<semaphore_mem>> -> memref<!tpu.dma_semaphore, #tpu.memory_space<semaphore_mem>>
        %dma_wait3A_251 = arith.constant 0 : i32
        %dma_wait3A_252 = arith.constant 0 : i32
        %dma_wait3A_253 = tpu.memref_slice %arg5[%rem3A_238, %dma_wait3A_251, %dma_wait3A_252] : memref<2x8x80xi32, #tpu.memory_space<vmem>> -> memref<1x8x80xi32, #tpu.memory_space<vmem>>
        %dma_wait3A_254 = tpu.memref_squeeze %dma_wait3A_253 : memref<1x8x80xi32, #tpu.memory_space<vmem>> -> memref<8x80xi32, #tpu.memory_space<vmem>>
        %dma_wait3A_255 = arith.constant 0 : i32
        %dma_wait3A_256 = tpu.memref_slice %arg3[%dma_wait3A_241, %mul3A_236, %dma_wait3A_255] : memref<2x20000x80xi32, #tpu.memory_space<hbm>> -> memref<1x8x80xi32, #tpu.memory_space<hbm>>
        %dma_wait3A_257 = tpu.memref_squeeze %dma_wait3A_256 : memref<1x8x80xi32, #tpu.memory_space<hbm>> -> memref<8x80xi32, #tpu.memory_space<hbm>>
        tpu.wait_dma2 semaphore(%dma_wait3A_250 : memref<!tpu.dma_semaphore, #tpu.memory_space<semaphore_mem>>) src(%dma_wait3A_257 : memref<8x80xi32, #tpu.memory_space<hbm>>) dst(%dma_wait3A_254 : memref<8x80xi32, #tpu.memory_space<vmem>>)
        %add3A_258 = arith.constant 1 : i32
        %add3A_259 = arith.addi %while3A_184, %add3A_258 : i32
        %scan3A_260 = arith.constant 0 : i32
        %scan3A_261 = arith.constant 0 : i32
        %scan3A_262 = arith.constant 8 : i32
        %scan3A_263 = arith.addi %scan3A_261, %scan3A_262 : i32
        %scan3A_264 = arith.constant 1 : i32
        %scan3A_265 = scf.for %scan3A_267 = %scan3A_261 to %scan3A_263 step %scan3A_264 iter_args(%scan3A_268 = %scan3A_260) -> (i32)  : i32 {
          %rem3A_269 = arith.constant 2 : i32
          %rem3A_270 = arith.remsi %add3A_259, %rem3A_269 : i32
          %dma_start3A_271 = arith.constant 0 : i32
          %dma_start3A_272 = arith.constant 0 : i32
          %dma_start3A_273 = tpu.memref_slice %arg7[%rem3A_270, %scan3A_267, %dma_start3A_271, %dma_start3A_272] : memref<2x8x80x16xf32, #tpu.memory_space<vmem>> -> memref<1x1x80x16xf32, #tpu.memory_space<vmem>>
          %dma_start3A_274 = tpu.memref_squeeze %dma_start3A_273 : memref<1x1x80x16xf32, #tpu.memory_space<vmem>> -> memref<80x16xf32, #tpu.memory_space<vmem>>
          %dma_start3A_275 = arith.constant 0 : i32
          %dma_start3A_276 = tpu.memref_slice %arg5[%rem3A_270, %scan3A_267, %dma_start3A_275] : memref<2x8x80xi32, #tpu.memory_space<vmem>> -> memref<1x1x80xi32, #tpu.memory_space<vmem>>
          %dma_start3A_277 = tpu.memref_squeeze %dma_start3A_276 : memref<1x1x80xi32, #tpu.memory_space<vmem>> -> memref<80xi32, #tpu.memory_space<vmem>>
          %dma_start3A_278 = arith.constant 0 : i32
          %dma_start3A_279 = arith.constant 0 : i32
          %dma_start3A_280 = tpu.memref_slice %arg2[%arg0, %dma_start3A_278, %dma_start3A_279] : memref<2x100000x16xf32, #tpu.memory_space<hbm>> -> memref<1x100000x16xf32, #tpu.memory_space<hbm>>
          %dma_start3A_281 = tpu.memref_squeeze %dma_start3A_280 : memref<1x100000x16xf32, #tpu.memory_space<hbm>> -> memref<100000x16xf32, #tpu.memory_space<hbm>>
          %dma_start3A_282 = arith.constant 0 : i32
          %dma_start3A_283 = arith.constant 0 : i32
          %dma_start3A_284 = tpu.memref_slice %dma_start3A_281[%dma_start3A_282, %dma_start3A_283] : memref<100000x16xf32, #tpu.memory_space<hbm>> -> memref<100000x16xf32, #tpu.memory_space<hbm>>
          %dma_start3A_285 = tpu.memref_slice %arg12[%rem3A_270] : memref<2x!tpu.dma_semaphore, #tpu.memory_space<semaphore_mem>> -> memref<1x!tpu.dma_semaphore, #tpu.memory_space<semaphore_mem>>
          %dma_start3A_286 = tpu.memref_squeeze %dma_start3A_285 : memref<1x!tpu.dma_semaphore, #tpu.memory_space<semaphore_mem>> -> memref<!tpu.dma_semaphore, #tpu.memory_space<semaphore_mem>>
          tpu.enqueue_indirect_dma source(%dma_start3A_284 : memref<100000x16xf32, #tpu.memory_space<hbm>>) target(%dma_start3A_274 : memref<80x16xf32, #tpu.memory_space<vmem>>) offsets(%dma_start3A_277 : memref<80xi32, #tpu.memory_space<vmem>>) semaphore(%dma_start3A_286 : memref<!tpu.dma_semaphore, #tpu.memory_space<semaphore_mem>>)
          %scan3A_287 = arith.constant 0 : i32
          scf.yield %scan3A_287 : i32
        }
        %scan3A_266 = arith.constant 8 : i32
      } else {
      }
      %while3A_231 = arith.constant 0 : i32
      scf.yield %while3A_231 : i32
    }
    %sub3A = arith.constant 1 : i32
    %sub3A_168 = arith.subi %select_n3A, %sub3A : i32
    %scan3A_169 = arith.constant 0 : i32
    %scan3A_170 = arith.constant 0 : i32
    %scan3A_171 = arith.constant 8 : i32
    %scan3A_172 = arith.addi %scan3A_170, %scan3A_171 : i32
    %scan3A_173 = arith.constant 1 : i32
    %scan3A_174 = scf.for %scan3A_184 = %scan3A_170 to %scan3A_172 step %scan3A_173 iter_args(%scan3A_185 = %scan3A_169) -> (i32)  : i32 {
      %rem3A_186 = arith.constant 2 : i32
      %rem3A_187 = arith.remsi %sub3A_168, %rem3A_186 : i32
      %rem3A_188 = arith.constant 4 : i32
      %rem3A_189 = arith.remsi %sub3A_168, %rem3A_188 : i32
      %dma_wait3A_190 = arith.constant 0 : i32
      %dma_wait3A_191 = arith.constant 0 : i32
      %dma_wait3A_192 = tpu.memref_slice %arg7[%rem3A_187, %scan3A_184, %dma_wait3A_190, %dma_wait3A_191] : memref<2x8x80x16xf32, #tpu.memory_space<vmem>> -> memref<1x1x80x16xf32, #tpu.memory_space<vmem>>
      %dma_wait3A_193 = tpu.memref_squeeze %dma_wait3A_192 : memref<1x1x80x16xf32, #tpu.memory_space<vmem>> -> memref<80x16xf32, #tpu.memory_space<vmem>>
      %dma_wait3A_194 = arith.constant 0 : i32
      %dma_wait3A_195 = tpu.memref_slice %arg6[%rem3A_189, %scan3A_184, %dma_wait3A_194] : memref<4x8x80xi32, #tpu.memory_space<vmem>> -> memref<1x1x80xi32, #tpu.memory_space<vmem>>
      %dma_wait3A_196 = tpu.memref_squeeze %dma_wait3A_195 : memref<1x1x80xi32, #tpu.memory_space<vmem>> -> memref<80xi32, #tpu.memory_space<vmem>>
      %dma_wait3A_197 = arith.constant 0 : i32
      %dma_wait3A_198 = arith.constant 0 : i32
      %dma_wait3A_199 = tpu.memref_slice %arg9[%dma_wait3A_197, %dma_wait3A_198] : memref<100000x16xf32, #tpu.memory_space<vmem_shared>> -> memref<100000x16xf32, #tpu.memory_space<vmem_shared>>
      %dma_wait3A_200 = tpu.memref_slice %arg13[%rem3A_187] : memref<2x!tpu.dma_semaphore, #tpu.memory_space<semaphore_mem>> -> memref<1x!tpu.dma_semaphore, #tpu.memory_space<semaphore_mem>>
      %dma_wait3A_201 = tpu.memref_squeeze %dma_wait3A_200 : memref<1x!tpu.dma_semaphore, #tpu.memory_space<semaphore_mem>> -> memref<!tpu.dma_semaphore, #tpu.memory_space<semaphore_mem>>
      tpu.wait_indirect_dma semaphore(%dma_wait3A_201 : memref<!tpu.dma_semaphore, #tpu.memory_space<semaphore_mem>>) src(%dma_wait3A_193 : memref<80x16xf32, #tpu.memory_space<vmem>>) dst(%dma_wait3A_199 : memref<100000x16xf32, #tpu.memory_space<vmem_shared>>)
      %scan3A_202 = arith.constant 0 : i32
      scf.yield %scan3A_202 : i32
    }
    %scan3A_175 = arith.constant 8 : i32
    %barrier3A_176 = arith.constant 0 : index
    tpu.barrier barrier_id(%barrier3A_176)
    %scan3A_177 = arith.constant 0 : i32
    %scan3A_178 = arith.constant 0 : i32
    %scan3A_179 = arith.constant 16 : i32
    %scan3A_180 = arith.addi %scan3A_178, %scan3A_179 : i32
    %scan3A_181 = arith.constant 1 : i32
    %scan3A_182 = scf.for %scan3A_184 = %scan3A_178 to %scan3A_180 step %scan3A_181 iter_args(%scan3A_185 = %scan3A_177) -> (i32)  : i32 {
      %mul3A_186 = arith.constant 16 : i32
      %mul3A_187 = arith.muli %mul3A_186, %scan3A_184 : i32
      %add3A_188 = arith.addi %arg1, %mul3A_187 : i32
      %lt3A_189 = arith.constant 250 : i32
      %lt3A_190 = arith.cmpi slt, %add3A_188, %lt3A_189 : i32
      %convert_element_type3A = arith.extui %lt3A_190 : i1 to i32
      %cond3A = arith.constant 0 : i32
      %cond3A_191 = arith.cmpi ne, %convert_element_type3A, %cond3A : i32
      scf.if %cond3A_191 {
        %mul3A_193 = arith.constant 400 : i32
        %mul3A_194 = arith.muli %add3A_188, %mul3A_193 : i32
        %mul3A_195 = arith.constant 400 : i32
        %mul3A_196 = arith.muli %add3A_188, %mul3A_195 : i32
        "tpu.region"() ({
          %run_scoped3A = tpu.sem_alloc : memref<!tpu.dma_semaphore, #tpu.memory_space<semaphore_mem>>
          %dma_start3A_197 = arith.constant 0 : i32
          %dma_start3A_198 = tpu.memref_slice %arg4[%arg0, %mul3A_196, %dma_start3A_197] : memref<2x100000x16xf32, #tpu.memory_space<hbm>> -> memref<1x400x16xf32, #tpu.memory_space<hbm>>
          %dma_start3A_199 = tpu.memref_squeeze %dma_start3A_198 : memref<1x400x16xf32, #tpu.memory_space<hbm>> -> memref<400x16xf32, #tpu.memory_space<hbm>>
          %dma_start3A_200 = arith.constant 0 : i32
          %dma_start3A_201 = tpu.memref_slice %arg9[%mul3A_194, %dma_start3A_200] : memref<100000x16xf32, #tpu.memory_space<vmem_shared>> -> memref<400x16xf32, #tpu.memory_space<vmem_shared>>
          tpu.enqueue_dma source(%dma_start3A_201 : memref<400x16xf32, #tpu.memory_space<vmem_shared>>) target(%dma_start3A_199 : memref<400x16xf32, #tpu.memory_space<hbm>>) target_semaphore(%run_scoped3A : memref<!tpu.dma_semaphore, #tpu.memory_space<semaphore_mem>>)
          %dma_wait3A_202 = arith.constant 0 : i32
          %dma_wait3A_203 = tpu.memref_slice %arg4[%arg0, %mul3A_196, %dma_wait3A_202] : memref<2x100000x16xf32, #tpu.memory_space<hbm>> -> memref<1x400x16xf32, #tpu.memory_space<hbm>>
          %dma_wait3A_204 = tpu.memref_squeeze %dma_wait3A_203 : memref<1x400x16xf32, #tpu.memory_space<hbm>> -> memref<400x16xf32, #tpu.memory_space<hbm>>
          %dma_wait3A_205 = arith.constant 0 : i32
          %dma_wait3A_206 = tpu.memref_slice %arg9[%mul3A_194, %dma_wait3A_205] : memref<100000x16xf32, #tpu.memory_space<vmem_shared>> -> memref<400x16xf32, #tpu.memory_space<vmem_shared>>
          tpu.wait_dma2 semaphore(%run_scoped3A : memref<!tpu.dma_semaphore, #tpu.memory_space<semaphore_mem>>) src(%dma_wait3A_206 : memref<400x16xf32, #tpu.memory_space<vmem_shared>>) dst(%dma_wait3A_204 : memref<400x16xf32, #tpu.memory_space<hbm>>)
          tpu.yield
        }) : () -> ()
      } else {
      }
      %scan3A_192 = arith.constant 0 : i32
      scf.yield %scan3A_192 : i32
    }
    %scan3A_183 = arith.constant 16 : i32
    return
  }
}

module attributes {stable_mosaic.version = 14 : i64} {
  func.func @_tc_xw_body(%arg0: i32, %arg1: memref<4000x3xf32, #tpu.memory_space<vmem>>, %arg2: memref<3x32xf32, #tpu.memory_space<vmem>>, %arg3: memref<2x4000x16xf32, #tpu.memory_space<vmem>>) attributes {dimension_semantics = [#tpu.dimension_semantics<arbitrary>], iteration_bounds = array<i64: 25>, scalar_prefetch = 0 : i64, scratch_operands = 0 : i64, tpu.core_type = #tpu.core_type<tc>, window_params = [{transform_indices = @transform_0, window_bounds = array<i64: 4000, 3>}, {pipeline_mode = #tpu.pipeline_mode<synchronous>, transform_indices = @transform_1, window_bounds = array<i64: 3, 32>}, {transform_indices = @transform_2, window_bounds = array<i64: 2, 4000, 16>}]} {
    %get3A = arith.constant 0 : index
    %get3A_0 = arith.constant 0 : index
    %get3A_1 = vector.load %arg1[%get3A, %get3A_0] : memref<4000x3xf32, #tpu.memory_space<vmem>>, vector<4000x3xf32>
    %get3A_2 = arith.constant 0 : index
    %get3A_3 = arith.constant 0 : index
    %get3A_4 = vector.load %arg2[%get3A_2, %get3A_3] : memref<3x32xf32, #tpu.memory_space<vmem>>, vector<3x32xf32>
    %dot_general3A = arith.constant dense<0.000000e+00> : vector<4000x32xf32>
    %dot_general3A_5 = tpu.matmul %get3A_1, %get3A_4, %dot_general3A {dimension_numbers = #tpu.dot_dimension_numbers<[1], [0], [0], [1], [0, 0, 1, 1], [], []>, transpose_lhs_hint = false} : vector<4000x3xf32>, vector<3x32xf32>, vector<4000x32xf32> -> vector<4000x32xf32>
    %slice3A = vector.extract_strided_slice %dot_general3A_5 {offsets = [0, 0], sizes = [4000, 16], strides = [1, 1]} : vector<4000x32xf32> to vector<4000x16xf32>
    %swap3A = arith.constant 0 : index
    %swap3A_6 = arith.constant 0 : index
    %swap3A_7 = arith.constant 0 : index
    %swap3A_8 = vector.load %arg3[%swap3A, %swap3A_6, %swap3A_7] : memref<2x4000x16xf32, #tpu.memory_space<vmem>>, vector<1x4000x16xf32>
    %swap3A_9 = vector.shape_cast %swap3A_8 : vector<1x4000x16xf32> to vector<4000x16xf32>
    %swap3A_10 = vector.shape_cast %slice3A : vector<4000x16xf32> to vector<1x4000x16xf32>
    tpu.vector_store %arg3[%swap3A, %swap3A_6, %swap3A_7], %swap3A_10 {strides = array<i32>} : memref<2x4000x16xf32, #tpu.memory_space<vmem>>, vector<1x4000x16xf32>,
    %slice3A_11 = vector.extract_strided_slice %dot_general3A_5 {offsets = [0, 16], sizes = [4000, 16], strides = [1, 1]} : vector<4000x32xf32> to vector<4000x16xf32>
    %swap3A_12 = arith.constant 1 : index
    %swap3A_13 = arith.constant 0 : index
    %swap3A_14 = arith.constant 0 : index
    %swap3A_15 = vector.load %arg3[%swap3A_12, %swap3A_13, %swap3A_14] : memref<2x4000x16xf32, #tpu.memory_space<vmem>>, vector<1x4000x16xf32>
    %swap3A_16 = vector.shape_cast %swap3A_15 : vector<1x4000x16xf32> to vector<4000x16xf32>
    %swap3A_17 = vector.shape_cast %slice3A_11 : vector<4000x16xf32> to vector<1x4000x16xf32>
    tpu.vector_store %arg3[%swap3A_12, %swap3A_13, %swap3A_14], %swap3A_17 {strides = array<i32>} : memref<2x4000x16xf32, #tpu.memory_space<vmem>>, vector<1x4000x16xf32>,
    return
  }
  func.func @transform_0(%arg0: i32) -> (i32, i32) {
    %c0_i32 = arith.constant 0 : i32
    %c0_i32_0 = arith.constant 0 : i32
    return %arg0, %c0_i32 : i32, i32
  }
  func.func @transform_1(%arg0: i32) -> (i32, i32) {
    %c0_i32 = arith.constant 0 : i32
    %c0_i32_0 = arith.constant 0 : i32
    %c0_i32_1 = arith.constant 0 : i32
    return %c0_i32, %c0_i32_0 : i32, i32
  }
  func.func @transform_2(%arg0: i32) -> (i32, i32, i32) {
    %c0_i32 = arith.constant 0 : i32
    %c0_i32_0 = arith.constant 0 : i32
    %c0_i32_1 = arith.constant 0 : i32
    return %c0_i32, %arg0, %c0_i32_0 : i32, i32, i32
  }
}

module attributes {stable_mosaic.version = 14 : i64} {
  func.func @_tc_scale_body(%arg0: i32, %arg1: memref<2x4000x16xf32, #tpu.memory_space<vmem>>, %arg2: memref<2x4000x1xf32, #tpu.memory_space<vmem>>, %arg3: memref<2x4000x16xf32, #tpu.memory_space<vmem>>, %arg4: memref<4000x1xf32, #tpu.memory_space<vmem>>) attributes {dimension_semantics = [#tpu.dimension_semantics<arbitrary>], iteration_bounds = array<i64: 25>, scalar_prefetch = 0 : i64, scratch_operands = 0 : i64, tpu.core_type = #tpu.core_type<tc>, window_params = [{transform_indices = @transform_0, window_bounds = array<i64: 2, 4000, 16>}, {transform_indices = @transform_1, window_bounds = array<i64: 2, 4000, 1>}, {transform_indices = @transform_2, window_bounds = array<i64: 2, 4000, 16>}, {transform_indices = @transform_3, window_bounds = array<i64: 4000, 1>}]} {
    %get3A = arith.constant 0 : index
    %get3A_0 = arith.constant 0 : index
    %get3A_1 = arith.constant 0 : index
    %get3A_2 = vector.load %arg2[%get3A, %get3A_0, %get3A_1] : memref<2x4000x1xf32, #tpu.memory_space<vmem>>, vector<1x4000x1xf32>
    %get3A_3 = vector.shape_cast %get3A_2 : vector<1x4000x1xf32> to vector<4000x1xf32>
    %get3A_4 = arith.constant 1 : index
    %get3A_5 = arith.constant 0 : index
    %get3A_6 = arith.constant 0 : index
    %get3A_7 = vector.load %arg2[%get3A_4, %get3A_5, %get3A_6] : memref<2x4000x1xf32, #tpu.memory_space<vmem>>, vector<1x4000x1xf32>
    %get3A_8 = vector.shape_cast %get3A_7 : vector<1x4000x1xf32> to vector<4000x1xf32>
    %add3A = arith.addf %get3A_3, %get3A_8 : vector<4000x1xf32>
    %add3A_9 = arith.constant 1.000000e+00 : f32
    %add3A_10 = vector.broadcast %add3A_9 : f32 to vector<4000x1xf32>
    %add3A_11 = arith.addf %add3A, %add3A_10 : vector<4000x1xf32>
    %rsqrt3A = math.rsqrt %add3A_11 : vector<4000x1xf32>
    %get3A_12 = arith.constant 0 : index
    %get3A_13 = arith.constant 0 : index
    %get3A_14 = arith.constant 0 : index
    %get3A_15 = vector.load %arg1[%get3A_12, %get3A_13, %get3A_14] : memref<2x4000x16xf32, #tpu.memory_space<vmem>>, vector<1x4000x16xf32>
    %get3A_16 = vector.shape_cast %get3A_15 : vector<1x4000x16xf32> to vector<4000x16xf32>
    %mul3A = vector.broadcast %rsqrt3A : vector<4000x1xf32> to vector<4000x16xf32>
    %mul3A_17 = arith.mulf %get3A_16, %mul3A : vector<4000x16xf32>
    %swap3A = arith.constant 0 : index
    %swap3A_18 = arith.constant 0 : index
    %swap3A_19 = arith.constant 0 : index
    %swap3A_20 = vector.load %arg3[%swap3A, %swap3A_18, %swap3A_19] : memref<2x4000x16xf32, #tpu.memory_space<vmem>>, vector<1x4000x16xf32>
    %swap3A_21 = vector.shape_cast %swap3A_20 : vector<1x4000x16xf32> to vector<4000x16xf32>
    %swap3A_22 = vector.shape_cast %mul3A_17 : vector<4000x16xf32> to vector<1x4000x16xf32>
    tpu.vector_store %arg3[%swap3A, %swap3A_18, %swap3A_19], %swap3A_22 {strides = array<i32>} : memref<2x4000x16xf32, #tpu.memory_space<vmem>>, vector<1x4000x16xf32>,
    %get3A_23 = arith.constant 1 : index
    %get3A_24 = arith.constant 0 : index
    %get3A_25 = arith.constant 0 : index
    %get3A_26 = vector.load %arg1[%get3A_23, %get3A_24, %get3A_25] : memref<2x4000x16xf32, #tpu.memory_space<vmem>>, vector<1x4000x16xf32>
    %get3A_27 = vector.shape_cast %get3A_26 : vector<1x4000x16xf32> to vector<4000x16xf32>
    %mul3A_28 = vector.broadcast %rsqrt3A : vector<4000x1xf32> to vector<4000x16xf32>
    %mul3A_29 = arith.mulf %get3A_27, %mul3A_28 : vector<4000x16xf32>
    %swap3A_30 = arith.constant 1 : index
    %swap3A_31 = arith.constant 0 : index
    %swap3A_32 = arith.constant 0 : index
    %swap3A_33 = vector.load %arg3[%swap3A_30, %swap3A_31, %swap3A_32] : memref<2x4000x16xf32, #tpu.memory_space<vmem>>, vector<1x4000x16xf32>
    %swap3A_34 = vector.shape_cast %swap3A_33 : vector<1x4000x16xf32> to vector<4000x16xf32>
    %swap3A_35 = vector.shape_cast %mul3A_29 : vector<4000x16xf32> to vector<1x4000x16xf32>
    tpu.vector_store %arg3[%swap3A_30, %swap3A_31, %swap3A_32], %swap3A_35 {strides = array<i32>} : memref<2x4000x16xf32, #tpu.memory_space<vmem>>, vector<1x4000x16xf32>,
    %swap3A_36 = arith.constant 0 : index
    %swap3A_37 = arith.constant 0 : index
    %swap3A_38 = vector.load %arg4[%swap3A_36, %swap3A_37] : memref<4000x1xf32, #tpu.memory_space<vmem>>, vector<4000x1xf32>
    tpu.vector_store %arg4[%swap3A_36, %swap3A_37], %rsqrt3A {strides = array<i32>} : memref<4000x1xf32, #tpu.memory_space<vmem>>, vector<4000x1xf32>,
    return
  }
  func.func @transform_0(%arg0: i32) -> (i32, i32, i32) {
    %c0_i32 = arith.constant 0 : i32
    %c0_i32_0 = arith.constant 0 : i32
    %c0_i32_1 = arith.constant 0 : i32
    return %c0_i32, %arg0, %c0_i32_0 : i32, i32, i32
  }
  func.func @transform_1(%arg0: i32) -> (i32, i32, i32) {
    %c0_i32 = arith.constant 0 : i32
    %c0_i32_0 = arith.constant 0 : i32
    %c0_i32_1 = arith.constant 0 : i32
    return %c0_i32, %arg0, %c0_i32_0 : i32, i32, i32
  }
  func.func @transform_2(%arg0: i32) -> (i32, i32, i32) {
    %c0_i32 = arith.constant 0 : i32
    %c0_i32_0 = arith.constant 0 : i32
    %c0_i32_1 = arith.constant 0 : i32
    return %c0_i32, %arg0, %c0_i32_0 : i32, i32, i32
  }
  func.func @transform_3(%arg0: i32) -> (i32, i32) {
    %c0_i32 = arith.constant 0 : i32
    %c0_i32_0 = arith.constant 0 : i32
    return %arg0, %c0_i32 : i32, i32
  }
}

module attributes {stable_mosaic.version = 14 : i64} {
  func.func @_tc_mid_body(%arg0: i32, %arg1: memref<2x4000x16xf32, #tpu.memory_space<vmem>>, %arg2: memref<2x4000x16xf32, #tpu.memory_space<vmem>>, %arg3: memref<4000x1xf32, #tpu.memory_space<vmem>>, %arg4: memref<1x32xf32, #tpu.memory_space<vmem>>, %arg5: memref<32x32xf32, #tpu.memory_space<vmem>>, %arg6: memref<2x4000x16xf32, #tpu.memory_space<vmem>>) attributes {dimension_semantics = [#tpu.dimension_semantics<arbitrary>], iteration_bounds = array<i64: 25>, scalar_prefetch = 0 : i64, scratch_operands = 0 : i64, tpu.core_type = #tpu.core_type<tc>, window_params = [{transform_indices = @transform_0, window_bounds = array<i64: 2, 4000, 16>}, {transform_indices = @transform_1, window_bounds = array<i64: 2, 4000, 16>}, {transform_indices = @transform_2, window_bounds = array<i64: 4000, 1>}, {pipeline_mode = #tpu.pipeline_mode<synchronous>, transform_indices = @transform_3, window_bounds = array<i64: 1, 32>}, {pipeline_mode = #tpu.pipeline_mode<synchronous>, transform_indices = @transform_4, window_bounds = array<i64: 32, 32>}, {transform_indices = @transform_5, window_bounds = array<i64: 2, 4000, 16>}]} {
    %get3A = arith.constant 0 : index
    %get3A_0 = arith.constant 0 : index
    %get3A_1 = vector.load %arg3[%get3A, %get3A_0] : memref<4000x1xf32, #tpu.memory_space<vmem>>, vector<4000x1xf32>
    %get3A_2 = arith.constant 0 : index
    %get3A_3 = arith.constant 0 : index
    %get3A_4 = vector.load %arg4[%get3A_2, %get3A_3] : memref<1x32xf32, #tpu.memory_space<vmem>>, vector<1x32xf32>
    %get3A_5 = arith.constant 0 : index
    %get3A_6 = arith.constant 0 : index
    %get3A_7 = arith.constant 0 : index
    %get3A_8 = vector.load %arg1[%get3A_5, %get3A_6, %get3A_7] : memref<2x4000x16xf32, #tpu.memory_space<vmem>>, vector<1x4000x16xf32>
    %get3A_9 = vector.shape_cast %get3A_8 : vector<1x4000x16xf32> to vector<4000x16xf32>
    %get3A_10 = arith.constant 0 : index
    %get3A_11 = arith.constant 0 : index
    %get3A_12 = arith.constant 0 : index
    %get3A_13 = vector.load %arg2[%get3A_10, %get3A_11, %get3A_12] : memref<2x4000x16xf32, #tpu.memory_space<vmem>>, vector<1x4000x16xf32>
    %get3A_14 = vector.shape_cast %get3A_13 : vector<1x4000x16xf32> to vector<4000x16xf32>
    %add3A = arith.addf %get3A_9, %get3A_14 : vector<4000x16xf32>
    %mul3A = vector.broadcast %get3A_1 : vector<4000x1xf32> to vector<4000x16xf32>
    %mul3A_15 = arith.mulf %mul3A, %add3A : vector<4000x16xf32>
    %slice3A = vector.extract_strided_slice %get3A_4 {offsets = [0, 0], sizes = [1, 16], strides = [1, 1]} : vector<1x32xf32> to vector<1x16xf32>
    %add3A_16 = vector.broadcast %slice3A : vector<1x16xf32> to vector<4000x16xf32>
    %add3A_17 = arith.addf %mul3A_15, %add3A_16 : vector<4000x16xf32>
    %max3A = arith.constant 0.000000e+00 : f32
    %max3A_18 = vector.broadcast %max3A : f32 to vector<4000x16xf32>
    %max3A_19 = arith.maximumf %add3A_17, %max3A_18 : vector<4000x16xf32>
    %get3A_20 = arith.constant 1 : index
    %get3A_21 = arith.constant 0 : index
    %get3A_22 = arith.constant 0 : index
    %get3A_23 = vector.load %arg1[%get3A_20, %get3A_21, %get3A_22] : memref<2x4000x16xf32, #tpu.memory_space<vmem>>, vector<1x4000x16xf32>
    %get3A_24 = vector.shape_cast %get3A_23 : vector<1x4000x16xf32> to vector<4000x16xf32>
    %get3A_25 = arith.constant 1 : index
    %get3A_26 = arith.constant 0 : index
    %get3A_27 = arith.constant 0 : index
    %get3A_28 = vector.load %arg2[%get3A_25, %get3A_26, %get3A_27] : memref<2x4000x16xf32, #tpu.memory_space<vmem>>, vector<1x4000x16xf32>
    %get3A_29 = vector.shape_cast %get3A_28 : vector<1x4000x16xf32> to vector<4000x16xf32>
    %add3A_30 = arith.addf %get3A_24, %get3A_29 : vector<4000x16xf32>
    %mul3A_31 = vector.broadcast %get3A_1 : vector<4000x1xf32> to vector<4000x16xf32>
    %mul3A_32 = arith.mulf %mul3A_31, %add3A_30 : vector<4000x16xf32>
    %slice3A_33 = vector.extract_strided_slice %get3A_4 {offsets = [0, 16], sizes = [1, 16], strides = [1, 1]} : vector<1x32xf32> to vector<1x16xf32>
    %add3A_34 = vector.broadcast %slice3A_33 : vector<1x16xf32> to vector<4000x16xf32>
    %add3A_35 = arith.addf %mul3A_32, %add3A_34 : vector<4000x16xf32>
    %max3A_36 = arith.constant 0.000000e+00 : f32
    %max3A_37 = vector.broadcast %max3A_36 : f32 to vector<4000x16xf32>
    %max3A_38 = arith.maximumf %add3A_35, %max3A_37 : vector<4000x16xf32>
    %get3A_39 = arith.constant 0 : index
    %get3A_40 = arith.constant 0 : index
    %get3A_41 = vector.load %arg5[%get3A_39, %get3A_40] : memref<32x32xf32, #tpu.memory_space<vmem>>, vector<32x32xf32>
    %slice3A_42 = vector.extract_strided_slice %get3A_41 {offsets = [0, 0], sizes = [16, 32], strides = [1, 1]} : vector<32x32xf32> to vector<16x32xf32>
    %dot_general3A = arith.constant dense<0.000000e+00> : vector<4000x32xf32>
    %dot_general3A_43 = tpu.matmul %max3A_19, %slice3A_42, %dot_general3A {dimension_numbers = #tpu.dot_dimension_numbers<[1], [0], [0], [1], [0, 0, 1, 1], [], []>, transpose_lhs_hint = false} : vector<4000x16xf32>, vector<16x32xf32>, vector<4000x32xf32> -> vector<4000x32xf32>
    %slice3A_44 = vector.extract_strided_slice %get3A_41 {offsets = [16, 0], sizes = [16, 32], strides = [1, 1]} : vector<32x32xf32> to vector<16x32xf32>
    %dot_general3A_45 = arith.constant dense<0.000000e+00> : vector<4000x32xf32>
    %dot_general3A_46 = tpu.matmul %max3A_38, %slice3A_44, %dot_general3A_45 {dimension_numbers = #tpu.dot_dimension_numbers<[1], [0], [0], [1], [0, 0, 1, 1], [], []>, transpose_lhs_hint = false} : vector<4000x16xf32>, vector<16x32xf32>, vector<4000x32xf32> -> vector<4000x32xf32>
    %add3A_47 = arith.addf %dot_general3A_43, %dot_general3A_46 : vector<4000x32xf32>
    %mul3A_48 = vector.broadcast %get3A_1 : vector<4000x1xf32> to vector<4000x32xf32>
    %mul3A_49 = arith.mulf %add3A_47, %mul3A_48 : vector<4000x32xf32>
    %slice3A_50 = vector.extract_strided_slice %mul3A_49 {offsets = [0, 0], sizes = [4000, 16], strides = [1, 1]} : vector<4000x32xf32> to vector<4000x16xf32>
    %swap3A = arith.constant 0 : index
    %swap3A_51 = arith.constant 0 : index
    %swap3A_52 = arith.constant 0 : index
    %swap3A_53 = vector.load %arg6[%swap3A, %swap3A_51, %swap3A_52] : memref<2x4000x16xf32, #tpu.memory_space<vmem>>, vector<1x4000x16xf32>
    %swap3A_54 = vector.shape_cast %swap3A_53 : vector<1x4000x16xf32> to vector<4000x16xf32>
    %swap3A_55 = vector.shape_cast %slice3A_50 : vector<4000x16xf32> to vector<1x4000x16xf32>
    tpu.vector_store %arg6[%swap3A, %swap3A_51, %swap3A_52], %swap3A_55 {strides = array<i32>} : memref<2x4000x16xf32, #tpu.memory_space<vmem>>, vector<1x4000x16xf32>,
    %slice3A_56 = vector.extract_strided_slice %mul3A_49 {offsets = [0, 16], sizes = [4000, 16], strides = [1, 1]} : vector<4000x32xf32> to vector<4000x16xf32>
    %swap3A_57 = arith.constant 1 : index
    %swap3A_58 = arith.constant 0 : index
    %swap3A_59 = arith.constant 0 : index
    %swap3A_60 = vector.load %arg6[%swap3A_57, %swap3A_58, %swap3A_59] : memref<2x4000x16xf32, #tpu.memory_space<vmem>>, vector<1x4000x16xf32>
    %swap3A_61 = vector.shape_cast %swap3A_60 : vector<1x4000x16xf32> to vector<4000x16xf32>
    %swap3A_62 = vector.shape_cast %slice3A_56 : vector<4000x16xf32> to vector<1x4000x16xf32>
    tpu.vector_store %arg6[%swap3A_57, %swap3A_58, %swap3A_59], %swap3A_62 {strides = array<i32>} : memref<2x4000x16xf32, #tpu.memory_space<vmem>>, vector<1x4000x16xf32>,
    return
  }
  func.func @transform_0(%arg0: i32) -> (i32, i32, i32) {
    %c0_i32 = arith.constant 0 : i32
    %c0_i32_0 = arith.constant 0 : i32
    %c0_i32_1 = arith.constant 0 : i32
    return %c0_i32, %arg0, %c0_i32_0 : i32, i32, i32
  }
  func.func @transform_1(%arg0: i32) -> (i32, i32, i32) {
    %c0_i32 = arith.constant 0 : i32
    %c0_i32_0 = arith.constant 0 : i32
    %c0_i32_1 = arith.constant 0 : i32
    return %c0_i32, %arg0, %c0_i32_0 : i32, i32, i32
  }
  func.func @transform_2(%arg0: i32) -> (i32, i32) {
    %c0_i32 = arith.constant 0 : i32
    %c0_i32_0 = arith.constant 0 : i32
    return %arg0, %c0_i32 : i32, i32
  }
  func.func @transform_3(%arg0: i32) -> (i32, i32) {
    %c0_i32 = arith.constant 0 : i32
    %c0_i32_0 = arith.constant 0 : i32
    %c0_i32_1 = arith.constant 0 : i32
    return %c0_i32, %c0_i32_0 : i32, i32
  }
  func.func @transform_4(%arg0: i32) -> (i32, i32) {
    %c0_i32 = arith.constant 0 : i32
    %c0_i32_0 = arith.constant 0 : i32
    %c0_i32_1 = arith.constant 0 : i32
    return %c0_i32, %c0_i32_0 : i32, i32
  }
  func.func @transform_5(%arg0: i32) -> (i32, i32, i32) {
    %c0_i32 = arith.constant 0 : i32
    %c0_i32_0 = arith.constant 0 : i32
    %c0_i32_1 = arith.constant 0 : i32
    return %c0_i32, %arg0, %c0_i32_0 : i32, i32, i32
  }
}

module attributes {stable_mosaic.version = 14 : i64} {
  func.func @_tc_tail_body(%arg0: i32, %arg1: memref<2x4000x16xf32, #tpu.memory_space<vmem>>, %arg2: memref<2x4000x16xf32, #tpu.memory_space<vmem>>, %arg3: memref<4000x1xf32, #tpu.memory_space<vmem>>, %arg4: memref<1x32xf32, #tpu.memory_space<vmem>>, %arg5: memref<4000x1xi32, #tpu.memory_space<vmem>>, %arg6: memref<32x45xf32, #tpu.memory_space<vmem>>, %arg7: memref<1x45xf32, #tpu.memory_space<vmem>>, %arg8: memref<256x45xf32, #tpu.memory_space<vmem>>, %arg9: memref<2x256x16xf32, #tpu.memory_space<vmem>>, %arg10: memref<256x1xf32, #tpu.memory_space<vmem>>) attributes {dimension_semantics = [#tpu.dimension_semantics<arbitrary>], iteration_bounds = array<i64: 25>, scalar_prefetch = 0 : i64, scratch_operands = 2 : i64, tpu.core_type = #tpu.core_type<tc>, window_params = [{transform_indices = @transform_0, window_bounds = array<i64: 2, 4000, 16>}, {transform_indices = @transform_1, window_bounds = array<i64: 2, 4000, 16>}, {transform_indices = @transform_2, window_bounds = array<i64: 4000, 1>}, {pipeline_mode = #tpu.pipeline_mode<synchronous>, transform_indices = @transform_3, window_bounds = array<i64: 1, 32>}, {transform_indices = @transform_4, window_bounds = array<i64: 4000, 1>}, {pipeline_mode = #tpu.pipeline_mode<synchronous>, transform_indices = @transform_5, window_bounds = array<i64: 32, 45>}, {pipeline_mode = #tpu.pipeline_mode<synchronous>, transform_indices = @transform_6, window_bounds = array<i64: 1, 45>}, {pipeline_mode = #tpu.pipeline_mode<synchronous>, transform_indices = @transform_7, window_bounds = array<i64: 256, 45>}]} {
    %get3A = arith.constant 0 : index
    %get3A_0 = arith.constant 0 : index
    %get3A_1 = vector.load %arg3[%get3A, %get3A_0] : memref<4000x1xf32, #tpu.memory_space<vmem>>, vector<4000x1xf32>
    %get3A_2 = arith.constant 0 : index
    %get3A_3 = arith.constant 0 : index
    %get3A_4 = vector.load %arg4[%get3A_2, %get3A_3] : memref<1x32xf32, #tpu.memory_space<vmem>>, vector<1x32xf32>
    %get3A_5 = arith.constant 0 : index
    %get3A_6 = arith.constant 0 : index
    %get3A_7 = arith.constant 0 : index
    %get3A_8 = vector.load %arg1[%get3A_5, %get3A_6, %get3A_7] : memref<2x4000x16xf32, #tpu.memory_space<vmem>>, vector<1x4000x16xf32>
    %get3A_9 = vector.shape_cast %get3A_8 : vector<1x4000x16xf32> to vector<4000x16xf32>
    %get3A_10 = arith.constant 0 : index
    %get3A_11 = arith.constant 0 : index
    %get3A_12 = arith.constant 0 : index
    %get3A_13 = vector.load %arg2[%get3A_10, %get3A_11, %get3A_12] : memref<2x4000x16xf32, #tpu.memory_space<vmem>>, vector<1x4000x16xf32>
    %get3A_14 = vector.shape_cast %get3A_13 : vector<1x4000x16xf32> to vector<4000x16xf32>
    %add3A = arith.addf %get3A_9, %get3A_14 : vector<4000x16xf32>
    %mul3A = vector.broadcast %get3A_1 : vector<4000x1xf32> to vector<4000x16xf32>
    %mul3A_15 = arith.mulf %mul3A, %add3A : vector<4000x16xf32>
    %slice3A = vector.extract_strided_slice %get3A_4 {offsets = [0, 0], sizes = [1, 16], strides = [1, 1]} : vector<1x32xf32> to vector<1x16xf32>
    %add3A_16 = vector.broadcast %slice3A : vector<1x16xf32> to vector<4000x16xf32>
    %add3A_17 = arith.addf %mul3A_15, %add3A_16 : vector<4000x16xf32>
    %get3A_18 = arith.constant 1 : index
    %get3A_19 = arith.constant 0 : index
    %get3A_20 = arith.constant 0 : index
    %get3A_21 = vector.load %arg1[%get3A_18, %get3A_19, %get3A_20] : memref<2x4000x16xf32, #tpu.memory_space<vmem>>, vector<1x4000x16xf32>
    %get3A_22 = vector.shape_cast %get3A_21 : vector<1x4000x16xf32> to vector<4000x16xf32>
    %get3A_23 = arith.constant 1 : index
    %get3A_24 = arith.constant 0 : index
    %get3A_25 = arith.constant 0 : index
    %get3A_26 = vector.load %arg2[%get3A_23, %get3A_24, %get3A_25] : memref<2x4000x16xf32, #tpu.memory_space<vmem>>, vector<1x4000x16xf32>
    %get3A_27 = vector.shape_cast %get3A_26 : vector<1x4000x16xf32> to vector<4000x16xf32>
    %add3A_28 = arith.addf %get3A_22, %get3A_27 : vector<4000x16xf32>
    %mul3A_29 = vector.broadcast %get3A_1 : vector<4000x1xf32> to vector<4000x16xf32>
    %mul3A_30 = arith.mulf %mul3A_29, %add3A_28 : vector<4000x16xf32>
    %slice3A_31 = vector.extract_strided_slice %get3A_4 {offsets = [0, 16], sizes = [1, 16], strides = [1, 1]} : vector<1x32xf32> to vector<1x16xf32>
    %add3A_32 = vector.broadcast %slice3A_31 : vector<1x16xf32> to vector<4000x16xf32>
    %add3A_33 = arith.addf %mul3A_30, %add3A_32 : vector<4000x16xf32>
    %iota3A = tpu.iota {dimensions = array<i32: 1>} : vector<1x256xi32>
    %get3A_34 = arith.constant 0 : index
    %get3A_35 = arith.constant 0 : index
    %get3A_36 = vector.load %arg5[%get3A_34, %get3A_35] : memref<4000x1xi32, #tpu.memory_space<vmem>>, vector<4000x1xi32>
    %eq3A = vector.broadcast %get3A_36 : vector<4000x1xi32> to vector<4000x256xi32>
    %eq3A_37 = vector.broadcast %iota3A : vector<1x256xi32> to vector<4000x256xi32>
    %eq3A_38 = arith.cmpi eq, %eq3A, %eq3A_37 : vector<4000x256xi32>
    %convert_element_type3A = arith.extui %eq3A_38 : vector<4000x256xi1> to vector<4000x256xi32>
    %convert_element_type3A_39 = arith.sitofp %convert_element_type3A : vector<4000x256xi32> to vector<4000x256xf32>
    %dot_general3A = arith.constant dense<0.000000e+00> : vector<256x16xf32>
    %dot_general3A_40 = tpu.matmul %convert_element_type3A_39, %add3A_17, %dot_general3A {dimension_numbers = #tpu.dot_dimension_numbers<[0], [0], [1], [1], [0, 1, 1, 1], [], []>, transpose_lhs_hint = false} : vector<4000x256xf32>, vector<4000x16xf32>, vector<256x16xf32> -> vector<256x16xf32>
    %dot_general3A_41 = arith.constant dense<0.000000e+00> : vector<256x16xf32>
    %dot_general3A_42 = tpu.matmul %convert_element_type3A_39, %add3A_33, %dot_general3A_41 {dimension_numbers = #tpu.dot_dimension_numbers<[0], [0], [1], [1], [0, 1, 1, 1], [], []>, transpose_lhs_hint = false} : vector<4000x256xf32>, vector<4000x16xf32>, vector<256x16xf32> -> vector<256x16xf32>
    %broadcast_in_dim3A = arith.constant 1.000000e+00 : f32
    %broadcast_in_dim3A_43 = vector.broadcast %broadcast_in_dim3A : f32 to vector<4000x1xf32>
    %dot_general3A_44 = arith.constant dense<0.000000e+00> : vector<256x1xf32>
    %dot_general3A_45 = tpu.matmul %convert_element_type3A_39, %broadcast_in_dim3A_43, %dot_general3A_44 {dimension_numbers = #tpu.dot_dimension_numbers<[0], [0], [1], [1], [0, 1, 1, 1], [], []>, transpose_lhs_hint = false} : vector<4000x256xf32>, vector<4000x1xf32>, vector<256x1xf32> -> vector<256x1xf32>
    %eq3A_46 = arith.constant 0 : i32
    %eq3A_47 = arith.cmpi eq, %arg0, %eq3A_46 : i32
    %convert_element_type3A_48 = arith.extui %eq3A_47 : i1 to i32
    %cond3A = arith.constant 0 : i32
    %cond3A_49 = arith.cmpi ne, %convert_element_type3A_48, %cond3A : i32
    scf.if %cond3A_49 {
      %swap3A = arith.constant 0 : index
      %swap3A_59 = arith.constant 0 : index
      %swap3A_60 = arith.constant 0 : index
      %swap3A_61 = vector.load %arg9[%swap3A, %swap3A_59, %swap3A_60] : memref<2x256x16xf32, #tpu.memory_space<vmem>>, vector<1x256x16xf32>
      %swap3A_62 = vector.shape_cast %swap3A_61 : vector<1x256x16xf32> to vector<256x16xf32>
      %swap3A_63 = vector.shape_cast %dot_general3A_40 : vector<256x16xf32> to vector<1x256x16xf32>
      tpu.vector_store %arg9[%swap3A, %swap3A_59, %swap3A_60], %swap3A_63 {strides = array<i32>} : memref<2x256x16xf32, #tpu.memory_space<vmem>>, vector<1x256x16xf32>,
      %swap3A_64 = arith.constant 1 : index
      %swap3A_65 = arith.constant 0 : index
      %swap3A_66 = arith.constant 0 : index
      %swap3A_67 = vector.load %arg9[%swap3A_64, %swap3A_65, %swap3A_66] : memref<2x256x16xf32, #tpu.memory_space<vmem>>, vector<1x256x16xf32>
      %swap3A_68 = vector.shape_cast %swap3A_67 : vector<1x256x16xf32> to vector<256x16xf32>
      %swap3A_69 = vector.shape_cast %dot_general3A_42 : vector<256x16xf32> to vector<1x256x16xf32>
      tpu.vector_store %arg9[%swap3A_64, %swap3A_65, %swap3A_66], %swap3A_69 {strides = array<i32>} : memref<2x256x16xf32, #tpu.memory_space<vmem>>, vector<1x256x16xf32>,
      %swap3A_70 = arith.constant 0 : index
      %swap3A_71 = arith.constant 0 : index
      %swap3A_72 = vector.load %arg10[%swap3A_70, %swap3A_71] : memref<256x1xf32, #tpu.memory_space<vmem>>, vector<256x1xf32>
      tpu.vector_store %arg10[%swap3A_70, %swap3A_71], %dot_general3A_45 {strides = array<i32>} : memref<256x1xf32, #tpu.memory_space<vmem>>, vector<256x1xf32>,
    } else {
    }
    %gt3A = arith.constant 0 : i32
    %gt3A_50 = arith.cmpi sgt, %arg0, %gt3A : i32
    %convert_element_type3A_51 = arith.extui %gt3A_50 : i1 to i32
    %cond3A_52 = arith.constant 0 : i32
    %cond3A_53 = arith.cmpi ne, %convert_element_type3A_51, %cond3A_52 : i32
    scf.if %cond3A_53 {
      %get3A_59 = arith.constant 0 : index
      %get3A_60 = arith.constant 0 : index
      %get3A_61 = arith.constant 0 : index
      %get3A_62 = vector.load %arg9[%get3A_59, %get3A_60, %get3A_61] : memref<2x256x16xf32, #tpu.memory_space<vmem>>, vector<1x256x16xf32>
      %get3A_63 = vector.shape_cast %get3A_62 : vector<1x256x16xf32> to vector<256x16xf32>
      %add3A_64 = arith.addf %get3A_63, %dot_general3A_40 : vector<256x16xf32>
      %swap3A = arith.constant 0 : index
      %swap3A_65 = arith.constant 0 : index
      %swap3A_66 = arith.constant 0 : index
      %swap3A_67 = vector.load %arg9[%swap3A, %swap3A_65, %swap3A_66] : memref<2x256x16xf32, #tpu.memory_space<vmem>>, vector<1x256x16xf32>
      %swap3A_68 = vector.shape_cast %swap3A_67 : vector<1x256x16xf32> to vector<256x16xf32>
      %swap3A_69 = vector.shape_cast %add3A_64 : vector<256x16xf32> to vector<1x256x16xf32>
      tpu.vector_store %arg9[%swap3A, %swap3A_65, %swap3A_66], %swap3A_69 {strides = array<i32>} : memref<2x256x16xf32, #tpu.memory_space<vmem>>, vector<1x256x16xf32>,
      %get3A_70 = arith.constant 1 : index
      %get3A_71 = arith.constant 0 : index
      %get3A_72 = arith.constant 0 : index
      %get3A_73 = vector.load %arg9[%get3A_70, %get3A_71, %get3A_72] : memref<2x256x16xf32, #tpu.memory_space<vmem>>, vector<1x256x16xf32>
      %get3A_74 = vector.shape_cast %get3A_73 : vector<1x256x16xf32> to vector<256x16xf32>
      %add3A_75 = arith.addf %get3A_74, %dot_general3A_42 : vector<256x16xf32>
      %swap3A_76 = arith.constant 1 : index
      %swap3A_77 = arith.constant 0 : index
      %swap3A_78 = arith.constant 0 : index
      %swap3A_79 = vector.load %arg9[%swap3A_76, %swap3A_77, %swap3A_78] : memref<2x256x16xf32, #tpu.memory_space<vmem>>, vector<1x256x16xf32>
      %swap3A_80 = vector.shape_cast %swap3A_79 : vector<1x256x16xf32> to vector<256x16xf32>
      %swap3A_81 = vector.shape_cast %add3A_75 : vector<256x16xf32> to vector<1x256x16xf32>
      tpu.vector_store %arg9[%swap3A_76, %swap3A_77, %swap3A_78], %swap3A_81 {strides = array<i32>} : memref<2x256x16xf32, #tpu.memory_space<vmem>>, vector<1x256x16xf32>,
      %get3A_82 = arith.constant 0 : index
      %get3A_83 = arith.constant 0 : index
      %get3A_84 = vector.load %arg10[%get3A_82, %get3A_83] : memref<256x1xf32, #tpu.memory_space<vmem>>, vector<256x1xf32>
      %add3A_85 = arith.addf %get3A_84, %dot_general3A_45 : vector<256x1xf32>
      %swap3A_86 = arith.constant 0 : index
      %swap3A_87 = arith.constant 0 : index
      %swap3A_88 = vector.load %arg10[%swap3A_86, %swap3A_87] : memref<256x1xf32, #tpu.memory_space<vmem>>, vector<256x1xf32>
      tpu.vector_store %arg10[%swap3A_86, %swap3A_87], %add3A_85 {strides = array<i32>} : memref<256x1xf32, #tpu.memory_space<vmem>>, vector<256x1xf32>,
    } else {
    }
    %eq3A_54 = arith.constant 24 : i32
    %eq3A_55 = arith.cmpi eq, %arg0, %eq3A_54 : i32
    %convert_element_type3A_56 = arith.extui %eq3A_55 : i1 to i32
    %cond3A_57 = arith.constant 0 : i32
    %cond3A_58 = arith.cmpi ne, %convert_element_type3A_56, %cond3A_57 : i32
    scf.if %cond3A_58 {
      %get3A_59 = arith.constant 0 : index
      %get3A_60 = arith.constant 0 : index
      %get3A_61 = vector.load %arg10[%get3A_59, %get3A_60] : memref<256x1xf32, #tpu.memory_space<vmem>>, vector<256x1xf32>
      %max3A = arith.constant 1.000000e+00 : f32
      %max3A_62 = vector.broadcast %max3A : f32 to vector<256x1xf32>
      %max3A_63 = arith.maximumf %get3A_61, %max3A_62 : vector<256x1xf32>
      %get3A_64 = arith.constant 0 : index
      %get3A_65 = arith.constant 0 : index
      %get3A_66 = arith.constant 0 : index
      %get3A_67 = vector.load %arg9[%get3A_64, %get3A_65, %get3A_66] : memref<2x256x16xf32, #tpu.memory_space<vmem>>, vector<1x256x16xf32>
      %get3A_68 = vector.shape_cast %get3A_67 : vector<1x256x16xf32> to vector<256x16xf32>
      %div3A = vector.broadcast %max3A_63 : vector<256x1xf32> to vector<256x16xf32>
      %div3A_69 = arith.divf %get3A_68, %div3A : vector<256x16xf32>
      %get3A_70 = arith.constant 1 : index
      %get3A_71 = arith.constant 0 : index
      %get3A_72 = arith.constant 0 : index
      %get3A_73 = vector.load %arg9[%get3A_70, %get3A_71, %get3A_72] : memref<2x256x16xf32, #tpu.memory_space<vmem>>, vector<1x256x16xf32>
      %get3A_74 = vector.shape_cast %get3A_73 : vector<1x256x16xf32> to vector<256x16xf32>
      %div3A_75 = vector.broadcast %max3A_63 : vector<256x1xf32> to vector<256x16xf32>
      %div3A_76 = arith.divf %get3A_74, %div3A_75 : vector<256x16xf32>
      %get3A_77 = arith.constant 0 : index
      %get3A_78 = arith.constant 0 : index
      %get3A_79 = vector.load %arg6[%get3A_77, %get3A_78] : memref<32x45xf32, #tpu.memory_space<vmem>>, vector<32x45xf32>
      %slice3A_80 = vector.extract_strided_slice %get3A_79 {offsets = [0, 0], sizes = [16, 45], strides = [1, 1]} : vector<32x45xf32> to vector<16x45xf32>
      %dot_general3A_81 = arith.constant dense<0.000000e+00> : vector<256x45xf32>
      %dot_general3A_82 = tpu.matmul %div3A_69, %slice3A_80, %dot_general3A_81 {dimension_numbers = #tpu.dot_dimension_numbers<[1], [0], [0], [1], [0, 0, 1, 1], [], []>, transpose_lhs_hint = false} : vector<256x16xf32>, vector<16x45xf32>, vector<256x45xf32> -> vector<256x45xf32>
      %slice3A_83 = vector.extract_strided_slice %get3A_79 {offsets = [16, 0], sizes = [16, 45], strides = [1, 1]} : vector<32x45xf32> to vector<16x45xf32>
      %dot_general3A_84 = arith.constant dense<0.000000e+00> : vector<256x45xf32>
      %dot_general3A_85 = tpu.matmul %div3A_76, %slice3A_83, %dot_general3A_84 {dimension_numbers = #tpu.dot_dimension_numbers<[1], [0], [0], [1], [0, 0, 1, 1], [], []>, transpose_lhs_hint = false} : vector<256x16xf32>, vector<16x45xf32>, vector<256x45xf32> -> vector<256x45xf32>
      %add3A_86 = arith.addf %dot_general3A_82, %dot_general3A_85 : vector<256x45xf32>
      %get3A_87 = arith.constant 0 : index
      %get3A_88 = arith.constant 0 : index
      %get3A_89 = vector.load %arg7[%get3A_87, %get3A_88] : memref<1x45xf32, #tpu.memory_space<vmem>>, vector<1x45xf32>
      %add3A_90 = vector.broadcast %get3A_89 : vector<1x45xf32> to vector<256x45xf32>
      %add3A_91 = arith.addf %add3A_86, %add3A_90 : vector<256x45xf32>
      %swap3A = arith.constant 0 : index
      %swap3A_92 = arith.constant 0 : index
      %swap3A_93 = vector.load %arg8[%swap3A, %swap3A_92] : memref<256x45xf32, #tpu.memory_space<vmem>>, vector<256x45xf32>
      tpu.vector_store %arg8[%swap3A, %swap3A_92], %add3A_91 {strides = array<i32>} : memref<256x45xf32, #tpu.memory_space<vmem>>, vector<256x45xf32>,
    } else {
    }
    return
  }
  func.func @transform_0(%arg0: i32) -> (i32, i32, i32) {
    %c0_i32 = arith.constant 0 : i32
    %c0_i32_0 = arith.constant 0 : i32
    %c0_i32_1 = arith.constant 0 : i32
    return %c0_i32, %arg0, %c0_i32_0 : i32, i32, i32
  }
  func.func @transform_1(%arg0: i32) -> (i32, i32, i32) {
    %c0_i32 = arith.constant 0 : i32
    %c0_i32_0 = arith.constant 0 : i32
    %c0_i32_1 = arith.constant 0 : i32
    return %c0_i32, %arg0, %c0_i32_0 : i32, i32, i32
  }
  func.func @transform_2(%arg0: i32) -> (i32, i32) {
    %c0_i32 = arith.constant 0 : i32
    %c0_i32_0 = arith.constant 0 : i32
    return %arg0, %c0_i32 : i32, i32
  }
  func.func @transform_3(%arg0: i32) -> (i32, i32) {
    %c0_i32 = arith.constant 0 : i32
    %c0_i32_0 = arith.constant 0 : i32
    %c0_i32_1 = arith.constant 0 : i32
    return %c0_i32, %c0_i32_0 : i32, i32
  }
  func.func @transform_4(%arg0: i32) -> (i32, i32) {
    %c0_i32 = arith.constant 0 : i32
    %c0_i32_0 = arith.constant 0 : i32
    return %arg0, %c0_i32 : i32, i32
  }
  func.func @transform_5(%arg0: i32) -> (i32, i32) {
    %c0_i32 = arith.constant 0 : i32
    %c0_i32_0 = arith.constant 0 : i32
    %c0_i32_1 = arith.constant 0 : i32
    return %c0_i32, %c0_i32_0 : i32, i32
  }
  func.func @transform_6(%arg0: i32) -> (i32, i32) {
    %c0_i32 = arith.constant 0 : i32
    %c0_i32_0 = arith.constant 0 : i32
    %c0_i32_1 = arith.constant 0 : i32
    return %c0_i32, %c0_i32_0 : i32, i32
  }
  func.func @transform_7(%arg0: i32) -> (i32, i32) {
    %c0_i32 = arith.constant 0 : i32
    %c0_i32_0 = arith.constant 0 : i32
    %c0_i32_1 = arith.constant 0 : i32
    return %c0_i32, %c0_i32_0 : i32, i32
  }
}

</mosaic_0001>

<sc_bundles>
// kernel: kernel.11.cloned.1.call-start
scs
__scs_entry_jumppad:
0x0: {  	(pc) =	sbr.rel $0x88, $3  }
0x1: {  	(tag) =	ssettag $0x0;
	lr =	simm.s32 $0x1  }
0x2: {  	[smem:$0x3F96] =	sst lr;
	_ =	strace $0xD0000000  }
0x3: {  	_ = 	snop  }
0x4: {  	_ = 	snop  }
0x5: {  	_ = 	snop  }
0x6: {  	_ = 	snop  }
0x7: {  	_ = 	snop  }
__scs_overlays_trampoline_lowered:
0x8: {  	[smem:$0x3FA5] =	sst s0  }
0x9: {  	[smem:$0x3FA6] =	sst s1  }
0xa: {  	[smem:$0x3FA7] =	sst s2  }
0xb: {  	[smem:$0x3FA8] =	sst s3  }
0xc: {  	[smem:$0x3FA9] =	sst s4  }
0xd: {  	[smem:$0x3FAA] =	sst s5  }
0xe: {  	[smem:$0x3FAB] =	sst s6  }
0xf: {  	[smem:$0x3FAC] =	sst s7  }
0x10: {  	[smem:$0x3FAD] =	sst s8  }
0x11: {  	[smem:$0x3FAE] =	sst s9;
	s0 =	simm.s32 @!p0 $0x0  }
0x12: {  	s1 =	sld [smem:$0x3F94];
	s0 =	simm.s32 @p0 $0x1  }
0x13: {  	[smem:$0x3FAF] =	sst s0;
	s0 =	simm.s32 @!p1 $0x0  }
0x14: {  	s2 =	sld [smem:$0x3F93];
	s0 =	simm.s32 @p1 $0x1  }
0x15: {  	[smem:$0x3FB0] =	sst s0;
	s0 =	simm.s32 @!p2 $0x0  }
0x16: {  	s3 =	sld [smem:$0x3FDB];
	s0 =	simm.s32 @p2 $0x1  }
0x17: {  	s4 =	simm.s32 $0x1BF5;
	[smem:$0x3FB2] =	sst s0  }
0x18: {  	s0 =	sld [smem:$0x3F95];
	_ =	swait.ge [sflag:s4], $0x0  }
0x19: {  	s7 =	sld [smem:$0x3F96]  }
0x1a: {  	s8 =	sadd.s32 $0xFFFFE003, lr  }
0x1b: {  	s9 =	sadd.s32 $0xFFFFFEF7, lr;
	s5 =	simm.s32 $0xFFFFFFFF;
	p2 =	slt.u32 s8, $0xFFFFF086  }
0x1c: {  	p1 =	slt.u32 s9, $0xF7A;
	s5 =	simm.s32 @!p2 $0x0  }
0x1d: {  	s5 =	simm.s32 @p1 $0x1;
	p0 =	seq.s32 s7, s2  }
0x1e: {  	s7 =	smul.u32 @!p0 $0xF7A, s2;
	p2 =	seq.s32 @!p0 s5, $0x0  }
0x1f: {  	s9 =	smul.u32 $0xF7A, s1;
	s8 =	simm.s32 @!p0 $0x1BF5;
	p2 =	por !p2, p0  }
0x20: {  	[sflag:s8] =	ssyncset.s32 @!p0 $0xFFFFF086;
	s6 =	sadd.s32 @!p0 s3, s7;
	s7 =	simm.s32 @!p0 $0x108  }
0x21: {  	s3 =	sadd.s32 s3, s9;
	s6 =	sadd.s32 @!p0 $0x88, s6;
	s7 =	simm.s32 @p2 $0x1082  }
0x22: {  	[simem:s7], [sflag:s8] =	dma.local @!p0 [hbm:s6], $0xF7A  }
0x23: {  	s9 =	sor.u32 $0xD0000000, s2;
	s6 =	simm.s32 $0x108;
	_ =	swait.ge @!p0 [sflag:s8], $0x0  }
0x24: {  	s3 =	sadd.s32 $0x88, s3;
	s6 =	simm.s32 @!p1 $0x1082;
	[sflag:s4] =	ssyncset.s32 $0xFFFFF086  }
0x25: {  	[simem:s6], [sflag:s4] =	dma.local [hbm:s3], $0xF7A  }
0x26: {  	[smem:$0x3F96] =	sst s1;
	(tag) =	ssettag s2;
	_ =	strace s9  }
0x27: {  	s1 =	sld [smem:$0x3FA6]  }
0x28: {  	s2 =	sld [smem:$0x3FA7]  }
0x29: {  	s4 =	sld [smem:$0x3FA9]  }
0x2a: {  	p0 =	seq.s32 s5, $0x0;
	s5 =	sld [smem:$0x3FAA]  }
0x2b: {  	s6 =	sld [smem:$0x3FAB]  }
0x2c: {  	s7 =	sld [smem:$0x3FAC]  }
0x2d: {  	s3 =	simm.s32 $0x108;
	s8 =	sld [smem:$0x3FAD]  }
0x2e: {  	s3 =	simm.s32 @!p0 $0x1082;
	s9 =	sld [smem:$0x3FAE]  }
0x2f: {  	lr =	sadd.s32 s0, s3;
	s0 =	sld [smem:$0x3FA5]  }
0x30: {  	s3 =	sld [smem:$0x3FA8]  }
0x31: {  	[smem:$0x3FB1] =	sst s10  }
0x32: {  	s10 =	sld [smem:$0x3FAF];
	_ =	sdelay $0x3  }
0x33: {  	p0 =	seq.s32 s10, $0x1;
	s10 =	sld [smem:$0x3FB1];
	_ =	sdelay $0x3  }
0x34: {  	[smem:$0x3FB1] =	sst s10  }
0x35: {  	s10 =	sld [smem:$0x3FB0];
	_ =	sdelay $0x3  }
0x36: {  	p1 =	seq.s32 s10, $0x1;
	s10 =	sld [smem:$0x3FB1];
	_ =	sdelay $0x3  }
0x37: {  	[smem:$0x3FB1] =	sst s10  }
0x38: {  	s10 =	sld [smem:$0x3FB2]  }
0x39: {  	_ = 	snop;
	(pc) =	sbr.ind lr, $3  }
0x3a: {  	_ = 	snop  }
0x3b: {  	_ = 	snop  }
0x3c: {  	p2 =	seq.s32 s10, $0x1;
	s10 =	sld [smem:$0x3FB1]  }
0x3d: {  	_ =	shalt  }
0x3e: {  	_ =	shalt  }
0x3f: {  	_ =	shalt  }
0x40: {  	_ =	shalt  }
0x41: {  	_ =	shalt  }
0x42: {  	_ =	shalt  }
0x43: {  	_ =	shalt  }
0x44: {  	_ =	shalt  }
0x45: {  	_ =	shalt  }
0x46: {  	_ =	shalt  }
0x47: {  	_ =	shalt  }
0x48: {  	_ =	shalt  }
0x49: {  	_ =	shalt  }
0x4a: {  	_ =	shalt  }
0x4b: {  	_ =	shalt  }
0x4c: {  	_ =	shalt  }
0x4d: {  	_ =	shalt  }
0x4e: {  	_ =	shalt  }
0x4f: {  	_ =	shalt  }
0x50: {  	_ =	shalt  }
0x51: {  	_ =	shalt  }
0x52: {  	_ =	shalt  }
0x53: {  	_ =	shalt  }
0x54: {  	_ =	shalt  }
0x55: {  	_ =	shalt  }
0x56: {  	_ =	shalt  }
0x57: {  	_ =	shalt  }
0x58: {  	_ =	shalt  }
0x59: {  	_ =	shalt  }
0x5a: {  	_ =	shalt  }
0x5b: {  	_ =	shalt  }
0x5c: {  	_ =	shalt  }
0x5d: {  	_ =	shalt  }
0x5e: {  	_ =	shalt  }
0x5f: {  	_ =	shalt  }
0x60: {  	_ =	shalt  }
0x61: {  	_ =	shalt  }
0x62: {  	_ =	shalt  }
0x63: {  	_ =	shalt  }
0x64: {  	_ =	shalt  }
0x65: {  	_ =	shalt  }
0x66: {  	_ =	shalt  }
0x67: {  	_ =	shalt  }
0x68: {  	_ =	shalt  }
0x69: {  	_ =	shalt  }
0x6a: {  	_ =	shalt  }
0x6b: {  	_ =	shalt  }
0x6c: {  	_ =	shalt  }
0x6d: {  	_ =	shalt  }
0x6e: {  	_ =	shalt  }
0x6f: {  	_ =	shalt  }
0x70: {  	_ =	shalt  }
0x71: {  	_ =	shalt  }
0x72: {  	_ =	shalt  }
0x73: {  	_ =	shalt  }
0x74: {  	_ =	shalt  }
0x75: {  	_ =	shalt  }
0x76: {  	_ =	shalt  }
0x77: {  	_ =	shalt  }
0x78: {  	_ =	shalt  }
0x79: {  	_ =	shalt  }
0x7a: {  	_ =	shalt  }
0x7b: {  	_ =	shalt  }
0x7c: {  	_ =	shalt  }
0x7d: {  	_ =	shalt  }
0x7e: {  	_ =	shalt  }
0x7f: {  	_ =	shalt  }
0x80: {  	_ =	shalt  }
0x81: {  	_ =	shalt  }
0x82: {  	_ =	shalt  }
0x83: {  	_ =	shalt  }
0x84: {  	_ =	shalt  }
0x85: {  	_ =	shalt  }
0x86: {  	_ =	shalt  }
0x87: {  	_ =	shalt  }
.Lfunc_end0:
.L_simem_size_0:
called_computation_lowered:
.L_overlay_start_0:
0x88: {  	s2 =	sld [smem:$0x3FD9]  }
0x89: {  	s3 =	sld [smem:$0x3FFE];
	_ =	sdelay $0x1  }
0x8a: {  	s1 =	srdreg.scid  }
0x8b: {  	s0 =	sand.u32 $0x1, s1  }
0x8c: {  	s16 =	sshll.u32 s0, $0xA;
	s2 =	sadd.s32 s3, s2  }
0x8d: {  	s2 =	sadd.s32 s2, s16  }
0x8e: {  	[smem:$0x3FBD] =	sst s2  }
0x8f: {  	_ = 	snop  }
0x90: {  	(tm) =	ssettm $0x1  }
0x91: {  	s17 =	sld [smem:$0x3FFB];
	_ =	sdelay $0x3  }
0x92: {  	_ =	strace s17  }
0x93: {  	s2 =	sld [smem:$0x3FFC];
	_ =	sdelay $0x3  }
0x94: {  	_ =	strace s2  }
0x95: {  	s2 =	sld [smem:$0x3FFD];
	_ =	sdelay $0x3  }
0x96: {  	_ =	strace s2  }
0x97: {  	_ =	strace $0x8FFFFFFF  }
0x98: {  	s18 =	sld [smem:$0x3FDB];
	_ =	sdelay $0x1  }
0x99: {  	s19 =	simm.s32 $_scs_section_size  }
0x9a: {  	s4 =	simm.s32 $_size__tile_overlayer_lowered;
	s5 =	simm.s32 $_tile_overlayer_lowered  }
0x9b: {  	s22 =	simm.s32 $0x1BFF;
	s21 =	sshll.u32 s5, $0x1;
	s2 =	sadd.s32 s19, s18  }
0x9c: {  	s6 =	simm.s32 $0x0;
	s20 =	sshll.u32 s4, $0x1;
	s4 =	sadd.s32 s21, s2  }
0x9d: {  	[timem:s6], [sflag:s22] =	dma.local [hbm:s4], s20  }
0x9e: {  	_ =	swait.ge [sflag:s22], s20  }
0x9f: {  	s3 =	ssub.s32 $0x0, s20;
	[sflag:s22] =	ssyncset.done $0x0  }
0xa0: {  	[sflag:s22] =	ssyncadd.s32 s3;
	_ =	sdelay $0x1  }
0xa1: {  	s23 =	simm.s32 $0x1B8B  }
0xa2: {  	_ =	swait.ge [sflag:s23], $0x1  }
0xa3: {  	[sflag:s23] =	ssyncset.done $0x0  }
0xa4: {  	s25 =	simm.s32 $0x1B8E;
	s24 =	sld [smem:$0x3FFE];
	[sflag:s23] =	ssyncadd.s32 $0xFFFFFFFF  }
0xa5: {  	s26 =	simm.s32 $execute0_lowered;
	[smem:$0x3FD2] =	sst s25  }
0xa6: {  	s4 =	sshll.u32 s26, $0x1;
	_ =	strace $0x80000046;
	[dreg:$0x1] =	wrdreg $0xFFFFFFFF  }
0xa7: {  	s28 =	simm.s32 $_size_execute0_lowered;
	s2 =	sadd.s32 s2, s4;
	[dreg:$0x0] =	wrdreg $0x0  }
0xa8: {  	s4 =	sshll.u32 s28, $0x1;
	[dreg:$0x2] =	wrdreg s2  }
0xa9: {  	[dreg:$0x3] =	wrdreg s4  }
0xaa: {  	[dreg:$0x4] =	wrdreg $0xC0  }
0xab: {  	_ =	task [dreg:s6], $0x5FFFF  }
0xac: {  	[dreg:$0x1] =	wrdreg $0xFFFFFFFF  }
0xad: {  	[dreg:$0x0] =	wrdreg $0x60  }
0xae: {  	[dreg:$0x2] =	wrdreg s24  }
0xaf: {  	[dreg:$0x3] =	wrdreg $0x4600  }
0xb0: {  	[dreg:$0x4] =	wrdreg $0x9  }
0xb1: {  	_ =	task.clear_ibuf [dreg:s6], $0x5FFFF;
	_ =	strace $0x90000046  }
0xb2: {  	s29 =	simm.s32 $0x9;
	_ =	strace $0x80000048  }
0xb3: {  	_ =	swait.ge [sflag:s29], $0x1  }
0xb4: {  	[sflag:s29] =	ssyncadd.s32 $0xFFFFFFFF  }
0xb5: {  	_ =	strace $0x90000048  }
0xb6: {  	_ =	sfence  }
0xb7: {  	s30 =	sld [smem:$0x0];
	_ =	sdelay $0x2  }
0xb8: {  	s31 =	sshll.u32 s1, $0xD;
	s1 =	sshrl.u32 s1, $0x2  }
0xb9: {  	s3 =	sand.u32 $0x4000, s31;
	s1 =	sadd.s32 s1, s30  }
0xba: {  	s0 =	sor.u32 s3, s0;
	s1 =	sshll.u32 s1, $0x11  }
0xbb: {  	s0 =	sor.u32 s1, s0  }
0xbc: {  	s0 =	sadd.s32 $0x8F2B, s0  }
0xbd: {  	[sflag:s0] =	ssyncadd.remote.s32 $0x1  }
0xbe: {  	_ =	sfence.sel $0xFFFF  }
0xbf: {  	[dreg:$0x0] =	wrdreg $0xFFFFFFFF;
	(pc) =	sbr.abs _section_cstart, $3  }
0xc0: {  	[dreg:$0x1] =	wrdreg $0xFFFFFFFF  }
0xc1: {  	_ =	task.clear_ibuf [dreg:s6], $0x2FFFF;
	_ =	strace $0x9FFFFFFF  }
0xc2: {  	(tm) =	ssettm $0x7FFFFFFF  }
0xc3: {  	_ =	shalt  }
tec
execute0_lowered:
.L_overlay_start_1:
0x0: {  	(tag) =	ssettag $0x1  }
0x1: {  	s0 =	srdreg.scid  }
0x2: {  	s4 =	sand.u32 $0x1, s0  }
0x3: {  	s0 =	stileid.u32;
	s1 =	smul.u32 $0xC3500, s4  }
0x4: {  	s3 =	smul.u32 $0x280, s0  }
0x5: {  	s5 =	rddreg [dreg:$0x0];
	s7 =	smul.u32 $0x30D4, s4  }
0x6: {  	s2 =	rddreg [dreg:$0x1];
	s4 =	ssub.s32 $0x2, s4;
	s30 =	smul.u32 $0x640, s0  }
0x7: {  	p0 =	sne.s32 s0, $0x0;
	s29 =	sshrl.u32 s4, $0x1;
	s3 =	sadd.s32 s3, s1  }
0x8: {  	s1 =	rddreg [dreg:$0x2];
	s6 =	sadd.s32 $0x186A00, s3;
	s3 =	simm.s32 $0x0  }
0x9: {  	s31 =	sshrl.u32 s30, $0x2;
	s6 =	sshrl.u32 s6, $0x3;
	[smem:$0x7FF] =	sst s3  }
0xa: {  	s8 =	sadd.s32 s6, s5;
	s5 =	sadd.s32 s7, s5;
	s6 =	ssub.s32 s4, s29  }
0xb: {  	_ =	strace $0x80000047;
	s4 =	sadd.s32 $0x64200, s5;
	s5 =	smax.u32 s6, $0x1  }
0xc: {  	v0 =	vimm.f32 $0.0e+00;
	v1 =	vimm.f32 $1.000000000e+00;
	s6 =	sadd.s32 s31, s2;
	s7 =	sadd.s32 $0x2600, s8;
	s8 =	sshrl.u32 @!p0 s2, $0x3  }
.LBB2_1:
0xd: {  	[tilespmem:$0x2D0] =	vst v0  }
0xe: {  	[tilespmem:$0x2E0] =	vst v0  }
0xf: {  	[tilespmem:$0x2F0] =	vst v0  }
0x10: {  	[tilespmem:$0x300] =	vst v0  }
0x11: {  	[tilespmem:$0x310] =	vst v0  }
0x12: {  	[tilespmem:$0x320] =	vst v0  }
0x13: {  	[tilespmem:$0x330] =	vst v0  }
0x14: {  	[tilespmem:$0x340] =	vst v0  }
0x15: {  	[tilespmem:$0x350] =	vst v0  }
0x16: {  	[tilespmem:$0x360] =	vst v0  }
0x17: {  	[tilespmem:$0x370] =	vst v0  }
0x18: {  	[tilespmem:$0x380] =	vst v0  }
0x19: {  	[tilespmem:$0x390] =	vst v0  }
0x1a: {  	[tilespmem:$0x3A0] =	vst v0  }
0x1b: {  	[tilespmem:$0x3B0] =	vst v0  }
0x1c: {  	[tilespmem:$0x3C0] =	vst v0  }
0x1d: {  	[tilespmem:$0x3D0] =	vst v0  }
0x1e: {  	[tilespmem:$0x3E0] =	vst v0  }
0x1f: {  	[tilespmem:$0x3F0] =	vst v0  }
0x20: {  	[tilespmem:$0x400] =	vst v0  }
0x21: {  	[tilespmem:$0x410] =	vst v0  }
0x22: {  	[tilespmem:$0x420] =	vst v0  }
0x23: {  	[tilespmem:$0x430] =	vst v0  }
0x24: {  	[tilespmem:$0x440] =	vst v0  }
0x25: {  	[tilespmem:$0x450] =	vst v0  }
0x26: {  	[tilespmem:$0x280] =	vst v1  }
0x27: {  	[tilespmem:$0x290] =	vst v1  }
0x28: {  	[tilespmem:$0x2A0] =	vst v1;
	s9 =	sadd.s32 $0x0, s0  }
0x29: {  	[tilespmem:$0x2B0] =	vst v1;
	p1 =	sgt.u32 s9, $0xF9  }
0x2a: {  	[tilespmem:$0x2C0] =	vst v1;
	s9 =	simm.s32 @!p1 $0x2D0;
	s12 =	simm.s32 @!p1 $0x1  }
0x2b: {  	[spmem:s6] =	stream.linear.scatter @!p1 [tilespmem:s9], [sflag:$0x1], $0x190, $0x38;
	[tilespmem:$0x1CD0] =	vst v63  }
0x2c: {  	s10 =	simm.s32 $0x10;
	_ =	swait.ge @!p1 [sflag:s12], $0x190  }
0x2d: {  	s11 =	simm.s32 $0x20;
	s9 =	sadd.s32 $0x1900, s6;
	[sflag:s12] =	ssyncset.done @!p1 $0x0  }
.LBB2_2:
0x2e: {  	s13 =	sadd.s32 s10, s0;
	s10 =	smov.u32 s11;
	s11 =	sadd.s32 $0x10, s11  }
0x2f: {  	[sflag:s12] =	ssyncadd.s32 @!p1 $0xFFFFFE70;
	p2 =	sne.s32 s11, $0x100  }
.Ltmp0:
0x30: {  	p1 =	sgt.u32 s13, $0xF9;
	(pc) =	sbr.rel @p2 .LBB2_2-.Ltmp0, $4  }
0x31: {  	s13 =	simm.s32 @!p1 $0x2D0;
	s12 =	simm.s32 @!p1 $0x1  }
0x32: {  	[spmem:s9] =	stream.linear.scatter @!p1 [tilespmem:s13], [sflag:$0x1], $0x190, $0x38;
	[tilespmem:$0x1CD0] =	vst v63  }
0x33: {  	_ =	swait.ge @!p1 [sflag:s12], $0x190  }
0x34: {  	s9 =	sadd.s32 $0x1900, s9;
	[sflag:s12] =	ssyncset.done @!p1 $0x0  }
0x35: {  	s10 =	sadd.s32 s10, s0  }
0x36: {  	p2 =	sgt.u32 s10, $0xF9  }
0x37: {  	[sflag:s12] =	ssyncadd.s32 @!p1 $0xFFFFFE70;
	s10 =	simm.s32 @!p2 $0x2D0;
	s11 =	simm.s32 @!p2 $0x1  }
0x38: {  	[spmem:s9] =	stream.linear.scatter @!p2 [tilespmem:s10], [sflag:$0x1], $0x190, $0x38;
	[tilespmem:$0x1CD0] =	vst v63  }
0x39: {  	_ =	swait.ge @!p2 [sflag:s11], $0x190  }
0x3a: {  	s30 =	sadd.s32 $0x0, s0;
	[sflag:s11] =	ssyncset.done @!p2 $0x0  }
0x3b: {  	p1 =	sgt.u32 s30, $0x4E1;
	[sflag:s11] =	ssyncadd.s32 @!p2 $0xFFFFFE70  }
0x3c: {  	s10 =	simm.s32 @!p1 $0x0;
	s9 =	simm.s32 @!p1 $0x1;
	[bflag:$0x0] =	sbarrier.arrive $0xFFFF  }
0x3d: {  	[tilespmem:s10], [sflag:$0x1] =	stream.linear.gather @!p1 [hbm4b:s7+s10], $0x280, $0x38;
	[tilespmem:$0x1CD0] =	vst v63  }
0x3e: {  	_ =	swait.ge @!p1 [sflag:s9], $0x280  }
0x3f: {  	[sflag:s9] =	ssyncset.done @!p1 $0x0;
	p1 =	por p1, p1  }
0x40: {  	[sflag:s9] =	ssyncadd.s32 @!p1 $0xFFFFFD80;
	s11 =	simm.s32 @!p1 $0x50;
	s12 =	simm.s32 @!p1 $0x280  }
0x41: {  	[spmem:s2] =	stream.indirect.scatter.add.f32 @!p1 [tilespmem:s12], [sflag:$0x1], $0x1, s10, s11, $0xb8;
	[tilespmem:$0x1CD0] =	vst v63  }
0x42: {  	_ =	swait.ge @!p1 [sflag:s9], $0x50  }
0x43: {  	[sflag:s9] =	ssyncset.done @!p1 $0x0  }
0x44: {  	[sflag:s9] =	ssyncadd.s32 @!p1 $0xFFFFFFB0  }
0x45: {  	[spmem:s2] =	stream.indirect.scatter.add.f32 @!p1 [tilespmem:s12], [sflag:$0x1], $0x1, s11, s11, $0xb8;
	[tilespmem:$0x1CD0] =	vst v63  }
0x46: {  	_ =	swait.ge @!p1 [sflag:s9], $0x50  }
0x47: {  	[sflag:s9] =	ssyncset.done @!p1 $0x0  }
0x48: {  	s10 =	simm.s32 @!p1 $0xA0;
	[sflag:s9] =	ssyncadd.s32 @!p1 $0xFFFFFFB0  }
0x49: {  	[spmem:s2] =	stream.indirect.scatter.add.f32 @!p1 [tilespmem:s12], [sflag:$0x1], $0x1, s10, s11, $0xb8;
	[tilespmem:$0x1CD0] =	vst v63  }
0x4a: {  	_ =	swait.ge @!p1 [sflag:s9], $0x50  }
0x4b: {  	[sflag:s9] =	ssyncset.done @!p1 $0x0  }
0x4c: {  	s10 =	simm.s32 @!p1 $0xF0;
	[sflag:s9] =	ssyncadd.s32 @!p1 $0xFFFFFFB0  }
0x4d: {  	[spmem:s2] =	stream.indirect.scatter.add.f32 @!p1 [tilespmem:s12], [sflag:$0x1], $0x1, s10, s11, $0xb8;
	[tilespmem:$0x1CD0] =	vst v63  }
0x4e: {  	_ =	swait.ge @!p1 [sflag:s9], $0x50  }
0x4f: {  	[sflag:s9] =	ssyncset.done @!p1 $0x0  }
0x50: {  	s10 =	simm.s32 @!p1 $0x140;
	[sflag:s9] =	ssyncadd.s32 @!p1 $0xFFFFFFB0  }
0x51: {  	[spmem:s2] =	stream.indirect.scatter.add.f32 @!p1 [tilespmem:s12], [sflag:$0x1], $0x1, s10, s11, $0xb8;
	[tilespmem:$0x1CD0] =	vst v63  }
0x52: {  	_ =	swait.ge @!p1 [sflag:s9], $0x50  }
0x53: {  	[sflag:s9] =	ssyncset.done @!p1 $0x0  }
0x54: {  	s10 =	simm.s32 @!p1 $0x190;
	[sflag:s9] =	ssyncadd.s32 @!p1 $0xFFFFFFB0  }
0x55: {  	[spmem:s2] =	stream.indirect.scatter.add.f32 @!p1 [tilespmem:s12], [sflag:$0x1], $0x1, s10, s11, $0xb8;
	[tilespmem:$0x1CD0] =	vst v63  }
0x56: {  	_ =	swait.ge @!p1 [sflag:s9], $0x50  }
0x57: {  	[sflag:s9] =	ssyncset.done @!p1 $0x0  }
0x58: {  	s10 =	simm.s32 @!p1 $0x1E0;
	[sflag:s9] =	ssyncadd.s32 @!p1 $0xFFFFFFB0  }
0x59: {  	[spmem:s2] =	stream.indirect.scatter.add.f32 @!p1 [tilespmem:s12], [sflag:$0x1], $0x1, s10, s11, $0xb8;
	[tilespmem:$0x1CD0] =	vst v63  }
0x5a: {  	_ =	swait.ge @!p1 [sflag:s9], $0x50  }
0x5b: {  	[sflag:s9] =	ssyncset.done @!p1 $0x0  }
0x5c: {  	s31 =	sadd.s32 $0x10, s0;
	s10 =	simm.s32 @!p1 $0x230;
	[sflag:s9] =	ssyncadd.s32 @!p1 $0xFFFFFFB0  }
0x5d: {  	[spmem:s2] =	stream.indirect.scatter.add.f32 @!p1 [tilespmem:s12], [sflag:$0x1], $0x1, s10, s11, $0xb8;
	[tilespmem:$0x1CD0] =	vst v63  }
0x5e: {  	p3 =	sgt.u32 s31, $0x4E1;
	_ =	swait.ge @!p1 [sflag:s9], $0x50  }
0x5f: {  	s10 =	simm.s32 $0x20;
	s11 =	sadd.s32 $0x500, s7;
	[sflag:s9] =	ssyncset.done @!p1 $0x0  }
.LBB2_4:
0x60: {  	s15 =	simm.s32 @!p3 $0x0;
	[sflag:s9] =	ssyncadd.s32 @!p1 $0xFFFFFFB0;
	s9 =	simm.s32 @!p3 $0x1  }
0x61: {  	[tilespmem:s15], [sflag:$0x1] =	stream.linear.gather @!p3 [hbm4b:s11+s15], $0x280, $0x38;
	[tilespmem:$0x1CD0] =	vst v63  }
0x62: {  	s12 =	smov.u32 s10;
	s10 =	sadd.s32 $0x10, s10;
	_ =	swait.ge @!p3 [sflag:s9], $0x280  }
0x63: {  	p1 =	por p3, p3;
	p2 =	sne.s32 s10, $0x4F0;
	[sflag:s9] =	ssyncset.done @!p3 $0x0  }
0x64: {  	s13 =	simm.s32 @!p1 $0x50;
	s14 =	simm.s32 @!p1 $0x280;
	[sflag:s9] =	ssyncadd.s32 @!p1 $0xFFFFFD80  }
0x65: {  	[spmem:s2] =	stream.indirect.scatter.add.f32 @!p1 [tilespmem:s14], [sflag:$0x1], $0x1, s15, s13, $0xb8;
	[tilespmem:$0x1CD0] =	vst v63  }
0x66: {  	_ =	swait.ge @!p1 [sflag:s9], $0x50  }
0x67: {  	[sflag:s9] =	ssyncset.done @!p1 $0x0  }
0x68: {  	[sflag:s9] =	ssyncadd.s32 @!p1 $0xFFFFFFB0  }
0x69: {  	[spmem:s2] =	stream.indirect.scatter.add.f32 @!p1 [tilespmem:s14], [sflag:$0x1], $0x1, s13, s13, $0xb8;
	[tilespmem:$0x1CD0] =	vst v63  }
0x6a: {  	_ =	swait.ge @!p1 [sflag:s9], $0x50  }
0x6b: {  	[sflag:s9] =	ssyncset.done @!p1 $0x0  }
0x6c: {  	s15 =	simm.s32 @!p1 $0xA0;
	[sflag:s9] =	ssyncadd.s32 @!p1 $0xFFFFFFB0  }
0x6d: {  	[spmem:s2] =	stream.indirect.scatter.add.f32 @!p1 [tilespmem:s14], [sflag:$0x1], $0x1, s15, s13, $0xb8;
	[tilespmem:$0x1CD0] =	vst v63  }
0x6e: {  	_ =	swait.ge @!p1 [sflag:s9], $0x50  }
0x6f: {  	[sflag:s9] =	ssyncset.done @!p1 $0x0  }
0x70: {  	s15 =	simm.s32 @!p1 $0xF0;
	[sflag:s9] =	ssyncadd.s32 @!p1 $0xFFFFFFB0  }
0x71: {  	[spmem:s2] =	stream.indirect.scatter.add.f32 @!p1 [tilespmem:s14], [sflag:$0x1], $0x1, s15, s13, $0xb8;
	[tilespmem:$0x1CD0] =	vst v63  }
0x72: {  	_ =	swait.ge @!p1 [sflag:s9], $0x50  }
0x73: {  	[sflag:s9] =	ssyncset.done @!p1 $0x0  }
0x74: {  	s15 =	simm.s32 @!p1 $0x140;
	[sflag:s9] =	ssyncadd.s32 @!p1 $0xFFFFFFB0  }
0x75: {  	[spmem:s2] =	stream.indirect.scatter.add.f32 @!p1 [tilespmem:s14], [sflag:$0x1], $0x1, s15, s13, $0xb8;
	[tilespmem:$0x1CD0] =	vst v63  }
0x76: {  	_ =	swait.ge @!p1 [sflag:s9], $0x50  }
0x77: {  	[sflag:s9] =	ssyncset.done @!p1 $0x0  }
0x78: {  	s15 =	simm.s32 @!p1 $0x190;
	[sflag:s9] =	ssyncadd.s32 @!p1 $0xFFFFFFB0  }
0x79: {  	[spmem:s2] =	stream.indirect.scatter.add.f32 @!p1 [tilespmem:s14], [sflag:$0x1], $0x1, s15, s13, $0xb8;
	[tilespmem:$0x1CD0] =	vst v63  }
0x7a: {  	_ =	swait.ge @!p1 [sflag:s9], $0x50  }
0x7b: {  	[sflag:s9] =	ssyncset.done @!p1 $0x0  }
0x7c: {  	s15 =	simm.s32 @!p1 $0x1E0;
	[sflag:s9] =	ssyncadd.s32 @!p1 $0xFFFFFFB0  }
0x7d: {  	[spmem:s2] =	stream.indirect.scatter.add.f32 @!p1 [tilespmem:s14], [sflag:$0x1], $0x1, s15, s13, $0xb8;
	[tilespmem:$0x1CD0] =	vst v63  }
0x7e: {  	_ =	swait.ge @!p1 [sflag:s9], $0x50  }
.Ltmp1:
0x7f: {  	[sflag:s9] =	ssyncset.done @!p1 $0x0;
	(pc) =	sbr.rel @p2 .LBB2_4-.Ltmp1, $4  }
0x80: {  	s15 =	simm.s32 @!p1 $0x230;
	[sflag:s9] =	ssyncadd.s32 @!p1 $0xFFFFFFB0  }
0x81: {  	[spmem:s2] =	stream.indirect.scatter.add.f32 @!p1 [tilespmem:s14], [sflag:$0x1], $0x1, s15, s13, $0xb8;
	[tilespmem:$0x1CD0] =	vst v63  }
0x82: {  	s12 =	sadd.s32 s12, s0;
	_ =	swait.ge @!p1 [sflag:s9], $0x50  }
0x83: {  	s11 =	sadd.s32 $0x500, s11;
	p3 =	sgt.u32 s12, $0x4E1;
	[sflag:s9] =	ssyncset.done @!p1 $0x0  }
0x84: {  	s10 =	simm.s32 @!p3 $0x0;
	s12 =	simm.s32 @!p3 $0x1;
	[sflag:s9] =	ssyncadd.s32 @!p1 $0xFFFFFFB0  }
0x85: {  	[tilespmem:s10], [sflag:$0x1] =	stream.linear.gather @!p3 [hbm4b:s11+s10], $0x280, $0x38;
	[tilespmem:$0x1CD0] =	vst v63  }
0x86: {  	_ =	swait.ge @!p3 [sflag:s12], $0x280  }
0x87: {  	p1 =	por p3, p3;
	[sflag:s12] =	ssyncset.done @!p3 $0x0  }
0x88: {  	s9 =	simm.s32 @!p1 $0x50;
	s11 =	simm.s32 @!p1 $0x280;
	[sflag:s12] =	ssyncadd.s32 @!p1 $0xFFFFFD80  }
0x89: {  	[spmem:s2] =	stream.indirect.scatter.add.f32 @!p1 [tilespmem:s11], [sflag:$0x1], $0x1, s10, s9, $0xb8;
	[tilespmem:$0x1CD0] =	vst v63  }
0x8a: {  	_ =	swait.ge @!p1 [sflag:s12], $0x50  }
0x8b: {  	[sflag:s12] =	ssyncset.done @!p1 $0x0  }
0x8c: {  	[sflag:s12] =	ssyncadd.s32 @!p1 $0xFFFFFFB0  }
0x8d: {  	[spmem:s2] =	stream.indirect.scatter.add.f32 @!p1 [tilespmem:s11], [sflag:$0x1], $0x1, s9, s9, $0xb8;
	[tilespmem:$0x1CD0] =	vst v63  }
0x8e: {  	_ =	swait.ge @!p1 [sflag:s12], $0x50  }
0x8f: {  	[sflag:s12] =	ssyncset.done @!p1 $0x0  }
0x90: {  	s10 =	simm.s32 @!p1 $0xA0;
	[sflag:s12] =	ssyncadd.s32 @!p1 $0xFFFFFFB0  }
0x91: {  	[spmem:s2] =	stream.indirect.scatter.add.f32 @!p1 [tilespmem:s11], [sflag:$0x1], $0x1, s10, s9, $0xb8;
	[tilespmem:$0x1CD0] =	vst v63  }
0x92: {  	_ =	swait.ge @!p1 [sflag:s12], $0x50  }
0x93: {  	[sflag:s12] =	ssyncset.done @!p1 $0x0  }
0x94: {  	s10 =	simm.s32 @!p1 $0xF0;
	[sflag:s12] =	ssyncadd.s32 @!p1 $0xFFFFFFB0  }
0x95: {  	[spmem:s2] =	stream.indirect.scatter.add.f32 @!p1 [tilespmem:s11], [sflag:$0x1], $0x1, s10, s9, $0xb8;
	[tilespmem:$0x1CD0] =	vst v63  }
0x96: {  	_ =	swait.ge @!p1 [sflag:s12], $0x50  }
0x97: {  	[sflag:s12] =	ssyncset.done @!p1 $0x0  }
0x98: {  	s10 =	simm.s32 @!p1 $0x140;
	[sflag:s12] =	ssyncadd.s32 @!p1 $0xFFFFFFB0  }
0x99: {  	[spmem:s2] =	stream.indirect.scatter.add.f32 @!p1 [tilespmem:s11], [sflag:$0x1], $0x1, s10, s9, $0xb8;
	[tilespmem:$0x1CD0] =	vst v63  }
0x9a: {  	_ =	swait.ge @!p1 [sflag:s12], $0x50  }
0x9b: {  	[sflag:s12] =	ssyncset.done @!p1 $0x0  }
0x9c: {  	s10 =	simm.s32 @!p1 $0x190;
	[sflag:s12] =	ssyncadd.s32 @!p1 $0xFFFFFFB0  }
0x9d: {  	[spmem:s2] =	stream.indirect.scatter.add.f32 @!p1 [tilespmem:s11], [sflag:$0x1], $0x1, s10, s9, $0xb8;
	[tilespmem:$0x1CD0] =	vst v63  }
0x9e: {  	_ =	swait.ge @!p1 [sflag:s12], $0x50  }
0x9f: {  	[sflag:s12] =	ssyncset.done @!p1 $0x0  }
0xa0: {  	s10 =	simm.s32 @!p1 $0x1E0;
	[sflag:s12] =	ssyncadd.s32 @!p1 $0xFFFFFFB0  }
0xa1: {  	[spmem:s2] =	stream.indirect.scatter.add.f32 @!p1 [tilespmem:s11], [sflag:$0x1], $0x1, s10, s9, $0xb8;
	[tilespmem:$0x1CD0] =	vst v63  }
0xa2: {  	_ =	swait.ge @!p1 [sflag:s12], $0x50  }
0xa3: {  	[sflag:s12] =	ssyncset.done @!p1 $0x0  }
0xa4: {  	s10 =	simm.s32 @!p1 $0x230;
	[sflag:s12] =	ssyncadd.s32 @!p1 $0xFFFFFFB0  }
0xa5: {  	[spmem:s2] =	stream.indirect.scatter.add.f32 @!p1 [tilespmem:s11], [sflag:$0x1], $0x1, s10, s9, $0xb8;
	[tilespmem:$0x1CD0] =	vst v63  }
0xa6: {  	_ =	swait.ge @!p1 [sflag:s12], $0x50  }
0xa7: {  	[sflag:s12] =	ssyncset.done @!p1 $0x0  }
0xa8: {  	s3 =	sadd.s32 $0x1, s3;
	[sflag:s12] =	ssyncadd.s32 @!p1 $0xFFFFFFB0  }
0xa9: {  	s9 =	simm.s32 @!p0 $0x1C01;
	p1 =	sne.s32 s3, s5;
	[bflag:$0x0] =	sbarrier.arrive $0xFFFF  }
0xaa: {  	[hbm:s4], [sflag:s9] =	dma.local @!p0 [spmem:s8], $0x30D4  }
.Ltmp2:
0xab: {  	_ = 	snop;
	(pc) =	sbr.rel @p1 .LBB2_1-.Ltmp2, $4  }
0xac: {  	s9 =	simm.s32 @!p0 $0x1  }
0xad: {  	_ =	swait.ge @!p0 [sflag:s9], $0x30D4  }
0xae: {  	[sflag:s9] =	ssyncset.done @!p0 $0x0  }
0xaf: {  	[sflag:s9] =	ssyncadd.s32 @!p0 $0xFFFFCF2C  }
0xb0: {  	_ =	sfence.sel $0x180000  }
0xb1: {  	[bflag:$0x0] =	sbarrier.arrive $0xFFFF  }
0xb2: {  	_ =	strace $0x90000047  }
0xb3: {  	s0 =	sadd.s32 @!p0 $0x100000, s1;
	[bflag:$0x2] =	sbarrier.arrive $0xFFFF  }
0xb4: {  	[sflag:s0] =	ssyncadd.tile.s32 @!p0 $0x1;
	_ =	shalt  }
.Lfunc_end2:
_tile_overlayer_lowered:
.L_overlay_start_2:
0xb5: {  	(tag) =	ssettag $0x2  }
0xb6: {  	s0 =	rddreg [dreg:$0x0];
	s2 =	stileid.u32  }
0xb7: {  	s1 =	rddreg [dreg:$0x1];
	p0 =	sne.s32 s2, $0x0  }
0xb8: {  	s3 =	rddreg [dreg:$0x2];
	[bflag:$0x3] =	sbarrier.arrive $0xFFFF;
	s2 =	simm.s32 @!p0 $0x1C01  }
0xb9: {  	[timem:s3], [sflag:s2] =	dma.local @!p0 [hbm:s0], s1  }
0xba: {  	s0 =	simm.s32 @!p0 $0x1  }
0xbb: {  	_ =	swait.ge @!p0 [sflag:s0], s1  }
0xbc: {  	s1 =	ssub.s32 @!p0 $0x0, s1;
	[sflag:s0] =	ssyncset.done @!p0 $0x0  }
0xbd: {  	[sflag:s0] =	ssyncadd.s32 @!p0 s1  }
0xbe: {  	[bflag:$0x3] =	sbarrier.arrive $0xFFFF  }
0xbf: {  	_ =	shalt  }

// kernel: kernel.14.cloned.1.call-start
scs
__scs_entry_jumppad:
0x0: {  	(pc) =	sbr.rel $0x88, $3  }
0x1: {  	(tag) =	ssettag $0x0;
	lr =	simm.s32 $0x1  }
0x2: {  	[smem:$0x3F96] =	sst lr;
	_ =	strace $0xD0000000  }
0x3: {  	_ = 	snop  }
0x4: {  	_ = 	snop  }
0x5: {  	_ = 	snop  }
0x6: {  	_ = 	snop  }
0x7: {  	_ = 	snop  }
__scs_overlays_trampoline_lowered:
0x8: {  	[smem:$0x3FA5] =	sst s0  }
0x9: {  	[smem:$0x3FA6] =	sst s1  }
0xa: {  	[smem:$0x3FA7] =	sst s2  }
0xb: {  	[smem:$0x3FA8] =	sst s3  }
0xc: {  	[smem:$0x3FA9] =	sst s4  }
0xd: {  	[smem:$0x3FAA] =	sst s5  }
0xe: {  	[smem:$0x3FAB] =	sst s6  }
0xf: {  	[smem:$0x3FAC] =	sst s7  }
0x10: {  	[smem:$0x3FAD] =	sst s8  }
0x11: {  	[smem:$0x3FAE] =	sst s9;
	s0 =	simm.s32 @!p0 $0x0  }
0x12: {  	s1 =	sld [smem:$0x3F94];
	s0 =	simm.s32 @p0 $0x1  }
0x13: {  	[smem:$0x3FAF] =	sst s0;
	s0 =	simm.s32 @!p1 $0x0  }
0x14: {  	s2 =	sld [smem:$0x3F93];
	s0 =	simm.s32 @p1 $0x1  }
0x15: {  	[smem:$0x3FB0] =	sst s0;
	s0 =	simm.s32 @!p2 $0x0  }
0x16: {  	s3 =	sld [smem:$0x3FDB];
	s0 =	simm.s32 @p2 $0x1  }
0x17: {  	s4 =	simm.s32 $0x1BF5;
	[smem:$0x3FB2] =	sst s0  }
0x18: {  	s0 =	sld [smem:$0x3F95];
	_ =	swait.ge [sflag:s4], $0x0  }
0x19: {  	s7 =	sld [smem:$0x3F96]  }
0x1a: {  	s8 =	sadd.s32 $0xFFFFE003, lr  }
0x1b: {  	s9 =	sadd.s32 $0xFFFFFEF7, lr;
	s5 =	simm.s32 $0xFFFFFFFF;
	p2 =	slt.u32 s8, $0xFFFFF086  }
0x1c: {  	p1 =	slt.u32 s9, $0xF7A;
	s5 =	simm.s32 @!p2 $0x0  }
0x1d: {  	s5 =	simm.s32 @p1 $0x1;
	p0 =	seq.s32 s7, s2  }
0x1e: {  	s7 =	smul.u32 @!p0 $0xF7A, s2;
	p2 =	seq.s32 @!p0 s5, $0x0  }
0x1f: {  	s9 =	smul.u32 $0xF7A, s1;
	s8 =	simm.s32 @!p0 $0x1BF5;
	p2 =	por !p2, p0  }
0x20: {  	[sflag:s8] =	ssyncset.s32 @!p0 $0xFFFFF086;
	s6 =	sadd.s32 @!p0 s3, s7;
	s7 =	simm.s32 @!p0 $0x108  }
0x21: {  	s3 =	sadd.s32 s3, s9;
	s6 =	sadd.s32 @!p0 $0x88, s6;
	s7 =	simm.s32 @p2 $0x1082  }
0x22: {  	[simem:s7], [sflag:s8] =	dma.local @!p0 [hbm:s6], $0xF7A  }
0x23: {  	s9 =	sor.u32 $0xD0000000, s2;
	s6 =	simm.s32 $0x108;
	_ =	swait.ge @!p0 [sflag:s8], $0x0  }
0x24: {  	s3 =	sadd.s32 $0x88, s3;
	s6 =	simm.s32 @!p1 $0x1082;
	[sflag:s4] =	ssyncset.s32 $0xFFFFF086  }
0x25: {  	[simem:s6], [sflag:s4] =	dma.local [hbm:s3], $0xF7A  }
0x26: {  	[smem:$0x3F96] =	sst s1;
	(tag) =	ssettag s2;
	_ =	strace s9  }
0x27: {  	s1 =	sld [smem:$0x3FA6]  }
0x28: {  	s2 =	sld [smem:$0x3FA7]  }
0x29: {  	s4 =	sld [smem:$0x3FA9]  }
0x2a: {  	p0 =	seq.s32 s5, $0x0;
	s5 =	sld [smem:$0x3FAA]  }
0x2b: {  	s6 =	sld [smem:$0x3FAB]  }
0x2c: {  	s7 =	sld [smem:$0x3FAC]  }
0x2d: {  	s3 =	simm.s32 $0x108;
	s8 =	sld [smem:$0x3FAD]  }
0x2e: {  	s3 =	simm.s32 @!p0 $0x1082;
	s9 =	sld [smem:$0x3FAE]  }
0x2f: {  	lr =	sadd.s32 s0, s3;
	s0 =	sld [smem:$0x3FA5]  }
0x30: {  	s3 =	sld [smem:$0x3FA8]  }
0x31: {  	[smem:$0x3FB1] =	sst s10  }
0x32: {  	s10 =	sld [smem:$0x3FAF];
	_ =	sdelay $0x3  }
0x33: {  	p0 =	seq.s32 s10, $0x1;
	s10 =	sld [smem:$0x3FB1];
	_ =	sdelay $0x3  }
0x34: {  	[smem:$0x3FB1] =	sst s10  }
0x35: {  	s10 =	sld [smem:$0x3FB0];
	_ =	sdelay $0x3  }
0x36: {  	p1 =	seq.s32 s10, $0x1;
	s10 =	sld [smem:$0x3FB1];
	_ =	sdelay $0x3  }
0x37: {  	[smem:$0x3FB1] =	sst s10  }
0x38: {  	s10 =	sld [smem:$0x3FB2]  }
0x39: {  	_ = 	snop;
	(pc) =	sbr.ind lr, $3  }
0x3a: {  	_ = 	snop  }
0x3b: {  	_ = 	snop  }
0x3c: {  	p2 =	seq.s32 s10, $0x1;
	s10 =	sld [smem:$0x3FB1]  }
0x3d: {  	_ =	shalt  }
0x3e: {  	_ =	shalt  }
0x3f: {  	_ =	shalt  }
0x40: {  	_ =	shalt  }
0x41: {  	_ =	shalt  }
0x42: {  	_ =	shalt  }
0x43: {  	_ =	shalt  }
0x44: {  	_ =	shalt  }
0x45: {  	_ =	shalt  }
0x46: {  	_ =	shalt  }
0x47: {  	_ =	shalt  }
0x48: {  	_ =	shalt  }
0x49: {  	_ =	shalt  }
0x4a: {  	_ =	shalt  }
0x4b: {  	_ =	shalt  }
0x4c: {  	_ =	shalt  }
0x4d: {  	_ =	shalt  }
0x4e: {  	_ =	shalt  }
0x4f: {  	_ =	shalt  }
0x50: {  	_ =	shalt  }
0x51: {  	_ =	shalt  }
0x52: {  	_ =	shalt  }
0x53: {  	_ =	shalt  }
0x54: {  	_ =	shalt  }
0x55: {  	_ =	shalt  }
0x56: {  	_ =	shalt  }
0x57: {  	_ =	shalt  }
0x58: {  	_ =	shalt  }
0x59: {  	_ =	shalt  }
0x5a: {  	_ =	shalt  }
0x5b: {  	_ =	shalt  }
0x5c: {  	_ =	shalt  }
0x5d: {  	_ =	shalt  }
0x5e: {  	_ =	shalt  }
0x5f: {  	_ =	shalt  }
0x60: {  	_ =	shalt  }
0x61: {  	_ =	shalt  }
0x62: {  	_ =	shalt  }
0x63: {  	_ =	shalt  }
0x64: {  	_ =	shalt  }
0x65: {  	_ =	shalt  }
0x66: {  	_ =	shalt  }
0x67: {  	_ =	shalt  }
0x68: {  	_ =	shalt  }
0x69: {  	_ =	shalt  }
0x6a: {  	_ =	shalt  }
0x6b: {  	_ =	shalt  }
0x6c: {  	_ =	shalt  }
0x6d: {  	_ =	shalt  }
0x6e: {  	_ =	shalt  }
0x6f: {  	_ =	shalt  }
0x70: {  	_ =	shalt  }
0x71: {  	_ =	shalt  }
0x72: {  	_ =	shalt  }
0x73: {  	_ =	shalt  }
0x74: {  	_ =	shalt  }
0x75: {  	_ =	shalt  }
0x76: {  	_ =	shalt  }
0x77: {  	_ =	shalt  }
0x78: {  	_ =	shalt  }
0x79: {  	_ =	shalt  }
0x7a: {  	_ =	shalt  }
0x7b: {  	_ =	shalt  }
0x7c: {  	_ =	shalt  }
0x7d: {  	_ =	shalt  }
0x7e: {  	_ =	shalt  }
0x7f: {  	_ =	shalt  }
0x80: {  	_ =	shalt  }
0x81: {  	_ =	shalt  }
0x82: {  	_ =	shalt  }
0x83: {  	_ =	shalt  }
0x84: {  	_ =	shalt  }
0x85: {  	_ =	shalt  }
0x86: {  	_ =	shalt  }
0x87: {  	_ =	shalt  }
.Lfunc_end0:
.L_simem_size_0:
called_computation.1_lowered:
.L_overlay_start_0:
0x88: {  	s2 =	sld [smem:$0x3FD9]  }
0x89: {  	s3 =	sld [smem:$0x3FFE];
	_ =	sdelay $0x1  }
0x8a: {  	s1 =	srdreg.scid  }
0x8b: {  	s0 =	sand.u32 $0x1, s1  }
0x8c: {  	s16 =	sshll.u32 s0, $0xA;
	s2 =	sadd.s32 s3, s2  }
0x8d: {  	s2 =	sadd.s32 s2, s16  }
0x8e: {  	[smem:$0x3FBD] =	sst s2  }
0x8f: {  	_ = 	snop  }
0x90: {  	(tm) =	ssettm $0x1  }
0x91: {  	s17 =	sld [smem:$0x3FFB];
	_ =	sdelay $0x3  }
0x92: {  	_ =	strace s17  }
0x93: {  	s2 =	sld [smem:$0x3FFC];
	_ =	sdelay $0x3  }
0x94: {  	_ =	strace s2  }
0x95: {  	s2 =	sld [smem:$0x3FFD];
	_ =	sdelay $0x3  }
0x96: {  	_ =	strace s2  }
0x97: {  	_ =	strace $0x8FFFFFFF  }
0x98: {  	s18 =	sld [smem:$0x3FDB];
	_ =	sdelay $0x1  }
0x99: {  	s19 =	simm.s32 $_scs_section_size  }
0x9a: {  	s4 =	simm.s32 $_size__tile_overlayer_lowered;
	s5 =	simm.s32 $_tile_overlayer_lowered  }
0x9b: {  	s22 =	simm.s32 $0x1BFF;
	s21 =	sshll.u32 s5, $0x1;
	s2 =	sadd.s32 s19, s18  }
0x9c: {  	s6 =	simm.s32 $0x0;
	s20 =	sshll.u32 s4, $0x1;
	s4 =	sadd.s32 s21, s2  }
0x9d: {  	[timem:s6], [sflag:s22] =	dma.local [hbm:s4], s20  }
0x9e: {  	_ =	swait.ge [sflag:s22], s20  }
0x9f: {  	s3 =	ssub.s32 $0x0, s20;
	[sflag:s22] =	ssyncset.done $0x0  }
0xa0: {  	[sflag:s22] =	ssyncadd.s32 s3;
	_ =	sdelay $0x1  }
0xa1: {  	s23 =	simm.s32 $0x1B8B  }
0xa2: {  	_ =	swait.ge [sflag:s23], $0x1  }
0xa3: {  	[sflag:s23] =	ssyncset.done $0x0  }
0xa4: {  	s25 =	simm.s32 $0x1B8E;
	s24 =	sld [smem:$0x3FFE];
	[sflag:s23] =	ssyncadd.s32 $0xFFFFFFFF  }
0xa5: {  	s26 =	simm.s32 $execute0_lowered;
	[smem:$0x3FD2] =	sst s25  }
0xa6: {  	s4 =	sshll.u32 s26, $0x1;
	_ =	strace $0x80000049;
	[dreg:$0x1] =	wrdreg $0xFFFFFFFF  }
0xa7: {  	s28 =	simm.s32 $_size_execute0_lowered;
	s2 =	sadd.s32 s2, s4;
	[dreg:$0x0] =	wrdreg $0x0  }
0xa8: {  	s4 =	sshll.u32 s28, $0x1;
	[dreg:$0x2] =	wrdreg s2  }
0xa9: {  	[dreg:$0x3] =	wrdreg s4  }
0xaa: {  	[dreg:$0x4] =	wrdreg $0xC0  }
0xab: {  	_ =	task [dreg:s6], $0x5FFFF  }
0xac: {  	[dreg:$0x1] =	wrdreg $0xFFFFFFFF  }
0xad: {  	[dreg:$0x0] =	wrdreg $0x60  }
0xae: {  	[dreg:$0x2] =	wrdreg s24  }
0xaf: {  	[dreg:$0x3] =	wrdreg $0x78000  }
0xb0: {  	[dreg:$0x4] =	wrdreg $0x9  }
0xb1: {  	_ =	task.clear_ibuf [dreg:s6], $0x5FFFF;
	_ =	strace $0x90000049  }
0xb2: {  	s29 =	simm.s32 $0x9;
	_ =	strace $0x8000004B  }
0xb3: {  	_ =	swait.ge [sflag:s29], $0x1  }
0xb4: {  	[sflag:s29] =	ssyncadd.s32 $0xFFFFFFFF  }
0xb5: {  	_ =	strace $0x9000004B  }
0xb6: {  	_ =	sfence  }
0xb7: {  	s30 =	sld [smem:$0x0];
	_ =	sdelay $0x2  }
0xb8: {  	s31 =	sshll.u32 s1, $0xD;
	s1 =	sshrl.u32 s1, $0x2  }
0xb9: {  	s3 =	sand.u32 $0x4000, s31;
	s1 =	sadd.s32 s1, s30  }
0xba: {  	s0 =	sor.u32 s3, s0;
	s1 =	sshll.u32 s1, $0x11  }
0xbb: {  	s0 =	sor.u32 s1, s0  }
0xbc: {  	s0 =	sadd.s32 $0x8F2B, s0  }
0xbd: {  	[sflag:s0] =	ssyncadd.remote.s32 $0x1  }
0xbe: {  	_ =	sfence.sel $0xFFFF  }
0xbf: {  	[dreg:$0x0] =	wrdreg $0xFFFFFFFF;
	(pc) =	sbr.abs _section_cstart, $3  }
0xc0: {  	[dreg:$0x1] =	wrdreg $0xFFFFFFFF  }
0xc1: {  	_ =	task.clear_ibuf [dreg:s6], $0x2FFFF;
	_ =	strace $0x9FFFFFFF  }
0xc2: {  	(tm) =	ssettm $0x7FFFFFFF  }
0xc3: {  	_ =	shalt  }
tec
execute0_lowered:
.L_overlay_start_1:
0x0: {  	(tag) =	ssettag $0x1  }
0x1: {  	s2 =	srdreg.scid  }
0x2: {  	s4 =	sand.u32 $0x1, s2  }
0x3: {  	s5 =	smul.u32 $0x30D40, s4  }
0x4: {  	s2 =	stileid.u32;
	s6 =	smul.u32 $0x186A00, s4  }
0x5: {  	s0 =	rddreg [dreg:$0x0];
	s7 =	smul.u32 $0x1900, s2  }
0x6: {  	s1 =	rddreg [dreg:$0x1];
	s3 =	simm.s32 $0x0;
	s23 =	smul.u32 $0x9C, s2  }
0x7: {  	s19 =	simm.s32 $0x1;
	s20 =	simm.s32 $0x50;
	s14 =	smul.u32 $0x6400, s2  }
0x8: {  	[smem:$0x7FF] =	sst s3;
	s13 =	sadd.s32 $0x2600, s0;
	s15 =	smul.u32 $0x30C0, s2  }
0x9: {  	_ =	strace $0x8000004A;
	s11 =	smin.u32 s2, $0x4;
	s16 =	smul.u32 $0x18600, s2  }
0xa: {  	s4 =	ssub.s32 $0x2, s4;
	p0 =	slt.u32 s2, $0x4;
	s17 =	smul.u32 $0x280, s11  }
0xb: {  	s24 =	sshrl.u32 s4, $0x1;
	s18 =	smul.u32 $0x50, s11;
	s9 =	sadd.s32 s5, s0  }
0xc: {  	s6 =	sadd.s32 s7, s6;
	s5 =	sadd.s32 s11, s23;
	s12 =	ssub.s32 s4, s24  }
0xd: {  	s4 =	simm.s32 $0x9D;
	s28 =	sadd.s32 s15, s13;
	s14 =	sshrl.u32 s14, $0x2  }
0xe: {  	s6 =	sshrl.u32 s6, $0x3;
	s5 =	smul.u32 $0x280, s5;
	s4 =	simm.s32 @!p0 $0x9C  }
0xf: {  	s9 =	sadd.s32 $0x1EAC00, s9;
	s11 =	smax.u32 s12, $0x1;
	s29 =	sadd.s32 s17, s16  }
0x10: {  	s30 =	sadd.s32 s18, s28;
	s12 =	sadd.s32 s14, s1;
	s0 =	sadd.s32 s6, s0  }
0x11: {  	s10 =	sxor.u32 $0xFFFFFFFF, s4;
	s15 =	sadd.s32 $0x186F00, s29;
	s5 =	sshrl.u32 s5, $0x3  }
0x12: {  	s22 =	sadd.s32 $0xA0, s30;
	s10 =	sand.u32 $0x1, s10;
	s5 =	sadd.s32 s13, s5  }
0x13: {  	s31 =	sshrl.u32 s15, $0x3;
	s15 =	sadd.s32 $0x24C800, s0;
	s25 =	sadd.s32 $0x30D40, s5  }
0x14: {  	s10 =	sadd.s32 $0x9, s10;
	s26 =	sadd.s32 $0x50, s5;
	[dreg:$0x3] =	wrdreg s25  }
0x15: {  	v0 =	vimm.f32 $0.0e+00;
	s14 =	sadd.s32 s31, s13;
	s8 =	sadd.s32 $0x30D90, s5;
	[dreg:$0x4] =	wrdreg s26  }
.LBB2_1:
0x16: {  	s0 =	simm.s32 $0x0  }
.LBB2_2:
0x17: {  	p0 =	sne.s32 s0, $0x63C0  }
.Ltmp0:
0x18: {  	_ = 	snop;
	(pc) =	sbr.rel @p0 .LBB2_2-.Ltmp0, $3  }
0x19: {  	_ =	sdelay $0x1  }
0x1a: {  	s13 =	sshra.s32 s0, $0x2  }
0x1b: {  	s0 =	sadd.s32 $0x40, s0;
	[tilespmem:s13+$0x5F00] =	vst v0  }
0x1c: {  	s0 =	sadd.s32 $0x0, s2  }
0x1d: {  	p0 =	sgt.u32 s0, $0xF9  }
0x1e: {  	s0 =	simm.s32 @!p0 $0x5F00;
	s17 =	simm.s32 @!p0 $0xB  }
0x1f: {  	[spmem:s12] =	stream.linear.scatter @!p0 [tilespmem:s0], [sflag:$0xB], $0x1900, $0x38;
	[tilespmem:$0x1FEA0] =	vst v63  }
0x20: {  	s13 =	simm.s32 $0x10;
	_ =	swait.ge @!p0 [sflag:s17], $0x1900  }
0x21: {  	s16 =	simm.s32 $0x20;
	s0 =	sadd.s32 $0x19000, s12;
	[sflag:s17] =	ssyncset.done @!p0 $0x0  }
.LBB2_4:
0x22: {  	s21 =	sadd.s32 s13, s2;
	s13 =	smov.u32 s16;
	s16 =	sadd.s32 $0x10, s16  }
0x23: {  	[sflag:s17] =	ssyncadd.s32 @!p0 $0xFFFFE700;
	p1 =	sne.s32 s16, $0x100  }
.Ltmp1:
0x24: {  	p0 =	sgt.u32 s21, $0xF9;
	(pc) =	sbr.rel @p1 .LBB2_4-.Ltmp1, $4  }
0x25: {  	s21 =	simm.s32 @!p0 $0x5F00;
	s17 =	simm.s32 @!p0 $0xB  }
0x26: {  	[spmem:s0] =	stream.linear.scatter @!p0 [tilespmem:s21], [sflag:$0xB], $0x1900, $0x38;
	[tilespmem:$0x1FEA0] =	vst v63  }
0x27: {  	_ =	swait.ge @!p0 [sflag:s17], $0x1900  }
0x28: {  	s0 =	sadd.s32 $0x19000, s0;
	[sflag:s17] =	ssyncset.done @!p0 $0x0  }
0x29: {  	s13 =	sadd.s32 s13, s2  }
0x2a: {  	p1 =	sgt.u32 s13, $0xF9  }
0x2b: {  	[sflag:s17] =	ssyncadd.s32 @!p0 $0xFFFFE700;
	s13 =	simm.s32 @!p1 $0x5F00;
	s16 =	simm.s32 @!p1 $0xB  }
0x2c: {  	[spmem:s0] =	stream.linear.scatter @!p1 [tilespmem:s13], [sflag:$0xB], $0x1900, $0x38;
	[tilespmem:$0x1FEA0] =	vst v63  }
0x2d: {  	_ =	swait.ge @!p1 [sflag:s16], $0x1900  }
0x2e: {  	[sflag:s16] =	ssyncset.done @!p1 $0x0  }
0x2f: {  	[sflag:s16] =	ssyncadd.s32 @!p1 $0xFFFFE700  }
0x30: {  	s13 =	simm.s32 $0x0;
	[bflag:$0x0] =	sbarrier.arrive $0xFFFF  }
0x31: {  	[tilespmem:s13], [sflag:$0x1] =	stream.linear.gather [hbm4b:s5+s13], $0x280, $0x38;
	[tilespmem:$0x1FEA0] =	vst v63  }
0x32: {  	s6 =	simm.s32 $0x500;
	s31 =	rddreg [dreg:$0x3]  }
0x33: {  	[tilespmem:s6], [sflag:$0x3] =	stream.linear.gather [hbm4b:s31+s13], $0x280, $0x38;
	[tilespmem:$0x1FEA0] =	vst v63  }
0x34: {  	s16 =	simm.s32 $0x280;
	s7 =	rddreg [dreg:$0x4]  }
0x35: {  	[tilespmem:s16], [sflag:$0x2] =	stream.linear.gather [hbm4b:s7+s13], $0x280, $0x38;
	[tilespmem:$0x1FEA0] =	vst v63  }
0x36: {  	s17 =	simm.s32 $0x780  }
0x37: {  	[tilespmem:s17], [sflag:$0x4] =	stream.linear.gather [hbm4b:s8+s13], $0x280, $0x38;
	[tilespmem:$0x1FEA0] =	vst v63  }
0x38: {  	_ =	swait.ge [sflag:s19], $0x280  }
0x39: {  	[sflag:s19] =	ssyncset.done $0x0  }
0x3a: {  	s18 =	simm.s32 $0xF00;
	[sflag:s19] =	ssyncadd.s32 $0xFFFFFD80  }
0x3b: {  	[tilespmem:s18], [sflag:$0x7] =	stream.indirect.gather [hbm4b:s9+s20], $0x10, s13, s20, $0xb8;
	[tilespmem:$0x1FEA0] =	vst v63  }
0x3c: {  	s21 =	simm.s32 $0x1400  }
0x3d: {  	[tilespmem:s21], [sflag:$0x7] =	stream.indirect.gather [hbm4b:s9+s20], $0x10, s20, s20, $0xb8;
	[tilespmem:$0x1FEA0] =	vst v63  }
0x3e: {  	s23 =	simm.s32 $0xA0;
	s24 =	simm.s32 $0x1900  }
0x3f: {  	[tilespmem:s24], [sflag:$0x7] =	stream.indirect.gather [hbm4b:s9+s20], $0x10, s23, s20, $0xb8;
	[tilespmem:$0x1FEA0] =	vst v63  }
0x40: {  	s25 =	simm.s32 $0xF0;
	s26 =	simm.s32 $0x1E00  }
0x41: {  	[tilespmem:s26], [sflag:$0x7] =	stream.indirect.gather [hbm4b:s9+s20], $0x10, s25, s20, $0xb8;
	[tilespmem:$0x1FEA0] =	vst v63  }
0x42: {  	s29 =	simm.s32 $0x140;
	p0 =	por $0x1, $0x1;
	s31 =	simm.s32 $0x2300  }
0x43: {  	[tilespmem:s31], [sflag:$0x7] =	stream.indirect.gather [hbm4b:s9+s20], $0x10, s29, s20, $0xb8;
	[tilespmem:$0x1FEA0] =	vst v63  }
0x44: {  	s0 =	sand.u32 @!p0 $0x1, s13;
	s7 =	simm.s32 $0x190;
	s16 =	simm.s32 $0x2800  }
0x45: {  	[tilespmem:s16], [sflag:$0x7] =	stream.indirect.gather [hbm4b:s9+s20], $0x10, s7, s20, $0xb8;
	[tilespmem:$0x1FEA0] =	vst v63  }
0x46: {  	s17 =	simm.s32 $0x1E0;
	s18 =	simm.s32 $0x2D00;
	s16 =	sxor.u32 @!p0 $0x1, s0  }
0x47: {  	[tilespmem:s18], [sflag:$0x7] =	stream.indirect.gather [hbm4b:s9+s20], $0x10, s17, s20, $0xb8;
	[tilespmem:$0x1FEA0] =	vst v63  }
0x48: {  	s21 =	simm.s32 $0x230;
	s23 =	simm.s32 $0x3200;
	s16 =	sadd.s32 @!p0 $0x9, s16  }
0x49: {  	[tilespmem:s23], [sflag:$0x7] =	stream.indirect.gather [hbm4b:s9+s20], $0x10, s21, s20, $0xb8;
	[tilespmem:$0x1FEA0] =	vst v63  }
0x4a: {  	_ =	swait.ge @!p0 [sflag:s16], $0x500  }
0x4b: {  	[sflag:s16] =	ssyncset.done @!p0 $0x0  }
0x4c: {  	[sflag:s16] =	ssyncadd.s32 @!p0 $0xFFFFFB00  }
0x4d: {  	_ =	swait.ge @!p0 [sflag:s16], $0x500  }
0x4e: {  	[sflag:s16] =	ssyncset.done @!p0 $0x0  }
0x4f: {  	[sflag:s16] =	ssyncadd.s32 @!p0 $0xFFFFFB00  }
0x50: {  	_ =	swait.ge @!p0 [sflag:s16], $0x500  }
0x51: {  	[sflag:s16] =	ssyncset.done @!p0 $0x0  }
0x52: {  	[sflag:s16] =	ssyncadd.s32 @!p0 $0xFFFFFB00  }
0x53: {  	_ =	swait.ge @!p0 [sflag:s16], $0x500  }
0x54: {  	[sflag:s16] =	ssyncset.done @!p0 $0x0  }
0x55: {  	[sflag:s16] =	ssyncadd.s32 @!p0 $0xFFFFFB00  }
0x56: {  	_ =	swait.ge @!p0 [sflag:s16], $0x500  }
0x57: {  	[sflag:s16] =	ssyncset.done @!p0 $0x0  }
0x58: {  	[sflag:s16] =	ssyncadd.s32 @!p0 $0xFFFFFB00  }
0x59: {  	_ =	swait.ge @!p0 [sflag:s16], $0x500  }
0x5a: {  	[sflag:s16] =	ssyncset.done @!p0 $0x0  }
0x5b: {  	[sflag:s16] =	ssyncadd.s32 @!p0 $0xFFFFFB00  }
0x5c: {  	_ =	swait.ge @!p0 [sflag:s16], $0x500  }
0x5d: {  	[sflag:s16] =	ssyncset.done @!p0 $0x0  }
0x5e: {  	[sflag:s16] =	ssyncadd.s32 @!p0 $0xFFFFFB00  }
0x5f: {  	_ =	swait.ge @!p0 [sflag:s16], $0x500  }
0x60: {  	s13 =	sand.u32 $0x3, s13;
	[sflag:s16] =	ssyncset.done @!p0 $0x0  }
0x61: {  	s24 =	sadd.s32 $0x3, s13;
	[sflag:s16] =	ssyncadd.s32 @!p0 $0xFFFFFB00  }
0x62: {  	_ =	swait.ge [sflag:s24], $0x280  }
0x63: {  	s13 =	smul.u32 $0xA00, s13;
	s0 =	simm.s32 @p0 $0x0;
	[sflag:s24] =	ssyncset.done $0x0  }
0x64: {  	s25 =	smul.u32 $0xA000, s0;
	s17 =	sadd.s32 $0x7, s0;
	[sflag:s24] =	ssyncadd.s32 $0xFFFFFD80  }
0x65: {  	s13 =	sshrl.u32 s13, $0x2;
	_ =	swait.ge [sflag:s17], $0x500  }
0x66: {  	s21 =	sadd.s32 $0x500, s13;
	s16 =	sshrl.u32 s25, $0x2;
	[sflag:s17] =	ssyncset.done $0x0  }
0x67: {  	s23 =	sadd.s32 $0xF00, s16;
	s24 =	sadd.s32 $0x9, s0;
	[sflag:s17] =	ssyncadd.s32 $0xFFFFFB00  }
0x68: {  	[spmem:s1] =	stream.indirect.scatter.add.f32 [tilespmem:s23], [sflag:s24], $0x10, s21, s20, $0xb8;
	[tilespmem:$0x1FEA0] =	vst v63  }
0x69: {  	_ =	swait.ge [sflag:s17], $0x500  }
0x6a: {  	[sflag:s17] =	ssyncset.done $0x0  }
0x6b: {  	s26 =	sadd.s32 $0x550, s13;
	s29 =	sadd.s32 $0x1400, s16;
	[sflag:s17] =	ssyncadd.s32 $0xFFFFFB00  }
0x6c: {  	[spmem:s1] =	stream.indirect.scatter.add.f32 [tilespmem:s29], [sflag:s24], $0x10, s26, s20, $0xb8;
	[tilespmem:$0x1FEA0] =	vst v63  }
0x6d: {  	_ =	swait.ge [sflag:s17], $0x500  }
0x6e: {  	[sflag:s17] =	ssyncset.done $0x0  }
0x6f: {  	s31 =	sadd.s32 $0x5A0, s13;
	s6 =	sadd.s32 $0x1900, s16;
	[sflag:s17] =	ssyncadd.s32 $0xFFFFFB00  }
0x70: {  	[spmem:s1] =	stream.indirect.scatter.add.f32 [tilespmem:s6], [sflag:s24], $0x10, s31, s20, $0xb8;
	[tilespmem:$0x1FEA0] =	vst v63  }
0x71: {  	_ =	swait.ge [sflag:s17], $0x500  }
0x72: {  	[sflag:s17] =	ssyncset.done $0x0  }
0x73: {  	s7 =	sadd.s32 $0x5F0, s13;
	s18 =	sadd.s32 $0x1E00, s16;
	[sflag:s17] =	ssyncadd.s32 $0xFFFFFB00  }
0x74: {  	[spmem:s1] =	stream.indirect.scatter.add.f32 [tilespmem:s18], [sflag:s24], $0x10, s7, s20, $0xb8;
	[tilespmem:$0x1FEA0] =	vst v63  }
0x75: {  	_ =	swait.ge [sflag:s17], $0x500  }
0x76: {  	[sflag:s17] =	ssyncset.done $0x0  }
0x77: {  	s25 =	sadd.s32 $0x2300, s16;
	s23 =	sadd.s32 $0x640, s13;
	[sflag:s17] =	ssyncadd.s32 $0xFFFFFB00  }
0x78: {  	[spmem:s1] =	stream.indirect.scatter.add.f32 [tilespmem:s25], [sflag:s24], $0x10, s23, s20, $0xb8;
	[tilespmem:$0x1FEA0] =	vst v63  }
0x79: {  	_ =	swait.ge [sflag:s17], $0x500  }
0x7a: {  	[sflag:s17] =	ssyncset.done $0x0  }
0x7b: {  	s26 =	sadd.s32 $0x690, s13;
	s29 =	sadd.s32 $0x2800, s16;
	[sflag:s17] =	ssyncadd.s32 $0xFFFFFB00  }
0x7c: {  	[spmem:s1] =	stream.indirect.scatter.add.f32 [tilespmem:s29], [sflag:s24], $0x10, s26, s20, $0xb8;
	[tilespmem:$0x1FEA0] =	vst v63  }
0x7d: {  	p0 =	sle.u32 s4, $0x2;
	s21 =	simm.s32 $0x2;
	_ =	swait.ge [sflag:s17], $0x500  }
0x7e: {  	p2 =	sle.u32 s4, $0x1;
	s21 =	sand.u32 @!p0 $0x3, s21;
	[sflag:s17] =	ssyncset.done $0x0  }
0x7f: {  	s31 =	sadd.s32 $0x6E0, s13;
	s25 =	sadd.s32 $0x2D00, s16;
	[sflag:s17] =	ssyncadd.s32 $0xFFFFFB00  }
0x80: {  	[spmem:s1] =	stream.indirect.scatter.add.f32 [tilespmem:s25], [sflag:s24], $0x10, s31, s20, $0xb8;
	[tilespmem:$0x1FEA0] =	vst v63  }
0x81: {  	s13 =	sadd.s32 $0x730, s13;
	s23 =	smul.u32 @!p0 $0xA00, s0;
	_ =	swait.ge [sflag:s17], $0x500  }
0x82: {  	s0 =	sadd.s32 @!p0 $0x1, s0;
	s16 =	sadd.s32 $0x3200, s16;
	[sflag:s17] =	ssyncset.done $0x0  }
0x83: {  	s23 =	sshrl.u32 @!p0 s23, $0x2;
	[sflag:s17] =	ssyncadd.s32 $0xFFFFFB00;
	s17 =	simm.s32 $0x1  }
0x84: {  	s25 =	smul.u32 @!p0 $0xA00, s21;
	s21 =	sadd.s32 @!p0 $0x3, s21;
	s17 =	sand.u32 @!p2 $0x1, s17  }
0x85: {  	[spmem:s1] =	stream.indirect.scatter.add.f32 [tilespmem:s16], [sflag:s24], $0x10, s13, s20, $0xb8;
	[tilespmem:$0x1FEA0] =	vst v63  }
0x86: {  	s13 =	sshrl.u32 @!p0 s25, $0x2;
	s16 =	simm.s32 @!p0 $0x0;
	s24 =	smul.u32 @!p2 $0xA000, s17  }
0x87: {  	[tilespmem:s23], [sflag:s0] =	stream.linear.gather @!p0 [hbm4b:s22+s16], $0x280, $0x38;
	[tilespmem:$0x1FEA0] =	vst v63  }
0x88: {  	s0 =	sadd.s32 @!p0 $0x500, s13;
	s13 =	sadd.s32 @!p2 $0x1, s17;
	s23 =	smul.u32 @!p2 $0xA00, s17  }
0x89: {  	[tilespmem:s0], [sflag:s21] =	stream.linear.gather @!p0 [hbm4b:s14+s16], $0x280, $0x38;
	[tilespmem:$0x1FEA0] =	vst v63  }
0x8a: {  	s26 =	simm.s32 @!p2 $0x50;
	s28 =	sadd.s32 @!p2 $0x7, s17;
	_ =	swait.ge @!p2 [sflag:s13], $0x280  }
0x8b: {  	s30 =	sshrl.u32 @!p2 s24, $0x2;
	s0 =	sshrl.u32 @!p2 s23, $0x2;
	[sflag:s13] =	ssyncset.done @!p2 $0x0  }
0x8c: {  	p0 =	sne.s32 s4, $0x1;
	[sflag:s13] =	ssyncadd.s32 @!p2 $0xFFFFFD80;
	s13 =	sadd.s32 @!p2 $0xF00, s30  }
0x8d: {  	[tilespmem:s13], [sflag:s28] =	stream.indirect.gather @!p2 [hbm4b:s9+s26], $0x10, s0, s26, $0xb8;
	[tilespmem:$0x1FEA0] =	vst v63  }
.Ltmp2:
0x8e: {  	s16 =	sadd.s32 @!p2 $0x1400, s30;
	s13 =	sor.u32 @!p2 $0x50, s0;
	(pc) =	sbr.rel @!p0 .LBB2_7-.Ltmp2, $4  }
0x8f: {  	[tilespmem:s16], [sflag:s28] =	stream.indirect.gather @!p2 [hbm4b:s9+s26], $0x10, s13, s26, $0xb8;
	[tilespmem:$0x1FEA0] =	vst v63  }
0x90: {  	s23 =	simm.s32 $0x1;
	s13 =	sadd.s32 @!p2 $0xA0, s0;
	s16 =	sadd.s32 @!p2 $0x1900, s30  }
0x91: {  	[tilespmem:s16], [sflag:s28] =	stream.indirect.gather @!p2 [hbm4b:s9+s26], $0x10, s13, s26, $0xb8;
	[tilespmem:$0x1FEA0] =	vst v63  }
0x92: {  	s21 =	sadd.s32 $0x50, s14;
	s16 =	sadd.s32 @!p2 $0xF0, s0;
	s13 =	smov.u32 s22  }
.LBB2_6:
0x93: {  	s17 =	sadd.s32 @!p2 $0x2800, s30  }
0x94: {  	s25 =	sadd.s32 @!p2 $0x2D00, s30;
	s13 =	sadd.s32 $0x50, s13;
	s24 =	smov.u32 s23  }
0x95: {  	p3 =	seq.s32 s23, $0x0;
	s29 =	sadd.s32 @!p2 $0x1E00, s30;
	s18 =	sadd.s32 @!p2 $0x2300, s30  }
0x96: {  	[tilespmem:s29], [sflag:s28] =	stream.indirect.gather @!p2 [hbm4b:s9+s26], $0x10, s16, s26, $0xb8;
	[tilespmem:$0x1FEA0] =	vst v63  }
0x97: {  	s31 =	sand.u32 @!p3 $0x1, s23;
	s23 =	sadd.s32 $0x2, s23;
	s29 =	sadd.s32 @!p2 $0x190, s0  }
0x98: {  	s6 =	sadd.s32 @!p2 $0x140, s0;
	s16 =	sxor.u32 @!p3 $0x1, s31;
	p0 =	sge.u32 s23, s4  }
0x99: {  	[tilespmem:s18], [sflag:s28] =	stream.indirect.gather @!p2 [hbm4b:s9+s26], $0x10, s6, s26, $0xb8;
	[tilespmem:$0x1FEA0] =	vst v63  }
0x9a: {  	s16 =	sadd.s32 @!p3 $0x9, s16;
	s6 =	sand.u32 @!p0 $0x3, s23;
	s18 =	sadd.s32 @!p2 $0x1E0, s0  }
0x9b: {  	[tilespmem:s17], [sflag:s28] =	stream.indirect.gather @!p2 [hbm4b:s9+s26], $0x10, s29, s26, $0xb8;
	[tilespmem:$0x1FEA0] =	vst v63  }
0x9c: {  	s31 =	simm.s32 @p3 $0x0;
	s0 =	sadd.s32 @!p2 $0x230, s0;
	s17 =	sadd.s32 @!p2 $0x3200, s30  }
0x9d: {  	[tilespmem:s25], [sflag:s28] =	stream.indirect.gather @!p2 [hbm4b:s9+s26], $0x10, s18, s26, $0xb8;
	[tilespmem:$0x1FEA0] =	vst v63  }
0x9e: {  	s23 =	sadd.s32 $0xFFFFFFFF, s23;
	s18 =	smul.u32 $0xA000, s31;
	s25 =	sadd.s32 @!p0 $0x1, s31  }
0x9f: {  	[tilespmem:s17], [sflag:s28] =	stream.indirect.gather @!p2 [hbm4b:s9+s26], $0x10, s0, s26, $0xb8;
	[tilespmem:$0x1FEA0] =	vst v63  }
0xa0: {  	s30 =	sshrl.u32 s18, $0x2;
	s0 =	smul.u32 @!p0 $0xA00, s31;
	_ =	swait.ge @!p3 [sflag:s16], $0x500  }
0xa1: {  	s17 =	smul.u32 @!p0 $0xA00, s6;
	s26 =	sadd.s32 @!p0 $0x3, s6;
	[sflag:s16] =	ssyncset.done @!p3 $0x0  }
0xa2: {  	p1 =	sne.s32 s23, s4;
	s28 =	sshrl.u32 @!p0 s0, $0x2;
	[sflag:s16] =	ssyncadd.s32 @!p3 $0xFFFFFB00  }
0xa3: {  	s0 =	sshrl.u32 @!p0 s17, $0x2;
	_ =	swait.ge @!p3 [sflag:s16], $0x500  }
0xa4: {  	s29 =	sadd.s32 @!p0 $0x500, s0;
	[sflag:s16] =	ssyncset.done @!p3 $0x0  }
0xa5: {  	[sflag:s16] =	ssyncadd.s32 @!p3 $0xFFFFFB00  }
0xa6: {  	_ =	swait.ge @!p3 [sflag:s16], $0x500  }
0xa7: {  	[sflag:s16] =	ssyncset.done @!p3 $0x0  }
0xa8: {  	[sflag:s16] =	ssyncadd.s32 @!p3 $0xFFFFFB00  }
0xa9: {  	_ =	swait.ge @!p3 [sflag:s16], $0x500  }
0xaa: {  	[sflag:s16] =	ssyncset.done @!p3 $0x0  }
0xab: {  	[sflag:s16] =	ssyncadd.s32 @!p3 $0xFFFFFB00  }
0xac: {  	_ =	swait.ge @!p3 [sflag:s16], $0x500  }
0xad: {  	[sflag:s16] =	ssyncset.done @!p3 $0x0  }
0xae: {  	[sflag:s16] =	ssyncadd.s32 @!p3 $0xFFFFFB00  }
0xaf: {  	s0 =	sand.u32 $0x3, s24;
	_ =	swait.ge @!p3 [sflag:s16], $0x500  }
0xb0: {  	s6 =	sadd.s32 $0x3, s0;
	[sflag:s16] =	ssyncset.done @!p3 $0x0  }
0xb1: {  	[sflag:s16] =	ssyncadd.s32 @!p3 $0xFFFFFB00  }
0xb2: {  	_ =	swait.ge @!p3 [sflag:s16], $0x500  }
0xb3: {  	s0 =	smul.u32 $0xA00, s0;
	[sflag:s16] =	ssyncset.done @!p3 $0x0  }
0xb4: {  	[sflag:s16] =	ssyncadd.s32 @!p3 $0xFFFFFB00  }
0xb5: {  	s17 =	sshrl.u32 s0, $0x2;
	_ =	swait.ge @!p3 [sflag:s16], $0x500  }
0xb6: {  	s18 =	sadd.s32 $0x500, s17;
	[sflag:s16] =	ssyncset.done @!p3 $0x0  }
0xb7: {  	[sflag:s16] =	ssyncadd.s32 @!p3 $0xFFFFFB00  }
0xb8: {  	_ =	swait.ge [sflag:s6], $0x280  }
0xb9: {  	[sflag:s6] =	ssyncset.done $0x0  }
0xba: {  	s0 =	sadd.s32 $0x7, s31;
	[sflag:s6] =	ssyncadd.s32 $0xFFFFFD80;
	s6 =	sadd.s32 $0x550, s17  }
0xbb: {  	_ =	swait.ge [sflag:s0], $0x500  }
0xbc: {  	[sflag:s0] =	ssyncset.done $0x0  }
0xbd: {  	[sflag:s0] =	ssyncadd.s32 $0xFFFFFB00  }
0xbe: {  	s31 =	sadd.s32 $0x9, s31;
	s7 =	sadd.s32 $0x5A0, s17;
	s16 =	sadd.s32 $0xF00, s30  }
0xbf: {  	[spmem:s1] =	stream.indirect.scatter.add.f32 [tilespmem:s16], [sflag:s31], $0x10, s18, s20, $0xb8;
	[tilespmem:$0x1FEA0] =	vst v63  }
0xc0: {  	_ =	swait.ge [sflag:s0], $0x500  }
0xc1: {  	[sflag:s0] =	ssyncset.done $0x0  }
0xc2: {  	s16 =	sadd.s32 $0x1400, s30;
	s18 =	sadd.s32 $0x5F0, s17;
	[sflag:s0] =	ssyncadd.s32 $0xFFFFFB00  }
0xc3: {  	[spmem:s1] =	stream.indirect.scatter.add.f32 [tilespmem:s16], [sflag:s31], $0x10, s6, s20, $0xb8;
	[tilespmem:$0x1FEA0] =	vst v63  }
0xc4: {  	_ =	swait.ge [sflag:s0], $0x500  }
0xc5: {  	[sflag:s0] =	ssyncset.done $0x0  }
0xc6: {  	s6 =	sadd.s32 $0x1900, s30;
	s16 =	sadd.s32 $0x640, s17;
	[sflag:s0] =	ssyncadd.s32 $0xFFFFFB00  }
0xc7: {  	[spmem:s1] =	stream.indirect.scatter.add.f32 [tilespmem:s6], [sflag:s31], $0x10, s7, s20, $0xb8;
	[tilespmem:$0x1FEA0] =	vst v63  }
0xc8: {  	_ =	swait.ge [sflag:s0], $0x500  }
0xc9: {  	[sflag:s0] =	ssyncset.done $0x0  }
0xca: {  	s6 =	sadd.s32 $0x1E00, s30;
	s7 =	sadd.s32 $0x690, s17;
	[sflag:s0] =	ssyncadd.s32 $0xFFFFFB00  }
0xcb: {  	[spmem:s1] =	stream.indirect.scatter.add.f32 [tilespmem:s6], [sflag:s31], $0x10, s18, s20, $0xb8;
	[tilespmem:$0x1FEA0] =	vst v63  }
0xcc: {  	_ =	swait.ge [sflag:s0], $0x500  }
0xcd: {  	[sflag:s0] =	ssyncset.done $0x0  }
0xce: {  	s6 =	sadd.s32 $0x2300, s30;
	s18 =	sadd.s32 $0x6E0, s17;
	[sflag:s0] =	ssyncadd.s32 $0xFFFFFB00  }
0xcf: {  	[spmem:s1] =	stream.indirect.scatter.add.f32 [tilespmem:s6], [sflag:s31], $0x10, s16, s20, $0xb8;
	[tilespmem:$0x1FEA0] =	vst v63  }
0xd0: {  	_ =	swait.ge [sflag:s0], $0x500  }
0xd1: {  	[sflag:s0] =	ssyncset.done $0x0  }
0xd2: {  	s6 =	sadd.s32 $0x2800, s30;
	s16 =	sadd.s32 $0x730, s17;
	[sflag:s0] =	ssyncadd.s32 $0xFFFFFB00  }
0xd3: {  	[spmem:s1] =	stream.indirect.scatter.add.f32 [tilespmem:s6], [sflag:s31], $0x10, s7, s20, $0xb8;
	[tilespmem:$0x1FEA0] =	vst v63  }
0xd4: {  	s6 =	simm.s32 @!p0 $0x0;
	_ =	swait.ge [sflag:s0], $0x500  }
0xd5: {  	p2 =	sge.u32 s23, s4;
	s7 =	sadd.s32 $0x1, s24;
	[sflag:s0] =	ssyncset.done $0x0  }
0xd6: {  	s17 =	sadd.s32 $0x2D00, s30;
	s7 =	sand.u32 @!p2 $0x1, s7;
	[sflag:s0] =	ssyncadd.s32 $0xFFFFFB00  }
0xd7: {  	[spmem:s1] =	stream.indirect.scatter.add.f32 [tilespmem:s17], [sflag:s31], $0x10, s18, s20, $0xb8;
	[tilespmem:$0x1FEA0] =	vst v63  }
0xd8: {  	s17 =	sadd.s32 @!p2 $0x1, s7;
	s18 =	smul.u32 @!p2 $0xA000, s7;
	_ =	swait.ge [sflag:s0], $0x500  }
0xd9: {  	s24 =	sadd.s32 $0x3200, s30;
	[sflag:s0] =	ssyncset.done $0x0  }
0xda: {  	s30 =	sshrl.u32 @!p2 s18, $0x2;
	[sflag:s0] =	ssyncadd.s32 $0xFFFFFB00;
	s0 =	smul.u32 @!p2 $0xA00, s7  }
0xdb: {  	[spmem:s1] =	stream.indirect.scatter.add.f32 [tilespmem:s24], [sflag:s31], $0x10, s16, s20, $0xb8;
	[tilespmem:$0x1FEA0] =	vst v63  }
0xdc: {  	s0 =	sshrl.u32 @!p2 s0, $0x2  }
0xdd: {  	[tilespmem:s28], [sflag:s25] =	stream.linear.gather @!p0 [hbm4b:s13+s6], $0x280, $0x38;
	[tilespmem:$0x1FEA0] =	vst v63  }
0xde: {  	s18 =	sor.u32 @!p2 $0x50, s0;
	s24 =	sadd.s32 @!p2 $0xA0, s0;
	s25 =	sadd.s32 @!p2 $0x1900, s30  }
0xdf: {  	[tilespmem:s29], [sflag:s26] =	stream.linear.gather @!p0 [hbm4b:s21+s6], $0x280, $0x38;
	[tilespmem:$0x1FEA0] =	vst v63  }
0xe0: {  	s16 =	sadd.s32 @!p2 $0xF0, s0;
	_ =	swait.ge @!p2 [sflag:s17], $0x280  }
0xe1: {  	s26 =	simm.s32 @!p2 $0x50;
	[sflag:s17] =	ssyncset.done @!p2 $0x0  }
0xe2: {  	s28 =	sadd.s32 @!p2 $0x7, s7;
	s6 =	sadd.s32 @!p2 $0xF00, s30;
	[sflag:s17] =	ssyncadd.s32 @!p2 $0xFFFFFD80  }
0xe3: {  	[tilespmem:s6], [sflag:s28] =	stream.indirect.gather @!p2 [hbm4b:s9+s26], $0x10, s0, s26, $0xb8;
	[tilespmem:$0x1FEA0] =	vst v63  }
.Ltmp3:
0xe4: {  	s6 =	sadd.s32 @!p2 $0x1400, s30;
	(pc) =	sbr.rel @p1 .LBB2_6-.Ltmp3, $4  }
0xe5: {  	[tilespmem:s6], [sflag:s28] =	stream.indirect.gather @!p2 [hbm4b:s9+s26], $0x10, s18, s26, $0xb8;
	[tilespmem:$0x1FEA0] =	vst v63  }
0xe6: {  	_ = 	snop  }
0xe7: {  	[tilespmem:s25], [sflag:s28] =	stream.indirect.gather @!p2 [hbm4b:s9+s26], $0x10, s24, s26, $0xb8;
	[tilespmem:$0x1FEA0] =	vst v63  }
0xe8: {  	s21 =	sadd.s32 $0x50, s21  }
.LBB2_7:
0xe9: {  	s6 =	sadd.s32 @!p2 $0x1E00, s30  }
0xea: {  	[tilespmem:s6], [sflag:s28] =	stream.indirect.gather @!p2 [hbm4b:s9+s26], $0x10, s16, s26, $0xb8;
	[tilespmem:$0x1FEA0] =	vst v63  }
0xeb: {  	s7 =	sadd.s32 @!p2 $0x140, s0;
	s6 =	sadd.s32 @!p2 $0x2300, s30  }
0xec: {  	[tilespmem:s6], [sflag:s28] =	stream.indirect.gather @!p2 [hbm4b:s9+s26], $0x10, s7, s26, $0xb8;
	[tilespmem:$0x1FEA0] =	vst v63  }
0xed: {  	s6 =	sadd.s32 @!p2 $0x2800, s30;
	s7 =	sadd.s32 @!p2 $0x190, s0  }
0xee: {  	[tilespmem:s6], [sflag:s28] =	stream.indirect.gather @!p2 [hbm4b:s9+s26], $0x10, s7, s26, $0xb8;
	[tilespmem:$0x1FEA0] =	vst v63  }
0xef: {  	s6 =	sadd.s32 @!p2 $0x2D00, s30;
	s7 =	sadd.s32 @!p2 $0x1E0, s0  }
0xf0: {  	[tilespmem:s6], [sflag:s28] =	stream.indirect.gather @!p2 [hbm4b:s9+s26], $0x10, s7, s26, $0xb8;
	[tilespmem:$0x1FEA0] =	vst v63  }
0xf1: {  	s0 =	sadd.s32 @!p2 $0x230, s0;
	s6 =	sadd.s32 @!p2 $0x3200, s30  }
0xf2: {  	[tilespmem:s6], [sflag:s28] =	stream.indirect.gather @!p2 [hbm4b:s9+s26], $0x10, s0, s26, $0xb8;
	[tilespmem:$0x1FEA0] =	vst v63  }
0xf3: {  	_ =	swait.ge [sflag:s10], $0x500  }
0xf4: {  	[sflag:s10] =	ssyncset.done $0x0  }
0xf5: {  	[sflag:s10] =	ssyncadd.s32 $0xFFFFFB00  }
0xf6: {  	_ =	swait.ge [sflag:s10], $0x500  }
0xf7: {  	[sflag:s10] =	ssyncset.done $0x0  }
0xf8: {  	[sflag:s10] =	ssyncadd.s32 $0xFFFFFB00  }
0xf9: {  	_ =	swait.ge [sflag:s10], $0x500  }
0xfa: {  	[sflag:s10] =	ssyncset.done $0x0  }
0xfb: {  	[sflag:s10] =	ssyncadd.s32 $0xFFFFFB00  }
0xfc: {  	_ =	swait.ge [sflag:s10], $0x500  }
0xfd: {  	[sflag:s10] =	ssyncset.done $0x0  }
0xfe: {  	[sflag:s10] =	ssyncadd.s32 $0xFFFFFB00  }
0xff: {  	_ =	swait.ge [sflag:s10], $0x500  }
0x100: {  	[sflag:s10] =	ssyncset.done $0x0  }
0x101: {  	[sflag:s10] =	ssyncadd.s32 $0xFFFFFB00  }
0x102: {  	_ =	swait.ge [sflag:s10], $0x500  }
0x103: {  	[sflag:s10] =	ssyncset.done $0x0  }
0x104: {  	[sflag:s10] =	ssyncadd.s32 $0xFFFFFB00  }
0x105: {  	_ =	swait.ge [sflag:s10], $0x500  }
0x106: {  	[sflag:s10] =	ssyncset.done $0x0  }
0x107: {  	[sflag:s10] =	ssyncadd.s32 $0xFFFFFB00  }
0x108: {  	s31 =	sadd.s32 $0x0, s2;
	_ =	swait.ge [sflag:s10], $0x500  }
0x109: {  	p0 =	sgt.u32 s31, $0xF9;
	[sflag:s10] =	ssyncset.done $0x0  }
0x10a: {  	s17 =	simm.s32 @!p0 $0xB;
	s0 =	sshll.u32 @!p0 s2, $0x6;
	[sflag:s10] =	ssyncadd.s32 $0xFFFFFB00  }
0x10b: {  	s6 =	sshrl.u32 @!p0 s12, $0x3;
	s0 =	sor.u32 @!p0 $0x1C0B, s0;
	[bflag:$0x0] =	sbarrier.arrive $0xFFFF  }
0x10c: {  	[hbm:s15], [sflag:s0] =	dma.local @!p0 [spmem:s6], $0x320  }
0x10d: {  	s13 =	simm.s32 $0x20;
	s21 =	sadd.s32 $0x10, s2;
	_ =	swait.ge @!p0 [sflag:s17], $0x320  }
0x10e: {  	s16 =	sadd.s32 $0x19000, s12;
	s0 =	sadd.s32 $0x3200, s15;
	[sflag:s17] =	ssyncset.done @!p0 $0x0  }
.LBB2_8:
0x10f: {  	s6 =	smov.u32 s13;
	s13 =	sadd.s32 $0x10, s13  }
0x110: {  	[sflag:s17] =	ssyncadd.s32 @!p0 $0xFFFFFCE0;
	p0 =	sgt.u32 s21, $0xF9;
	p1 =	sne.s32 s13, $0x100  }
.Ltmp4:
0x111: {  	s7 =	sshll.u32 @!p0 s2, $0x6;
	s18 =	sshrl.u32 @!p0 s16, $0x3;
	(pc) =	sbr.rel @p1 .LBB2_8-.Ltmp4, $4  }
0x112: {  	s17 =	simm.s32 @!p0 $0xB;
	s7 =	sor.u32 @!p0 $0x1C0B, s7  }
0x113: {  	[hbm:s0], [sflag:s7] =	dma.local @!p0 [spmem:s18], $0x320  }
0x114: {  	s0 =	sadd.s32 $0x3200, s0;
	_ =	swait.ge @!p0 [sflag:s17], $0x320  }
0x115: {  	s21 =	sadd.s32 s6, s2;
	s16 =	sadd.s32 $0x19000, s16;
	[sflag:s17] =	ssyncset.done @!p0 $0x0  }
0x116: {  	p1 =	sgt.u32 s21, $0xF9;
	[sflag:s17] =	ssyncadd.s32 @!p0 $0xFFFFFCE0;
	s3 =	sadd.s32 $0x1, s3  }
0x117: {  	s6 =	sshll.u32 @!p1 s2, $0x6;
	s7 =	sshrl.u32 @!p1 s16, $0x3;
	p0 =	sne.s32 s3, s11  }
.Ltmp5:
0x118: {  	s13 =	simm.s32 @!p1 $0xB;
	s6 =	sor.u32 @!p1 $0x1C0B, s6;
	(pc) =	sbr.rel @p0 .LBB2_1-.Ltmp5, $4  }
0x119: {  	[hbm:s0], [sflag:s6] =	dma.local @!p1 [spmem:s7], $0x320  }
0x11a: {  	_ =	swait.ge @!p1 [sflag:s13], $0x320  }
0x11b: {  	[sflag:s13] =	ssyncset.done @!p1 $0x0  }
0x11c: {  	[sflag:s13] =	ssyncadd.s32 @!p1 $0xFFFFFCE0  }
0x11d: {  	_ =	sfence.sel $0x180000  }
0x11e: {  	[bflag:$0x0] =	sbarrier.arrive $0xFFFF  }
0x11f: {  	_ =	strace $0x9000004A  }
0x120: {  	[bflag:$0x2] =	sbarrier.arrive $0xFFFF  }
0x121: {  	p0 =	sne.s32 s2, $0x0;
	s0 =	rddreg [dreg:$0x2]  }
0x122: {  	s0 =	sadd.s32 @!p0 $0x100000, s0  }
0x123: {  	[sflag:s0] =	ssyncadd.tile.s32 @!p0 $0x1;
	_ =	shalt  }
.Lfunc_end2:
_tile_overlayer_lowered:
.L_overlay_start_2:
0x124: {  	(tag) =	ssettag $0x2  }
0x125: {  	s0 =	rddreg [dreg:$0x0];
	s2 =	stileid.u32  }
0x126: {  	s1 =	rddreg [dreg:$0x1];
	p0 =	sne.s32 s2, $0x0  }
0x127: {  	s3 =	rddreg [dreg:$0x2];
	[bflag:$0x3] =	sbarrier.arrive $0xFFFF;
	s2 =	simm.s32 @!p0 $0x1C0B  }
0x128: {  	[timem:s3], [sflag:s2] =	dma.local @!p0 [hbm:s0], s1  }
0x129: {  	s0 =	simm.s32 @!p0 $0xB  }
0x12a: {  	_ =	swait.ge @!p0 [sflag:s0], s1  }
0x12b: {  	s1 =	ssub.s32 @!p0 $0x0, s1;
	[sflag:s0] =	ssyncset.done @!p0 $0x0  }
0x12c: {  	[sflag:s0] =	ssyncadd.s32 @!p0 s1  }
0x12d: {  	[bflag:$0x3] =	sbarrier.arrive $0xFFFF  }
0x12e: {  	_ =	shalt  }

// kernel: kernel.17.cloned.1.call-start
scs
__scs_entry_jumppad:
0x0: {  	(pc) =	sbr.rel $0x88, $3  }
0x1: {  	(tag) =	ssettag $0x0;
	lr =	simm.s32 $0x1  }
0x2: {  	[smem:$0x3F96] =	sst lr;
	_ =	strace $0xD0000000  }
0x3: {  	_ = 	snop  }
0x4: {  	_ = 	snop  }
0x5: {  	_ = 	snop  }
0x6: {  	_ = 	snop  }
0x7: {  	_ = 	snop  }
__scs_overlays_trampoline_lowered:
0x8: {  	[smem:$0x3FA5] =	sst s0  }
0x9: {  	[smem:$0x3FA6] =	sst s1  }
0xa: {  	[smem:$0x3FA7] =	sst s2  }
0xb: {  	[smem:$0x3FA8] =	sst s3  }
0xc: {  	[smem:$0x3FA9] =	sst s4  }
0xd: {  	[smem:$0x3FAA] =	sst s5  }
0xe: {  	[smem:$0x3FAB] =	sst s6  }
0xf: {  	[smem:$0x3FAC] =	sst s7  }
0x10: {  	[smem:$0x3FAD] =	sst s8  }
0x11: {  	[smem:$0x3FAE] =	sst s9;
	s0 =	simm.s32 @!p0 $0x0  }
0x12: {  	s1 =	sld [smem:$0x3F94];
	s0 =	simm.s32 @p0 $0x1  }
0x13: {  	[smem:$0x3FAF] =	sst s0;
	s0 =	simm.s32 @!p1 $0x0  }
0x14: {  	s2 =	sld [smem:$0x3F93];
	s0 =	simm.s32 @p1 $0x1  }
0x15: {  	[smem:$0x3FB0] =	sst s0;
	s0 =	simm.s32 @!p2 $0x0  }
0x16: {  	s3 =	sld [smem:$0x3FDB];
	s0 =	simm.s32 @p2 $0x1  }
0x17: {  	s4 =	simm.s32 $0x1BF5;
	[smem:$0x3FB2] =	sst s0  }
0x18: {  	s0 =	sld [smem:$0x3F95];
	_ =	swait.ge [sflag:s4], $0x0  }
0x19: {  	s7 =	sld [smem:$0x3F96]  }
0x1a: {  	s8 =	sadd.s32 $0xFFFFE003, lr  }
0x1b: {  	s9 =	sadd.s32 $0xFFFFFEF7, lr;
	s5 =	simm.s32 $0xFFFFFFFF;
	p2 =	slt.u32 s8, $0xFFFFF086  }
0x1c: {  	p1 =	slt.u32 s9, $0xF7A;
	s5 =	simm.s32 @!p2 $0x0  }
0x1d: {  	s5 =	simm.s32 @p1 $0x1;
	p0 =	seq.s32 s7, s2  }
0x1e: {  	s7 =	smul.u32 @!p0 $0xF7A, s2;
	p2 =	seq.s32 @!p0 s5, $0x0  }
0x1f: {  	s9 =	smul.u32 $0xF7A, s1;
	s8 =	simm.s32 @!p0 $0x1BF5;
	p2 =	por !p2, p0  }
0x20: {  	[sflag:s8] =	ssyncset.s32 @!p0 $0xFFFFF086;
	s6 =	sadd.s32 @!p0 s3, s7;
	s7 =	simm.s32 @!p0 $0x108  }
0x21: {  	s3 =	sadd.s32 s3, s9;
	s6 =	sadd.s32 @!p0 $0x88, s6;
	s7 =	simm.s32 @p2 $0x1082  }
0x22: {  	[simem:s7], [sflag:s8] =	dma.local @!p0 [hbm:s6], $0xF7A  }
0x23: {  	s9 =	sor.u32 $0xD0000000, s2;
	s6 =	simm.s32 $0x108;
	_ =	swait.ge @!p0 [sflag:s8], $0x0  }
0x24: {  	s3 =	sadd.s32 $0x88, s3;
	s6 =	simm.s32 @!p1 $0x1082;
	[sflag:s4] =	ssyncset.s32 $0xFFFFF086  }
0x25: {  	[simem:s6], [sflag:s4] =	dma.local [hbm:s3], $0xF7A  }
0x26: {  	[smem:$0x3F96] =	sst s1;
	(tag) =	ssettag s2;
	_ =	strace s9  }
0x27: {  	s1 =	sld [smem:$0x3FA6]  }
0x28: {  	s2 =	sld [smem:$0x3FA7]  }
0x29: {  	s4 =	sld [smem:$0x3FA9]  }
0x2a: {  	p0 =	seq.s32 s5, $0x0;
	s5 =	sld [smem:$0x3FAA]  }
0x2b: {  	s6 =	sld [smem:$0x3FAB]  }
0x2c: {  	s7 =	sld [smem:$0x3FAC]  }
0x2d: {  	s3 =	simm.s32 $0x108;
	s8 =	sld [smem:$0x3FAD]  }
0x2e: {  	s3 =	simm.s32 @!p0 $0x1082;
	s9 =	sld [smem:$0x3FAE]  }
0x2f: {  	lr =	sadd.s32 s0, s3;
	s0 =	sld [smem:$0x3FA5]  }
0x30: {  	s3 =	sld [smem:$0x3FA8]  }
0x31: {  	[smem:$0x3FB1] =	sst s10  }
0x32: {  	s10 =	sld [smem:$0x3FAF];
	_ =	sdelay $0x3  }
0x33: {  	p0 =	seq.s32 s10, $0x1;
	s10 =	sld [smem:$0x3FB1];
	_ =	sdelay $0x3  }
0x34: {  	[smem:$0x3FB1] =	sst s10  }
0x35: {  	s10 =	sld [smem:$0x3FB0];
	_ =	sdelay $0x3  }
0x36: {  	p1 =	seq.s32 s10, $0x1;
	s10 =	sld [smem:$0x3FB1];
	_ =	sdelay $0x3  }
0x37: {  	[smem:$0x3FB1] =	sst s10  }
0x38: {  	s10 =	sld [smem:$0x3FB2]  }
0x39: {  	_ = 	snop;
	(pc) =	sbr.ind lr, $3  }
0x3a: {  	_ = 	snop  }
0x3b: {  	_ = 	snop  }
0x3c: {  	p2 =	seq.s32 s10, $0x1;
	s10 =	sld [smem:$0x3FB1]  }
0x3d: {  	_ =	shalt  }
0x3e: {  	_ =	shalt  }
0x3f: {  	_ =	shalt  }
0x40: {  	_ =	shalt  }
0x41: {  	_ =	shalt  }
0x42: {  	_ =	shalt  }
0x43: {  	_ =	shalt  }
0x44: {  	_ =	shalt  }
0x45: {  	_ =	shalt  }
0x46: {  	_ =	shalt  }
0x47: {  	_ =	shalt  }
0x48: {  	_ =	shalt  }
0x49: {  	_ =	shalt  }
0x4a: {  	_ =	shalt  }
0x4b: {  	_ =	shalt  }
0x4c: {  	_ =	shalt  }
0x4d: {  	_ =	shalt  }
0x4e: {  	_ =	shalt  }
0x4f: {  	_ =	shalt  }
0x50: {  	_ =	shalt  }
0x51: {  	_ =	shalt  }
0x52: {  	_ =	shalt  }
0x53: {  	_ =	shalt  }
0x54: {  	_ =	shalt  }
0x55: {  	_ =	shalt  }
0x56: {  	_ =	shalt  }
0x57: {  	_ =	shalt  }
0x58: {  	_ =	shalt  }
0x59: {  	_ =	shalt  }
0x5a: {  	_ =	shalt  }
0x5b: {  	_ =	shalt  }
0x5c: {  	_ =	shalt  }
0x5d: {  	_ =	shalt  }
0x5e: {  	_ =	shalt  }
0x5f: {  	_ =	shalt  }
0x60: {  	_ =	shalt  }
0x61: {  	_ =	shalt  }
0x62: {  	_ =	shalt  }
0x63: {  	_ =	shalt  }
0x64: {  	_ =	shalt  }
0x65: {  	_ =	shalt  }
0x66: {  	_ =	shalt  }
0x67: {  	_ =	shalt  }
0x68: {  	_ =	shalt  }
0x69: {  	_ =	shalt  }
0x6a: {  	_ =	shalt  }
0x6b: {  	_ =	shalt  }
0x6c: {  	_ =	shalt  }
0x6d: {  	_ =	shalt  }
0x6e: {  	_ =	shalt  }
0x6f: {  	_ =	shalt  }
0x70: {  	_ =	shalt  }
0x71: {  	_ =	shalt  }
0x72: {  	_ =	shalt  }
0x73: {  	_ =	shalt  }
0x74: {  	_ =	shalt  }
0x75: {  	_ =	shalt  }
0x76: {  	_ =	shalt  }
0x77: {  	_ =	shalt  }
0x78: {  	_ =	shalt  }
0x79: {  	_ =	shalt  }
0x7a: {  	_ =	shalt  }
0x7b: {  	_ =	shalt  }
0x7c: {  	_ =	shalt  }
0x7d: {  	_ =	shalt  }
0x7e: {  	_ =	shalt  }
0x7f: {  	_ =	shalt  }
0x80: {  	_ =	shalt  }
0x81: {  	_ =	shalt  }
0x82: {  	_ =	shalt  }
0x83: {  	_ =	shalt  }
0x84: {  	_ =	shalt  }
0x85: {  	_ =	shalt  }
0x86: {  	_ =	shalt  }
0x87: {  	_ =	shalt  }
.Lfunc_end0:
.L_simem_size_0:
called_computation.2_lowered:
.L_overlay_start_0:
0x88: {  	s2 =	sld [smem:$0x3FD9]  }
0x89: {  	s3 =	sld [smem:$0x3FFE];
	_ =	sdelay $0x1  }
0x8a: {  	s1 =	srdreg.scid  }
0x8b: {  	s0 =	sand.u32 $0x1, s1  }
0x8c: {  	s16 =	sshll.u32 s0, $0xA;
	s2 =	sadd.s32 s3, s2  }
0x8d: {  	s2 =	sadd.s32 s2, s16  }
0x8e: {  	[smem:$0x3FBD] =	sst s2  }
0x8f: {  	_ = 	snop  }
0x90: {  	(tm) =	ssettm $0x1  }
0x91: {  	s17 =	sld [smem:$0x3FFB];
	_ =	sdelay $0x3  }
0x92: {  	_ =	strace s17  }
0x93: {  	s2 =	sld [smem:$0x3FFC];
	_ =	sdelay $0x3  }
0x94: {  	_ =	strace s2  }
0x95: {  	s2 =	sld [smem:$0x3FFD];
	_ =	sdelay $0x3  }
0x96: {  	_ =	strace s2  }
0x97: {  	_ =	strace $0x8FFFFFFF  }
0x98: {  	s18 =	sld [smem:$0x3FDB];
	_ =	sdelay $0x1  }
0x99: {  	s19 =	simm.s32 $_scs_section_size  }
0x9a: {  	s4 =	simm.s32 $_size__tile_overlayer_lowered;
	s5 =	simm.s32 $_tile_overlayer_lowered  }
0x9b: {  	s22 =	simm.s32 $0x1BFF;
	s21 =	sshll.u32 s5, $0x1;
	s2 =	sadd.s32 s19, s18  }
0x9c: {  	s6 =	simm.s32 $0x0;
	s20 =	sshll.u32 s4, $0x1;
	s4 =	sadd.s32 s21, s2  }
0x9d: {  	[timem:s6], [sflag:s22] =	dma.local [hbm:s4], s20  }
0x9e: {  	_ =	swait.ge [sflag:s22], s20  }
0x9f: {  	s3 =	ssub.s32 $0x0, s20;
	[sflag:s22] =	ssyncset.done $0x0  }
0xa0: {  	[sflag:s22] =	ssyncadd.s32 s3;
	_ =	sdelay $0x1  }
0xa1: {  	s23 =	simm.s32 $0x1B8B  }
0xa2: {  	_ =	swait.ge [sflag:s23], $0x1  }
0xa3: {  	[sflag:s23] =	ssyncset.done $0x0  }
0xa4: {  	s25 =	simm.s32 $0x1B8E;
	s24 =	sld [smem:$0x3FFE];
	[sflag:s23] =	ssyncadd.s32 $0xFFFFFFFF  }
0xa5: {  	s26 =	simm.s32 $execute0_lowered;
	[smem:$0x3FD2] =	sst s25  }
0xa6: {  	s4 =	sshll.u32 s26, $0x1;
	_ =	strace $0x8000004C;
	[dreg:$0x1] =	wrdreg $0xFFFFFFFF  }
0xa7: {  	s28 =	simm.s32 $_size_execute0_lowered;
	s2 =	sadd.s32 s2, s4;
	[dreg:$0x0] =	wrdreg $0x0  }
0xa8: {  	s4 =	sshll.u32 s28, $0x1;
	[dreg:$0x2] =	wrdreg s2  }
0xa9: {  	[dreg:$0x3] =	wrdreg s4  }
0xaa: {  	[dreg:$0x4] =	wrdreg $0xC0  }
0xab: {  	_ =	task [dreg:s6], $0x5FFFF  }
0xac: {  	[dreg:$0x1] =	wrdreg $0xFFFFFFFF  }
0xad: {  	[dreg:$0x0] =	wrdreg $0x60  }
0xae: {  	[dreg:$0x2] =	wrdreg s24  }
0xaf: {  	[dreg:$0x3] =	wrdreg $0x78000  }
0xb0: {  	[dreg:$0x4] =	wrdreg $0x9  }
0xb1: {  	_ =	task.clear_ibuf [dreg:s6], $0x5FFFF;
	_ =	strace $0x9000004C  }
0xb2: {  	s29 =	simm.s32 $0x9;
	_ =	strace $0x8000004E  }
0xb3: {  	_ =	swait.ge [sflag:s29], $0x1  }
0xb4: {  	[sflag:s29] =	ssyncadd.s32 $0xFFFFFFFF  }
0xb5: {  	_ =	strace $0x9000004E  }
0xb6: {  	_ =	sfence  }
0xb7: {  	s30 =	sld [smem:$0x0];
	_ =	sdelay $0x2  }
0xb8: {  	s31 =	sshll.u32 s1, $0xD;
	s1 =	sshrl.u32 s1, $0x2  }
0xb9: {  	s3 =	sand.u32 $0x4000, s31;
	s1 =	sadd.s32 s1, s30  }
0xba: {  	s0 =	sor.u32 s3, s0;
	s1 =	sshll.u32 s1, $0x11  }
0xbb: {  	s0 =	sor.u32 s1, s0  }
0xbc: {  	s0 =	sadd.s32 $0x8F2B, s0  }
0xbd: {  	[sflag:s0] =	ssyncadd.remote.s32 $0x1  }
0xbe: {  	_ =	sfence.sel $0xFFFF  }
0xbf: {  	[dreg:$0x0] =	wrdreg $0xFFFFFFFF;
	(pc) =	sbr.abs _section_cstart, $3  }
0xc0: {  	[dreg:$0x1] =	wrdreg $0xFFFFFFFF  }
0xc1: {  	_ =	task.clear_ibuf [dreg:s6], $0x2FFFF;
	_ =	strace $0x9FFFFFFF  }
0xc2: {  	(tm) =	ssettm $0x7FFFFFFF  }
0xc3: {  	_ =	shalt  }
tec
execute0_lowered:
.L_overlay_start_1:
0x0: {  	(tag) =	ssettag $0x1  }
0x1: {  	s2 =	srdreg.scid  }
0x2: {  	s4 =	sand.u32 $0x1, s2  }
0x3: {  	s5 =	smul.u32 $0x30D40, s4  }
0x4: {  	s2 =	stileid.u32;
	s6 =	smul.u32 $0x186A00, s4  }
0x5: {  	s0 =	rddreg [dreg:$0x0];
	s7 =	smul.u32 $0x1900, s2  }
0x6: {  	s1 =	rddreg [dreg:$0x1];
	s3 =	simm.s32 $0x0;
	s23 =	smul.u32 $0x9C, s2  }
0x7: {  	s19 =	simm.s32 $0x1;
	s20 =	simm.s32 $0x50;
	s14 =	smul.u32 $0x6400, s2  }
0x8: {  	[smem:$0x7FF] =	sst s3;
	s13 =	sadd.s32 $0x2600, s0;
	s15 =	smul.u32 $0x30C0, s2  }
0x9: {  	_ =	strace $0x8000004D;
	s11 =	smin.u32 s2, $0x4;
	s16 =	smul.u32 $0x18600, s2  }
0xa: {  	s4 =	ssub.s32 $0x2, s4;
	p0 =	slt.u32 s2, $0x4;
	s17 =	smul.u32 $0x280, s11  }
0xb: {  	s24 =	sshrl.u32 s4, $0x1;
	s18 =	smul.u32 $0x50, s11;
	s9 =	sadd.s32 s5, s0  }
0xc: {  	s6 =	sadd.s32 s7, s6;
	s5 =	sadd.s32 s11, s23;
	s12 =	ssub.s32 s4, s24  }
0xd: {  	s4 =	simm.s32 $0x9D;
	s28 =	sadd.s32 s15, s13;
	s14 =	sshrl.u32 s14, $0x2  }
0xe: {  	s6 =	sshrl.u32 s6, $0x3;
	s5 =	smul.u32 $0x280, s5;
	s4 =	simm.s32 @!p0 $0x9C  }
0xf: {  	s9 =	sadd.s32 $0x1EAC00, s9;
	s11 =	smax.u32 s12, $0x1;
	s29 =	sadd.s32 s17, s16  }
0x10: {  	s30 =	sadd.s32 s18, s28;
	s12 =	sadd.s32 s14, s1;
	s0 =	sadd.s32 s6, s0  }
0x11: {  	s10 =	sxor.u32 $0xFFFFFFFF, s4;
	s15 =	sadd.s32 $0x186F00, s29;
	s5 =	sshrl.u32 s5, $0x3  }
0x12: {  	s22 =	sadd.s32 $0xA0, s30;
	s10 =	sand.u32 $0x1, s10;
	s5 =	sadd.s32 s13, s5  }
0x13: {  	s31 =	sshrl.u32 s15, $0x3;
	s15 =	sadd.s32 $0x24C800, s0;
	s25 =	sadd.s32 $0x30D40, s5  }
0x14: {  	s10 =	sadd.s32 $0x9, s10;
	s26 =	sadd.s32 $0x50, s5;
	[dreg:$0x3] =	wrdreg s25  }
0x15: {  	v0 =	vimm.f32 $0.0e+00;
	s14 =	sadd.s32 s31, s13;
	s8 =	sadd.s32 $0x30D90, s5;
	[dreg:$0x4] =	wrdreg s26  }
.LBB2_1:
0x16: {  	s0 =	simm.s32 $0x0  }
.LBB2_2:
0x17: {  	p0 =	sne.s32 s0, $0x63C0  }
.Ltmp0:
0x18: {  	_ = 	snop;
	(pc) =	sbr.rel @p0 .LBB2_2-.Ltmp0, $3  }
0x19: {  	_ =	sdelay $0x1  }
0x1a: {  	s13 =	sshra.s32 s0, $0x2  }
0x1b: {  	s0 =	sadd.s32 $0x40, s0;
	[tilespmem:s13+$0x5F00] =	vst v0  }
0x1c: {  	s0 =	sadd.s32 $0x0, s2  }
0x1d: {  	p0 =	sgt.u32 s0, $0xF9  }
0x1e: {  	s0 =	simm.s32 @!p0 $0x5F00;
	s17 =	simm.s32 @!p0 $0xB  }
0x1f: {  	[spmem:s12] =	stream.linear.scatter @!p0 [tilespmem:s0], [sflag:$0xB], $0x1900, $0x38;
	[tilespmem:$0x1FEA0] =	vst v63  }
0x20: {  	s13 =	simm.s32 $0x10;
	_ =	swait.ge @!p0 [sflag:s17], $0x1900  }
0x21: {  	s16 =	simm.s32 $0x20;
	s0 =	sadd.s32 $0x19000, s12;
	[sflag:s17] =	ssyncset.done @!p0 $0x0  }
.LBB2_4:
0x22: {  	s21 =	sadd.s32 s13, s2;
	s13 =	smov.u32 s16;
	s16 =	sadd.s32 $0x10, s16  }
0x23: {  	[sflag:s17] =	ssyncadd.s32 @!p0 $0xFFFFE700;
	p1 =	sne.s32 s16, $0x100  }
.Ltmp1:
0x24: {  	p0 =	sgt.u32 s21, $0xF9;
	(pc) =	sbr.rel @p1 .LBB2_4-.Ltmp1, $4  }
0x25: {  	s21 =	simm.s32 @!p0 $0x5F00;
	s17 =	simm.s32 @!p0 $0xB  }
0x26: {  	[spmem:s0] =	stream.linear.scatter @!p0 [tilespmem:s21], [sflag:$0xB], $0x1900, $0x38;
	[tilespmem:$0x1FEA0] =	vst v63  }
0x27: {  	_ =	swait.ge @!p0 [sflag:s17], $0x1900  }
0x28: {  	s0 =	sadd.s32 $0x19000, s0;
	[sflag:s17] =	ssyncset.done @!p0 $0x0  }
0x29: {  	s13 =	sadd.s32 s13, s2  }
0x2a: {  	p1 =	sgt.u32 s13, $0xF9  }
0x2b: {  	[sflag:s17] =	ssyncadd.s32 @!p0 $0xFFFFE700;
	s13 =	simm.s32 @!p1 $0x5F00;
	s16 =	simm.s32 @!p1 $0xB  }
0x2c: {  	[spmem:s0] =	stream.linear.scatter @!p1 [tilespmem:s13], [sflag:$0xB], $0x1900, $0x38;
	[tilespmem:$0x1FEA0] =	vst v63  }
0x2d: {  	_ =	swait.ge @!p1 [sflag:s16], $0x1900  }
0x2e: {  	[sflag:s16] =	ssyncset.done @!p1 $0x0  }
0x2f: {  	[sflag:s16] =	ssyncadd.s32 @!p1 $0xFFFFE700  }
0x30: {  	s13 =	simm.s32 $0x0;
	[bflag:$0x0] =	sbarrier.arrive $0xFFFF  }
0x31: {  	[tilespmem:s13], [sflag:$0x1] =	stream.linear.gather [hbm4b:s5+s13], $0x280, $0x38;
	[tilespmem:$0x1FEA0] =	vst v63  }
0x32: {  	s6 =	simm.s32 $0x500;
	s31 =	rddreg [dreg:$0x3]  }
0x33: {  	[tilespmem:s6], [sflag:$0x3] =	stream.linear.gather [hbm4b:s31+s13], $0x280, $0x38;
	[tilespmem:$0x1FEA0] =	vst v63  }
0x34: {  	s16 =	simm.s32 $0x280;
	s7 =	rddreg [dreg:$0x4]  }
0x35: {  	[tilespmem:s16], [sflag:$0x2] =	stream.linear.gather [hbm4b:s7+s13], $0x280, $0x38;
	[tilespmem:$0x1FEA0] =	vst v63  }
0x36: {  	s17 =	simm.s32 $0x780  }
0x37: {  	[tilespmem:s17], [sflag:$0x4] =	stream.linear.gather [hbm4b:s8+s13], $0x280, $0x38;
	[tilespmem:$0x1FEA0] =	vst v63  }
0x38: {  	_ =	swait.ge [sflag:s19], $0x280  }
0x39: {  	[sflag:s19] =	ssyncset.done $0x0  }
0x3a: {  	s18 =	simm.s32 $0xF00;
	[sflag:s19] =	ssyncadd.s32 $0xFFFFFD80  }
0x3b: {  	[tilespmem:s18], [sflag:$0x7] =	stream.indirect.gather [hbm4b:s9+s20], $0x10, s13, s20, $0xb8;
	[tilespmem:$0x1FEA0] =	vst v63  }
0x3c: {  	s21 =	simm.s32 $0x1400  }
0x3d: {  	[tilespmem:s21], [sflag:$0x7] =	stream.indirect.gather [hbm4b:s9+s20], $0x10, s20, s20, $0xb8;
	[tilespmem:$0x1FEA0] =	vst v63  }
0x3e: {  	s23 =	simm.s32 $0xA0;
	s24 =	simm.s32 $0x1900  }
0x3f: {  	[tilespmem:s24], [sflag:$0x7] =	stream.indirect.gather [hbm4b:s9+s20], $0x10, s23, s20, $0xb8;
	[tilespmem:$0x1FEA0] =	vst v63  }
0x40: {  	s25 =	simm.s32 $0xF0;
	s26 =	simm.s32 $0x1E00  }
0x41: {  	[tilespmem:s26], [sflag:$0x7] =	stream.indirect.gather [hbm4b:s9+s20], $0x10, s25, s20, $0xb8;
	[tilespmem:$0x1FEA0] =	vst v63  }
0x42: {  	s29 =	simm.s32 $0x140;
	p0 =	por $0x1, $0x1;
	s31 =	simm.s32 $0x2300  }
0x43: {  	[tilespmem:s31], [sflag:$0x7] =	stream.indirect.gather [hbm4b:s9+s20], $0x10, s29, s20, $0xb8;
	[tilespmem:$0x1FEA0] =	vst v63  }
0x44: {  	s0 =	sand.u32 @!p0 $0x1, s13;
	s7 =	simm.s32 $0x190;
	s16 =	simm.s32 $0x2800  }
0x45: {  	[tilespmem:s16], [sflag:$0x7] =	stream.indirect.gather [hbm4b:s9+s20], $0x10, s7, s20, $0xb8;
	[tilespmem:$0x1FEA0] =	vst v63  }
0x46: {  	s17 =	simm.s32 $0x1E0;
	s18 =	simm.s32 $0x2D00;
	s16 =	sxor.u32 @!p0 $0x1, s0  }
0x47: {  	[tilespmem:s18], [sflag:$0x7] =	stream.indirect.gather [hbm4b:s9+s20], $0x10, s17, s20, $0xb8;
	[tilespmem:$0x1FEA0] =	vst v63  }
0x48: {  	s21 =	simm.s32 $0x230;
	s23 =	simm.s32 $0x3200;
	s16 =	sadd.s32 @!p0 $0x9, s16  }
0x49: {  	[tilespmem:s23], [sflag:$0x7] =	stream.indirect.gather [hbm4b:s9+s20], $0x10, s21, s20, $0xb8;
	[tilespmem:$0x1FEA0] =	vst v63  }
0x4a: {  	_ =	swait.ge @!p0 [sflag:s16], $0x500  }
0x4b: {  	[sflag:s16] =	ssyncset.done @!p0 $0x0  }
0x4c: {  	[sflag:s16] =	ssyncadd.s32 @!p0 $0xFFFFFB00  }
0x4d: {  	_ =	swait.ge @!p0 [sflag:s16], $0x500  }
0x4e: {  	[sflag:s16] =	ssyncset.done @!p0 $0x0  }
0x4f: {  	[sflag:s16] =	ssyncadd.s32 @!p0 $0xFFFFFB00  }
0x50: {  	_ =	swait.ge @!p0 [sflag:s16], $0x500  }
0x51: {  	[sflag:s16] =	ssyncset.done @!p0 $0x0  }
0x52: {  	[sflag:s16] =	ssyncadd.s32 @!p0 $0xFFFFFB00  }
0x53: {  	_ =	swait.ge @!p0 [sflag:s16], $0x500  }
0x54: {  	[sflag:s16] =	ssyncset.done @!p0 $0x0  }
0x55: {  	[sflag:s16] =	ssyncadd.s32 @!p0 $0xFFFFFB00  }
0x56: {  	_ =	swait.ge @!p0 [sflag:s16], $0x500  }
0x57: {  	[sflag:s16] =	ssyncset.done @!p0 $0x0  }
0x58: {  	[sflag:s16] =	ssyncadd.s32 @!p0 $0xFFFFFB00  }
0x59: {  	_ =	swait.ge @!p0 [sflag:s16], $0x500  }
0x5a: {  	[sflag:s16] =	ssyncset.done @!p0 $0x0  }
0x5b: {  	[sflag:s16] =	ssyncadd.s32 @!p0 $0xFFFFFB00  }
0x5c: {  	_ =	swait.ge @!p0 [sflag:s16], $0x500  }
0x5d: {  	[sflag:s16] =	ssyncset.done @!p0 $0x0  }
0x5e: {  	[sflag:s16] =	ssyncadd.s32 @!p0 $0xFFFFFB00  }
0x5f: {  	_ =	swait.ge @!p0 [sflag:s16], $0x500  }
0x60: {  	s13 =	sand.u32 $0x3, s13;
	[sflag:s16] =	ssyncset.done @!p0 $0x0  }
0x61: {  	s24 =	sadd.s32 $0x3, s13;
	[sflag:s16] =	ssyncadd.s32 @!p0 $0xFFFFFB00  }
0x62: {  	_ =	swait.ge [sflag:s24], $0x280  }
0x63: {  	s13 =	smul.u32 $0xA00, s13;
	s0 =	simm.s32 @p0 $0x0;
	[sflag:s24] =	ssyncset.done $0x0  }
0x64: {  	s25 =	smul.u32 $0xA000, s0;
	s17 =	sadd.s32 $0x7, s0;
	[sflag:s24] =	ssyncadd.s32 $0xFFFFFD80  }
0x65: {  	s13 =	sshrl.u32 s13, $0x2;
	_ =	swait.ge [sflag:s17], $0x500  }
0x66: {  	s21 =	sadd.s32 $0x500, s13;
	s16 =	sshrl.u32 s25, $0x2;
	[sflag:s17] =	ssyncset.done $0x0  }
0x67: {  	s23 =	sadd.s32 $0xF00, s16;
	s24 =	sadd.s32 $0x9, s0;
	[sflag:s17] =	ssyncadd.s32 $0xFFFFFB00  }
0x68: {  	[spmem:s1] =	stream.indirect.scatter.add.f32 [tilespmem:s23], [sflag:s24], $0x10, s21, s20, $0xb8;
	[tilespmem:$0x1FEA0] =	vst v63  }
0x69: {  	_ =	swait.ge [sflag:s17], $0x500  }
0x6a: {  	[sflag:s17] =	ssyncset.done $0x0  }
0x6b: {  	s26 =	sadd.s32 $0x550, s13;
	s29 =	sadd.s32 $0x1400, s16;
	[sflag:s17] =	ssyncadd.s32 $0xFFFFFB00  }
0x6c: {  	[spmem:s1] =	stream.indirect.scatter.add.f32 [tilespmem:s29], [sflag:s24], $0x10, s26, s20, $0xb8;
	[tilespmem:$0x1FEA0] =	vst v63  }
0x6d: {  	_ =	swait.ge [sflag:s17], $0x500  }
0x6e: {  	[sflag:s17] =	ssyncset.done $0x0  }
0x6f: {  	s31 =	sadd.s32 $0x5A0, s13;
	s6 =	sadd.s32 $0x1900, s16;
	[sflag:s17] =	ssyncadd.s32 $0xFFFFFB00  }
0x70: {  	[spmem:s1] =	stream.indirect.scatter.add.f32 [tilespmem:s6], [sflag:s24], $0x10, s31, s20, $0xb8;
	[tilespmem:$0x1FEA0] =	vst v63  }
0x71: {  	_ =	swait.ge [sflag:s17], $0x500  }
0x72: {  	[sflag:s17] =	ssyncset.done $0x0  }
0x73: {  	s7 =	sadd.s32 $0x5F0, s13;
	s18 =	sadd.s32 $0x1E00, s16;
	[sflag:s17] =	ssyncadd.s32 $0xFFFFFB00  }
0x74: {  	[spmem:s1] =	stream.indirect.scatter.add.f32 [tilespmem:s18], [sflag:s24], $0x10, s7, s20, $0xb8;
	[tilespmem:$0x1FEA0] =	vst v63  }
0x75: {  	_ =	swait.ge [sflag:s17], $0x500  }
0x76: {  	[sflag:s17] =	ssyncset.done $0x0  }
0x77: {  	s25 =	sadd.s32 $0x2300, s16;
	s23 =	sadd.s32 $0x640, s13;
	[sflag:s17] =	ssyncadd.s32 $0xFFFFFB00  }
0x78: {  	[spmem:s1] =	stream.indirect.scatter.add.f32 [tilespmem:s25], [sflag:s24], $0x10, s23, s20, $0xb8;
	[tilespmem:$0x1FEA0] =	vst v63  }
0x79: {  	_ =	swait.ge [sflag:s17], $0x500  }
0x7a: {  	[sflag:s17] =	ssyncset.done $0x0  }
0x7b: {  	s26 =	sadd.s32 $0x690, s13;
	s29 =	sadd.s32 $0x2800, s16;
	[sflag:s17] =	ssyncadd.s32 $0xFFFFFB00  }
0x7c: {  	[spmem:s1] =	stream.indirect.scatter.add.f32 [tilespmem:s29], [sflag:s24], $0x10, s26, s20, $0xb8;
	[tilespmem:$0x1FEA0] =	vst v63  }
0x7d: {  	p0 =	sle.u32 s4, $0x2;
	s21 =	simm.s32 $0x2;
	_ =	swait.ge [sflag:s17], $0x500  }
0x7e: {  	p2 =	sle.u32 s4, $0x1;
	s21 =	sand.u32 @!p0 $0x3, s21;
	[sflag:s17] =	ssyncset.done $0x0  }
0x7f: {  	s31 =	sadd.s32 $0x6E0, s13;
	s25 =	sadd.s32 $0x2D00, s16;
	[sflag:s17] =	ssyncadd.s32 $0xFFFFFB00  }
0x80: {  	[spmem:s1] =	stream.indirect.scatter.add.f32 [tilespmem:s25], [sflag:s24], $0x10, s31, s20, $0xb8;
	[tilespmem:$0x1FEA0] =	vst v63  }
0x81: {  	s13 =	sadd.s32 $0x730, s13;
	s23 =	smul.u32 @!p0 $0xA00, s0;
	_ =	swait.ge [sflag:s17], $0x500  }
0x82: {  	s0 =	sadd.s32 @!p0 $0x1, s0;
	s16 =	sadd.s32 $0x3200, s16;
	[sflag:s17] =	ssyncset.done $0x0  }
0x83: {  	s23 =	sshrl.u32 @!p0 s23, $0x2;
	[sflag:s17] =	ssyncadd.s32 $0xFFFFFB00;
	s17 =	simm.s32 $0x1  }
0x84: {  	s25 =	smul.u32 @!p0 $0xA00, s21;
	s21 =	sadd.s32 @!p0 $0x3, s21;
	s17 =	sand.u32 @!p2 $0x1, s17  }
0x85: {  	[spmem:s1] =	stream.indirect.scatter.add.f32 [tilespmem:s16], [sflag:s24], $0x10, s13, s20, $0xb8;
	[tilespmem:$0x1FEA0] =	vst v63  }
0x86: {  	s13 =	sshrl.u32 @!p0 s25, $0x2;
	s16 =	simm.s32 @!p0 $0x0;
	s24 =	smul.u32 @!p2 $0xA000, s17  }
0x87: {  	[tilespmem:s23], [sflag:s0] =	stream.linear.gather @!p0 [hbm4b:s22+s16], $0x280, $0x38;
	[tilespmem:$0x1FEA0] =	vst v63  }
0x88: {  	s0 =	sadd.s32 @!p0 $0x500, s13;
	s13 =	sadd.s32 @!p2 $0x1, s17;
	s23 =	smul.u32 @!p2 $0xA00, s17  }
0x89: {  	[tilespmem:s0], [sflag:s21] =	stream.linear.gather @!p0 [hbm4b:s14+s16], $0x280, $0x38;
	[tilespmem:$0x1FEA0] =	vst v63  }
0x8a: {  	s26 =	simm.s32 @!p2 $0x50;
	s28 =	sadd.s32 @!p2 $0x7, s17;
	_ =	swait.ge @!p2 [sflag:s13], $0x280  }
0x8b: {  	s30 =	sshrl.u32 @!p2 s24, $0x2;
	s0 =	sshrl.u32 @!p2 s23, $0x2;
	[sflag:s13] =	ssyncset.done @!p2 $0x0  }
0x8c: {  	p0 =	sne.s32 s4, $0x1;
	[sflag:s13] =	ssyncadd.s32 @!p2 $0xFFFFFD80;
	s13 =	sadd.s32 @!p2 $0xF00, s30  }
0x8d: {  	[tilespmem:s13], [sflag:s28] =	stream.indirect.gather @!p2 [hbm4b:s9+s26], $0x10, s0, s26, $0xb8;
	[tilespmem:$0x1FEA0] =	vst v63  }
.Ltmp2:
0x8e: {  	s16 =	sadd.s32 @!p2 $0x1400, s30;
	s13 =	sor.u32 @!p2 $0x50, s0;
	(pc) =	sbr.rel @!p0 .LBB2_7-.Ltmp2, $4  }
0x8f: {  	[tilespmem:s16], [sflag:s28] =	stream.indirect.gather @!p2 [hbm4b:s9+s26], $0x10, s13, s26, $0xb8;
	[tilespmem:$0x1FEA0] =	vst v63  }
0x90: {  	s23 =	simm.s32 $0x1;
	s13 =	sadd.s32 @!p2 $0xA0, s0;
	s16 =	sadd.s32 @!p2 $0x1900, s30  }
0x91: {  	[tilespmem:s16], [sflag:s28] =	stream.indirect.gather @!p2 [hbm4b:s9+s26], $0x10, s13, s26, $0xb8;
	[tilespmem:$0x1FEA0] =	vst v63  }
0x92: {  	s21 =	sadd.s32 $0x50, s14;
	s16 =	sadd.s32 @!p2 $0xF0, s0;
	s13 =	smov.u32 s22  }
.LBB2_6:
0x93: {  	s17 =	sadd.s32 @!p2 $0x2800, s30  }
0x94: {  	s25 =	sadd.s32 @!p2 $0x2D00, s30;
	s13 =	sadd.s32 $0x50, s13;
	s24 =	smov.u32 s23  }
0x95: {  	p3 =	seq.s32 s23, $0x0;
	s29 =	sadd.s32 @!p2 $0x1E00, s30;
	s18 =	sadd.s32 @!p2 $0x2300, s30  }
0x96: {  	[tilespmem:s29], [sflag:s28] =	stream.indirect.gather @!p2 [hbm4b:s9+s26], $0x10, s16, s26, $0xb8;
	[tilespmem:$0x1FEA0] =	vst v63  }
0x97: {  	s31 =	sand.u32 @!p3 $0x1, s23;
	s23 =	sadd.s32 $0x2, s23;
	s29 =	sadd.s32 @!p2 $0x190, s0  }
0x98: {  	s6 =	sadd.s32 @!p2 $0x140, s0;
	s16 =	sxor.u32 @!p3 $0x1, s31;
	p0 =	sge.u32 s23, s4  }
0x99: {  	[tilespmem:s18], [sflag:s28] =	stream.indirect.gather @!p2 [hbm4b:s9+s26], $0x10, s6, s26, $0xb8;
	[tilespmem:$0x1FEA0] =	vst v63  }
0x9a: {  	s16 =	sadd.s32 @!p3 $0x9, s16;
	s6 =	sand.u32 @!p0 $0x3, s23;
	s18 =	sadd.s32 @!p2 $0x1E0, s0  }
0x9b: {  	[tilespmem:s17], [sflag:s28] =	stream.indirect.gather @!p2 [hbm4b:s9+s26], $0x10, s29, s26, $0xb8;
	[tilespmem:$0x1FEA0] =	vst v63  }
0x9c: {  	s31 =	simm.s32 @p3 $0x0;
	s0 =	sadd.s32 @!p2 $0x230, s0;
	s17 =	sadd.s32 @!p2 $0x3200, s30  }
0x9d: {  	[tilespmem:s25], [sflag:s28] =	stream.indirect.gather @!p2 [hbm4b:s9+s26], $0x10, s18, s26, $0xb8;
	[tilespmem:$0x1FEA0] =	vst v63  }
0x9e: {  	s23 =	sadd.s32 $0xFFFFFFFF, s23;
	s18 =	smul.u32 $0xA000, s31;
	s25 =	sadd.s32 @!p0 $0x1, s31  }
0x9f: {  	[tilespmem:s17], [sflag:s28] =	stream.indirect.gather @!p2 [hbm4b:s9+s26], $0x10, s0, s26, $0xb8;
	[tilespmem:$0x1FEA0] =	vst v63  }
0xa0: {  	s30 =	sshrl.u32 s18, $0x2;
	s0 =	smul.u32 @!p0 $0xA00, s31;
	_ =	swait.ge @!p3 [sflag:s16], $0x500  }
0xa1: {  	s17 =	smul.u32 @!p0 $0xA00, s6;
	s26 =	sadd.s32 @!p0 $0x3, s6;
	[sflag:s16] =	ssyncset.done @!p3 $0x0  }
0xa2: {  	p1 =	sne.s32 s23, s4;
	s28 =	sshrl.u32 @!p0 s0, $0x2;
	[sflag:s16] =	ssyncadd.s32 @!p3 $0xFFFFFB00  }
0xa3: {  	s0 =	sshrl.u32 @!p0 s17, $0x2;
	_ =	swait.ge @!p3 [sflag:s16], $0x500  }
0xa4: {  	s29 =	sadd.s32 @!p0 $0x500, s0;
	[sflag:s16] =	ssyncset.done @!p3 $0x0  }
0xa5: {  	[sflag:s16] =	ssyncadd.s32 @!p3 $0xFFFFFB00  }
0xa6: {  	_ =	swait.ge @!p3 [sflag:s16], $0x500  }
0xa7: {  	[sflag:s16] =	ssyncset.done @!p3 $0x0  }
0xa8: {  	[sflag:s16] =	ssyncadd.s32 @!p3 $0xFFFFFB00  }
0xa9: {  	_ =	swait.ge @!p3 [sflag:s16], $0x500  }
0xaa: {  	[sflag:s16] =	ssyncset.done @!p3 $0x0  }
0xab: {  	[sflag:s16] =	ssyncadd.s32 @!p3 $0xFFFFFB00  }
0xac: {  	_ =	swait.ge @!p3 [sflag:s16], $0x500  }
0xad: {  	[sflag:s16] =	ssyncset.done @!p3 $0x0  }
0xae: {  	[sflag:s16] =	ssyncadd.s32 @!p3 $0xFFFFFB00  }
0xaf: {  	s0 =	sand.u32 $0x3, s24;
	_ =	swait.ge @!p3 [sflag:s16], $0x500  }
0xb0: {  	s6 =	sadd.s32 $0x3, s0;
	[sflag:s16] =	ssyncset.done @!p3 $0x0  }
0xb1: {  	[sflag:s16] =	ssyncadd.s32 @!p3 $0xFFFFFB00  }
0xb2: {  	_ =	swait.ge @!p3 [sflag:s16], $0x500  }
0xb3: {  	s0 =	smul.u32 $0xA00, s0;
	[sflag:s16] =	ssyncset.done @!p3 $0x0  }
0xb4: {  	[sflag:s16] =	ssyncadd.s32 @!p3 $0xFFFFFB00  }
0xb5: {  	s17 =	sshrl.u32 s0, $0x2;
	_ =	swait.ge @!p3 [sflag:s16], $0x500  }
0xb6: {  	s18 =	sadd.s32 $0x500, s17;
	[sflag:s16] =	ssyncset.done @!p3 $0x0  }
0xb7: {  	[sflag:s16] =	ssyncadd.s32 @!p3 $0xFFFFFB00  }
0xb8: {  	_ =	swait.ge [sflag:s6], $0x280  }
0xb9: {  	[sflag:s6] =	ssyncset.done $0x0  }
0xba: {  	s0 =	sadd.s32 $0x7, s31;
	[sflag:s6] =	ssyncadd.s32 $0xFFFFFD80;
	s6 =	sadd.s32 $0x550, s17  }
0xbb: {  	_ =	swait.ge [sflag:s0], $0x500  }
0xbc: {  	[sflag:s0] =	ssyncset.done $0x0  }
0xbd: {  	[sflag:s0] =	ssyncadd.s32 $0xFFFFFB00  }
0xbe: {  	s31 =	sadd.s32 $0x9, s31;
	s7 =	sadd.s32 $0x5A0, s17;
	s16 =	sadd.s32 $0xF00, s30  }
0xbf: {  	[spmem:s1] =	stream.indirect.scatter.add.f32 [tilespmem:s16], [sflag:s31], $0x10, s18, s20, $0xb8;
	[tilespmem:$0x1FEA0] =	vst v63  }
0xc0: {  	_ =	swait.ge [sflag:s0], $0x500  }
0xc1: {  	[sflag:s0] =	ssyncset.done $0x0  }
0xc2: {  	s16 =	sadd.s32 $0x1400, s30;
	s18 =	sadd.s32 $0x5F0, s17;
	[sflag:s0] =	ssyncadd.s32 $0xFFFFFB00  }
0xc3: {  	[spmem:s1] =	stream.indirect.scatter.add.f32 [tilespmem:s16], [sflag:s31], $0x10, s6, s20, $0xb8;
	[tilespmem:$0x1FEA0] =	vst v63  }
0xc4: {  	_ =	swait.ge [sflag:s0], $0x500  }
0xc5: {  	[sflag:s0] =	ssyncset.done $0x0  }
0xc6: {  	s6 =	sadd.s32 $0x1900, s30;
	s16 =	sadd.s32 $0x640, s17;
	[sflag:s0] =	ssyncadd.s32 $0xFFFFFB00  }
0xc7: {  	[spmem:s1] =	stream.indirect.scatter.add.f32 [tilespmem:s6], [sflag:s31], $0x10, s7, s20, $0xb8;
	[tilespmem:$0x1FEA0] =	vst v63  }
0xc8: {  	_ =	swait.ge [sflag:s0], $0x500  }
0xc9: {  	[sflag:s0] =	ssyncset.done $0x0  }
0xca: {  	s6 =	sadd.s32 $0x1E00, s30;
	s7 =	sadd.s32 $0x690, s17;
	[sflag:s0] =	ssyncadd.s32 $0xFFFFFB00  }
0xcb: {  	[spmem:s1] =	stream.indirect.scatter.add.f32 [tilespmem:s6], [sflag:s31], $0x10, s18, s20, $0xb8;
	[tilespmem:$0x1FEA0] =	vst v63  }
0xcc: {  	_ =	swait.ge [sflag:s0], $0x500  }
0xcd: {  	[sflag:s0] =	ssyncset.done $0x0  }
0xce: {  	s6 =	sadd.s32 $0x2300, s30;
	s18 =	sadd.s32 $0x6E0, s17;
	[sflag:s0] =	ssyncadd.s32 $0xFFFFFB00  }
0xcf: {  	[spmem:s1] =	stream.indirect.scatter.add.f32 [tilespmem:s6], [sflag:s31], $0x10, s16, s20, $0xb8;
	[tilespmem:$0x1FEA0] =	vst v63  }
0xd0: {  	_ =	swait.ge [sflag:s0], $0x500  }
0xd1: {  	[sflag:s0] =	ssyncset.done $0x0  }
0xd2: {  	s6 =	sadd.s32 $0x2800, s30;
	s16 =	sadd.s32 $0x730, s17;
	[sflag:s0] =	ssyncadd.s32 $0xFFFFFB00  }
0xd3: {  	[spmem:s1] =	stream.indirect.scatter.add.f32 [tilespmem:s6], [sflag:s31], $0x10, s7, s20, $0xb8;
	[tilespmem:$0x1FEA0] =	vst v63  }
0xd4: {  	s6 =	simm.s32 @!p0 $0x0;
	_ =	swait.ge [sflag:s0], $0x500  }
0xd5: {  	p2 =	sge.u32 s23, s4;
	s7 =	sadd.s32 $0x1, s24;
	[sflag:s0] =	ssyncset.done $0x0  }
0xd6: {  	s17 =	sadd.s32 $0x2D00, s30;
	s7 =	sand.u32 @!p2 $0x1, s7;
	[sflag:s0] =	ssyncadd.s32 $0xFFFFFB00  }
0xd7: {  	[spmem:s1] =	stream.indirect.scatter.add.f32 [tilespmem:s17], [sflag:s31], $0x10, s18, s20, $0xb8;
	[tilespmem:$0x1FEA0] =	vst v63  }
0xd8: {  	s17 =	sadd.s32 @!p2 $0x1, s7;
	s18 =	smul.u32 @!p2 $0xA000, s7;
	_ =	swait.ge [sflag:s0], $0x500  }
0xd9: {  	s24 =	sadd.s32 $0x3200, s30;
	[sflag:s0] =	ssyncset.done $0x0  }
0xda: {  	s30 =	sshrl.u32 @!p2 s18, $0x2;
	[sflag:s0] =	ssyncadd.s32 $0xFFFFFB00;
	s0 =	smul.u32 @!p2 $0xA00, s7  }
0xdb: {  	[spmem:s1] =	stream.indirect.scatter.add.f32 [tilespmem:s24], [sflag:s31], $0x10, s16, s20, $0xb8;
	[tilespmem:$0x1FEA0] =	vst v63  }
0xdc: {  	s0 =	sshrl.u32 @!p2 s0, $0x2  }
0xdd: {  	[tilespmem:s28], [sflag:s25] =	stream.linear.gather @!p0 [hbm4b:s13+s6], $0x280, $0x38;
	[tilespmem:$0x1FEA0] =	vst v63  }
0xde: {  	s18 =	sor.u32 @!p2 $0x50, s0;
	s24 =	sadd.s32 @!p2 $0xA0, s0;
	s25 =	sadd.s32 @!p2 $0x1900, s30  }
0xdf: {  	[tilespmem:s29], [sflag:s26] =	stream.linear.gather @!p0 [hbm4b:s21+s6], $0x280, $0x38;
	[tilespmem:$0x1FEA0] =	vst v63  }
0xe0: {  	s16 =	sadd.s32 @!p2 $0xF0, s0;
	_ =	swait.ge @!p2 [sflag:s17], $0x280  }
0xe1: {  	s26 =	simm.s32 @!p2 $0x50;
	[sflag:s17] =	ssyncset.done @!p2 $0x0  }
0xe2: {  	s28 =	sadd.s32 @!p2 $0x7, s7;
	s6 =	sadd.s32 @!p2 $0xF00, s30;
	[sflag:s17] =	ssyncadd.s32 @!p2 $0xFFFFFD80  }
0xe3: {  	[tilespmem:s6], [sflag:s28] =	stream.indirect.gather @!p2 [hbm4b:s9+s26], $0x10, s0, s26, $0xb8;
	[tilespmem:$0x1FEA0] =	vst v63  }
.Ltmp3:
0xe4: {  	s6 =	sadd.s32 @!p2 $0x1400, s30;
	(pc) =	sbr.rel @p1 .LBB2_6-.Ltmp3, $4  }
0xe5: {  	[tilespmem:s6], [sflag:s28] =	stream.indirect.gather @!p2 [hbm4b:s9+s26], $0x10, s18, s26, $0xb8;
	[tilespmem:$0x1FEA0] =	vst v63  }
0xe6: {  	_ = 	snop  }
0xe7: {  	[tilespmem:s25], [sflag:s28] =	stream.indirect.gather @!p2 [hbm4b:s9+s26], $0x10, s24, s26, $0xb8;
	[tilespmem:$0x1FEA0] =	vst v63  }
0xe8: {  	s21 =	sadd.s32 $0x50, s21  }
.LBB2_7:
0xe9: {  	s6 =	sadd.s32 @!p2 $0x1E00, s30  }
0xea: {  	[tilespmem:s6], [sflag:s28] =	stream.indirect.gather @!p2 [hbm4b:s9+s26], $0x10, s16, s26, $0xb8;
	[tilespmem:$0x1FEA0] =	vst v63  }
0xeb: {  	s7 =	sadd.s32 @!p2 $0x140, s0;
	s6 =	sadd.s32 @!p2 $0x2300, s30  }
0xec: {  	[tilespmem:s6], [sflag:s28] =	stream.indirect.gather @!p2 [hbm4b:s9+s26], $0x10, s7, s26, $0xb8;
	[tilespmem:$0x1FEA0] =	vst v63  }
0xed: {  	s6 =	sadd.s32 @!p2 $0x2800, s30;
	s7 =	sadd.s32 @!p2 $0x190, s0  }
0xee: {  	[tilespmem:s6], [sflag:s28] =	stream.indirect.gather @!p2 [hbm4b:s9+s26], $0x10, s7, s26, $0xb8;
	[tilespmem:$0x1FEA0] =	vst v63  }
0xef: {  	s6 =	sadd.s32 @!p2 $0x2D00, s30;
	s7 =	sadd.s32 @!p2 $0x1E0, s0  }
0xf0: {  	[tilespmem:s6], [sflag:s28] =	stream.indirect.gather @!p2 [hbm4b:s9+s26], $0x10, s7, s26, $0xb8;
	[tilespmem:$0x1FEA0] =	vst v63  }
0xf1: {  	s0 =	sadd.s32 @!p2 $0x230, s0;
	s6 =	sadd.s32 @!p2 $0x3200, s30  }
0xf2: {  	[tilespmem:s6], [sflag:s28] =	stream.indirect.gather @!p2 [hbm4b:s9+s26], $0x10, s0, s26, $0xb8;
	[tilespmem:$0x1FEA0] =	vst v63  }
0xf3: {  	_ =	swait.ge [sflag:s10], $0x500  }
0xf4: {  	[sflag:s10] =	ssyncset.done $0x0  }
0xf5: {  	[sflag:s10] =	ssyncadd.s32 $0xFFFFFB00  }
0xf6: {  	_ =	swait.ge [sflag:s10], $0x500  }
0xf7: {  	[sflag:s10] =	ssyncset.done $0x0  }
0xf8: {  	[sflag:s10] =	ssyncadd.s32 $0xFFFFFB00  }
0xf9: {  	_ =	swait.ge [sflag:s10], $0x500  }
0xfa: {  	[sflag:s10] =	ssyncset.done $0x0  }
0xfb: {  	[sflag:s10] =	ssyncadd.s32 $0xFFFFFB00  }
0xfc: {  	_ =	swait.ge [sflag:s10], $0x500  }
0xfd: {  	[sflag:s10] =	ssyncset.done $0x0  }
0xfe: {  	[sflag:s10] =	ssyncadd.s32 $0xFFFFFB00  }
0xff: {  	_ =	swait.ge [sflag:s10], $0x500  }
0x100: {  	[sflag:s10] =	ssyncset.done $0x0  }
0x101: {  	[sflag:s10] =	ssyncadd.s32 $0xFFFFFB00  }
0x102: {  	_ =	swait.ge [sflag:s10], $0x500  }
0x103: {  	[sflag:s10] =	ssyncset.done $0x0  }
0x104: {  	[sflag:s10] =	ssyncadd.s32 $0xFFFFFB00  }
0x105: {  	_ =	swait.ge [sflag:s10], $0x500  }
0x106: {  	[sflag:s10] =	ssyncset.done $0x0  }
0x107: {  	[sflag:s10] =	ssyncadd.s32 $0xFFFFFB00  }
0x108: {  	s31 =	sadd.s32 $0x0, s2;
	_ =	swait.ge [sflag:s10], $0x500  }
0x109: {  	p0 =	sgt.u32 s31, $0xF9;
	[sflag:s10] =	ssyncset.done $0x0  }
0x10a: {  	s17 =	simm.s32 @!p0 $0xB;
	s0 =	sshll.u32 @!p0 s2, $0x6;
	[sflag:s10] =	ssyncadd.s32 $0xFFFFFB00  }
0x10b: {  	s6 =	sshrl.u32 @!p0 s12, $0x3;
	s0 =	sor.u32 @!p0 $0x1C0B, s0;
	[bflag:$0x0] =	sbarrier.arrive $0xFFFF  }
0x10c: {  	[hbm:s15], [sflag:s0] =	dma.local @!p0 [spmem:s6], $0x320  }
0x10d: {  	s13 =	simm.s32 $0x20;
	s21 =	sadd.s32 $0x10, s2;
	_ =	swait.ge @!p0 [sflag:s17], $0x320  }
0x10e: {  	s16 =	sadd.s32 $0x19000, s12;
	s0 =	sadd.s32 $0x3200, s15;
	[sflag:s17] =	ssyncset.done @!p0 $0x0  }
.LBB2_8:
0x10f: {  	s6 =	smov.u32 s13;
	s13 =	sadd.s32 $0x10, s13  }
0x110: {  	[sflag:s17] =	ssyncadd.s32 @!p0 $0xFFFFFCE0;
	p0 =	sgt.u32 s21, $0xF9;
	p1 =	sne.s32 s13, $0x100  }
.Ltmp4:
0x111: {  	s7 =	sshll.u32 @!p0 s2, $0x6;
	s18 =	sshrl.u32 @!p0 s16, $0x3;
	(pc) =	sbr.rel @p1 .LBB2_8-.Ltmp4, $4  }
0x112: {  	s17 =	simm.s32 @!p0 $0xB;
	s7 =	sor.u32 @!p0 $0x1C0B, s7  }
0x113: {  	[hbm:s0], [sflag:s7] =	dma.local @!p0 [spmem:s18], $0x320  }
0x114: {  	s0 =	sadd.s32 $0x3200, s0;
	_ =	swait.ge @!p0 [sflag:s17], $0x320  }
0x115: {  	s21 =	sadd.s32 s6, s2;
	s16 =	sadd.s32 $0x19000, s16;
	[sflag:s17] =	ssyncset.done @!p0 $0x0  }
0x116: {  	p1 =	sgt.u32 s21, $0xF9;
	[sflag:s17] =	ssyncadd.s32 @!p0 $0xFFFFFCE0;
	s3 =	sadd.s32 $0x1, s3  }
0x117: {  	s6 =	sshll.u32 @!p1 s2, $0x6;
	s7 =	sshrl.u32 @!p1 s16, $0x3;
	p0 =	sne.s32 s3, s11  }
.Ltmp5:
0x118: {  	s13 =	simm.s32 @!p1 $0xB;
	s6 =	sor.u32 @!p1 $0x1C0B, s6;
	(pc) =	sbr.rel @p0 .LBB2_1-.Ltmp5, $4  }
0x119: {  	[hbm:s0], [sflag:s6] =	dma.local @!p1 [spmem:s7], $0x320  }
0x11a: {  	_ =	swait.ge @!p1 [sflag:s13], $0x320  }
0x11b: {  	[sflag:s13] =	ssyncset.done @!p1 $0x0  }
0x11c: {  	[sflag:s13] =	ssyncadd.s32 @!p1 $0xFFFFFCE0  }
0x11d: {  	_ =	sfence.sel $0x180000  }
0x11e: {  	[bflag:$0x0] =	sbarrier.arrive $0xFFFF  }
0x11f: {  	_ =	strace $0x9000004D  }
0x120: {  	[bflag:$0x2] =	sbarrier.arrive $0xFFFF  }
0x121: {  	p0 =	sne.s32 s2, $0x0;
	s0 =	rddreg [dreg:$0x2]  }
0x122: {  	s0 =	sadd.s32 @!p0 $0x100000, s0  }
0x123: {  	[sflag:s0] =	ssyncadd.tile.s32 @!p0 $0x1;
	_ =	shalt  }
.Lfunc_end2:
_tile_overlayer_lowered:
.L_overlay_start_2:
0x124: {  	(tag) =	ssettag $0x2  }
0x125: {  	s0 =	rddreg [dreg:$0x0];
	s2 =	stileid.u32  }
0x126: {  	s1 =	rddreg [dreg:$0x1];
	p0 =	sne.s32 s2, $0x0  }
0x127: {  	s3 =	rddreg [dreg:$0x2];
	[bflag:$0x3] =	sbarrier.arrive $0xFFFF;
	s2 =	simm.s32 @!p0 $0x1C0B  }
0x128: {  	[timem:s3], [sflag:s2] =	dma.local @!p0 [hbm:s0], s1  }
0x129: {  	s0 =	simm.s32 @!p0 $0xB  }
0x12a: {  	_ =	swait.ge @!p0 [sflag:s0], s1  }
0x12b: {  	s1 =	ssub.s32 @!p0 $0x0, s1;
	[sflag:s0] =	ssyncset.done @!p0 $0x0  }
0x12c: {  	[sflag:s0] =	ssyncadd.s32 @!p0 s1  }
0x12d: {  	[bflag:$0x3] =	sbarrier.arrive $0xFFFF  }
0x12e: {  	_ =	shalt  }

// kernel: kernel.20.cloned.1.call-start
scs
__scs_entry_jumppad:
0x0: {  	(pc) =	sbr.rel $0x88, $3  }
0x1: {  	(tag) =	ssettag $0x0;
	lr =	simm.s32 $0x1  }
0x2: {  	[smem:$0x3F96] =	sst lr;
	_ =	strace $0xD0000000  }
0x3: {  	_ = 	snop  }
0x4: {  	_ = 	snop  }
0x5: {  	_ = 	snop  }
0x6: {  	_ = 	snop  }
0x7: {  	_ = 	snop  }
__scs_overlays_trampoline_lowered:
0x8: {  	[smem:$0x3FA5] =	sst s0  }
0x9: {  	[smem:$0x3FA6] =	sst s1  }
0xa: {  	[smem:$0x3FA7] =	sst s2  }
0xb: {  	[smem:$0x3FA8] =	sst s3  }
0xc: {  	[smem:$0x3FA9] =	sst s4  }
0xd: {  	[smem:$0x3FAA] =	sst s5  }
0xe: {  	[smem:$0x3FAB] =	sst s6  }
0xf: {  	[smem:$0x3FAC] =	sst s7  }
0x10: {  	[smem:$0x3FAD] =	sst s8  }
0x11: {  	[smem:$0x3FAE] =	sst s9;
	s0 =	simm.s32 @!p0 $0x0  }
0x12: {  	s1 =	sld [smem:$0x3F94];
	s0 =	simm.s32 @p0 $0x1  }
0x13: {  	[smem:$0x3FAF] =	sst s0;
	s0 =	simm.s32 @!p1 $0x0  }
0x14: {  	s2 =	sld [smem:$0x3F93];
	s0 =	simm.s32 @p1 $0x1  }
0x15: {  	[smem:$0x3FB0] =	sst s0;
	s0 =	simm.s32 @!p2 $0x0  }
0x16: {  	s3 =	sld [smem:$0x3FDB];
	s0 =	simm.s32 @p2 $0x1  }
0x17: {  	s4 =	simm.s32 $0x1BF5;
	[smem:$0x3FB2] =	sst s0  }
0x18: {  	s0 =	sld [smem:$0x3F95];
	_ =	swait.ge [sflag:s4], $0x0  }
0x19: {  	s7 =	sld [smem:$0x3F96]  }
0x1a: {  	s8 =	sadd.s32 $0xFFFFE003, lr  }
0x1b: {  	s9 =	sadd.s32 $0xFFFFFEF7, lr;
	s5 =	simm.s32 $0xFFFFFFFF;
	p2 =	slt.u32 s8, $0xFFFFF086  }
0x1c: {  	p1 =	slt.u32 s9, $0xF7A;
	s5 =	simm.s32 @!p2 $0x0  }
0x1d: {  	s5 =	simm.s32 @p1 $0x1;
	p0 =	seq.s32 s7, s2  }
0x1e: {  	s7 =	smul.u32 @!p0 $0xF7A, s2;
	p2 =	seq.s32 @!p0 s5, $0x0  }
0x1f: {  	s9 =	smul.u32 $0xF7A, s1;
	s8 =	simm.s32 @!p0 $0x1BF5;
	p2 =	por !p2, p0  }
0x20: {  	[sflag:s8] =	ssyncset.s32 @!p0 $0xFFFFF086;
	s6 =	sadd.s32 @!p0 s3, s7;
	s7 =	simm.s32 @!p0 $0x108  }
0x21: {  	s3 =	sadd.s32 s3, s9;
	s6 =	sadd.s32 @!p0 $0x88, s6;
	s7 =	simm.s32 @p2 $0x1082  }
0x22: {  	[simem:s7], [sflag:s8] =	dma.local @!p0 [hbm:s6], $0xF7A  }
0x23: {  	s9 =	sor.u32 $0xD0000000, s2;
	s6 =	simm.s32 $0x108;
	_ =	swait.ge @!p0 [sflag:s8], $0x0  }
0x24: {  	s3 =	sadd.s32 $0x88, s3;
	s6 =	simm.s32 @!p1 $0x1082;
	[sflag:s4] =	ssyncset.s32 $0xFFFFF086  }
0x25: {  	[simem:s6], [sflag:s4] =	dma.local [hbm:s3], $0xF7A  }
0x26: {  	[smem:$0x3F96] =	sst s1;
	(tag) =	ssettag s2;
	_ =	strace s9  }
0x27: {  	s1 =	sld [smem:$0x3FA6]  }
0x28: {  	s2 =	sld [smem:$0x3FA7]  }
0x29: {  	s4 =	sld [smem:$0x3FA9]  }
0x2a: {  	p0 =	seq.s32 s5, $0x0;
	s5 =	sld [smem:$0x3FAA]  }
0x2b: {  	s6 =	sld [smem:$0x3FAB]  }
0x2c: {  	s7 =	sld [smem:$0x3FAC]  }
0x2d: {  	s3 =	simm.s32 $0x108;
	s8 =	sld [smem:$0x3FAD]  }
0x2e: {  	s3 =	simm.s32 @!p0 $0x1082;
	s9 =	sld [smem:$0x3FAE]  }
0x2f: {  	lr =	sadd.s32 s0, s3;
	s0 =	sld [smem:$0x3FA5]  }
0x30: {  	s3 =	sld [smem:$0x3FA8]  }
0x31: {  	[smem:$0x3FB1] =	sst s10  }
0x32: {  	s10 =	sld [smem:$0x3FAF];
	_ =	sdelay $0x3  }
0x33: {  	p0 =	seq.s32 s10, $0x1;
	s10 =	sld [smem:$0x3FB1];
	_ =	sdelay $0x3  }
0x34: {  	[smem:$0x3FB1] =	sst s10  }
0x35: {  	s10 =	sld [smem:$0x3FB0];
	_ =	sdelay $0x3  }
0x36: {  	p1 =	seq.s32 s10, $0x1;
	s10 =	sld [smem:$0x3FB1];
	_ =	sdelay $0x3  }
0x37: {  	[smem:$0x3FB1] =	sst s10  }
0x38: {  	s10 =	sld [smem:$0x3FB2]  }
0x39: {  	_ = 	snop;
	(pc) =	sbr.ind lr, $3  }
0x3a: {  	_ = 	snop  }
0x3b: {  	_ = 	snop  }
0x3c: {  	p2 =	seq.s32 s10, $0x1;
	s10 =	sld [smem:$0x3FB1]  }
0x3d: {  	_ =	shalt  }
0x3e: {  	_ =	shalt  }
0x3f: {  	_ =	shalt  }
0x40: {  	_ =	shalt  }
0x41: {  	_ =	shalt  }
0x42: {  	_ =	shalt  }
0x43: {  	_ =	shalt  }
0x44: {  	_ =	shalt  }
0x45: {  	_ =	shalt  }
0x46: {  	_ =	shalt  }
0x47: {  	_ =	shalt  }
0x48: {  	_ =	shalt  }
0x49: {  	_ =	shalt  }
0x4a: {  	_ =	shalt  }
0x4b: {  	_ =	shalt  }
0x4c: {  	_ =	shalt  }
0x4d: {  	_ =	shalt  }
0x4e: {  	_ =	shalt  }
0x4f: {  	_ =	shalt  }
0x50: {  	_ =	shalt  }
0x51: {  	_ =	shalt  }
0x52: {  	_ =	shalt  }
0x53: {  	_ =	shalt  }
0x54: {  	_ =	shalt  }
0x55: {  	_ =	shalt  }
0x56: {  	_ =	shalt  }
0x57: {  	_ =	shalt  }
0x58: {  	_ =	shalt  }
0x59: {  	_ =	shalt  }
0x5a: {  	_ =	shalt  }
0x5b: {  	_ =	shalt  }
0x5c: {  	_ =	shalt  }
0x5d: {  	_ =	shalt  }
0x5e: {  	_ =	shalt  }
0x5f: {  	_ =	shalt  }
0x60: {  	_ =	shalt  }
0x61: {  	_ =	shalt  }
0x62: {  	_ =	shalt  }
0x63: {  	_ =	shalt  }
0x64: {  	_ =	shalt  }
0x65: {  	_ =	shalt  }
0x66: {  	_ =	shalt  }
0x67: {  	_ =	shalt  }
0x68: {  	_ =	shalt  }
0x69: {  	_ =	shalt  }
0x6a: {  	_ =	shalt  }
0x6b: {  	_ =	shalt  }
0x6c: {  	_ =	shalt  }
0x6d: {  	_ =	shalt  }
0x6e: {  	_ =	shalt  }
0x6f: {  	_ =	shalt  }
0x70: {  	_ =	shalt  }
0x71: {  	_ =	shalt  }
0x72: {  	_ =	shalt  }
0x73: {  	_ =	shalt  }
0x74: {  	_ =	shalt  }
0x75: {  	_ =	shalt  }
0x76: {  	_ =	shalt  }
0x77: {  	_ =	shalt  }
0x78: {  	_ =	shalt  }
0x79: {  	_ =	shalt  }
0x7a: {  	_ =	shalt  }
0x7b: {  	_ =	shalt  }
0x7c: {  	_ =	shalt  }
0x7d: {  	_ =	shalt  }
0x7e: {  	_ =	shalt  }
0x7f: {  	_ =	shalt  }
0x80: {  	_ =	shalt  }
0x81: {  	_ =	shalt  }
0x82: {  	_ =	shalt  }
0x83: {  	_ =	shalt  }
0x84: {  	_ =	shalt  }
0x85: {  	_ =	shalt  }
0x86: {  	_ =	shalt  }
0x87: {  	_ =	shalt  }
.Lfunc_end0:
.L_simem_size_0:
called_computation.3_lowered:
.L_overlay_start_0:
0x88: {  	s2 =	sld [smem:$0x3FD9]  }
0x89: {  	s3 =	sld [smem:$0x3FFE];
	_ =	sdelay $0x1  }
0x8a: {  	s1 =	srdreg.scid  }
0x8b: {  	s0 =	sand.u32 $0x1, s1  }
0x8c: {  	s16 =	sshll.u32 s0, $0xA;
	s2 =	sadd.s32 s3, s2  }
0x8d: {  	s2 =	sadd.s32 s2, s16  }
0x8e: {  	[smem:$0x3FBD] =	sst s2  }
0x8f: {  	_ = 	snop  }
0x90: {  	(tm) =	ssettm $0x1  }
0x91: {  	s17 =	sld [smem:$0x3FFB];
	_ =	sdelay $0x3  }
0x92: {  	_ =	strace s17  }
0x93: {  	s2 =	sld [smem:$0x3FFC];
	_ =	sdelay $0x3  }
0x94: {  	_ =	strace s2  }
0x95: {  	s2 =	sld [smem:$0x3FFD];
	_ =	sdelay $0x3  }
0x96: {  	_ =	strace s2  }
0x97: {  	_ =	strace $0x8FFFFFFF  }
0x98: {  	s18 =	sld [smem:$0x3FDB];
	_ =	sdelay $0x1  }
0x99: {  	s19 =	simm.s32 $_scs_section_size  }
0x9a: {  	s4 =	simm.s32 $_size__tile_overlayer_lowered;
	s5 =	simm.s32 $_tile_overlayer_lowered  }
0x9b: {  	s22 =	simm.s32 $0x1BFF;
	s21 =	sshll.u32 s5, $0x1;
	s2 =	sadd.s32 s19, s18  }
0x9c: {  	s6 =	simm.s32 $0x0;
	s20 =	sshll.u32 s4, $0x1;
	s4 =	sadd.s32 s21, s2  }
0x9d: {  	[timem:s6], [sflag:s22] =	dma.local [hbm:s4], s20  }
0x9e: {  	_ =	swait.ge [sflag:s22], s20  }
0x9f: {  	s3 =	ssub.s32 $0x0, s20;
	[sflag:s22] =	ssyncset.done $0x0  }
0xa0: {  	[sflag:s22] =	ssyncadd.s32 s3;
	_ =	sdelay $0x1  }
0xa1: {  	s23 =	simm.s32 $0x1B8B  }
0xa2: {  	_ =	swait.ge [sflag:s23], $0x1  }
0xa3: {  	[sflag:s23] =	ssyncset.done $0x0  }
0xa4: {  	s25 =	simm.s32 $0x1B8E;
	s24 =	sld [smem:$0x3FFE];
	[sflag:s23] =	ssyncadd.s32 $0xFFFFFFFF  }
0xa5: {  	s26 =	simm.s32 $execute0_lowered;
	[smem:$0x3FD2] =	sst s25  }
0xa6: {  	s4 =	sshll.u32 s26, $0x1;
	_ =	strace $0x8000004F;
	[dreg:$0x1] =	wrdreg $0xFFFFFFFF  }
0xa7: {  	s28 =	simm.s32 $_size_execute0_lowered;
	s2 =	sadd.s32 s2, s4;
	[dreg:$0x0] =	wrdreg $0x0  }
0xa8: {  	s4 =	sshll.u32 s28, $0x1;
	[dreg:$0x2] =	wrdreg s2  }
0xa9: {  	[dreg:$0x3] =	wrdreg s4  }
0xaa: {  	[dreg:$0x4] =	wrdreg $0xC0  }
0xab: {  	_ =	task [dreg:s6], $0x5FFFF  }
0xac: {  	[dreg:$0x1] =	wrdreg $0xFFFFFFFF  }
0xad: {  	[dreg:$0x0] =	wrdreg $0x60  }
0xae: {  	[dreg:$0x2] =	wrdreg s24  }
0xaf: {  	[dreg:$0x3] =	wrdreg $0x78000  }
0xb0: {  	[dreg:$0x4] =	wrdreg $0x9  }
0xb1: {  	_ =	task.clear_ibuf [dreg:s6], $0x5FFFF;
	_ =	strace $0x9000004F  }
0xb2: {  	s29 =	simm.s32 $0x9;
	_ =	strace $0x80000051  }
0xb3: {  	_ =	swait.ge [sflag:s29], $0x1  }
0xb4: {  	[sflag:s29] =	ssyncadd.s32 $0xFFFFFFFF  }
0xb5: {  	_ =	strace $0x90000051  }
0xb6: {  	_ =	sfence  }
0xb7: {  	s30 =	sld [smem:$0x0];
	_ =	sdelay $0x2  }
0xb8: {  	s31 =	sshll.u32 s1, $0xD;
	s1 =	sshrl.u32 s1, $0x2  }
0xb9: {  	s3 =	sand.u32 $0x4000, s31;
	s1 =	sadd.s32 s1, s30  }
0xba: {  	s0 =	sor.u32 s3, s0;
	s1 =	sshll.u32 s1, $0x11  }
0xbb: {  	s0 =	sor.u32 s1, s0  }
0xbc: {  	s0 =	sadd.s32 $0x8F2B, s0  }
0xbd: {  	[sflag:s0] =	ssyncadd.remote.s32 $0x1  }
0xbe: {  	_ =	sfence.sel $0xFFFF  }
0xbf: {  	[dreg:$0x0] =	wrdreg $0xFFFFFFFF;
	(pc) =	sbr.abs _section_cstart, $3  }
0xc0: {  	[dreg:$0x1] =	wrdreg $0xFFFFFFFF  }
0xc1: {  	_ =	task.clear_ibuf [dreg:s6], $0x2FFFF;
	_ =	strace $0x9FFFFFFF  }
0xc2: {  	(tm) =	ssettm $0x7FFFFFFF  }
0xc3: {  	_ =	shalt  }
tec
execute0_lowered:
.L_overlay_start_1:
0x0: {  	(tag) =	ssettag $0x1  }
0x1: {  	s2 =	srdreg.scid  }
0x2: {  	s4 =	sand.u32 $0x1, s2  }
0x3: {  	s5 =	smul.u32 $0x30D40, s4  }
0x4: {  	s2 =	stileid.u32;
	s6 =	smul.u32 $0x186A00, s4  }
0x5: {  	s0 =	rddreg [dreg:$0x0];
	s7 =	smul.u32 $0x1900, s2  }
0x6: {  	s1 =	rddreg [dreg:$0x1];
	s3 =	simm.s32 $0x0;
	s23 =	smul.u32 $0x9C, s2  }
0x7: {  	s19 =	simm.s32 $0x1;
	s20 =	simm.s32 $0x50;
	s14 =	smul.u32 $0x6400, s2  }
0x8: {  	[smem:$0x7FF] =	sst s3;
	s13 =	sadd.s32 $0x2600, s0;
	s15 =	smul.u32 $0x30C0, s2  }
0x9: {  	_ =	strace $0x80000050;
	s11 =	smin.u32 s2, $0x4;
	s16 =	smul.u32 $0x18600, s2  }
0xa: {  	s4 =	ssub.s32 $0x2, s4;
	p0 =	slt.u32 s2, $0x4;
	s17 =	smul.u32 $0x280, s11  }
0xb: {  	s24 =	sshrl.u32 s4, $0x1;
	s18 =	smul.u32 $0x50, s11;
	s9 =	sadd.s32 s5, s0  }
0xc: {  	s6 =	sadd.s32 s7, s6;
	s5 =	sadd.s32 s11, s23;
	s12 =	ssub.s32 s4, s24  }
0xd: {  	s4 =	simm.s32 $0x9D;
	s28 =	sadd.s32 s15, s13;
	s14 =	sshrl.u32 s14, $0x2  }
0xe: {  	s6 =	sshrl.u32 s6, $0x3;
	s5 =	smul.u32 $0x280, s5;
	s4 =	simm.s32 @!p0 $0x9C  }
0xf: {  	s9 =	sadd.s32 $0x1EAC00, s9;
	s11 =	smax.u32 s12, $0x1;
	s29 =	sadd.s32 s17, s16  }
0x10: {  	s30 =	sadd.s32 s18, s28;
	s12 =	sadd.s32 s14, s1;
	s0 =	sadd.s32 s6, s0  }
0x11: {  	s10 =	sxor.u32 $0xFFFFFFFF, s4;
	s15 =	sadd.s32 $0x186F00, s29;
	s5 =	sshrl.u32 s5, $0x3  }
0x12: {  	s22 =	sadd.s32 $0xA0, s30;
	s10 =	sand.u32 $0x1, s10;
	s5 =	sadd.s32 s13, s5  }
0x13: {  	s31 =	sshrl.u32 s15, $0x3;
	s15 =	sadd.s32 $0x24C800, s0;
	s25 =	sadd.s32 $0x30D40, s5  }
0x14: {  	s10 =	sadd.s32 $0x9, s10;
	s26 =	sadd.s32 $0x50, s5;
	[dreg:$0x3] =	wrdreg s25  }
0x15: {  	v0 =	vimm.f32 $0.0e+00;
	s14 =	sadd.s32 s31, s13;
	s8 =	sadd.s32 $0x30D90, s5;
	[dreg:$0x4] =	wrdreg s26  }
.LBB2_1:
0x16: {  	s0 =	simm.s32 $0x0  }
.LBB2_2:
0x17: {  	p0 =	sne.s32 s0, $0x63C0  }
.Ltmp0:
0x18: {  	_ = 	snop;
	(pc) =	sbr.rel @p0 .LBB2_2-.Ltmp0, $3  }
0x19: {  	_ =	sdelay $0x1  }
0x1a: {  	s13 =	sshra.s32 s0, $0x2  }
0x1b: {  	s0 =	sadd.s32 $0x40, s0;
	[tilespmem:s13+$0x5F00] =	vst v0  }
0x1c: {  	s0 =	sadd.s32 $0x0, s2  }
0x1d: {  	p0 =	sgt.u32 s0, $0xF9  }
0x1e: {  	s0 =	simm.s32 @!p0 $0x5F00;
	s17 =	simm.s32 @!p0 $0xB  }
0x1f: {  	[spmem:s12] =	stream.linear.scatter @!p0 [tilespmem:s0], [sflag:$0xB], $0x1900, $0x38;
	[tilespmem:$0x1FEA0] =	vst v63  }
0x20: {  	s13 =	simm.s32 $0x10;
	_ =	swait.ge @!p0 [sflag:s17], $0x1900  }
0x21: {  	s16 =	simm.s32 $0x20;
	s0 =	sadd.s32 $0x19000, s12;
	[sflag:s17] =	ssyncset.done @!p0 $0x0  }
.LBB2_4:
0x22: {  	s21 =	sadd.s32 s13, s2;
	s13 =	smov.u32 s16;
	s16 =	sadd.s32 $0x10, s16  }
0x23: {  	[sflag:s17] =	ssyncadd.s32 @!p0 $0xFFFFE700;
	p1 =	sne.s32 s16, $0x100  }
.Ltmp1:
0x24: {  	p0 =	sgt.u32 s21, $0xF9;
	(pc) =	sbr.rel @p1 .LBB2_4-.Ltmp1, $4  }
0x25: {  	s21 =	simm.s32 @!p0 $0x5F00;
	s17 =	simm.s32 @!p0 $0xB  }
0x26: {  	[spmem:s0] =	stream.linear.scatter @!p0 [tilespmem:s21], [sflag:$0xB], $0x1900, $0x38;
	[tilespmem:$0x1FEA0] =	vst v63  }
0x27: {  	_ =	swait.ge @!p0 [sflag:s17], $0x1900  }
0x28: {  	s0 =	sadd.s32 $0x19000, s0;
	[sflag:s17] =	ssyncset.done @!p0 $0x0  }
0x29: {  	s13 =	sadd.s32 s13, s2  }
0x2a: {  	p1 =	sgt.u32 s13, $0xF9  }
0x2b: {  	[sflag:s17] =	ssyncadd.s32 @!p0 $0xFFFFE700;
	s13 =	simm.s32 @!p1 $0x5F00;
	s16 =	simm.s32 @!p1 $0xB  }
0x2c: {  	[spmem:s0] =	stream.linear.scatter @!p1 [tilespmem:s13], [sflag:$0xB], $0x1900, $0x38;
	[tilespmem:$0x1FEA0] =	vst v63  }
0x2d: {  	_ =	swait.ge @!p1 [sflag:s16], $0x1900  }
0x2e: {  	[sflag:s16] =	ssyncset.done @!p1 $0x0  }
0x2f: {  	[sflag:s16] =	ssyncadd.s32 @!p1 $0xFFFFE700  }
0x30: {  	s13 =	simm.s32 $0x0;
	[bflag:$0x0] =	sbarrier.arrive $0xFFFF  }
0x31: {  	[tilespmem:s13], [sflag:$0x1] =	stream.linear.gather [hbm4b:s5+s13], $0x280, $0x38;
	[tilespmem:$0x1FEA0] =	vst v63  }
0x32: {  	s6 =	simm.s32 $0x500;
	s31 =	rddreg [dreg:$0x3]  }
0x33: {  	[tilespmem:s6], [sflag:$0x3] =	stream.linear.gather [hbm4b:s31+s13], $0x280, $0x38;
	[tilespmem:$0x1FEA0] =	vst v63  }
0x34: {  	s16 =	simm.s32 $0x280;
	s7 =	rddreg [dreg:$0x4]  }
0x35: {  	[tilespmem:s16], [sflag:$0x2] =	stream.linear.gather [hbm4b:s7+s13], $0x280, $0x38;
	[tilespmem:$0x1FEA0] =	vst v63  }
0x36: {  	s17 =	simm.s32 $0x780  }
0x37: {  	[tilespmem:s17], [sflag:$0x4] =	stream.linear.gather [hbm4b:s8+s13], $0x280, $0x38;
	[tilespmem:$0x1FEA0] =	vst v63  }
0x38: {  	_ =	swait.ge [sflag:s19], $0x280  }
0x39: {  	[sflag:s19] =	ssyncset.done $0x0  }
0x3a: {  	s18 =	simm.s32 $0xF00;
	[sflag:s19] =	ssyncadd.s32 $0xFFFFFD80  }
0x3b: {  	[tilespmem:s18], [sflag:$0x7] =	stream.indirect.gather [hbm4b:s9+s20], $0x10, s13, s20, $0xb8;
	[tilespmem:$0x1FEA0] =	vst v63  }
0x3c: {  	s21 =	simm.s32 $0x1400  }
0x3d: {  	[tilespmem:s21], [sflag:$0x7] =	stream.indirect.gather [hbm4b:s9+s20], $0x10, s20, s20, $0xb8;
	[tilespmem:$0x1FEA0] =	vst v63  }
0x3e: {  	s23 =	simm.s32 $0xA0;
	s24 =	simm.s32 $0x1900  }
0x3f: {  	[tilespmem:s24], [sflag:$0x7] =	stream.indirect.gather [hbm4b:s9+s20], $0x10, s23, s20, $0xb8;
	[tilespmem:$0x1FEA0] =	vst v63  }
0x40: {  	s25 =	simm.s32 $0xF0;
	s26 =	simm.s32 $0x1E00  }
0x41: {  	[tilespmem:s26], [sflag:$0x7] =	stream.indirect.gather [hbm4b:s9+s20], $0x10, s25, s20, $0xb8;
	[tilespmem:$0x1FEA0] =	vst v63  }
0x42: {  	s29 =	simm.s32 $0x140;
	p0 =	por $0x1, $0x1;
	s31 =	simm.s32 $0x2300  }
0x43: {  	[tilespmem:s31], [sflag:$0x7] =	stream.indirect.gather [hbm4b:s9+s20], $0x10, s29, s20, $0xb8;
	[tilespmem:$0x1FEA0] =	vst v63  }
0x44: {  	s0 =	sand.u32 @!p0 $0x1, s13;
	s7 =	simm.s32 $0x190;
	s16 =	simm.s32 $0x2800  }
0x45: {  	[tilespmem:s16], [sflag:$0x7] =	stream.indirect.gather [hbm4b:s9+s20], $0x10, s7, s20, $0xb8;
	[tilespmem:$0x1FEA0] =	vst v63  }
0x46: {  	s17 =	simm.s32 $0x1E0;
	s18 =	simm.s32 $0x2D00;
	s16 =	sxor.u32 @!p0 $0x1, s0  }
0x47: {  	[tilespmem:s18], [sflag:$0x7] =	stream.indirect.gather [hbm4b:s9+s20], $0x10, s17, s20, $0xb8;
	[tilespmem:$0x1FEA0] =	vst v63  }
0x48: {  	s21 =	simm.s32 $0x230;
	s23 =	simm.s32 $0x3200;
	s16 =	sadd.s32 @!p0 $0x9, s16  }
0x49: {  	[tilespmem:s23], [sflag:$0x7] =	stream.indirect.gather [hbm4b:s9+s20], $0x10, s21, s20, $0xb8;
	[tilespmem:$0x1FEA0] =	vst v63  }
0x4a: {  	_ =	swait.ge @!p0 [sflag:s16], $0x500  }
0x4b: {  	[sflag:s16] =	ssyncset.done @!p0 $0x0  }
0x4c: {  	[sflag:s16] =	ssyncadd.s32 @!p0 $0xFFFFFB00  }
0x4d: {  	_ =	swait.ge @!p0 [sflag:s16], $0x500  }
0x4e: {  	[sflag:s16] =	ssyncset.done @!p0 $0x0  }
0x4f: {  	[sflag:s16] =	ssyncadd.s32 @!p0 $0xFFFFFB00  }
0x50: {  	_ =	swait.ge @!p0 [sflag:s16], $0x500  }
0x51: {  	[sflag:s16] =	ssyncset.done @!p0 $0x0  }
0x52: {  	[sflag:s16] =	ssyncadd.s32 @!p0 $0xFFFFFB00  }
0x53: {  	_ =	swait.ge @!p0 [sflag:s16], $0x500  }
0x54: {  	[sflag:s16] =	ssyncset.done @!p0 $0x0  }
0x55: {  	[sflag:s16] =	ssyncadd.s32 @!p0 $0xFFFFFB00  }
0x56: {  	_ =	swait.ge @!p0 [sflag:s16], $0x500  }
0x57: {  	[sflag:s16] =	ssyncset.done @!p0 $0x0  }
0x58: {  	[sflag:s16] =	ssyncadd.s32 @!p0 $0xFFFFFB00  }
0x59: {  	_ =	swait.ge @!p0 [sflag:s16], $0x500  }
0x5a: {  	[sflag:s16] =	ssyncset.done @!p0 $0x0  }
0x5b: {  	[sflag:s16] =	ssyncadd.s32 @!p0 $0xFFFFFB00  }
0x5c: {  	_ =	swait.ge @!p0 [sflag:s16], $0x500  }
0x5d: {  	[sflag:s16] =	ssyncset.done @!p0 $0x0  }
0x5e: {  	[sflag:s16] =	ssyncadd.s32 @!p0 $0xFFFFFB00  }
0x5f: {  	_ =	swait.ge @!p0 [sflag:s16], $0x500  }
0x60: {  	s13 =	sand.u32 $0x3, s13;
	[sflag:s16] =	ssyncset.done @!p0 $0x0  }
0x61: {  	s24 =	sadd.s32 $0x3, s13;
	[sflag:s16] =	ssyncadd.s32 @!p0 $0xFFFFFB00  }
0x62: {  	_ =	swait.ge [sflag:s24], $0x280  }
0x63: {  	s13 =	smul.u32 $0xA00, s13;
	s0 =	simm.s32 @p0 $0x0;
	[sflag:s24] =	ssyncset.done $0x0  }
0x64: {  	s25 =	smul.u32 $0xA000, s0;
	s17 =	sadd.s32 $0x7, s0;
	[sflag:s24] =	ssyncadd.s32 $0xFFFFFD80  }
0x65: {  	s13 =	sshrl.u32 s13, $0x2;
	_ =	swait.ge [sflag:s17], $0x500  }
0x66: {  	s21 =	sadd.s32 $0x500, s13;
	s16 =	sshrl.u32 s25, $0x2;
	[sflag:s17] =	ssyncset.done $0x0  }
0x67: {  	s23 =	sadd.s32 $0xF00, s16;
	s24 =	sadd.s32 $0x9, s0;
	[sflag:s17] =	ssyncadd.s32 $0xFFFFFB00  }
0x68: {  	[spmem:s1] =	stream.indirect.scatter.add.f32 [tilespmem:s23], [sflag:s24], $0x10, s21, s20, $0xb8;
	[tilespmem:$0x1FEA0] =	vst v63  }
0x69: {  	_ =	swait.ge [sflag:s17], $0x500  }
0x6a: {  	[sflag:s17] =	ssyncset.done $0x0  }
0x6b: {  	s26 =	sadd.s32 $0x550, s13;
	s29 =	sadd.s32 $0x1400, s16;
	[sflag:s17] =	ssyncadd.s32 $0xFFFFFB00  }
0x6c: {  	[spmem:s1] =	stream.indirect.scatter.add.f32 [tilespmem:s29], [sflag:s24], $0x10, s26, s20, $0xb8;
	[tilespmem:$0x1FEA0] =	vst v63  }
0x6d: {  	_ =	swait.ge [sflag:s17], $0x500  }
0x6e: {  	[sflag:s17] =	ssyncset.done $0x0  }
0x6f: {  	s31 =	sadd.s32 $0x5A0, s13;
	s6 =	sadd.s32 $0x1900, s16;
	[sflag:s17] =	ssyncadd.s32 $0xFFFFFB00  }
0x70: {  	[spmem:s1] =	stream.indirect.scatter.add.f32 [tilespmem:s6], [sflag:s24], $0x10, s31, s20, $0xb8;
	[tilespmem:$0x1FEA0] =	vst v63  }
0x71: {  	_ =	swait.ge [sflag:s17], $0x500  }
0x72: {  	[sflag:s17] =	ssyncset.done $0x0  }
0x73: {  	s7 =	sadd.s32 $0x5F0, s13;
	s18 =	sadd.s32 $0x1E00, s16;
	[sflag:s17] =	ssyncadd.s32 $0xFFFFFB00  }
0x74: {  	[spmem:s1] =	stream.indirect.scatter.add.f32 [tilespmem:s18], [sflag:s24], $0x10, s7, s20, $0xb8;
	[tilespmem:$0x1FEA0] =	vst v63  }
0x75: {  	_ =	swait.ge [sflag:s17], $0x500  }
0x76: {  	[sflag:s17] =	ssyncset.done $0x0  }
0x77: {  	s25 =	sadd.s32 $0x2300, s16;
	s23 =	sadd.s32 $0x640, s13;
	[sflag:s17] =	ssyncadd.s32 $0xFFFFFB00  }
0x78: {  	[spmem:s1] =	stream.indirect.scatter.add.f32 [tilespmem:s25], [sflag:s24], $0x10, s23, s20, $0xb8;
	[tilespmem:$0x1FEA0] =	vst v63  }
0x79: {  	_ =	swait.ge [sflag:s17], $0x500  }
0x7a: {  	[sflag:s17] =	ssyncset.done $0x0  }
0x7b: {  	s26 =	sadd.s32 $0x690, s13;
	s29 =	sadd.s32 $0x2800, s16;
	[sflag:s17] =	ssyncadd.s32 $0xFFFFFB00  }
0x7c: {  	[spmem:s1] =	stream.indirect.scatter.add.f32 [tilespmem:s29], [sflag:s24], $0x10, s26, s20, $0xb8;
	[tilespmem:$0x1FEA0] =	vst v63  }
0x7d: {  	p0 =	sle.u32 s4, $0x2;
	s21 =	simm.s32 $0x2;
	_ =	swait.ge [sflag:s17], $0x500  }
0x7e: {  	p2 =	sle.u32 s4, $0x1;
	s21 =	sand.u32 @!p0 $0x3, s21;
	[sflag:s17] =	ssyncset.done $0x0  }
0x7f: {  	s31 =	sadd.s32 $0x6E0, s13;
	s25 =	sadd.s32 $0x2D00, s16;
	[sflag:s17] =	ssyncadd.s32 $0xFFFFFB00  }
0x80: {  	[spmem:s1] =	stream.indirect.scatter.add.f32 [tilespmem:s25], [sflag:s24], $0x10, s31, s20, $0xb8;
	[tilespmem:$0x1FEA0] =	vst v63  }
0x81: {  	s13 =	sadd.s32 $0x730, s13;
	s23 =	smul.u32 @!p0 $0xA00, s0;
	_ =	swait.ge [sflag:s17], $0x500  }
0x82: {  	s0 =	sadd.s32 @!p0 $0x1, s0;
	s16 =	sadd.s32 $0x3200, s16;
	[sflag:s17] =	ssyncset.done $0x0  }
0x83: {  	s23 =	sshrl.u32 @!p0 s23, $0x2;
	[sflag:s17] =	ssyncadd.s32 $0xFFFFFB00;
	s17 =	simm.s32 $0x1  }
0x84: {  	s25 =	smul.u32 @!p0 $0xA00, s21;
	s21 =	sadd.s32 @!p0 $0x3, s21;
	s17 =	sand.u32 @!p2 $0x1, s17  }
0x85: {  	[spmem:s1] =	stream.indirect.scatter.add.f32 [tilespmem:s16], [sflag:s24], $0x10, s13, s20, $0xb8;
	[tilespmem:$0x1FEA0] =	vst v63  }
0x86: {  	s13 =	sshrl.u32 @!p0 s25, $0x2;
	s16 =	simm.s32 @!p0 $0x0;
	s24 =	smul.u32 @!p2 $0xA000, s17  }
0x87: {  	[tilespmem:s23], [sflag:s0] =	stream.linear.gather @!p0 [hbm4b:s22+s16], $0x280, $0x38;
	[tilespmem:$0x1FEA0] =	vst v63  }
0x88: {  	s0 =	sadd.s32 @!p0 $0x500, s13;
	s13 =	sadd.s32 @!p2 $0x1, s17;
	s23 =	smul.u32 @!p2 $0xA00, s17  }
0x89: {  	[tilespmem:s0], [sflag:s21] =	stream.linear.gather @!p0 [hbm4b:s14+s16], $0x280, $0x38;
	[tilespmem:$0x1FEA0] =	vst v63  }
0x8a: {  	s26 =	simm.s32 @!p2 $0x50;
	s28 =	sadd.s32 @!p2 $0x7, s17;
	_ =	swait.ge @!p2 [sflag:s13], $0x280  }
0x8b: {  	s30 =	sshrl.u32 @!p2 s24, $0x2;
	s0 =	sshrl.u32 @!p2 s23, $0x2;
	[sflag:s13] =	ssyncset.done @!p2 $0x0  }
0x8c: {  	p0 =	sne.s32 s4, $0x1;
	[sflag:s13] =	ssyncadd.s32 @!p2 $0xFFFFFD80;
	s13 =	sadd.s32 @!p2 $0xF00, s30  }
0x8d: {  	[tilespmem:s13], [sflag:s28] =	stream.indirect.gather @!p2 [hbm4b:s9+s26], $0x10, s0, s26, $0xb8;
	[tilespmem:$0x1FEA0] =	vst v63  }
.Ltmp2:
0x8e: {  	s16 =	sadd.s32 @!p2 $0x1400, s30;
	s13 =	sor.u32 @!p2 $0x50, s0;
	(pc) =	sbr.rel @!p0 .LBB2_7-.Ltmp2, $4  }
0x8f: {  	[tilespmem:s16], [sflag:s28] =	stream.indirect.gather @!p2 [hbm4b:s9+s26], $0x10, s13, s26, $0xb8;
	[tilespmem:$0x1FEA0] =	vst v63  }
0x90: {  	s23 =	simm.s32 $0x1;
	s13 =	sadd.s32 @!p2 $0xA0, s0;
	s16 =	sadd.s32 @!p2 $0x1900, s30  }
0x91: {  	[tilespmem:s16], [sflag:s28] =	stream.indirect.gather @!p2 [hbm4b:s9+s26], $0x10, s13, s26, $0xb8;
	[tilespmem:$0x1FEA0] =	vst v63  }
0x92: {  	s21 =	sadd.s32 $0x50, s14;
	s16 =	sadd.s32 @!p2 $0xF0, s0;
	s13 =	smov.u32 s22  }
.LBB2_6:
0x93: {  	s17 =	sadd.s32 @!p2 $0x2800, s30  }
0x94: {  	s25 =	sadd.s32 @!p2 $0x2D00, s30;
	s13 =	sadd.s32 $0x50, s13;
	s24 =	smov.u32 s23  }
0x95: {  	p3 =	seq.s32 s23, $0x0;
	s29 =	sadd.s32 @!p2 $0x1E00, s30;
	s18 =	sadd.s32 @!p2 $0x2300, s30  }
0x96: {  	[tilespmem:s29], [sflag:s28] =	stream.indirect.gather @!p2 [hbm4b:s9+s26], $0x10, s16, s26, $0xb8;
	[tilespmem:$0x1FEA0] =	vst v63  }
0x97: {  	s31 =	sand.u32 @!p3 $0x1, s23;
	s23 =	sadd.s32 $0x2, s23;
	s29 =	sadd.s32 @!p2 $0x190, s0  }
0x98: {  	s6 =	sadd.s32 @!p2 $0x140, s0;
	s16 =	sxor.u32 @!p3 $0x1, s31;
	p0 =	sge.u32 s23, s4  }
0x99: {  	[tilespmem:s18], [sflag:s28] =	stream.indirect.gather @!p2 [hbm4b:s9+s26], $0x10, s6, s26, $0xb8;
	[tilespmem:$0x1FEA0] =	vst v63  }
0x9a: {  	s16 =	sadd.s32 @!p3 $0x9, s16;
	s6 =	sand.u32 @!p0 $0x3, s23;
	s18 =	sadd.s32 @!p2 $0x1E0, s0  }
0x9b: {  	[tilespmem:s17], [sflag:s28] =	stream.indirect.gather @!p2 [hbm4b:s9+s26], $0x10, s29, s26, $0xb8;
	[tilespmem:$0x1FEA0] =	vst v63  }
0x9c: {  	s31 =	simm.s32 @p3 $0x0;
	s0 =	sadd.s32 @!p2 $0x230, s0;
	s17 =	sadd.s32 @!p2 $0x3200, s30  }
0x9d: {  	[tilespmem:s25], [sflag:s28] =	stream.indirect.gather @!p2 [hbm4b:s9+s26], $0x10, s18, s26, $0xb8;
	[tilespmem:$0x1FEA0] =	vst v63  }
0x9e: {  	s23 =	sadd.s32 $0xFFFFFFFF, s23;
	s18 =	smul.u32 $0xA000, s31;
	s25 =	sadd.s32 @!p0 $0x1, s31  }
0x9f: {  	[tilespmem:s17], [sflag:s28] =	stream.indirect.gather @!p2 [hbm4b:s9+s26], $0x10, s0, s26, $0xb8;
	[tilespmem:$0x1FEA0] =	vst v63  }
0xa0: {  	s30 =	sshrl.u32 s18, $0x2;
	s0 =	smul.u32 @!p0 $0xA00, s31;
	_ =	swait.ge @!p3 [sflag:s16], $0x500  }
0xa1: {  	s17 =	smul.u32 @!p0 $0xA00, s6;
	s26 =	sadd.s32 @!p0 $0x3, s6;
	[sflag:s16] =	ssyncset.done @!p3 $0x0  }
0xa2: {  	p1 =	sne.s32 s23, s4;
	s28 =	sshrl.u32 @!p0 s0, $0x2;
	[sflag:s16] =	ssyncadd.s32 @!p3 $0xFFFFFB00  }
0xa3: {  	s0 =	sshrl.u32 @!p0 s17, $0x2;
	_ =	swait.ge @!p3 [sflag:s16], $0x500  }
0xa4: {  	s29 =	sadd.s32 @!p0 $0x500, s0;
	[sflag:s16] =	ssyncset.done @!p3 $0x0  }
0xa5: {  	[sflag:s16] =	ssyncadd.s32 @!p3 $0xFFFFFB00  }
0xa6: {  	_ =	swait.ge @!p3 [sflag:s16], $0x500  }
0xa7: {  	[sflag:s16] =	ssyncset.done @!p3 $0x0  }
0xa8: {  	[sflag:s16] =	ssyncadd.s32 @!p3 $0xFFFFFB00  }
0xa9: {  	_ =	swait.ge @!p3 [sflag:s16], $0x500  }
0xaa: {  	[sflag:s16] =	ssyncset.done @!p3 $0x0  }
0xab: {  	[sflag:s16] =	ssyncadd.s32 @!p3 $0xFFFFFB00  }
0xac: {  	_ =	swait.ge @!p3 [sflag:s16], $0x500  }
0xad: {  	[sflag:s16] =	ssyncset.done @!p3 $0x0  }
0xae: {  	[sflag:s16] =	ssyncadd.s32 @!p3 $0xFFFFFB00  }
0xaf: {  	s0 =	sand.u32 $0x3, s24;
	_ =	swait.ge @!p3 [sflag:s16], $0x500  }
0xb0: {  	s6 =	sadd.s32 $0x3, s0;
	[sflag:s16] =	ssyncset.done @!p3 $0x0  }
0xb1: {  	[sflag:s16] =	ssyncadd.s32 @!p3 $0xFFFFFB00  }
0xb2: {  	_ =	swait.ge @!p3 [sflag:s16], $0x500  }
0xb3: {  	s0 =	smul.u32 $0xA00, s0;
	[sflag:s16] =	ssyncset.done @!p3 $0x0  }
0xb4: {  	[sflag:s16] =	ssyncadd.s32 @!p3 $0xFFFFFB00  }
0xb5: {  	s17 =	sshrl.u32 s0, $0x2;
	_ =	swait.ge @!p3 [sflag:s16], $0x500  }
0xb6: {  	s18 =	sadd.s32 $0x500, s17;
	[sflag:s16] =	ssyncset.done @!p3 $0x0  }
0xb7: {  	[sflag:s16] =	ssyncadd.s32 @!p3 $0xFFFFFB00  }
0xb8: {  	_ =	swait.ge [sflag:s6], $0x280  }
0xb9: {  	[sflag:s6] =	ssyncset.done $0x0  }
0xba: {  	s0 =	sadd.s32 $0x7, s31;
	[sflag:s6] =	ssyncadd.s32 $0xFFFFFD80;
	s6 =	sadd.s32 $0x550, s17  }
0xbb: {  	_ =	swait.ge [sflag:s0], $0x500  }
0xbc: {  	[sflag:s0] =	ssyncset.done $0x0  }
0xbd: {  	[sflag:s0] =	ssyncadd.s32 $0xFFFFFB00  }
0xbe: {  	s31 =	sadd.s32 $0x9, s31;
	s7 =	sadd.s32 $0x5A0, s17;
	s16 =	sadd.s32 $0xF00, s30  }
0xbf: {  	[spmem:s1] =	stream.indirect.scatter.add.f32 [tilespmem:s16], [sflag:s31], $0x10, s18, s20, $0xb8;
	[tilespmem:$0x1FEA0] =	vst v63  }
0xc0: {  	_ =	swait.ge [sflag:s0], $0x500  }
0xc1: {  	[sflag:s0] =	ssyncset.done $0x0  }
0xc2: {  	s16 =	sadd.s32 $0x1400, s30;
	s18 =	sadd.s32 $0x5F0, s17;
	[sflag:s0] =	ssyncadd.s32 $0xFFFFFB00  }
0xc3: {  	[spmem:s1] =	stream.indirect.scatter.add.f32 [tilespmem:s16], [sflag:s31], $0x10, s6, s20, $0xb8;
	[tilespmem:$0x1FEA0] =	vst v63  }
0xc4: {  	_ =	swait.ge [sflag:s0], $0x500  }
0xc5: {  	[sflag:s0] =	ssyncset.done $0x0  }
0xc6: {  	s6 =	sadd.s32 $0x1900, s30;
	s16 =	sadd.s32 $0x640, s17;
	[sflag:s0] =	ssyncadd.s32 $0xFFFFFB00  }
0xc7: {  	[spmem:s1] =	stream.indirect.scatter.add.f32 [tilespmem:s6], [sflag:s31], $0x10, s7, s20, $0xb8;
	[tilespmem:$0x1FEA0] =	vst v63  }
0xc8: {  	_ =	swait.ge [sflag:s0], $0x500  }
0xc9: {  	[sflag:s0] =	ssyncset.done $0x0  }
0xca: {  	s6 =	sadd.s32 $0x1E00, s30;
	s7 =	sadd.s32 $0x690, s17;
	[sflag:s0] =	ssyncadd.s32 $0xFFFFFB00  }
0xcb: {  	[spmem:s1] =	stream.indirect.scatter.add.f32 [tilespmem:s6], [sflag:s31], $0x10, s18, s20, $0xb8;
	[tilespmem:$0x1FEA0] =	vst v63  }
0xcc: {  	_ =	swait.ge [sflag:s0], $0x500  }
0xcd: {  	[sflag:s0] =	ssyncset.done $0x0  }
0xce: {  	s6 =	sadd.s32 $0x2300, s30;
	s18 =	sadd.s32 $0x6E0, s17;
	[sflag:s0] =	ssyncadd.s32 $0xFFFFFB00  }
0xcf: {  	[spmem:s1] =	stream.indirect.scatter.add.f32 [tilespmem:s6], [sflag:s31], $0x10, s16, s20, $0xb8;
	[tilespmem:$0x1FEA0] =	vst v63  }
0xd0: {  	_ =	swait.ge [sflag:s0], $0x500  }
0xd1: {  	[sflag:s0] =	ssyncset.done $0x0  }
0xd2: {  	s6 =	sadd.s32 $0x2800, s30;
	s16 =	sadd.s32 $0x730, s17;
	[sflag:s0] =	ssyncadd.s32 $0xFFFFFB00  }
0xd3: {  	[spmem:s1] =	stream.indirect.scatter.add.f32 [tilespmem:s6], [sflag:s31], $0x10, s7, s20, $0xb8;
	[tilespmem:$0x1FEA0] =	vst v63  }
0xd4: {  	s6 =	simm.s32 @!p0 $0x0;
	_ =	swait.ge [sflag:s0], $0x500  }
0xd5: {  	p2 =	sge.u32 s23, s4;
	s7 =	sadd.s32 $0x1, s24;
	[sflag:s0] =	ssyncset.done $0x0  }
0xd6: {  	s17 =	sadd.s32 $0x2D00, s30;
	s7 =	sand.u32 @!p2 $0x1, s7;
	[sflag:s0] =	ssyncadd.s32 $0xFFFFFB00  }
0xd7: {  	[spmem:s1] =	stream.indirect.scatter.add.f32 [tilespmem:s17], [sflag:s31], $0x10, s18, s20, $0xb8;
	[tilespmem:$0x1FEA0] =	vst v63  }
0xd8: {  	s17 =	sadd.s32 @!p2 $0x1, s7;
	s18 =	smul.u32 @!p2 $0xA000, s7;
	_ =	swait.ge [sflag:s0], $0x500  }
0xd9: {  	s24 =	sadd.s32 $0x3200, s30;
	[sflag:s0] =	ssyncset.done $0x0  }
0xda: {  	s30 =	sshrl.u32 @!p2 s18, $0x2;
	[sflag:s0] =	ssyncadd.s32 $0xFFFFFB00;
	s0 =	smul.u32 @!p2 $0xA00, s7  }
0xdb: {  	[spmem:s1] =	stream.indirect.scatter.add.f32 [tilespmem:s24], [sflag:s31], $0x10, s16, s20, $0xb8;
	[tilespmem:$0x1FEA0] =	vst v63  }
0xdc: {  	s0 =	sshrl.u32 @!p2 s0, $0x2  }
0xdd: {  	[tilespmem:s28], [sflag:s25] =	stream.linear.gather @!p0 [hbm4b:s13+s6], $0x280, $0x38;
	[tilespmem:$0x1FEA0] =	vst v63  }
0xde: {  	s18 =	sor.u32 @!p2 $0x50, s0;
	s24 =	sadd.s32 @!p2 $0xA0, s0;
	s25 =	sadd.s32 @!p2 $0x1900, s30  }
0xdf: {  	[tilespmem:s29], [sflag:s26] =	stream.linear.gather @!p0 [hbm4b:s21+s6], $0x280, $0x38;
	[tilespmem:$0x1FEA0] =	vst v63  }
0xe0: {  	s16 =	sadd.s32 @!p2 $0xF0, s0;
	_ =	swait.ge @!p2 [sflag:s17], $0x280  }
0xe1: {  	s26 =	simm.s32 @!p2 $0x50;
	[sflag:s17] =	ssyncset.done @!p2 $0x0  }
0xe2: {  	s28 =	sadd.s32 @!p2 $0x7, s7;
	s6 =	sadd.s32 @!p2 $0xF00, s30;
	[sflag:s17] =	ssyncadd.s32 @!p2 $0xFFFFFD80  }
0xe3: {  	[tilespmem:s6], [sflag:s28] =	stream.indirect.gather @!p2 [hbm4b:s9+s26], $0x10, s0, s26, $0xb8;
	[tilespmem:$0x1FEA0] =	vst v63  }
.Ltmp3:
0xe4: {  	s6 =	sadd.s32 @!p2 $0x1400, s30;
	(pc) =	sbr.rel @p1 .LBB2_6-.Ltmp3, $4  }
0xe5: {  	[tilespmem:s6], [sflag:s28] =	stream.indirect.gather @!p2 [hbm4b:s9+s26], $0x10, s18, s26, $0xb8;
	[tilespmem:$0x1FEA0] =	vst v63  }
0xe6: {  	_ = 	snop  }
0xe7: {  	[tilespmem:s25], [sflag:s28] =	stream.indirect.gather @!p2 [hbm4b:s9+s26], $0x10, s24, s26, $0xb8;
	[tilespmem:$0x1FEA0] =	vst v63  }
0xe8: {  	s21 =	sadd.s32 $0x50, s21  }
.LBB2_7:
0xe9: {  	s6 =	sadd.s32 @!p2 $0x1E00, s30  }
0xea: {  	[tilespmem:s6], [sflag:s28] =	stream.indirect.gather @!p2 [hbm4b:s9+s26], $0x10, s16, s26, $0xb8;
	[tilespmem:$0x1FEA0] =	vst v63  }
0xeb: {  	s7 =	sadd.s32 @!p2 $0x140, s0;
	s6 =	sadd.s32 @!p2 $0x2300, s30  }
0xec: {  	[tilespmem:s6], [sflag:s28] =	stream.indirect.gather @!p2 [hbm4b:s9+s26], $0x10, s7, s26, $0xb8;
	[tilespmem:$0x1FEA0] =	vst v63  }
0xed: {  	s6 =	sadd.s32 @!p2 $0x2800, s30;
	s7 =	sadd.s32 @!p2 $0x190, s0  }
0xee: {  	[tilespmem:s6], [sflag:s28] =	stream.indirect.gather @!p2 [hbm4b:s9+s26], $0x10, s7, s26, $0xb8;
	[tilespmem:$0x1FEA0] =	vst v63  }
0xef: {  	s6 =	sadd.s32 @!p2 $0x2D00, s30;
	s7 =	sadd.s32 @!p2 $0x1E0, s0  }
0xf0: {  	[tilespmem:s6], [sflag:s28] =	stream.indirect.gather @!p2 [hbm4b:s9+s26], $0x10, s7, s26, $0xb8;
	[tilespmem:$0x1FEA0] =	vst v63  }
0xf1: {  	s0 =	sadd.s32 @!p2 $0x230, s0;
	s6 =	sadd.s32 @!p2 $0x3200, s30  }
0xf2: {  	[tilespmem:s6], [sflag:s28] =	stream.indirect.gather @!p2 [hbm4b:s9+s26], $0x10, s0, s26, $0xb8;
	[tilespmem:$0x1FEA0] =	vst v63  }
0xf3: {  	_ =	swait.ge [sflag:s10], $0x500  }
0xf4: {  	[sflag:s10] =	ssyncset.done $0x0  }
0xf5: {  	[sflag:s10] =	ssyncadd.s32 $0xFFFFFB00  }
0xf6: {  	_ =	swait.ge [sflag:s10], $0x500  }
0xf7: {  	[sflag:s10] =	ssyncset.done $0x0  }
0xf8: {  	[sflag:s10] =	ssyncadd.s32 $0xFFFFFB00  }
0xf9: {  	_ =	swait.ge [sflag:s10], $0x500  }
0xfa: {  	[sflag:s10] =	ssyncset.done $0x0  }
0xfb: {  	[sflag:s10] =	ssyncadd.s32 $0xFFFFFB00  }
0xfc: {  	_ =	swait.ge [sflag:s10], $0x500  }
0xfd: {  	[sflag:s10] =	ssyncset.done $0x0  }
0xfe: {  	[sflag:s10] =	ssyncadd.s32 $0xFFFFFB00  }
0xff: {  	_ =	swait.ge [sflag:s10], $0x500  }
0x100: {  	[sflag:s10] =	ssyncset.done $0x0  }
0x101: {  	[sflag:s10] =	ssyncadd.s32 $0xFFFFFB00  }
0x102: {  	_ =	swait.ge [sflag:s10], $0x500  }
0x103: {  	[sflag:s10] =	ssyncset.done $0x0  }
0x104: {  	[sflag:s10] =	ssyncadd.s32 $0xFFFFFB00  }
0x105: {  	_ =	swait.ge [sflag:s10], $0x500  }
0x106: {  	[sflag:s10] =	ssyncset.done $0x0  }
0x107: {  	[sflag:s10] =	ssyncadd.s32 $0xFFFFFB00  }
0x108: {  	s31 =	sadd.s32 $0x0, s2;
	_ =	swait.ge [sflag:s10], $0x500  }
0x109: {  	p0 =	sgt.u32 s31, $0xF9;
	[sflag:s10] =	ssyncset.done $0x0  }
0x10a: {  	s17 =	simm.s32 @!p0 $0xB;
	s0 =	sshll.u32 @!p0 s2, $0x6;
	[sflag:s10] =	ssyncadd.s32 $0xFFFFFB00  }
0x10b: {  	s6 =	sshrl.u32 @!p0 s12, $0x3;
	s0 =	sor.u32 @!p0 $0x1C0B, s0;
	[bflag:$0x0] =	sbarrier.arrive $0xFFFF  }
0x10c: {  	[hbm:s15], [sflag:s0] =	dma.local @!p0 [spmem:s6], $0x320  }
0x10d: {  	s13 =	simm.s32 $0x20;
	s21 =	sadd.s32 $0x10, s2;
	_ =	swait.ge @!p0 [sflag:s17], $0x320  }
0x10e: {  	s16 =	sadd.s32 $0x19000, s12;
	s0 =	sadd.s32 $0x3200, s15;
	[sflag:s17] =	ssyncset.done @!p0 $0x0  }
.LBB2_8:
0x10f: {  	s6 =	smov.u32 s13;
	s13 =	sadd.s32 $0x10, s13  }
0x110: {  	[sflag:s17] =	ssyncadd.s32 @!p0 $0xFFFFFCE0;
	p0 =	sgt.u32 s21, $0xF9;
	p1 =	sne.s32 s13, $0x100  }
.Ltmp4:
0x111: {  	s7 =	sshll.u32 @!p0 s2, $0x6;
	s18 =	sshrl.u32 @!p0 s16, $0x3;
	(pc) =	sbr.rel @p1 .LBB2_8-.Ltmp4, $4  }
0x112: {  	s17 =	simm.s32 @!p0 $0xB;
	s7 =	sor.u32 @!p0 $0x1C0B, s7  }
0x113: {  	[hbm:s0], [sflag:s7] =	dma.local @!p0 [spmem:s18], $0x320  }
0x114: {  	s0 =	sadd.s32 $0x3200, s0;
	_ =	swait.ge @!p0 [sflag:s17], $0x320  }
0x115: {  	s21 =	sadd.s32 s6, s2;
	s16 =	sadd.s32 $0x19000, s16;
	[sflag:s17] =	ssyncset.done @!p0 $0x0  }
0x116: {  	p1 =	sgt.u32 s21, $0xF9;
	[sflag:s17] =	ssyncadd.s32 @!p0 $0xFFFFFCE0;
	s3 =	sadd.s32 $0x1, s3  }
0x117: {  	s6 =	sshll.u32 @!p1 s2, $0x6;
	s7 =	sshrl.u32 @!p1 s16, $0x3;
	p0 =	sne.s32 s3, s11  }
.Ltmp5:
0x118: {  	s13 =	simm.s32 @!p1 $0xB;
	s6 =	sor.u32 @!p1 $0x1C0B, s6;
	(pc) =	sbr.rel @p0 .LBB2_1-.Ltmp5, $4  }
0x119: {  	[hbm:s0], [sflag:s6] =	dma.local @!p1 [spmem:s7], $0x320  }
0x11a: {  	_ =	swait.ge @!p1 [sflag:s13], $0x320  }
0x11b: {  	[sflag:s13] =	ssyncset.done @!p1 $0x0  }
0x11c: {  	[sflag:s13] =	ssyncadd.s32 @!p1 $0xFFFFFCE0  }
0x11d: {  	_ =	sfence.sel $0x180000  }
0x11e: {  	[bflag:$0x0] =	sbarrier.arrive $0xFFFF  }
0x11f: {  	_ =	strace $0x90000050  }
0x120: {  	[bflag:$0x2] =	sbarrier.arrive $0xFFFF  }
0x121: {  	p0 =	sne.s32 s2, $0x0;
	s0 =	rddreg [dreg:$0x2]  }
0x122: {  	s0 =	sadd.s32 @!p0 $0x100000, s0  }
0x123: {  	[sflag:s0] =	ssyncadd.tile.s32 @!p0 $0x1;
	_ =	shalt  }
.Lfunc_end2:
_tile_overlayer_lowered:
.L_overlay_start_2:
0x124: {  	(tag) =	ssettag $0x2  }
0x125: {  	s0 =	rddreg [dreg:$0x0];
	s2 =	stileid.u32  }
0x126: {  	s1 =	rddreg [dreg:$0x1];
	p0 =	sne.s32 s2, $0x0  }
0x127: {  	s3 =	rddreg [dreg:$0x2];
	[bflag:$0x3] =	sbarrier.arrive $0xFFFF;
	s2 =	simm.s32 @!p0 $0x1C0B  }
0x128: {  	[timem:s3], [sflag:s2] =	dma.local @!p0 [hbm:s0], s1  }
0x129: {  	s0 =	simm.s32 @!p0 $0xB  }
0x12a: {  	_ =	swait.ge @!p0 [sflag:s0], s1  }
0x12b: {  	s1 =	ssub.s32 @!p0 $0x0, s1;
	[sflag:s0] =	ssyncset.done @!p0 $0x0  }
0x12c: {  	[sflag:s0] =	ssyncadd.s32 @!p0 s1  }
0x12d: {  	[bflag:$0x3] =	sbarrier.arrive $0xFFFF  }
0x12e: {  	_ =	shalt  }

</sc_bundles>
